<compile_context>
chip_gen: v7x
topology: tpu7x:2x2x1
jax: 0.10.2.dev20260603
libtpu: 0.0.44.dev20260713+nightly
codegen_flags: <defaults>
</compile_context>

<pallas_src>
import functools

import jax
import jax.numpy as jnp
from jax import lax
from jax.experimental import pallas as pl
from jax.experimental.pallas import tpu as pltpu
from jax.experimental.pallas import tpu_sc as plsc

N = 10000
E = 640000
C = 32
NCOEF = 4
H = 4
V = 16
EC = 64
NELEM = 100

AW = 80
NCORES = 2
NSUB = 16
NW = NCORES * NSUB
BLK = 128
NB_TOT = E // BLK
L = 16


def _tables_body(emb_ref, se_ref, te_ref, w1s_ref, w1t_ref, wax_ref,
                 wv_ref, ts_ref, tt_ref, q4_ref, p_ref):
  emb = emb_ref[...]
  ts_ref[...] = jnp.dot(se_ref[...], w1s_ref[...],
                        preferred_element_type=jnp.float32)
  tt_ref[...] = jnp.dot(te_ref[...], w1t_ref[...],
                        preferred_element_type=jnp.float32)
  q4_ref[...] = jnp.dot(emb[:, :C], wax_ref[...],
                        preferred_element_type=jnp.float32)
  p_ref[...] = jnp.dot(emb, wv_ref[...], preferred_element_type=jnp.float32)


EPW = E // NW
SUB = 400
NPAIR = EPW // (2 * SUB)
QPAT = None


def _gather_body(ei_ref, anp_hbm, tst_hbm, ttt_hbm, q4t_hbm, s_out,
                 idx_s0, idx_d0, idx_s1, idx_d1, an_p, ts_t, tt_t, q_t,
                 s_buf0, s_buf1, sem0, sem1, sem_i0, sem_i1):
  cid = lax.axis_index("c")
  sid = lax.axis_index("s")
  wid = cid * NSUB + sid

  pltpu.sync_copy(anp_hbm, an_p)
  pltpu.sync_copy(tst_hbm, ts_t)
  pltpu.sync_copy(ttt_hbm, tt_t)
  pltpu.sync_copy(q4t_hbm, q_t)

  three = jnp.full((L,), 3, jnp.int32)
  nb = jnp.where(wid < NB_TOT % NW, NB_TOT // NW + 1, NB_TOT // NW)

  def issue_idx(ci, idx_s, idx_d, sem_i):
    pltpu.async_copy(ei_ref.at[0, pl.ds(ci * BLK, BLK)], idx_s, sem_i)
    pltpu.async_copy(ei_ref.at[1, pl.ds(ci * BLK, BLK)], idx_d, sem_i)

  def drain_idx(ci, idx_s, idx_d, sem_i):
    pltpu.make_async_copy(ei_ref.at[0, pl.ds(ci * BLK, BLK)], idx_s,
                          sem_i).wait()
    pltpu.make_async_copy(ei_ref.at[1, pl.ds(ci * BLK, BLK)], idx_d,
                          sem_i).wait()

  def do_chunk(ci, idx_s, idx_d, s_buf, sem, sem_i, first, nci, nidx_s,
               nidx_d, nsem_i):
    drain_idx(ci, idx_s, idx_d, sem_i)

    @pl.when(nci < NB_TOT)
    def _prefetch():
      issue_idx(nci, nidx_s, nidx_d, nsem_i)

    @pl.when(jnp.logical_not(first))
    def _wait_prev():
      pltpu.make_async_copy(s_buf, s_out.at[ci], sem).wait()

    def group(g, c):
      e0 = g * L
      sl16 = pl.ds(e0, L)
      src16 = idx_s[sl16]
      dst16 = idx_d[sl16]
      aw_s = plsc.load_gather(an_p, [src16 >> 2])
      av_s = (aw_s >> ((src16 & three) << 3)) & 0xFF
      aw_d = plsc.load_gather(an_p, [dst16 >> 2])
      av_d = (aw_d >> ((dst16 & three) << 3)) & 0xFF
      for col in range(EC):
        cv = jnp.full((L,), col, jnp.int32)
        s_buf[col, sl16] = (plsc.load_gather(ts_t, [cv, av_s])
                            + plsc.load_gather(tt_t, [cv, av_d]))
      for col in range(H):
        cv = jnp.full((L,), col, jnp.int32)
        s_buf[EC + col, sl16] = (plsc.load_gather(q_t, [cv, src16])
                                 + plsc.load_gather(q_t, [cv, dst16]))
      return c

    lax.fori_loop(0, BLK // L, group, 0)
    pltpu.async_copy(s_buf, s_out.at[ci], sem)

  issue_idx(wid, idx_s0, idx_d0, sem_i0)

  def pair(p, carry):
    c0 = wid + (2 * p) * NW

    @pl.when(2 * p < nb)
    def _first_half():
      do_chunk(c0, idx_s0, idx_d0, s_buf0, sem0, sem_i0, p == 0,
               c0 + NW, idx_s1, idx_d1, sem_i1)

    @pl.when(2 * p + 1 < nb)
    def _second():
      do_chunk(c0 + NW, idx_s1, idx_d1, s_buf1, sem1, sem_i1, p == 0,
               c0 + 2 * NW, idx_s0, idx_d0, sem_i0)

    return carry

  lax.fori_loop(0, (NB_TOT // NW + 2) // 2, pair, 0)
  pltpu.make_async_copy(s_buf0, s_out.at[wid], sem0).wait()
  pltpu.make_async_copy(s_buf1, s_out.at[wid], sem1).wait()


def _edge_mlp_body(d_ref, s_ref, w1d_ref, b1_ref, w2_ref, b2_ref,
                   war_ref, ex_ref):
  d = d_ref[...]
  s3 = s_ref[...]
  be = d.shape[0]
  s = jnp.transpose(s3, (0, 2, 1)).reshape(be, AW)
  r1 = jnp.dot(d, w1d_ref[...], preferred_element_type=jnp.float32)
  r1 = r1 + s[:, :EC] + b1_ref[...]
  r1 = r1 * (1.0 / (1.0 + jnp.exp(-r1)))
  r2 = jnp.dot(r1, w2_ref[...], preferred_element_type=jnp.float32)
  r2 = r2 + b2_ref[...]
  r2 = r2 * (1.0 / (1.0 + jnp.exp(-r2)))
  lg = s[:, EC:EC + H] + jnp.dot(r2, war_ref[...],
                                 preferred_element_type=jnp.float32)
  lg = jnp.where(lg >= 0.0, lg, 0.2 * lg)
  ex = jnp.exp(lg)
  ex_ref[...] = jnp.concatenate([ex, jnp.zeros((be, 16 - H), jnp.float32)],
                                axis=1)


CCH = 80
SBC = 80
NSB = CCH // SBC


def _scatter_body(ei_ref, exw_hbm, p_hbm, zero_hbm, acc_out,
                  idx_s0, idx_d0, exw0, idx_s1, idx_d1, exw1,
                  rows_s, rows_d, contrib, p_sh, acc_sh,
                  sem_ld, sem_a, sem_b, sem_c):
  cid = lax.axis_index("c")
  sid = lax.axis_index("s")
  wid = cid * NSUB + sid
  base0 = wid * EPW
  nch = EPW // CCH

  @pl.when(sid == 0)
  def _stage():
    pltpu.sync_copy(p_hbm, p_sh)
    pltpu.sync_copy(zero_hbm, acc_sh)

  plsc.subcore_barrier()

  sets = ((idx_s0, idx_d0, exw0), (idx_s1, idx_d1, exw1))

  def issue_loads(cbase, st):
    pltpu.async_copy(ei_ref.at[0, pl.ds(cbase, CCH)], st[0], sem_ld)
    pltpu.async_copy(ei_ref.at[1, pl.ds(cbase, CCH)], st[1], sem_ld)
    pltpu.async_copy(exw_hbm.at[pl.ds(cbase, CCH)], st[2], sem_ld)

  def drain_loads(cbase, st):
    pltpu.make_async_copy(ei_ref.at[0, pl.ds(cbase, CCH)], st[0], sem_ld).wait()
    pltpu.make_async_copy(ei_ref.at[1, pl.ds(cbase, CCH)], st[1], sem_ld).wait()
    pltpu.make_async_copy(exw_hbm.at[pl.ds(cbase, CCH)], st[2], sem_ld).wait()

  issue_loads(base0, sets[0])

  def do_chunk(c, st, other, first, last):
    cbase = base0 + c * CCH
    idx_s, idx_d, exw = st
    drain_loads(cbase, st)

    for sb in range(NSB):
      sl = pl.ds(sb * SBC, SBC)
      pltpu.async_copy(p_sh.at[idx_s.at[sl]], rows_s.at[sl], sem_a)
      pltpu.async_copy(p_sh.at[idx_d.at[sl]], rows_d.at[sl], sem_b)

    @pl.when(jnp.logical_not(first))
    def _drain_sc():
      pltpu.make_async_copy(zero_hbm.at[pl.ds(0, CCH)], contrib, sem_c).wait()

    @pl.when(jnp.logical_not(last))
    def _prefetch():
      issue_loads(cbase + CCH, other)

    pltpu.make_async_copy(p_hbm.at[pl.ds(0, CCH)], rows_s, sem_a).wait()
    pltpu.make_async_copy(p_hbm.at[pl.ds(0, CCH)], rows_d, sem_b).wait()

    def edge(j, cc):
      ev = exw[j, :]
      contrib[j, pl.ds(EC, 16)] = ev
      for h in range(H):
        sl2 = pl.ds(h * V, V)
        contrib[j, sl2] = (rows_s[j, sl2] + rows_d[j, sl2]) * ev[h]
      return cc

    lax.fori_loop(0, CCH, edge, 0, unroll=2)
    for sb in range(NSB):
      sl = pl.ds(sb * SBC, SBC)
      pltpu.async_copy(contrib.at[sl], acc_sh.at[idx_d.at[sl]], sem_c,
                       add=True)

  def pair(p, carry):
    c0 = p * 2
    do_chunk(c0, sets[0], sets[1], c0 == 0, False)
    do_chunk(c0 + 1, sets[1], sets[0], False, c0 + 1 == nch - 1)
    return carry

  lax.fori_loop(0, nch // 2, pair, 0)
  pltpu.make_async_copy(zero_hbm.at[pl.ds(0, CCH)], contrib, sem_c).wait()
  plsc.subcore_barrier()

  @pl.when(sid == 0)
  def _flush():
    pltpu.sync_copy(acc_sh, acc_out.at[cid])


def _final_body(acc_ref, wo_ref, krep_ref, out_ref):
  a = acc_ref[0] + acc_ref[1]
  num = a[:, :EC]
  den = a[:, EC:EC + H]
  denrep = jnp.dot(den, krep_ref[...], preferred_element_type=jnp.float32)
  agg = num / (denrep + 1e-9)
  out_ref[...] = jnp.dot(agg, wo_ref[...], preferred_element_type=jnp.float32)


def kernel(node_embedding, atomic_numbers, edge_distance, edge_index,
           node_offset, src_emb, tgt_emb, W_rad1, b_rad1, W_rad2, b_rad2,
           W_alpha, W_v, W_o):
  f32 = jnp.float32
  emb128 = node_embedding.reshape(N, NCOEF * C)
  w1d = W_rad1[:EC]
  w1s = W_rad1[EC:EC + C]
  w1t = W_rad1[EC + C:]
  wax = W_alpha[:C]
  war = W_alpha[C:]
  b1 = b_rad1.reshape(1, EC)
  b2 = b_rad2.reshape(1, EC)

  ts, tt, q4, ptab = pl.pallas_call(
      _tables_body,
      out_shape=[
          jax.ShapeDtypeStruct((NELEM, EC), f32),
          jax.ShapeDtypeStruct((NELEM, EC), f32),
          jax.ShapeDtypeStruct((N, H), f32),
          jax.ShapeDtypeStruct((N, EC), f32),
      ],
  )(emb128, src_emb, tgt_emb, w1s, w1t, wax, W_v)

  mesh = plsc.VectorSubcoreMesh(core_axis_name="c", subcore_axis_name="s",
                                num_cores=NCORES, num_subcores=NSUB)

  an4 = atomic_numbers.reshape(N // 4, 4).astype(jnp.uint32)
  an_packed = (an4[:, 0] | (an4[:, 1] << 8) | (an4[:, 2] << 16)
               | (an4[:, 3] << 24)).astype(jnp.int32)
  gather = functools.partial(
      pl.kernel,
      mesh=mesh,
      compiler_params=pltpu.CompilerParams(needs_layout_passes=False, use_tc_tiling_on_sc=False),
      out_type=jax.ShapeDtypeStruct((NB_TOT, AW, BLK), f32),
      scratch_types=[
          pltpu.VMEM((BLK,), jnp.int32),
          pltpu.VMEM((BLK,), jnp.int32),
          pltpu.VMEM((BLK,), jnp.int32),
          pltpu.VMEM((BLK,), jnp.int32),
          pltpu.VMEM((N // 4,), jnp.int32),
          pltpu.VMEM((EC, NELEM), f32),
          pltpu.VMEM((EC, NELEM), f32),
          pltpu.VMEM((H, N), f32),
          pltpu.VMEM((AW, BLK), f32),
          pltpu.VMEM((AW, BLK), f32),
          pltpu.SemaphoreType.DMA,
          pltpu.SemaphoreType.DMA,
          pltpu.SemaphoreType.DMA,
          pltpu.SemaphoreType.DMA,
      ],
  )(_gather_body)
  s3d = gather(edge_index, an_packed, jnp.transpose(ts), jnp.transpose(tt),
               jnp.transpose(q4))

  CPB = 40
  BE = CPB * BLK
  exw = pl.pallas_call(
      _edge_mlp_body,
      grid=(E // BE,),
      in_specs=[
          pl.BlockSpec((BE, EC), lambda i: (i, 0)),
          pl.BlockSpec((CPB, AW, BLK), lambda i: (i, 0, 0)),
          pl.BlockSpec((EC, EC), lambda i: (0, 0)),
          pl.BlockSpec((1, EC), lambda i: (0, 0)),
          pl.BlockSpec((EC, EC), lambda i: (0, 0)),
          pl.BlockSpec((1, EC), lambda i: (0, 0)),
          pl.BlockSpec((EC, H), lambda i: (0, 0)),
      ],
      out_specs=pl.BlockSpec((BE, 16), lambda i: (i, 0)),
      out_shape=jax.ShapeDtypeStruct((E, 16), f32),
  )(edge_distance, s3d, w1d, b1, W_rad2, b2, war)

  zeros_tbl = jnp.zeros((N, AW), f32)
  scatter = functools.partial(
      pl.kernel,
      mesh=mesh,
      compiler_params=pltpu.CompilerParams(needs_layout_passes=False, use_tc_tiling_on_sc=False),
      out_type=jax.ShapeDtypeStruct((NCORES, N, AW), f32),
      scratch_types=[
          pltpu.VMEM((CCH,), jnp.int32),
          pltpu.VMEM((CCH,), jnp.int32),
          pltpu.VMEM((CCH, 16), f32),
          pltpu.VMEM((CCH,), jnp.int32),
          pltpu.VMEM((CCH,), jnp.int32),
          pltpu.VMEM((CCH, 16), f32),
          pltpu.VMEM((CCH, EC), f32),
          pltpu.VMEM((CCH, EC), f32),
          pltpu.VMEM((CCH, AW), f32),
          pltpu.VMEM_SHARED((N, EC), f32),
          pltpu.VMEM_SHARED((N, AW), f32),
          pltpu.SemaphoreType.DMA,
          pltpu.SemaphoreType.DMA,
          pltpu.SemaphoreType.DMA,
          pltpu.SemaphoreType.DMA,
      ],
  )(_scatter_body)
  acc = scatter(edge_index, exw, ptab, zeros_tbl)

  krep = jnp.kron(jnp.eye(H, dtype=f32), jnp.ones((1, V), f32))
  out = pl.pallas_call(
      _final_body,
      out_shape=jax.ShapeDtypeStruct((N, 3), f32),
  )(acc, W_o[:, 1:4], krep)
  return out

# --- scband reference (transcript-rebuilt; emitter-appended) ---
"""Pipeline reference for scband-eq-v2-vector-head-20684562497596 (READ-ONLY COPY).

The authoritative reference and input builder live on the scoring server;
editing this copy changes nothing except your own understanding.
"""

import jax, jax.numpy as jnp
import numpy as np

N = 10000
E = 640000
C = 32        # sphere_channels
NC = 4        # (lmax+1)^2 with lmax=1
H = 4         # num_heads
V = 16        # attn_value_channels
EC = 64       # edge_channels
MAX_ELEM = 100


def setup_inputs(seed: int = 0):
    key = jax.random.key(seed)
    ks = jax.random.split(key, 12)
    inp = {}
    inp["node_embedding"] = jax.random.normal(ks[0], (N, NC, C), dtype=jnp.float32)
    inp["atomic_numbers"] = jax.random.randint(ks[1], (N,), 0, MAX_ELEM, dtype=jnp.int32)
    inp["edge_distance"] = jax.random.uniform(ks[2], (E, EC), dtype=jnp.float32)
    inp["edge_index"] = jax.random.randint(ks[3], (2, E), 0, N, dtype=jnp.int32)
    inp["node_offset"] = 0
    inp["src_emb"] = jax.random.normal(ks[4], (MAX_ELEM, C), dtype=jnp.float32) * 0.1
    inp["tgt_emb"] = jax.random.normal(ks[5], (MAX_ELEM, C), dtype=jnp.float32) * 0.1
    inp["W_rad1"] = jax.random.normal(ks[6], (EC + 2 * C, EC), dtype=jnp.float32) / np.sqrt(EC + 2 * C)
    inp["b_rad1"] = jnp.zeros((EC,), dtype=jnp.float32)
    inp["W_rad2"] = jax.random.normal(ks[7], (EC, EC), dtype=jnp.float32) / np.sqrt(EC)
    inp["b_rad2"] = jnp.zeros((EC,), dtype=jnp.float32)
    inp["W_alpha"] = jax.random.normal(ks[8], (C + EC, H), dtype=jnp.float32) / np.sqrt(C + EC)
    inp["W_v"] = jax.random.normal(ks[9], (NC * C, H * V), dtype=jnp.float32) / np.sqrt(NC * C)
    inp["W_o"] = jax.random.normal(ks[10], (H * V, NC), dtype=jnp.float32) / np.sqrt(H * V)
    return inp


def _force_block(node_embedding, edge_distance, src_emb, tgt_emb, W_rad1, b_rad1, W_rad2, b_rad2, W_alpha, W_v, W_o, atomic_numbers, edge_index, node_offset):
    # Simplified SO2EquivariantGraphAttention producing a single vector output channel.
    src = edge_index[0]
    dst = edge_index[1]
    num_nodes = node_embedding.shape[0]
    # gather node SO3 embeddings along edges
    x_src = jnp.take(node_embedding, src, axis=0)                     # [E, NC, C]
    x_dst = jnp.take(node_embedding, dst - node_offset, axis=0)      # [E, NC, C]
    # atom-type edge embeddings (use_atom_edge_embedding)
    a_src = jnp.take(src_emb, jnp.take(atomic_numbers, src, axis=0), axis=0)  # [E, C]
    a_dst = jnp.take(tgt_emb, jnp.take(atomic_numbers, dst, axis=0), axis=0)  # [E, C]
    edge_feat = jnp.concatenate([edge_distance, a_src, a_dst], axis=1)
    # radial function (edge_channels_list MLP)
    rad = jax.nn.silu(edge_feat @ W_rad1 + b_rad1)
    rad = jax.nn.silu(rad @ W_rad2 + b_rad2)                          # [E, EC]
    # message formation
    x_msg = x_src + x_dst                                             # [E, NC, C]
    x0 = x_msg[:, 0, :]                                               # invariant (l=0) part [E, C]
    # attention logits per head
    alpha_in = jnp.concatenate([x0, rad], axis=1)
    logits = jax.nn.leaky_relu(alpha_in @ W_alpha, negative_slope=0.2)  # [E, H]
    # softmax over incoming edges of each destination node (segment softmax)
    seg_max = jax.ops.segment_max(logits, dst, num_segments=num_nodes)
    seg_max = jnp.where(jnp.isfinite(seg_max), seg_max, 0.0)
    ex = jnp.exp(logits - jnp.take(seg_max, dst, axis=0))
    denom = jax.ops.segment_sum(ex, dst, num_segments=num_nodes)
    alpha = ex / (jnp.take(denom, dst, axis=0) + 1e-9)                # [E, H]
    # values
    val = (x_msg.reshape(x_msg.shape[0], NC * C) @ W_v).reshape(-1, H, V)
    weighted = (alpha[:, :, None] * val).reshape(-1, H * V)
    # scatter-add aggregation onto destination nodes
    agg = jax.ops.segment_sum(weighted, dst, num_segments=num_nodes)  # [N, H*V]
    out = agg @ W_o                                                   # [N, NC] -> one channel per SO3 coeff
    forces = out[:, 1:4]                                              # .narrow(1, 1, 3): l=1 coefficients
    return forces.reshape(-1, 3)


def reference(node_embedding, atomic_numbers, edge_distance, edge_index, node_offset, src_emb, tgt_emb, W_rad1, b_rad1, W_rad2, b_rad2, W_alpha, W_v, W_o):
    return _force_block(node_embedding, edge_distance, src_emb, tgt_emb, W_rad1, b_rad1, W_rad2, b_rad2, W_alpha, W_v, W_o, atomic_numbers, edge_index, node_offset)

if __name__ == "__main__":
    import jax
    _d = setup_inputs()
    print(jax.jit(kernel)(*tuple(_d.values())))

</pallas_src>

<mosaic_0001>
#map = affine_map<(d0, d1) -> (0, 0)>
#map1 = affine_map<(d0, d1) -> (0)>
#map2 = affine_map<(d0, d1) -> (0, 0, 0)>
module attributes {stable_mosaic.version = 14 : i64} {
  func.func @_gather_body(%arg0: i32, %arg1: i32, %arg2: memref<2x640000xi32, #tpu.memory_space<hbm>>, %arg3: memref<2500xi32, #tpu.memory_space<hbm>>, %arg4: memref<64x100xf32, #tpu.memory_space<hbm>>, %arg5: memref<64x100xf32, #tpu.memory_space<hbm>>, %arg6: memref<4x10000xf32, #tpu.memory_space<hbm>>, %arg7: memref<5000x80x128xf32, #tpu.memory_space<hbm>>, %arg8: memref<128xi32, #tpu.memory_space<vmem>>, %arg9: memref<128xi32, #tpu.memory_space<vmem>>, %arg10: memref<128xi32, #tpu.memory_space<vmem>>, %arg11: memref<128xi32, #tpu.memory_space<vmem>>, %arg12: memref<2500xi32, #tpu.memory_space<vmem>>, %arg13: memref<64x100xf32, #tpu.memory_space<vmem>>, %arg14: memref<64x100xf32, #tpu.memory_space<vmem>>, %arg15: memref<4x10000xf32, #tpu.memory_space<vmem>>, %arg16: memref<80x128xf32, #tpu.memory_space<vmem>>, %arg17: memref<80x128xf32, #tpu.memory_space<vmem>>, %arg18: memref<!tpu.dma_semaphore, #tpu.memory_space<semaphore_mem>>, %arg19: memref<!tpu.dma_semaphore, #tpu.memory_space<semaphore_mem>>, %arg20: memref<!tpu.dma_semaphore, #tpu.memory_space<semaphore_mem>>, %arg21: memref<!tpu.dma_semaphore, #tpu.memory_space<semaphore_mem>>) attributes {dimension_semantics = [#tpu.dimension_semantics<core_parallel>, #tpu.dimension_semantics<subcore_parallel>], iteration_bounds = array<i64: 2, 16>, scalar_prefetch = 0 : i64, scratch_operands = 14 : i64, tpu.core_type = #tpu.core_type<sc_vector_subcore>, window_params = [{transform_indices = #map}, {transform_indices = #map1}, {transform_indices = #map}, {transform_indices = #map}, {transform_indices = #map}, {transform_indices = #map2}]} {
    %mul3A = arith.constant 16 : i32
    %mul3A_0 = arith.muli %arg0, %mul3A : i32
    %add3A = arith.addi %mul3A_0, %arg1 : i32
    "tpu.region"() ({
      %run_scoped3A = tpu.sem_alloc : memref<!tpu.dma_semaphore, #tpu.memory_space<semaphore_mem>>
      tpu.enqueue_dma source(%arg3 : memref<2500xi32, #tpu.memory_space<hbm>>) target(%arg12 : memref<2500xi32, #tpu.memory_space<vmem>>) target_semaphore(%run_scoped3A : memref<!tpu.dma_semaphore, #tpu.memory_space<semaphore_mem>>)
      tpu.wait_dma2 semaphore(%run_scoped3A : memref<!tpu.dma_semaphore, #tpu.memory_space<semaphore_mem>>) src(%arg3 : memref<2500xi32, #tpu.memory_space<hbm>>) dst(%arg12 : memref<2500xi32, #tpu.memory_space<vmem>>)
      tpu.yield
    }) : () -> ()
    "tpu.region"() ({
      %run_scoped3A = tpu.sem_alloc : memref<!tpu.dma_semaphore, #tpu.memory_space<semaphore_mem>>
      tpu.enqueue_dma source(%arg4 : memref<64x100xf32, #tpu.memory_space<hbm>>) target(%arg13 : memref<64x100xf32, #tpu.memory_space<vmem>>) target_semaphore(%run_scoped3A : memref<!tpu.dma_semaphore, #tpu.memory_space<semaphore_mem>>)
      tpu.wait_dma2 semaphore(%run_scoped3A : memref<!tpu.dma_semaphore, #tpu.memory_space<semaphore_mem>>) src(%arg4 : memref<64x100xf32, #tpu.memory_space<hbm>>) dst(%arg13 : memref<64x100xf32, #tpu.memory_space<vmem>>)
      tpu.yield
    }) : () -> ()
    "tpu.region"() ({
      %run_scoped3A = tpu.sem_alloc : memref<!tpu.dma_semaphore, #tpu.memory_space<semaphore_mem>>
      tpu.enqueue_dma source(%arg5 : memref<64x100xf32, #tpu.memory_space<hbm>>) target(%arg14 : memref<64x100xf32, #tpu.memory_space<vmem>>) target_semaphore(%run_scoped3A : memref<!tpu.dma_semaphore, #tpu.memory_space<semaphore_mem>>)
      tpu.wait_dma2 semaphore(%run_scoped3A : memref<!tpu.dma_semaphore, #tpu.memory_space<semaphore_mem>>) src(%arg5 : memref<64x100xf32, #tpu.memory_space<hbm>>) dst(%arg14 : memref<64x100xf32, #tpu.memory_space<vmem>>)
      tpu.yield
    }) : () -> ()
    "tpu.region"() ({
      %run_scoped3A = tpu.sem_alloc : memref<!tpu.dma_semaphore, #tpu.memory_space<semaphore_mem>>
      tpu.enqueue_dma source(%arg6 : memref<4x10000xf32, #tpu.memory_space<hbm>>) target(%arg15 : memref<4x10000xf32, #tpu.memory_space<vmem>>) target_semaphore(%run_scoped3A : memref<!tpu.dma_semaphore, #tpu.memory_space<semaphore_mem>>)
      tpu.wait_dma2 semaphore(%run_scoped3A : memref<!tpu.dma_semaphore, #tpu.memory_space<semaphore_mem>>) src(%arg6 : memref<4x10000xf32, #tpu.memory_space<hbm>>) dst(%arg15 : memref<4x10000xf32, #tpu.memory_space<vmem>>)
      tpu.yield
    }) : () -> ()
    %broadcast_in_dim3A = arith.constant 3 : i32
    %broadcast_in_dim3A_1 = vector.broadcast %broadcast_in_dim3A : i32 to vector<16xi32>
    %lt3A = arith.constant 8 : i32
    %lt3A_2 = arith.cmpi slt, %add3A, %lt3A : i32
    %jit3A = arith.constant 157 : i32
    %jit3A_3 = arith.constant 156 : i32
    %select_n3A = arith.select %lt3A_2, %jit3A, %jit3A_3 : i32
    %mul3A_4 = arith.constant 128 : i32
    %mul3A_5 = arith.muli %add3A, %mul3A_4 : i32
    %dma_start3A = arith.constant 0 : i32
    %dma_start3A_6 = tpu.memref_slice %arg2[%dma_start3A, %mul3A_5] : memref<2x640000xi32, #tpu.memory_space<hbm>> -> memref<1x128xi32, #tpu.memory_space<hbm>>
    %dma_start3A_7 = tpu.memref_squeeze %dma_start3A_6 : memref<1x128xi32, #tpu.memory_space<hbm>> -> memref<128xi32, #tpu.memory_space<hbm>>
    %dma_start3A_8 = tpu.memref_slice %arg2[%dma_start3A, %mul3A_5] : memref<2x640000xi32, #tpu.memory_space<hbm>> -> memref<1x128xi32, #tpu.memory_space<hbm>>
    %dma_start3A_9 = tpu.memref_squeeze %dma_start3A_8 : memref<1x128xi32, #tpu.memory_space<hbm>> -> memref<128xi32, #tpu.memory_space<hbm>>
    tpu.enqueue_dma source(%dma_start3A_9 : memref<128xi32, #tpu.memory_space<hbm>>) target(%arg8 : memref<128xi32, #tpu.memory_space<vmem>>) target_semaphore(%arg20 : memref<!tpu.dma_semaphore, #tpu.memory_space<semaphore_mem>>)
    %mul3A_10 = arith.constant 128 : i32
    %mul3A_11 = arith.muli %add3A, %mul3A_10 : i32
    %dma_start3A_12 = arith.constant 1 : i32
    %dma_start3A_13 = tpu.memref_slice %arg2[%dma_start3A_12, %mul3A_11] : memref<2x640000xi32, #tpu.memory_space<hbm>> -> memref<1x128xi32, #tpu.memory_space<hbm>>
    %dma_start3A_14 = tpu.memref_squeeze %dma_start3A_13 : memref<1x128xi32, #tpu.memory_space<hbm>> -> memref<128xi32, #tpu.memory_space<hbm>>
    %dma_start3A_15 = tpu.memref_slice %arg2[%dma_start3A_12, %mul3A_11] : memref<2x640000xi32, #tpu.memory_space<hbm>> -> memref<1x128xi32, #tpu.memory_space<hbm>>
    %dma_start3A_16 = tpu.memref_squeeze %dma_start3A_15 : memref<1x128xi32, #tpu.memory_space<hbm>> -> memref<128xi32, #tpu.memory_space<hbm>>
    tpu.enqueue_dma source(%dma_start3A_16 : memref<128xi32, #tpu.memory_space<hbm>>) target(%arg9 : memref<128xi32, #tpu.memory_space<vmem>>) target_semaphore(%arg20 : memref<!tpu.dma_semaphore, #tpu.memory_space<semaphore_mem>>)
    %scan3A = arith.constant 0 : i32
    %scan3A_17 = arith.constant 0 : i32
    %scan3A_18 = arith.constant 79 : i32
    %scan3A_19 = arith.addi %scan3A_17, %scan3A_18 : i32
    %scan3A_20 = arith.constant 1 : i32
    scf.for %scan3A_37 = %scan3A_17 to %scan3A_19 step %scan3A_20  : i32 {
      %mul3A_38 = arith.constant 2 : i32
      %mul3A_39 = arith.muli %mul3A_38, %scan3A_37 : i32
      %mul3A_40 = arith.constant 32 : i32
      %mul3A_41 = arith.muli %mul3A_39, %mul3A_40 : i32
      %add3A_42 = arith.addi %add3A, %mul3A_41 : i32
      %mul3A_43 = arith.constant 2 : i32
      %mul3A_44 = arith.muli %mul3A_43, %scan3A_37 : i32
      %lt3A_45 = arith.cmpi slt, %mul3A_44, %select_n3A : i32
      %convert_element_type3A = arith.extui %lt3A_45 : i1 to i32
      %cond3A = arith.constant 0 : i32
      %cond3A_46 = arith.cmpi ne, %convert_element_type3A, %cond3A : i32
      scf.if %cond3A_46 {
        %eq3A = arith.constant 0 : i32
        %eq3A_55 = arith.cmpi eq, %scan3A_37, %eq3A : i32
        %add3A_56 = arith.constant 32 : i32
        %add3A_57 = arith.addi %add3A_42, %add3A_56 : i32
        %mul3A_58 = arith.constant 128 : i32
        %mul3A_59 = arith.muli %add3A_42, %mul3A_58 : i32
        %dma_wait3A_60 = arith.constant 0 : i32
        %dma_wait3A_61 = tpu.memref_slice %arg2[%dma_wait3A_60, %mul3A_59] : memref<2x640000xi32, #tpu.memory_space<hbm>> -> memref<1x128xi32, #tpu.memory_space<hbm>>
        %dma_wait3A_62 = tpu.memref_squeeze %dma_wait3A_61 : memref<1x128xi32, #tpu.memory_space<hbm>> -> memref<128xi32, #tpu.memory_space<hbm>>
        %dma_wait3A_63 = tpu.memref_slice %arg2[%dma_wait3A_60, %mul3A_59] : memref<2x640000xi32, #tpu.memory_space<hbm>> -> memref<1x128xi32, #tpu.memory_space<hbm>>
        %dma_wait3A_64 = tpu.memref_squeeze %dma_wait3A_63 : memref<1x128xi32, #tpu.memory_space<hbm>> -> memref<128xi32, #tpu.memory_space<hbm>>
        tpu.wait_dma2 semaphore(%arg20 : memref<!tpu.dma_semaphore, #tpu.memory_space<semaphore_mem>>) src(%dma_wait3A_64 : memref<128xi32, #tpu.memory_space<hbm>>) dst(%arg8 : memref<128xi32, #tpu.memory_space<vmem>>)
        %mul3A_65 = arith.constant 128 : i32
        %mul3A_66 = arith.muli %add3A_42, %mul3A_65 : i32
        %dma_wait3A_67 = arith.constant 1 : i32
        %dma_wait3A_68 = tpu.memref_slice %arg2[%dma_wait3A_67, %mul3A_66] : memref<2x640000xi32, #tpu.memory_space<hbm>> -> memref<1x128xi32, #tpu.memory_space<hbm>>
        %dma_wait3A_69 = tpu.memref_squeeze %dma_wait3A_68 : memref<1x128xi32, #tpu.memory_space<hbm>> -> memref<128xi32, #tpu.memory_space<hbm>>
        %dma_wait3A_70 = tpu.memref_slice %arg2[%dma_wait3A_67, %mul3A_66] : memref<2x640000xi32, #tpu.memory_space<hbm>> -> memref<1x128xi32, #tpu.memory_space<hbm>>
        %dma_wait3A_71 = tpu.memref_squeeze %dma_wait3A_70 : memref<1x128xi32, #tpu.memory_space<hbm>> -> memref<128xi32, #tpu.memory_space<hbm>>
        tpu.wait_dma2 semaphore(%arg20 : memref<!tpu.dma_semaphore, #tpu.memory_space<semaphore_mem>>) src(%dma_wait3A_71 : memref<128xi32, #tpu.memory_space<hbm>>) dst(%arg9 : memref<128xi32, #tpu.memory_space<vmem>>)
        %lt3A_72 = arith.constant 5000 : i32
        %lt3A_73 = arith.cmpi slt, %add3A_57, %lt3A_72 : i32
        %convert_element_type3A_74 = arith.extui %lt3A_73 : i1 to i32
        %cond3A_75 = arith.constant 0 : i32
        %cond3A_76 = arith.cmpi ne, %convert_element_type3A_74, %cond3A_75 : i32
        scf.if %cond3A_76 {
          %mul3A_95 = arith.constant 128 : i32
          %mul3A_96 = arith.muli %add3A_57, %mul3A_95 : i32
          %dma_start3A_97 = arith.constant 0 : i32
          %dma_start3A_98 = tpu.memref_slice %arg2[%dma_start3A_97, %mul3A_96] : memref<2x640000xi32, #tpu.memory_space<hbm>> -> memref<1x128xi32, #tpu.memory_space<hbm>>
          %dma_start3A_99 = tpu.memref_squeeze %dma_start3A_98 : memref<1x128xi32, #tpu.memory_space<hbm>> -> memref<128xi32, #tpu.memory_space<hbm>>
          %dma_start3A_100 = tpu.memref_slice %arg2[%dma_start3A_97, %mul3A_96] : memref<2x640000xi32, #tpu.memory_space<hbm>> -> memref<1x128xi32, #tpu.memory_space<hbm>>
          %dma_start3A_101 = tpu.memref_squeeze %dma_start3A_100 : memref<1x128xi32, #tpu.memory_space<hbm>> -> memref<128xi32, #tpu.memory_space<hbm>>
          tpu.enqueue_dma source(%dma_start3A_101 : memref<128xi32, #tpu.memory_space<hbm>>) target(%arg10 : memref<128xi32, #tpu.memory_space<vmem>>) target_semaphore(%arg21 : memref<!tpu.dma_semaphore, #tpu.memory_space<semaphore_mem>>)
          %mul3A_102 = arith.constant 128 : i32
          %mul3A_103 = arith.muli %add3A_57, %mul3A_102 : i32
          %dma_start3A_104 = arith.constant 1 : i32
          %dma_start3A_105 = tpu.memref_slice %arg2[%dma_start3A_104, %mul3A_103] : memref<2x640000xi32, #tpu.memory_space<hbm>> -> memref<1x128xi32, #tpu.memory_space<hbm>>
          %dma_start3A_106 = tpu.memref_squeeze %dma_start3A_105 : memref<1x128xi32, #tpu.memory_space<hbm>> -> memref<128xi32, #tpu.memory_space<hbm>>
          %dma_start3A_107 = tpu.memref_slice %arg2[%dma_start3A_104, %mul3A_103] : memref<2x640000xi32, #tpu.memory_space<hbm>> -> memref<1x128xi32, #tpu.memory_space<hbm>>
          %dma_start3A_108 = tpu.memref_squeeze %dma_start3A_107 : memref<1x128xi32, #tpu.memory_space<hbm>> -> memref<128xi32, #tpu.memory_space<hbm>>
          tpu.enqueue_dma source(%dma_start3A_108 : memref<128xi32, #tpu.memory_space<hbm>>) target(%arg11 : memref<128xi32, #tpu.memory_space<vmem>>) target_semaphore(%arg21 : memref<!tpu.dma_semaphore, #tpu.memory_space<semaphore_mem>>)
        } else {
        }
        %not3A = arith.constant true
        %not3A_77 = arith.xori %eq3A_55, %not3A : i1
        %convert_element_type3A_78 = arith.extui %not3A_77 : i1 to i32
        %cond3A_79 = arith.constant 0 : i32
        %cond3A_80 = arith.cmpi ne, %convert_element_type3A_78, %cond3A_79 : i32
        scf.if %cond3A_80 {
          %dma_wait3A_95 = arith.constant 0 : i32
          %dma_wait3A_96 = arith.constant 0 : i32
          %dma_wait3A_97 = tpu.memref_slice %arg7[%add3A_42, %dma_wait3A_95, %dma_wait3A_96] : memref<5000x80x128xf32, #tpu.memory_space<hbm>> -> memref<1x80x128xf32, #tpu.memory_space<hbm>>
          %dma_wait3A_98 = tpu.memref_squeeze %dma_wait3A_97 : memref<1x80x128xf32, #tpu.memory_space<hbm>> -> memref<80x128xf32, #tpu.memory_space<hbm>>
          %dma_wait3A_99 = arith.constant 0 : i32
          %dma_wait3A_100 = arith.constant 0 : i32
          %dma_wait3A_101 = tpu.memref_slice %arg7[%add3A_42, %dma_wait3A_99, %dma_wait3A_100] : memref<5000x80x128xf32, #tpu.memory_space<hbm>> -> memref<1x80x128xf32, #tpu.memory_space<hbm>>
          %dma_wait3A_102 = tpu.memref_squeeze %dma_wait3A_101 : memref<1x80x128xf32, #tpu.memory_space<hbm>> -> memref<80x128xf32, #tpu.memory_space<hbm>>
          tpu.wait_dma2 semaphore(%arg18 : memref<!tpu.dma_semaphore, #tpu.memory_space<semaphore_mem>>) src(%arg16 : memref<80x128xf32, #tpu.memory_space<vmem>>) dst(%dma_wait3A_102 : memref<80x128xf32, #tpu.memory_space<hbm>>)
        } else {
        }
        %scan3A_81 = arith.constant 0 : i32
        %scan3A_82 = arith.constant 0 : i32
        %scan3A_83 = arith.constant 8 : i32
        %scan3A_84 = arith.addi %scan3A_82, %scan3A_83 : i32
        %scan3A_85 = arith.constant 1 : i32
        scf.for %scan3A_95 = %scan3A_82 to %scan3A_84 step %scan3A_85  : i32 {
          %mul3A_96 = arith.constant 16 : i32
          %mul3A_97 = arith.muli %scan3A_95, %mul3A_96 : i32
          %get3A = arith.index_cast %mul3A_97 : i32 to index
          %get3A_98 = tpu.vector_load %arg8[%get3A] {strides = array<i32>} : memref<128xi32, #tpu.memory_space<vmem>>, vector<16xi32>,
          %get3A_99 = arith.index_cast %mul3A_97 : i32 to index
          %get3A_100 = tpu.vector_load %arg9[%get3A_99] {strides = array<i32>} : memref<128xi32, #tpu.memory_space<vmem>>, vector<16xi32>,
          %shift_right_arithmetic3A = arith.constant 2 : i32
          %shift_right_arithmetic3A_101 = vector.broadcast %shift_right_arithmetic3A : i32 to vector<16xi32>
          %shift_right_arithmetic3A_102 = arith.shrsi %get3A_98, %shift_right_arithmetic3A_101 : vector<16xi32>
          %gather3A = tpu.vector_load_idx %arg12[%shift_right_arithmetic3A_102] : memref<2500xi32, #tpu.memory_space<vmem>>[vector<16xi32>], vector<16xi32>,
          %and3A = arith.andi %get3A_98, %broadcast_in_dim3A_1 : vector<16xi32>
          %shift_left3A = arith.constant 3 : i32
          %shift_left3A_103 = vector.broadcast %shift_left3A : i32 to vector<16xi32>
          %shift_left3A_104 = arith.shli %and3A, %shift_left3A_103 : vector<16xi32>
          %shift_right_arithmetic3A_105 = arith.shrsi %gather3A, %shift_left3A_104 : vector<16xi32>
          %and3A_106 = arith.constant 255 : i32
          %and3A_107 = vector.broadcast %and3A_106 : i32 to vector<16xi32>
          %and3A_108 = arith.andi %shift_right_arithmetic3A_105, %and3A_107 : vector<16xi32>
          %shift_right_arithmetic3A_109 = arith.constant 2 : i32
          %shift_right_arithmetic3A_110 = vector.broadcast %shift_right_arithmetic3A_109 : i32 to vector<16xi32>
          %shift_right_arithmetic3A_111 = arith.shrsi %get3A_100, %shift_right_arithmetic3A_110 : vector<16xi32>
          %gather3A_112 = tpu.vector_load_idx %arg12[%shift_right_arithmetic3A_111] : memref<2500xi32, #tpu.memory_space<vmem>>[vector<16xi32>], vector<16xi32>,
          %and3A_113 = arith.andi %get3A_100, %broadcast_in_dim3A_1 : vector<16xi32>
          %shift_left3A_114 = arith.constant 3 : i32
          %shift_left3A_115 = vector.broadcast %shift_left3A_114 : i32 to vector<16xi32>
          %shift_left3A_116 = arith.shli %and3A_113, %shift_left3A_115 : vector<16xi32>
          %shift_right_arithmetic3A_117 = arith.shrsi %gather3A_112, %shift_left3A_116 : vector<16xi32>
          %and3A_118 = arith.constant 255 : i32
          %and3A_119 = vector.broadcast %and3A_118 : i32 to vector<16xi32>
          %and3A_120 = arith.andi %shift_right_arithmetic3A_117, %and3A_119 : vector<16xi32>
          %broadcast_in_dim3A_121 = arith.constant 0 : i32
          %broadcast_in_dim3A_122 = vector.broadcast %broadcast_in_dim3A_121 : i32 to vector<16xi32>
          %gather3A_123 = tpu.vector_load_idx %arg13[%broadcast_in_dim3A_122, %and3A_108] : memref<64x100xf32, #tpu.memory_space<vmem>>[vector<16xi32>, vector<16xi32>], vector<16xf32>,
          %gather3A_124 = tpu.vector_load_idx %arg14[%broadcast_in_dim3A_122, %and3A_120] : memref<64x100xf32, #tpu.memory_space<vmem>>[vector<16xi32>, vector<16xi32>], vector<16xf32>,
          %add3A_125 = arith.addf %gather3A_123, %gather3A_124 : vector<16xf32>
          %swap3A = arith.constant 0 : i32
          %swap3A_126 = arith.index_cast %swap3A : i32 to index
          %swap3A_127 = arith.index_cast %mul3A_97 : i32 to index
          %swap3A_128 = tpu.vector_load %arg16[%swap3A_126, %swap3A_127] {strides = array<i32>} : memref<80x128xf32, #tpu.memory_space<vmem>>, vector<16xf32>,
          tpu.vector_store %arg16[%swap3A_126, %swap3A_127], %add3A_125 {strides = array<i32>} : memref<80x128xf32, #tpu.memory_space<vmem>>, vector<16xf32>,
          %broadcast_in_dim3A_129 = arith.constant 1 : i32
          %broadcast_in_dim3A_130 = vector.broadcast %broadcast_in_dim3A_129 : i32 to vector<16xi32>
          %gather3A_131 = tpu.vector_load_idx %arg13[%broadcast_in_dim3A_130, %and3A_108] : memref<64x100xf32, #tpu.memory_space<vmem>>[vector<16xi32>, vector<16xi32>], vector<16xf32>,
          %gather3A_132 = tpu.vector_load_idx %arg14[%broadcast_in_dim3A_130, %and3A_120] : memref<64x100xf32, #tpu.memory_space<vmem>>[vector<16xi32>, vector<16xi32>], vector<16xf32>,
          %add3A_133 = arith.addf %gather3A_131, %gather3A_132 : vector<16xf32>
          %swap3A_134 = arith.constant 1 : i32
          %swap3A_135 = arith.index_cast %swap3A_134 : i32 to index
          %swap3A_136 = arith.index_cast %mul3A_97 : i32 to index
          %swap3A_137 = tpu.vector_load %arg16[%swap3A_135, %swap3A_136] {strides = array<i32>} : memref<80x128xf32, #tpu.memory_space<vmem>>, vector<16xf32>,
          tpu.vector_store %arg16[%swap3A_135, %swap3A_136], %add3A_133 {strides = array<i32>} : memref<80x128xf32, #tpu.memory_space<vmem>>, vector<16xf32>,
          %broadcast_in_dim3A_138 = arith.constant 2 : i32
          %broadcast_in_dim3A_139 = vector.broadcast %broadcast_in_dim3A_138 : i32 to vector<16xi32>
          %gather3A_140 = tpu.vector_load_idx %arg13[%broadcast_in_dim3A_139, %and3A_108] : memref<64x100xf32, #tpu.memory_space<vmem>>[vector<16xi32>, vector<16xi32>], vector<16xf32>,
          %gather3A_141 = tpu.vector_load_idx %arg14[%broadcast_in_dim3A_139, %and3A_120] : memref<64x100xf32, #tpu.memory_space<vmem>>[vector<16xi32>, vector<16xi32>], vector<16xf32>,
          %add3A_142 = arith.addf %gather3A_140, %gather3A_141 : vector<16xf32>
          %swap3A_143 = arith.constant 2 : i32
          %swap3A_144 = arith.index_cast %swap3A_143 : i32 to index
          %swap3A_145 = arith.index_cast %mul3A_97 : i32 to index
          %swap3A_146 = tpu.vector_load %arg16[%swap3A_144, %swap3A_145] {strides = array<i32>} : memref<80x128xf32, #tpu.memory_space<vmem>>, vector<16xf32>,
          tpu.vector_store %arg16[%swap3A_144, %swap3A_145], %add3A_142 {strides = array<i32>} : memref<80x128xf32, #tpu.memory_space<vmem>>, vector<16xf32>,
          %broadcast_in_dim3A_147 = arith.constant 3 : i32
          %broadcast_in_dim3A_148 = vector.broadcast %broadcast_in_dim3A_147 : i32 to vector<16xi32>
          %gather3A_149 = tpu.vector_load_idx %arg13[%broadcast_in_dim3A_148, %and3A_108] : memref<64x100xf32, #tpu.memory_space<vmem>>[vector<16xi32>, vector<16xi32>], vector<16xf32>,
          %gather3A_150 = tpu.vector_load_idx %arg14[%broadcast_in_dim3A_148, %and3A_120] : memref<64x100xf32, #tpu.memory_space<vmem>>[vector<16xi32>, vector<16xi32>], vector<16xf32>,
          %add3A_151 = arith.addf %gather3A_149, %gather3A_150 : vector<16xf32>
          %swap3A_152 = arith.constant 3 : i32
          %swap3A_153 = arith.index_cast %swap3A_152 : i32 to index
          %swap3A_154 = arith.index_cast %mul3A_97 : i32 to index
          %swap3A_155 = tpu.vector_load %arg16[%swap3A_153, %swap3A_154] {strides = array<i32>} : memref<80x128xf32, #tpu.memory_space<vmem>>, vector<16xf32>,
          tpu.vector_store %arg16[%swap3A_153, %swap3A_154], %add3A_151 {strides = array<i32>} : memref<80x128xf32, #tpu.memory_space<vmem>>, vector<16xf32>,
          %broadcast_in_dim3A_156 = arith.constant 4 : i32
          %broadcast_in_dim3A_157 = vector.broadcast %broadcast_in_dim3A_156 : i32 to vector<16xi32>
          %gather3A_158 = tpu.vector_load_idx %arg13[%broadcast_in_dim3A_157, %and3A_108] : memref<64x100xf32, #tpu.memory_space<vmem>>[vector<16xi32>, vector<16xi32>], vector<16xf32>,
          %gather3A_159 = tpu.vector_load_idx %arg14[%broadcast_in_dim3A_157, %and3A_120] : memref<64x100xf32, #tpu.memory_space<vmem>>[vector<16xi32>, vector<16xi32>], vector<16xf32>,
          %add3A_160 = arith.addf %gather3A_158, %gather3A_159 : vector<16xf32>
          %swap3A_161 = arith.constant 4 : i32
          %swap3A_162 = arith.index_cast %swap3A_161 : i32 to index
          %swap3A_163 = arith.index_cast %mul3A_97 : i32 to index
          %swap3A_164 = tpu.vector_load %arg16[%swap3A_162, %swap3A_163] {strides = array<i32>} : memref<80x128xf32, #tpu.memory_space<vmem>>, vector<16xf32>,
          tpu.vector_store %arg16[%swap3A_162, %swap3A_163], %add3A_160 {strides = array<i32>} : memref<80x128xf32, #tpu.memory_space<vmem>>, vector<16xf32>,
          %broadcast_in_dim3A_165 = arith.constant 5 : i32
          %broadcast_in_dim3A_166 = vector.broadcast %broadcast_in_dim3A_165 : i32 to vector<16xi32>
          %gather3A_167 = tpu.vector_load_idx %arg13[%broadcast_in_dim3A_166, %and3A_108] : memref<64x100xf32, #tpu.memory_space<vmem>>[vector<16xi32>, vector<16xi32>], vector<16xf32>,
          %gather3A_168 = tpu.vector_load_idx %arg14[%broadcast_in_dim3A_166, %and3A_120] : memref<64x100xf32, #tpu.memory_space<vmem>>[vector<16xi32>, vector<16xi32>], vector<16xf32>,
          %add3A_169 = arith.addf %gather3A_167, %gather3A_168 : vector<16xf32>
          %swap3A_170 = arith.constant 5 : i32
          %swap3A_171 = arith.index_cast %swap3A_170 : i32 to index
          %swap3A_172 = arith.index_cast %mul3A_97 : i32 to index
          %swap3A_173 = tpu.vector_load %arg16[%swap3A_171, %swap3A_172] {strides = array<i32>} : memref<80x128xf32, #tpu.memory_space<vmem>>, vector<16xf32>,
          tpu.vector_store %arg16[%swap3A_171, %swap3A_172], %add3A_169 {strides = array<i32>} : memref<80x128xf32, #tpu.memory_space<vmem>>, vector<16xf32>,
          %broadcast_in_dim3A_174 = arith.constant 6 : i32
          %broadcast_in_dim3A_175 = vector.broadcast %broadcast_in_dim3A_174 : i32 to vector<16xi32>
          %gather3A_176 = tpu.vector_load_idx %arg13[%broadcast_in_dim3A_175, %and3A_108] : memref<64x100xf32, #tpu.memory_space<vmem>>[vector<16xi32>, vector<16xi32>], vector<16xf32>,
          %gather3A_177 = tpu.vector_load_idx %arg14[%broadcast_in_dim3A_175, %and3A_120] : memref<64x100xf32, #tpu.memory_space<vmem>>[vector<16xi32>, vector<16xi32>], vector<16xf32>,
          %add3A_178 = arith.addf %gather3A_176, %gather3A_177 : vector<16xf32>
          %swap3A_179 = arith.constant 6 : i32
          %swap3A_180 = arith.index_cast %swap3A_179 : i32 to index
          %swap3A_181 = arith.index_cast %mul3A_97 : i32 to index
          %swap3A_182 = tpu.vector_load %arg16[%swap3A_180, %swap3A_181] {strides = array<i32>} : memref<80x128xf32, #tpu.memory_space<vmem>>, vector<16xf32>,
          tpu.vector_store %arg16[%swap3A_180, %swap3A_181], %add3A_178 {strides = array<i32>} : memref<80x128xf32, #tpu.memory_space<vmem>>, vector<16xf32>,
          %broadcast_in_dim3A_183 = arith.constant 7 : i32
          %broadcast_in_dim3A_184 = vector.broadcast %broadcast_in_dim3A_183 : i32 to vector<16xi32>
          %gather3A_185 = tpu.vector_load_idx %arg13[%broadcast_in_dim3A_184, %and3A_108] : memref<64x100xf32, #tpu.memory_space<vmem>>[vector<16xi32>, vector<16xi32>], vector<16xf32>,
          %gather3A_186 = tpu.vector_load_idx %arg14[%broadcast_in_dim3A_184, %and3A_120] : memref<64x100xf32, #tpu.memory_space<vmem>>[vector<16xi32>, vector<16xi32>], vector<16xf32>,
          %add3A_187 = arith.addf %gather3A_185, %gather3A_186 : vector<16xf32>
          %swap3A_188 = arith.constant 7 : i32
          %swap3A_189 = arith.index_cast %swap3A_188 : i32 to index
          %swap3A_190 = arith.index_cast %mul3A_97 : i32 to index
          %swap3A_191 = tpu.vector_load %arg16[%swap3A_189, %swap3A_190] {strides = array<i32>} : memref<80x128xf32, #tpu.memory_space<vmem>>, vector<16xf32>,
          tpu.vector_store %arg16[%swap3A_189, %swap3A_190], %add3A_187 {strides = array<i32>} : memref<80x128xf32, #tpu.memory_space<vmem>>, vector<16xf32>,
          %broadcast_in_dim3A_192 = arith.constant 8 : i32
          %broadcast_in_dim3A_193 = vector.broadcast %broadcast_in_dim3A_192 : i32 to vector<16xi32>
          %gather3A_194 = tpu.vector_load_idx %arg13[%broadcast_in_dim3A_193, %and3A_108] : memref<64x100xf32, #tpu.memory_space<vmem>>[vector<16xi32>, vector<16xi32>], vector<16xf32>,
          %gather3A_195 = tpu.vector_load_idx %arg14[%broadcast_in_dim3A_193, %and3A_120] : memref<64x100xf32, #tpu.memory_space<vmem>>[vector<16xi32>, vector<16xi32>], vector<16xf32>,
          %add3A_196 = arith.addf %gather3A_194, %gather3A_195 : vector<16xf32>
          %swap3A_197 = arith.constant 8 : i32
          %swap3A_198 = arith.index_cast %swap3A_197 : i32 to index
          %swap3A_199 = arith.index_cast %mul3A_97 : i32 to index
          %swap3A_200 = tpu.vector_load %arg16[%swap3A_198, %swap3A_199] {strides = array<i32>} : memref<80x128xf32, #tpu.memory_space<vmem>>, vector<16xf32>,
          tpu.vector_store %arg16[%swap3A_198, %swap3A_199], %add3A_196 {strides = array<i32>} : memref<80x128xf32, #tpu.memory_space<vmem>>, vector<16xf32>,
          %broadcast_in_dim3A_201 = arith.constant 9 : i32
          %broadcast_in_dim3A_202 = vector.broadcast %broadcast_in_dim3A_201 : i32 to vector<16xi32>
          %gather3A_203 = tpu.vector_load_idx %arg13[%broadcast_in_dim3A_202, %and3A_108] : memref<64x100xf32, #tpu.memory_space<vmem>>[vector<16xi32>, vector<16xi32>], vector<16xf32>,
          %gather3A_204 = tpu.vector_load_idx %arg14[%broadcast_in_dim3A_202, %and3A_120] : memref<64x100xf32, #tpu.memory_space<vmem>>[vector<16xi32>, vector<16xi32>], vector<16xf32>,
          %add3A_205 = arith.addf %gather3A_203, %gather3A_204 : vector<16xf32>
          %swap3A_206 = arith.constant 9 : i32
          %swap3A_207 = arith.index_cast %swap3A_206 : i32 to index
          %swap3A_208 = arith.index_cast %mul3A_97 : i32 to index
          %swap3A_209 = tpu.vector_load %arg16[%swap3A_207, %swap3A_208] {strides = array<i32>} : memref<80x128xf32, #tpu.memory_space<vmem>>, vector<16xf32>,
          tpu.vector_store %arg16[%swap3A_207, %swap3A_208], %add3A_205 {strides = array<i32>} : memref<80x128xf32, #tpu.memory_space<vmem>>, vector<16xf32>,
          %broadcast_in_dim3A_210 = arith.constant 10 : i32
          %broadcast_in_dim3A_211 = vector.broadcast %broadcast_in_dim3A_210 : i32 to vector<16xi32>
          %gather3A_212 = tpu.vector_load_idx %arg13[%broadcast_in_dim3A_211, %and3A_108] : memref<64x100xf32, #tpu.memory_space<vmem>>[vector<16xi32>, vector<16xi32>], vector<16xf32>,
          %gather3A_213 = tpu.vector_load_idx %arg14[%broadcast_in_dim3A_211, %and3A_120] : memref<64x100xf32, #tpu.memory_space<vmem>>[vector<16xi32>, vector<16xi32>], vector<16xf32>,
          %add3A_214 = arith.addf %gather3A_212, %gather3A_213 : vector<16xf32>
          %swap3A_215 = arith.constant 10 : i32
          %swap3A_216 = arith.index_cast %swap3A_215 : i32 to index
          %swap3A_217 = arith.index_cast %mul3A_97 : i32 to index
          %swap3A_218 = tpu.vector_load %arg16[%swap3A_216, %swap3A_217] {strides = array<i32>} : memref<80x128xf32, #tpu.memory_space<vmem>>, vector<16xf32>,
          tpu.vector_store %arg16[%swap3A_216, %swap3A_217], %add3A_214 {strides = array<i32>} : memref<80x128xf32, #tpu.memory_space<vmem>>, vector<16xf32>,
          %broadcast_in_dim3A_219 = arith.constant 11 : i32
          %broadcast_in_dim3A_220 = vector.broadcast %broadcast_in_dim3A_219 : i32 to vector<16xi32>
          %gather3A_221 = tpu.vector_load_idx %arg13[%broadcast_in_dim3A_220, %and3A_108] : memref<64x100xf32, #tpu.memory_space<vmem>>[vector<16xi32>, vector<16xi32>], vector<16xf32>,
          %gather3A_222 = tpu.vector_load_idx %arg14[%broadcast_in_dim3A_220, %and3A_120] : memref<64x100xf32, #tpu.memory_space<vmem>>[vector<16xi32>, vector<16xi32>], vector<16xf32>,
          %add3A_223 = arith.addf %gather3A_221, %gather3A_222 : vector<16xf32>
          %swap3A_224 = arith.constant 11 : i32
          %swap3A_225 = arith.index_cast %swap3A_224 : i32 to index
          %swap3A_226 = arith.index_cast %mul3A_97 : i32 to index
          %swap3A_227 = tpu.vector_load %arg16[%swap3A_225, %swap3A_226] {strides = array<i32>} : memref<80x128xf32, #tpu.memory_space<vmem>>, vector<16xf32>,
          tpu.vector_store %arg16[%swap3A_225, %swap3A_226], %add3A_223 {strides = array<i32>} : memref<80x128xf32, #tpu.memory_space<vmem>>, vector<16xf32>,
          %broadcast_in_dim3A_228 = arith.constant 12 : i32
          %broadcast_in_dim3A_229 = vector.broadcast %broadcast_in_dim3A_228 : i32 to vector<16xi32>
          %gather3A_230 = tpu.vector_load_idx %arg13[%broadcast_in_dim3A_229, %and3A_108] : memref<64x100xf32, #tpu.memory_space<vmem>>[vector<16xi32>, vector<16xi32>], vector<16xf32>,
          %gather3A_231 = tpu.vector_load_idx %arg14[%broadcast_in_dim3A_229, %and3A_120] : memref<64x100xf32, #tpu.memory_space<vmem>>[vector<16xi32>, vector<16xi32>], vector<16xf32>,
          %add3A_232 = arith.addf %gather3A_230, %gather3A_231 : vector<16xf32>
          %swap3A_233 = arith.constant 12 : i32
          %swap3A_234 = arith.index_cast %swap3A_233 : i32 to index
          %swap3A_235 = arith.index_cast %mul3A_97 : i32 to index
          %swap3A_236 = tpu.vector_load %arg16[%swap3A_234, %swap3A_235] {strides = array<i32>} : memref<80x128xf32, #tpu.memory_space<vmem>>, vector<16xf32>,
          tpu.vector_store %arg16[%swap3A_234, %swap3A_235], %add3A_232 {strides = array<i32>} : memref<80x128xf32, #tpu.memory_space<vmem>>, vector<16xf32>,
          %broadcast_in_dim3A_237 = arith.constant 13 : i32
          %broadcast_in_dim3A_238 = vector.broadcast %broadcast_in_dim3A_237 : i32 to vector<16xi32>
          %gather3A_239 = tpu.vector_load_idx %arg13[%broadcast_in_dim3A_238, %and3A_108] : memref<64x100xf32, #tpu.memory_space<vmem>>[vector<16xi32>, vector<16xi32>], vector<16xf32>,
          %gather3A_240 = tpu.vector_load_idx %arg14[%broadcast_in_dim3A_238, %and3A_120] : memref<64x100xf32, #tpu.memory_space<vmem>>[vector<16xi32>, vector<16xi32>], vector<16xf32>,
          %add3A_241 = arith.addf %gather3A_239, %gather3A_240 : vector<16xf32>
          %swap3A_242 = arith.constant 13 : i32
          %swap3A_243 = arith.index_cast %swap3A_242 : i32 to index
          %swap3A_244 = arith.index_cast %mul3A_97 : i32 to index
          %swap3A_245 = tpu.vector_load %arg16[%swap3A_243, %swap3A_244] {strides = array<i32>} : memref<80x128xf32, #tpu.memory_space<vmem>>, vector<16xf32>,
          tpu.vector_store %arg16[%swap3A_243, %swap3A_244], %add3A_241 {strides = array<i32>} : memref<80x128xf32, #tpu.memory_space<vmem>>, vector<16xf32>,
          %broadcast_in_dim3A_246 = arith.constant 14 : i32
          %broadcast_in_dim3A_247 = vector.broadcast %broadcast_in_dim3A_246 : i32 to vector<16xi32>
          %gather3A_248 = tpu.vector_load_idx %arg13[%broadcast_in_dim3A_247, %and3A_108] : memref<64x100xf32, #tpu.memory_space<vmem>>[vector<16xi32>, vector<16xi32>], vector<16xf32>,
          %gather3A_249 = tpu.vector_load_idx %arg14[%broadcast_in_dim3A_247, %and3A_120] : memref<64x100xf32, #tpu.memory_space<vmem>>[vector<16xi32>, vector<16xi32>], vector<16xf32>,
          %add3A_250 = arith.addf %gather3A_248, %gather3A_249 : vector<16xf32>
          %swap3A_251 = arith.constant 14 : i32
          %swap3A_252 = arith.index_cast %swap3A_251 : i32 to index
          %swap3A_253 = arith.index_cast %mul3A_97 : i32 to index
          %swap3A_254 = tpu.vector_load %arg16[%swap3A_252, %swap3A_253] {strides = array<i32>} : memref<80x128xf32, #tpu.memory_space<vmem>>, vector<16xf32>,
          tpu.vector_store %arg16[%swap3A_252, %swap3A_253], %add3A_250 {strides = array<i32>} : memref<80x128xf32, #tpu.memory_space<vmem>>, vector<16xf32>,
          %broadcast_in_dim3A_255 = arith.constant 15 : i32
          %broadcast_in_dim3A_256 = vector.broadcast %broadcast_in_dim3A_255 : i32 to vector<16xi32>
          %gather3A_257 = tpu.vector_load_idx %arg13[%broadcast_in_dim3A_256, %and3A_108] : memref<64x100xf32, #tpu.memory_space<vmem>>[vector<16xi32>, vector<16xi32>], vector<16xf32>,
          %gather3A_258 = tpu.vector_load_idx %arg14[%broadcast_in_dim3A_256, %and3A_120] : memref<64x100xf32, #tpu.memory_space<vmem>>[vector<16xi32>, vector<16xi32>], vector<16xf32>,
          %add3A_259 = arith.addf %gather3A_257, %gather3A_258 : vector<16xf32>
          %swap3A_260 = arith.constant 15 : i32
          %swap3A_261 = arith.index_cast %swap3A_260 : i32 to index
          %swap3A_262 = arith.index_cast %mul3A_97 : i32 to index
          %swap3A_263 = tpu.vector_load %arg16[%swap3A_261, %swap3A_262] {strides = array<i32>} : memref<80x128xf32, #tpu.memory_space<vmem>>, vector<16xf32>,
          tpu.vector_store %arg16[%swap3A_261, %swap3A_262], %add3A_259 {strides = array<i32>} : memref<80x128xf32, #tpu.memory_space<vmem>>, vector<16xf32>,
          %broadcast_in_dim3A_264 = arith.constant 16 : i32
          %broadcast_in_dim3A_265 = vector.broadcast %broadcast_in_dim3A_264 : i32 to vector<16xi32>
          %gather3A_266 = tpu.vector_load_idx %arg13[%broadcast_in_dim3A_265, %and3A_108] : memref<64x100xf32, #tpu.memory_space<vmem>>[vector<16xi32>, vector<16xi32>], vector<16xf32>,
          %gather3A_267 = tpu.vector_load_idx %arg14[%broadcast_in_dim3A_265, %and3A_120] : memref<64x100xf32, #tpu.memory_space<vmem>>[vector<16xi32>, vector<16xi32>], vector<16xf32>,
          %add3A_268 = arith.addf %gather3A_266, %gather3A_267 : vector<16xf32>
          %swap3A_269 = arith.constant 16 : i32
          %swap3A_270 = arith.index_cast %swap3A_269 : i32 to index
          %swap3A_271 = arith.index_cast %mul3A_97 : i32 to index
          %swap3A_272 = tpu.vector_load %arg16[%swap3A_270, %swap3A_271] {strides = array<i32>} : memref<80x128xf32, #tpu.memory_space<vmem>>, vector<16xf32>,
          tpu.vector_store %arg16[%swap3A_270, %swap3A_271], %add3A_268 {strides = array<i32>} : memref<80x128xf32, #tpu.memory_space<vmem>>, vector<16xf32>,
          %broadcast_in_dim3A_273 = arith.constant 17 : i32
          %broadcast_in_dim3A_274 = vector.broadcast %broadcast_in_dim3A_273 : i32 to vector<16xi32>
          %gather3A_275 = tpu.vector_load_idx %arg13[%broadcast_in_dim3A_274, %and3A_108] : memref<64x100xf32, #tpu.memory_space<vmem>>[vector<16xi32>, vector<16xi32>], vector<16xf32>,
          %gather3A_276 = tpu.vector_load_idx %arg14[%broadcast_in_dim3A_274, %and3A_120] : memref<64x100xf32, #tpu.memory_space<vmem>>[vector<16xi32>, vector<16xi32>], vector<16xf32>,
          %add3A_277 = arith.addf %gather3A_275, %gather3A_276 : vector<16xf32>
          %swap3A_278 = arith.constant 17 : i32
          %swap3A_279 = arith.index_cast %swap3A_278 : i32 to index
          %swap3A_280 = arith.index_cast %mul3A_97 : i32 to index
          %swap3A_281 = tpu.vector_load %arg16[%swap3A_279, %swap3A_280] {strides = array<i32>} : memref<80x128xf32, #tpu.memory_space<vmem>>, vector<16xf32>,
          tpu.vector_store %arg16[%swap3A_279, %swap3A_280], %add3A_277 {strides = array<i32>} : memref<80x128xf32, #tpu.memory_space<vmem>>, vector<16xf32>,
          %broadcast_in_dim3A_282 = arith.constant 18 : i32
          %broadcast_in_dim3A_283 = vector.broadcast %broadcast_in_dim3A_282 : i32 to vector<16xi32>
          %gather3A_284 = tpu.vector_load_idx %arg13[%broadcast_in_dim3A_283, %and3A_108] : memref<64x100xf32, #tpu.memory_space<vmem>>[vector<16xi32>, vector<16xi32>], vector<16xf32>,
          %gather3A_285 = tpu.vector_load_idx %arg14[%broadcast_in_dim3A_283, %and3A_120] : memref<64x100xf32, #tpu.memory_space<vmem>>[vector<16xi32>, vector<16xi32>], vector<16xf32>,
          %add3A_286 = arith.addf %gather3A_284, %gather3A_285 : vector<16xf32>
          %swap3A_287 = arith.constant 18 : i32
          %swap3A_288 = arith.index_cast %swap3A_287 : i32 to index
          %swap3A_289 = arith.index_cast %mul3A_97 : i32 to index
          %swap3A_290 = tpu.vector_load %arg16[%swap3A_288, %swap3A_289] {strides = array<i32>} : memref<80x128xf32, #tpu.memory_space<vmem>>, vector<16xf32>,
          tpu.vector_store %arg16[%swap3A_288, %swap3A_289], %add3A_286 {strides = array<i32>} : memref<80x128xf32, #tpu.memory_space<vmem>>, vector<16xf32>,
          %broadcast_in_dim3A_291 = arith.constant 19 : i32
          %broadcast_in_dim3A_292 = vector.broadcast %broadcast_in_dim3A_291 : i32 to vector<16xi32>
          %gather3A_293 = tpu.vector_load_idx %arg13[%broadcast_in_dim3A_292, %and3A_108] : memref<64x100xf32, #tpu.memory_space<vmem>>[vector<16xi32>, vector<16xi32>], vector<16xf32>,
          %gather3A_294 = tpu.vector_load_idx %arg14[%broadcast_in_dim3A_292, %and3A_120] : memref<64x100xf32, #tpu.memory_space<vmem>>[vector<16xi32>, vector<16xi32>], vector<16xf32>,
          %add3A_295 = arith.addf %gather3A_293, %gather3A_294 : vector<16xf32>
          %swap3A_296 = arith.constant 19 : i32
          %swap3A_297 = arith.index_cast %swap3A_296 : i32 to index
          %swap3A_298 = arith.index_cast %mul3A_97 : i32 to index
          %swap3A_299 = tpu.vector_load %arg16[%swap3A_297, %swap3A_298] {strides = array<i32>} : memref<80x128xf32, #tpu.memory_space<vmem>>, vector<16xf32>,
          tpu.vector_store %arg16[%swap3A_297, %swap3A_298], %add3A_295 {strides = array<i32>} : memref<80x128xf32, #tpu.memory_space<vmem>>, vector<16xf32>,
          %broadcast_in_dim3A_300 = arith.constant 20 : i32
          %broadcast_in_dim3A_301 = vector.broadcast %broadcast_in_dim3A_300 : i32 to vector<16xi32>
          %gather3A_302 = tpu.vector_load_idx %arg13[%broadcast_in_dim3A_301, %and3A_108] : memref<64x100xf32, #tpu.memory_space<vmem>>[vector<16xi32>, vector<16xi32>], vector<16xf32>,
          %gather3A_303 = tpu.vector_load_idx %arg14[%broadcast_in_dim3A_301, %and3A_120] : memref<64x100xf32, #tpu.memory_space<vmem>>[vector<16xi32>, vector<16xi32>], vector<16xf32>,
          %add3A_304 = arith.addf %gather3A_302, %gather3A_303 : vector<16xf32>
          %swap3A_305 = arith.constant 20 : i32
          %swap3A_306 = arith.index_cast %swap3A_305 : i32 to index
          %swap3A_307 = arith.index_cast %mul3A_97 : i32 to index
          %swap3A_308 = tpu.vector_load %arg16[%swap3A_306, %swap3A_307] {strides = array<i32>} : memref<80x128xf32, #tpu.memory_space<vmem>>, vector<16xf32>,
          tpu.vector_store %arg16[%swap3A_306, %swap3A_307], %add3A_304 {strides = array<i32>} : memref<80x128xf32, #tpu.memory_space<vmem>>, vector<16xf32>,
          %broadcast_in_dim3A_309 = arith.constant 21 : i32
          %broadcast_in_dim3A_310 = vector.broadcast %broadcast_in_dim3A_309 : i32 to vector<16xi32>
          %gather3A_311 = tpu.vector_load_idx %arg13[%broadcast_in_dim3A_310, %and3A_108] : memref<64x100xf32, #tpu.memory_space<vmem>>[vector<16xi32>, vector<16xi32>], vector<16xf32>,
          %gather3A_312 = tpu.vector_load_idx %arg14[%broadcast_in_dim3A_310, %and3A_120] : memref<64x100xf32, #tpu.memory_space<vmem>>[vector<16xi32>, vector<16xi32>], vector<16xf32>,
          %add3A_313 = arith.addf %gather3A_311, %gather3A_312 : vector<16xf32>
          %swap3A_314 = arith.constant 21 : i32
          %swap3A_315 = arith.index_cast %swap3A_314 : i32 to index
          %swap3A_316 = arith.index_cast %mul3A_97 : i32 to index
          %swap3A_317 = tpu.vector_load %arg16[%swap3A_315, %swap3A_316] {strides = array<i32>} : memref<80x128xf32, #tpu.memory_space<vmem>>, vector<16xf32>,
          tpu.vector_store %arg16[%swap3A_315, %swap3A_316], %add3A_313 {strides = array<i32>} : memref<80x128xf32, #tpu.memory_space<vmem>>, vector<16xf32>,
          %broadcast_in_dim3A_318 = arith.constant 22 : i32
          %broadcast_in_dim3A_319 = vector.broadcast %broadcast_in_dim3A_318 : i32 to vector<16xi32>
          %gather3A_320 = tpu.vector_load_idx %arg13[%broadcast_in_dim3A_319, %and3A_108] : memref<64x100xf32, #tpu.memory_space<vmem>>[vector<16xi32>, vector<16xi32>], vector<16xf32>,
          %gather3A_321 = tpu.vector_load_idx %arg14[%broadcast_in_dim3A_319, %and3A_120] : memref<64x100xf32, #tpu.memory_space<vmem>>[vector<16xi32>, vector<16xi32>], vector<16xf32>,
          %add3A_322 = arith.addf %gather3A_320, %gather3A_321 : vector<16xf32>
          %swap3A_323 = arith.constant 22 : i32
          %swap3A_324 = arith.index_cast %swap3A_323 : i32 to index
          %swap3A_325 = arith.index_cast %mul3A_97 : i32 to index
          %swap3A_326 = tpu.vector_load %arg16[%swap3A_324, %swap3A_325] {strides = array<i32>} : memref<80x128xf32, #tpu.memory_space<vmem>>, vector<16xf32>,
          tpu.vector_store %arg16[%swap3A_324, %swap3A_325], %add3A_322 {strides = array<i32>} : memref<80x128xf32, #tpu.memory_space<vmem>>, vector<16xf32>,
          %broadcast_in_dim3A_327 = arith.constant 23 : i32
          %broadcast_in_dim3A_328 = vector.broadcast %broadcast_in_dim3A_327 : i32 to vector<16xi32>
          %gather3A_329 = tpu.vector_load_idx %arg13[%broadcast_in_dim3A_328, %and3A_108] : memref<64x100xf32, #tpu.memory_space<vmem>>[vector<16xi32>, vector<16xi32>], vector<16xf32>,
          %gather3A_330 = tpu.vector_load_idx %arg14[%broadcast_in_dim3A_328, %and3A_120] : memref<64x100xf32, #tpu.memory_space<vmem>>[vector<16xi32>, vector<16xi32>], vector<16xf32>,
          %add3A_331 = arith.addf %gather3A_329, %gather3A_330 : vector<16xf32>
          %swap3A_332 = arith.constant 23 : i32
          %swap3A_333 = arith.index_cast %swap3A_332 : i32 to index
          %swap3A_334 = arith.index_cast %mul3A_97 : i32 to index
          %swap3A_335 = tpu.vector_load %arg16[%swap3A_333, %swap3A_334] {strides = array<i32>} : memref<80x128xf32, #tpu.memory_space<vmem>>, vector<16xf32>,
          tpu.vector_store %arg16[%swap3A_333, %swap3A_334], %add3A_331 {strides = array<i32>} : memref<80x128xf32, #tpu.memory_space<vmem>>, vector<16xf32>,
          %broadcast_in_dim3A_336 = arith.constant 24 : i32
          %broadcast_in_dim3A_337 = vector.broadcast %broadcast_in_dim3A_336 : i32 to vector<16xi32>
          %gather3A_338 = tpu.vector_load_idx %arg13[%broadcast_in_dim3A_337, %and3A_108] : memref<64x100xf32, #tpu.memory_space<vmem>>[vector<16xi32>, vector<16xi32>], vector<16xf32>,
          %gather3A_339 = tpu.vector_load_idx %arg14[%broadcast_in_dim3A_337, %and3A_120] : memref<64x100xf32, #tpu.memory_space<vmem>>[vector<16xi32>, vector<16xi32>], vector<16xf32>,
          %add3A_340 = arith.addf %gather3A_338, %gather3A_339 : vector<16xf32>
          %swap3A_341 = arith.constant 24 : i32
          %swap3A_342 = arith.index_cast %swap3A_341 : i32 to index
          %swap3A_343 = arith.index_cast %mul3A_97 : i32 to index
          %swap3A_344 = tpu.vector_load %arg16[%swap3A_342, %swap3A_343] {strides = array<i32>} : memref<80x128xf32, #tpu.memory_space<vmem>>, vector<16xf32>,
          tpu.vector_store %arg16[%swap3A_342, %swap3A_343], %add3A_340 {strides = array<i32>} : memref<80x128xf32, #tpu.memory_space<vmem>>, vector<16xf32>,
          %broadcast_in_dim3A_345 = arith.constant 25 : i32
          %broadcast_in_dim3A_346 = vector.broadcast %broadcast_in_dim3A_345 : i32 to vector<16xi32>
          %gather3A_347 = tpu.vector_load_idx %arg13[%broadcast_in_dim3A_346, %and3A_108] : memref<64x100xf32, #tpu.memory_space<vmem>>[vector<16xi32>, vector<16xi32>], vector<16xf32>,
          %gather3A_348 = tpu.vector_load_idx %arg14[%broadcast_in_dim3A_346, %and3A_120] : memref<64x100xf32, #tpu.memory_space<vmem>>[vector<16xi32>, vector<16xi32>], vector<16xf32>,
          %add3A_349 = arith.addf %gather3A_347, %gather3A_348 : vector<16xf32>
          %swap3A_350 = arith.constant 25 : i32
          %swap3A_351 = arith.index_cast %swap3A_350 : i32 to index
          %swap3A_352 = arith.index_cast %mul3A_97 : i32 to index
          %swap3A_353 = tpu.vector_load %arg16[%swap3A_351, %swap3A_352] {strides = array<i32>} : memref<80x128xf32, #tpu.memory_space<vmem>>, vector<16xf32>,
          tpu.vector_store %arg16[%swap3A_351, %swap3A_352], %add3A_349 {strides = array<i32>} : memref<80x128xf32, #tpu.memory_space<vmem>>, vector<16xf32>,
          %broadcast_in_dim3A_354 = arith.constant 26 : i32
          %broadcast_in_dim3A_355 = vector.broadcast %broadcast_in_dim3A_354 : i32 to vector<16xi32>
          %gather3A_356 = tpu.vector_load_idx %arg13[%broadcast_in_dim3A_355, %and3A_108] : memref<64x100xf32, #tpu.memory_space<vmem>>[vector<16xi32>, vector<16xi32>], vector<16xf32>,
          %gather3A_357 = tpu.vector_load_idx %arg14[%broadcast_in_dim3A_355, %and3A_120] : memref<64x100xf32, #tpu.memory_space<vmem>>[vector<16xi32>, vector<16xi32>], vector<16xf32>,
          %add3A_358 = arith.addf %gather3A_356, %gather3A_357 : vector<16xf32>
          %swap3A_359 = arith.constant 26 : i32
          %swap3A_360 = arith.index_cast %swap3A_359 : i32 to index
          %swap3A_361 = arith.index_cast %mul3A_97 : i32 to index
          %swap3A_362 = tpu.vector_load %arg16[%swap3A_360, %swap3A_361] {strides = array<i32>} : memref<80x128xf32, #tpu.memory_space<vmem>>, vector<16xf32>,
          tpu.vector_store %arg16[%swap3A_360, %swap3A_361], %add3A_358 {strides = array<i32>} : memref<80x128xf32, #tpu.memory_space<vmem>>, vector<16xf32>,
          %broadcast_in_dim3A_363 = arith.constant 27 : i32
          %broadcast_in_dim3A_364 = vector.broadcast %broadcast_in_dim3A_363 : i32 to vector<16xi32>
          %gather3A_365 = tpu.vector_load_idx %arg13[%broadcast_in_dim3A_364, %and3A_108] : memref<64x100xf32, #tpu.memory_space<vmem>>[vector<16xi32>, vector<16xi32>], vector<16xf32>,
          %gather3A_366 = tpu.vector_load_idx %arg14[%broadcast_in_dim3A_364, %and3A_120] : memref<64x100xf32, #tpu.memory_space<vmem>>[vector<16xi32>, vector<16xi32>], vector<16xf32>,
          %add3A_367 = arith.addf %gather3A_365, %gather3A_366 : vector<16xf32>
          %swap3A_368 = arith.constant 27 : i32
          %swap3A_369 = arith.index_cast %swap3A_368 : i32 to index
          %swap3A_370 = arith.index_cast %mul3A_97 : i32 to index
          %swap3A_371 = tpu.vector_load %arg16[%swap3A_369, %swap3A_370] {strides = array<i32>} : memref<80x128xf32, #tpu.memory_space<vmem>>, vector<16xf32>,
          tpu.vector_store %arg16[%swap3A_369, %swap3A_370], %add3A_367 {strides = array<i32>} : memref<80x128xf32, #tpu.memory_space<vmem>>, vector<16xf32>,
          %broadcast_in_dim3A_372 = arith.constant 28 : i32
          %broadcast_in_dim3A_373 = vector.broadcast %broadcast_in_dim3A_372 : i32 to vector<16xi32>
          %gather3A_374 = tpu.vector_load_idx %arg13[%broadcast_in_dim3A_373, %and3A_108] : memref<64x100xf32, #tpu.memory_space<vmem>>[vector<16xi32>, vector<16xi32>], vector<16xf32>,
          %gather3A_375 = tpu.vector_load_idx %arg14[%broadcast_in_dim3A_373, %and3A_120] : memref<64x100xf32, #tpu.memory_space<vmem>>[vector<16xi32>, vector<16xi32>], vector<16xf32>,
          %add3A_376 = arith.addf %gather3A_374, %gather3A_375 : vector<16xf32>
          %swap3A_377 = arith.constant 28 : i32
          %swap3A_378 = arith.index_cast %swap3A_377 : i32 to index
          %swap3A_379 = arith.index_cast %mul3A_97 : i32 to index
          %swap3A_380 = tpu.vector_load %arg16[%swap3A_378, %swap3A_379] {strides = array<i32>} : memref<80x128xf32, #tpu.memory_space<vmem>>, vector<16xf32>,
          tpu.vector_store %arg16[%swap3A_378, %swap3A_379], %add3A_376 {strides = array<i32>} : memref<80x128xf32, #tpu.memory_space<vmem>>, vector<16xf32>,
          %broadcast_in_dim3A_381 = arith.constant 29 : i32
          %broadcast_in_dim3A_382 = vector.broadcast %broadcast_in_dim3A_381 : i32 to vector<16xi32>
          %gather3A_383 = tpu.vector_load_idx %arg13[%broadcast_in_dim3A_382, %and3A_108] : memref<64x100xf32, #tpu.memory_space<vmem>>[vector<16xi32>, vector<16xi32>], vector<16xf32>,
          %gather3A_384 = tpu.vector_load_idx %arg14[%broadcast_in_dim3A_382, %and3A_120] : memref<64x100xf32, #tpu.memory_space<vmem>>[vector<16xi32>, vector<16xi32>], vector<16xf32>,
          %add3A_385 = arith.addf %gather3A_383, %gather3A_384 : vector<16xf32>
          %swap3A_386 = arith.constant 29 : i32
          %swap3A_387 = arith.index_cast %swap3A_386 : i32 to index
          %swap3A_388 = arith.index_cast %mul3A_97 : i32 to index
          %swap3A_389 = tpu.vector_load %arg16[%swap3A_387, %swap3A_388] {strides = array<i32>} : memref<80x128xf32, #tpu.memory_space<vmem>>, vector<16xf32>,
          tpu.vector_store %arg16[%swap3A_387, %swap3A_388], %add3A_385 {strides = array<i32>} : memref<80x128xf32, #tpu.memory_space<vmem>>, vector<16xf32>,
          %broadcast_in_dim3A_390 = arith.constant 30 : i32
          %broadcast_in_dim3A_391 = vector.broadcast %broadcast_in_dim3A_390 : i32 to vector<16xi32>
          %gather3A_392 = tpu.vector_load_idx %arg13[%broadcast_in_dim3A_391, %and3A_108] : memref<64x100xf32, #tpu.memory_space<vmem>>[vector<16xi32>, vector<16xi32>], vector<16xf32>,
          %gather3A_393 = tpu.vector_load_idx %arg14[%broadcast_in_dim3A_391, %and3A_120] : memref<64x100xf32, #tpu.memory_space<vmem>>[vector<16xi32>, vector<16xi32>], vector<16xf32>,
          %add3A_394 = arith.addf %gather3A_392, %gather3A_393 : vector<16xf32>
          %swap3A_395 = arith.constant 30 : i32
          %swap3A_396 = arith.index_cast %swap3A_395 : i32 to index
          %swap3A_397 = arith.index_cast %mul3A_97 : i32 to index
          %swap3A_398 = tpu.vector_load %arg16[%swap3A_396, %swap3A_397] {strides = array<i32>} : memref<80x128xf32, #tpu.memory_space<vmem>>, vector<16xf32>,
          tpu.vector_store %arg16[%swap3A_396, %swap3A_397], %add3A_394 {strides = array<i32>} : memref<80x128xf32, #tpu.memory_space<vmem>>, vector<16xf32>,
          %broadcast_in_dim3A_399 = arith.constant 31 : i32
          %broadcast_in_dim3A_400 = vector.broadcast %broadcast_in_dim3A_399 : i32 to vector<16xi32>
          %gather3A_401 = tpu.vector_load_idx %arg13[%broadcast_in_dim3A_400, %and3A_108] : memref<64x100xf32, #tpu.memory_space<vmem>>[vector<16xi32>, vector<16xi32>], vector<16xf32>,
          %gather3A_402 = tpu.vector_load_idx %arg14[%broadcast_in_dim3A_400, %and3A_120] : memref<64x100xf32, #tpu.memory_space<vmem>>[vector<16xi32>, vector<16xi32>], vector<16xf32>,
          %add3A_403 = arith.addf %gather3A_401, %gather3A_402 : vector<16xf32>
          %swap3A_404 = arith.constant 31 : i32
          %swap3A_405 = arith.index_cast %swap3A_404 : i32 to index
          %swap3A_406 = arith.index_cast %mul3A_97 : i32 to index
          %swap3A_407 = tpu.vector_load %arg16[%swap3A_405, %swap3A_406] {strides = array<i32>} : memref<80x128xf32, #tpu.memory_space<vmem>>, vector<16xf32>,
          tpu.vector_store %arg16[%swap3A_405, %swap3A_406], %add3A_403 {strides = array<i32>} : memref<80x128xf32, #tpu.memory_space<vmem>>, vector<16xf32>,
          %broadcast_in_dim3A_408 = arith.constant 32 : i32
          %broadcast_in_dim3A_409 = vector.broadcast %broadcast_in_dim3A_408 : i32 to vector<16xi32>
          %gather3A_410 = tpu.vector_load_idx %arg13[%broadcast_in_dim3A_409, %and3A_108] : memref<64x100xf32, #tpu.memory_space<vmem>>[vector<16xi32>, vector<16xi32>], vector<16xf32>,
          %gather3A_411 = tpu.vector_load_idx %arg14[%broadcast_in_dim3A_409, %and3A_120] : memref<64x100xf32, #tpu.memory_space<vmem>>[vector<16xi32>, vector<16xi32>], vector<16xf32>,
          %add3A_412 = arith.addf %gather3A_410, %gather3A_411 : vector<16xf32>
          %swap3A_413 = arith.constant 32 : i32
          %swap3A_414 = arith.index_cast %swap3A_413 : i32 to index
          %swap3A_415 = arith.index_cast %mul3A_97 : i32 to index
          %swap3A_416 = tpu.vector_load %arg16[%swap3A_414, %swap3A_415] {strides = array<i32>} : memref<80x128xf32, #tpu.memory_space<vmem>>, vector<16xf32>,
          tpu.vector_store %arg16[%swap3A_414, %swap3A_415], %add3A_412 {strides = array<i32>} : memref<80x128xf32, #tpu.memory_space<vmem>>, vector<16xf32>,
          %broadcast_in_dim3A_417 = arith.constant 33 : i32
          %broadcast_in_dim3A_418 = vector.broadcast %broadcast_in_dim3A_417 : i32 to vector<16xi32>
          %gather3A_419 = tpu.vector_load_idx %arg13[%broadcast_in_dim3A_418, %and3A_108] : memref<64x100xf32, #tpu.memory_space<vmem>>[vector<16xi32>, vector<16xi32>], vector<16xf32>,
          %gather3A_420 = tpu.vector_load_idx %arg14[%broadcast_in_dim3A_418, %and3A_120] : memref<64x100xf32, #tpu.memory_space<vmem>>[vector<16xi32>, vector<16xi32>], vector<16xf32>,
          %add3A_421 = arith.addf %gather3A_419, %gather3A_420 : vector<16xf32>
          %swap3A_422 = arith.constant 33 : i32
          %swap3A_423 = arith.index_cast %swap3A_422 : i32 to index
          %swap3A_424 = arith.index_cast %mul3A_97 : i32 to index
          %swap3A_425 = tpu.vector_load %arg16[%swap3A_423, %swap3A_424] {strides = array<i32>} : memref<80x128xf32, #tpu.memory_space<vmem>>, vector<16xf32>,
          tpu.vector_store %arg16[%swap3A_423, %swap3A_424], %add3A_421 {strides = array<i32>} : memref<80x128xf32, #tpu.memory_space<vmem>>, vector<16xf32>,
          %broadcast_in_dim3A_426 = arith.constant 34 : i32
          %broadcast_in_dim3A_427 = vector.broadcast %broadcast_in_dim3A_426 : i32 to vector<16xi32>
          %gather3A_428 = tpu.vector_load_idx %arg13[%broadcast_in_dim3A_427, %and3A_108] : memref<64x100xf32, #tpu.memory_space<vmem>>[vector<16xi32>, vector<16xi32>], vector<16xf32>,
          %gather3A_429 = tpu.vector_load_idx %arg14[%broadcast_in_dim3A_427, %and3A_120] : memref<64x100xf32, #tpu.memory_space<vmem>>[vector<16xi32>, vector<16xi32>], vector<16xf32>,
          %add3A_430 = arith.addf %gather3A_428, %gather3A_429 : vector<16xf32>
          %swap3A_431 = arith.constant 34 : i32
          %swap3A_432 = arith.index_cast %swap3A_431 : i32 to index
          %swap3A_433 = arith.index_cast %mul3A_97 : i32 to index
          %swap3A_434 = tpu.vector_load %arg16[%swap3A_432, %swap3A_433] {strides = array<i32>} : memref<80x128xf32, #tpu.memory_space<vmem>>, vector<16xf32>,
          tpu.vector_store %arg16[%swap3A_432, %swap3A_433], %add3A_430 {strides = array<i32>} : memref<80x128xf32, #tpu.memory_space<vmem>>, vector<16xf32>,
          %broadcast_in_dim3A_435 = arith.constant 35 : i32
          %broadcast_in_dim3A_436 = vector.broadcast %broadcast_in_dim3A_435 : i32 to vector<16xi32>
          %gather3A_437 = tpu.vector_load_idx %arg13[%broadcast_in_dim3A_436, %and3A_108] : memref<64x100xf32, #tpu.memory_space<vmem>>[vector<16xi32>, vector<16xi32>], vector<16xf32>,
          %gather3A_438 = tpu.vector_load_idx %arg14[%broadcast_in_dim3A_436, %and3A_120] : memref<64x100xf32, #tpu.memory_space<vmem>>[vector<16xi32>, vector<16xi32>], vector<16xf32>,
          %add3A_439 = arith.addf %gather3A_437, %gather3A_438 : vector<16xf32>
          %swap3A_440 = arith.constant 35 : i32
          %swap3A_441 = arith.index_cast %swap3A_440 : i32 to index
          %swap3A_442 = arith.index_cast %mul3A_97 : i32 to index
          %swap3A_443 = tpu.vector_load %arg16[%swap3A_441, %swap3A_442] {strides = array<i32>} : memref<80x128xf32, #tpu.memory_space<vmem>>, vector<16xf32>,
          tpu.vector_store %arg16[%swap3A_441, %swap3A_442], %add3A_439 {strides = array<i32>} : memref<80x128xf32, #tpu.memory_space<vmem>>, vector<16xf32>,
          %broadcast_in_dim3A_444 = arith.constant 36 : i32
          %broadcast_in_dim3A_445 = vector.broadcast %broadcast_in_dim3A_444 : i32 to vector<16xi32>
          %gather3A_446 = tpu.vector_load_idx %arg13[%broadcast_in_dim3A_445, %and3A_108] : memref<64x100xf32, #tpu.memory_space<vmem>>[vector<16xi32>, vector<16xi32>], vector<16xf32>,
          %gather3A_447 = tpu.vector_load_idx %arg14[%broadcast_in_dim3A_445, %and3A_120] : memref<64x100xf32, #tpu.memory_space<vmem>>[vector<16xi32>, vector<16xi32>], vector<16xf32>,
          %add3A_448 = arith.addf %gather3A_446, %gather3A_447 : vector<16xf32>
          %swap3A_449 = arith.constant 36 : i32
          %swap3A_450 = arith.index_cast %swap3A_449 : i32 to index
          %swap3A_451 = arith.index_cast %mul3A_97 : i32 to index
          %swap3A_452 = tpu.vector_load %arg16[%swap3A_450, %swap3A_451] {strides = array<i32>} : memref<80x128xf32, #tpu.memory_space<vmem>>, vector<16xf32>,
          tpu.vector_store %arg16[%swap3A_450, %swap3A_451], %add3A_448 {strides = array<i32>} : memref<80x128xf32, #tpu.memory_space<vmem>>, vector<16xf32>,
          %broadcast_in_dim3A_453 = arith.constant 37 : i32
          %broadcast_in_dim3A_454 = vector.broadcast %broadcast_in_dim3A_453 : i32 to vector<16xi32>
          %gather3A_455 = tpu.vector_load_idx %arg13[%broadcast_in_dim3A_454, %and3A_108] : memref<64x100xf32, #tpu.memory_space<vmem>>[vector<16xi32>, vector<16xi32>], vector<16xf32>,
          %gather3A_456 = tpu.vector_load_idx %arg14[%broadcast_in_dim3A_454, %and3A_120] : memref<64x100xf32, #tpu.memory_space<vmem>>[vector<16xi32>, vector<16xi32>], vector<16xf32>,
          %add3A_457 = arith.addf %gather3A_455, %gather3A_456 : vector<16xf32>
          %swap3A_458 = arith.constant 37 : i32
          %swap3A_459 = arith.index_cast %swap3A_458 : i32 to index
          %swap3A_460 = arith.index_cast %mul3A_97 : i32 to index
          %swap3A_461 = tpu.vector_load %arg16[%swap3A_459, %swap3A_460] {strides = array<i32>} : memref<80x128xf32, #tpu.memory_space<vmem>>, vector<16xf32>,
          tpu.vector_store %arg16[%swap3A_459, %swap3A_460], %add3A_457 {strides = array<i32>} : memref<80x128xf32, #tpu.memory_space<vmem>>, vector<16xf32>,
          %broadcast_in_dim3A_462 = arith.constant 38 : i32
          %broadcast_in_dim3A_463 = vector.broadcast %broadcast_in_dim3A_462 : i32 to vector<16xi32>
          %gather3A_464 = tpu.vector_load_idx %arg13[%broadcast_in_dim3A_463, %and3A_108] : memref<64x100xf32, #tpu.memory_space<vmem>>[vector<16xi32>, vector<16xi32>], vector<16xf32>,
          %gather3A_465 = tpu.vector_load_idx %arg14[%broadcast_in_dim3A_463, %and3A_120] : memref<64x100xf32, #tpu.memory_space<vmem>>[vector<16xi32>, vector<16xi32>], vector<16xf32>,
          %add3A_466 = arith.addf %gather3A_464, %gather3A_465 : vector<16xf32>
          %swap3A_467 = arith.constant 38 : i32
          %swap3A_468 = arith.index_cast %swap3A_467 : i32 to index
          %swap3A_469 = arith.index_cast %mul3A_97 : i32 to index
          %swap3A_470 = tpu.vector_load %arg16[%swap3A_468, %swap3A_469] {strides = array<i32>} : memref<80x128xf32, #tpu.memory_space<vmem>>, vector<16xf32>,
          tpu.vector_store %arg16[%swap3A_468, %swap3A_469], %add3A_466 {strides = array<i32>} : memref<80x128xf32, #tpu.memory_space<vmem>>, vector<16xf32>,
          %broadcast_in_dim3A_471 = arith.constant 39 : i32
          %broadcast_in_dim3A_472 = vector.broadcast %broadcast_in_dim3A_471 : i32 to vector<16xi32>
          %gather3A_473 = tpu.vector_load_idx %arg13[%broadcast_in_dim3A_472, %and3A_108] : memref<64x100xf32, #tpu.memory_space<vmem>>[vector<16xi32>, vector<16xi32>], vector<16xf32>,
          %gather3A_474 = tpu.vector_load_idx %arg14[%broadcast_in_dim3A_472, %and3A_120] : memref<64x100xf32, #tpu.memory_space<vmem>>[vector<16xi32>, vector<16xi32>], vector<16xf32>,
          %add3A_475 = arith.addf %gather3A_473, %gather3A_474 : vector<16xf32>
          %swap3A_476 = arith.constant 39 : i32
          %swap3A_477 = arith.index_cast %swap3A_476 : i32 to index
          %swap3A_478 = arith.index_cast %mul3A_97 : i32 to index
          %swap3A_479 = tpu.vector_load %arg16[%swap3A_477, %swap3A_478] {strides = array<i32>} : memref<80x128xf32, #tpu.memory_space<vmem>>, vector<16xf32>,
          tpu.vector_store %arg16[%swap3A_477, %swap3A_478], %add3A_475 {strides = array<i32>} : memref<80x128xf32, #tpu.memory_space<vmem>>, vector<16xf32>,
          %broadcast_in_dim3A_480 = arith.constant 40 : i32
          %broadcast_in_dim3A_481 = vector.broadcast %broadcast_in_dim3A_480 : i32 to vector<16xi32>
          %gather3A_482 = tpu.vector_load_idx %arg13[%broadcast_in_dim3A_481, %and3A_108] : memref<64x100xf32, #tpu.memory_space<vmem>>[vector<16xi32>, vector<16xi32>], vector<16xf32>,
          %gather3A_483 = tpu.vector_load_idx %arg14[%broadcast_in_dim3A_481, %and3A_120] : memref<64x100xf32, #tpu.memory_space<vmem>>[vector<16xi32>, vector<16xi32>], vector<16xf32>,
          %add3A_484 = arith.addf %gather3A_482, %gather3A_483 : vector<16xf32>
          %swap3A_485 = arith.constant 40 : i32
          %swap3A_486 = arith.index_cast %swap3A_485 : i32 to index
          %swap3A_487 = arith.index_cast %mul3A_97 : i32 to index
          %swap3A_488 = tpu.vector_load %arg16[%swap3A_486, %swap3A_487] {strides = array<i32>} : memref<80x128xf32, #tpu.memory_space<vmem>>, vector<16xf32>,
          tpu.vector_store %arg16[%swap3A_486, %swap3A_487], %add3A_484 {strides = array<i32>} : memref<80x128xf32, #tpu.memory_space<vmem>>, vector<16xf32>,
          %broadcast_in_dim3A_489 = arith.constant 41 : i32
          %broadcast_in_dim3A_490 = vector.broadcast %broadcast_in_dim3A_489 : i32 to vector<16xi32>
          %gather3A_491 = tpu.vector_load_idx %arg13[%broadcast_in_dim3A_490, %and3A_108] : memref<64x100xf32, #tpu.memory_space<vmem>>[vector<16xi32>, vector<16xi32>], vector<16xf32>,
          %gather3A_492 = tpu.vector_load_idx %arg14[%broadcast_in_dim3A_490, %and3A_120] : memref<64x100xf32, #tpu.memory_space<vmem>>[vector<16xi32>, vector<16xi32>], vector<16xf32>,
          %add3A_493 = arith.addf %gather3A_491, %gather3A_492 : vector<16xf32>
          %swap3A_494 = arith.constant 41 : i32
          %swap3A_495 = arith.index_cast %swap3A_494 : i32 to index
          %swap3A_496 = arith.index_cast %mul3A_97 : i32 to index
          %swap3A_497 = tpu.vector_load %arg16[%swap3A_495, %swap3A_496] {strides = array<i32>} : memref<80x128xf32, #tpu.memory_space<vmem>>, vector<16xf32>,
          tpu.vector_store %arg16[%swap3A_495, %swap3A_496], %add3A_493 {strides = array<i32>} : memref<80x128xf32, #tpu.memory_space<vmem>>, vector<16xf32>,
          %broadcast_in_dim3A_498 = arith.constant 42 : i32
          %broadcast_in_dim3A_499 = vector.broadcast %broadcast_in_dim3A_498 : i32 to vector<16xi32>
          %gather3A_500 = tpu.vector_load_idx %arg13[%broadcast_in_dim3A_499, %and3A_108] : memref<64x100xf32, #tpu.memory_space<vmem>>[vector<16xi32>, vector<16xi32>], vector<16xf32>,
          %gather3A_501 = tpu.vector_load_idx %arg14[%broadcast_in_dim3A_499, %and3A_120] : memref<64x100xf32, #tpu.memory_space<vmem>>[vector<16xi32>, vector<16xi32>], vector<16xf32>,
          %add3A_502 = arith.addf %gather3A_500, %gather3A_501 : vector<16xf32>
          %swap3A_503 = arith.constant 42 : i32
          %swap3A_504 = arith.index_cast %swap3A_503 : i32 to index
          %swap3A_505 = arith.index_cast %mul3A_97 : i32 to index
          %swap3A_506 = tpu.vector_load %arg16[%swap3A_504, %swap3A_505] {strides = array<i32>} : memref<80x128xf32, #tpu.memory_space<vmem>>, vector<16xf32>,
          tpu.vector_store %arg16[%swap3A_504, %swap3A_505], %add3A_502 {strides = array<i32>} : memref<80x128xf32, #tpu.memory_space<vmem>>, vector<16xf32>,
          %broadcast_in_dim3A_507 = arith.constant 43 : i32
          %broadcast_in_dim3A_508 = vector.broadcast %broadcast_in_dim3A_507 : i32 to vector<16xi32>
          %gather3A_509 = tpu.vector_load_idx %arg13[%broadcast_in_dim3A_508, %and3A_108] : memref<64x100xf32, #tpu.memory_space<vmem>>[vector<16xi32>, vector<16xi32>], vector<16xf32>,
          %gather3A_510 = tpu.vector_load_idx %arg14[%broadcast_in_dim3A_508, %and3A_120] : memref<64x100xf32, #tpu.memory_space<vmem>>[vector<16xi32>, vector<16xi32>], vector<16xf32>,
          %add3A_511 = arith.addf %gather3A_509, %gather3A_510 : vector<16xf32>
          %swap3A_512 = arith.constant 43 : i32
          %swap3A_513 = arith.index_cast %swap3A_512 : i32 to index
          %swap3A_514 = arith.index_cast %mul3A_97 : i32 to index
          %swap3A_515 = tpu.vector_load %arg16[%swap3A_513, %swap3A_514] {strides = array<i32>} : memref<80x128xf32, #tpu.memory_space<vmem>>, vector<16xf32>,
          tpu.vector_store %arg16[%swap3A_513, %swap3A_514], %add3A_511 {strides = array<i32>} : memref<80x128xf32, #tpu.memory_space<vmem>>, vector<16xf32>,
          %broadcast_in_dim3A_516 = arith.constant 44 : i32
          %broadcast_in_dim3A_517 = vector.broadcast %broadcast_in_dim3A_516 : i32 to vector<16xi32>
          %gather3A_518 = tpu.vector_load_idx %arg13[%broadcast_in_dim3A_517, %and3A_108] : memref<64x100xf32, #tpu.memory_space<vmem>>[vector<16xi32>, vector<16xi32>], vector<16xf32>,
          %gather3A_519 = tpu.vector_load_idx %arg14[%broadcast_in_dim3A_517, %and3A_120] : memref<64x100xf32, #tpu.memory_space<vmem>>[vector<16xi32>, vector<16xi32>], vector<16xf32>,
          %add3A_520 = arith.addf %gather3A_518, %gather3A_519 : vector<16xf32>
          %swap3A_521 = arith.constant 44 : i32
          %swap3A_522 = arith.index_cast %swap3A_521 : i32 to index
          %swap3A_523 = arith.index_cast %mul3A_97 : i32 to index
          %swap3A_524 = tpu.vector_load %arg16[%swap3A_522, %swap3A_523] {strides = array<i32>} : memref<80x128xf32, #tpu.memory_space<vmem>>, vector<16xf32>,
          tpu.vector_store %arg16[%swap3A_522, %swap3A_523], %add3A_520 {strides = array<i32>} : memref<80x128xf32, #tpu.memory_space<vmem>>, vector<16xf32>,
          %broadcast_in_dim3A_525 = arith.constant 45 : i32
          %broadcast_in_dim3A_526 = vector.broadcast %broadcast_in_dim3A_525 : i32 to vector<16xi32>
          %gather3A_527 = tpu.vector_load_idx %arg13[%broadcast_in_dim3A_526, %and3A_108] : memref<64x100xf32, #tpu.memory_space<vmem>>[vector<16xi32>, vector<16xi32>], vector<16xf32>,
          %gather3A_528 = tpu.vector_load_idx %arg14[%broadcast_in_dim3A_526, %and3A_120] : memref<64x100xf32, #tpu.memory_space<vmem>>[vector<16xi32>, vector<16xi32>], vector<16xf32>,
          %add3A_529 = arith.addf %gather3A_527, %gather3A_528 : vector<16xf32>
          %swap3A_530 = arith.constant 45 : i32
          %swap3A_531 = arith.index_cast %swap3A_530 : i32 to index
          %swap3A_532 = arith.index_cast %mul3A_97 : i32 to index
          %swap3A_533 = tpu.vector_load %arg16[%swap3A_531, %swap3A_532] {strides = array<i32>} : memref<80x128xf32, #tpu.memory_space<vmem>>, vector<16xf32>,
          tpu.vector_store %arg16[%swap3A_531, %swap3A_532], %add3A_529 {strides = array<i32>} : memref<80x128xf32, #tpu.memory_space<vmem>>, vector<16xf32>,
          %broadcast_in_dim3A_534 = arith.constant 46 : i32
          %broadcast_in_dim3A_535 = vector.broadcast %broadcast_in_dim3A_534 : i32 to vector<16xi32>
          %gather3A_536 = tpu.vector_load_idx %arg13[%broadcast_in_dim3A_535, %and3A_108] : memref<64x100xf32, #tpu.memory_space<vmem>>[vector<16xi32>, vector<16xi32>], vector<16xf32>,
          %gather3A_537 = tpu.vector_load_idx %arg14[%broadcast_in_dim3A_535, %and3A_120] : memref<64x100xf32, #tpu.memory_space<vmem>>[vector<16xi32>, vector<16xi32>], vector<16xf32>,
          %add3A_538 = arith.addf %gather3A_536, %gather3A_537 : vector<16xf32>
          %swap3A_539 = arith.constant 46 : i32
          %swap3A_540 = arith.index_cast %swap3A_539 : i32 to index
          %swap3A_541 = arith.index_cast %mul3A_97 : i32 to index
          %swap3A_542 = tpu.vector_load %arg16[%swap3A_540, %swap3A_541] {strides = array<i32>} : memref<80x128xf32, #tpu.memory_space<vmem>>, vector<16xf32>,
          tpu.vector_store %arg16[%swap3A_540, %swap3A_541], %add3A_538 {strides = array<i32>} : memref<80x128xf32, #tpu.memory_space<vmem>>, vector<16xf32>,
          %broadcast_in_dim3A_543 = arith.constant 47 : i32
          %broadcast_in_dim3A_544 = vector.broadcast %broadcast_in_dim3A_543 : i32 to vector<16xi32>
          %gather3A_545 = tpu.vector_load_idx %arg13[%broadcast_in_dim3A_544, %and3A_108] : memref<64x100xf32, #tpu.memory_space<vmem>>[vector<16xi32>, vector<16xi32>], vector<16xf32>,
          %gather3A_546 = tpu.vector_load_idx %arg14[%broadcast_in_dim3A_544, %and3A_120] : memref<64x100xf32, #tpu.memory_space<vmem>>[vector<16xi32>, vector<16xi32>], vector<16xf32>,
          %add3A_547 = arith.addf %gather3A_545, %gather3A_546 : vector<16xf32>
          %swap3A_548 = arith.constant 47 : i32
          %swap3A_549 = arith.index_cast %swap3A_548 : i32 to index
          %swap3A_550 = arith.index_cast %mul3A_97 : i32 to index
          %swap3A_551 = tpu.vector_load %arg16[%swap3A_549, %swap3A_550] {strides = array<i32>} : memref<80x128xf32, #tpu.memory_space<vmem>>, vector<16xf32>,
          tpu.vector_store %arg16[%swap3A_549, %swap3A_550], %add3A_547 {strides = array<i32>} : memref<80x128xf32, #tpu.memory_space<vmem>>, vector<16xf32>,
          %broadcast_in_dim3A_552 = arith.constant 48 : i32
          %broadcast_in_dim3A_553 = vector.broadcast %broadcast_in_dim3A_552 : i32 to vector<16xi32>
          %gather3A_554 = tpu.vector_load_idx %arg13[%broadcast_in_dim3A_553, %and3A_108] : memref<64x100xf32, #tpu.memory_space<vmem>>[vector<16xi32>, vector<16xi32>], vector<16xf32>,
          %gather3A_555 = tpu.vector_load_idx %arg14[%broadcast_in_dim3A_553, %and3A_120] : memref<64x100xf32, #tpu.memory_space<vmem>>[vector<16xi32>, vector<16xi32>], vector<16xf32>,
          %add3A_556 = arith.addf %gather3A_554, %gather3A_555 : vector<16xf32>
          %swap3A_557 = arith.constant 48 : i32
          %swap3A_558 = arith.index_cast %swap3A_557 : i32 to index
          %swap3A_559 = arith.index_cast %mul3A_97 : i32 to index
          %swap3A_560 = tpu.vector_load %arg16[%swap3A_558, %swap3A_559] {strides = array<i32>} : memref<80x128xf32, #tpu.memory_space<vmem>>, vector<16xf32>,
          tpu.vector_store %arg16[%swap3A_558, %swap3A_559], %add3A_556 {strides = array<i32>} : memref<80x128xf32, #tpu.memory_space<vmem>>, vector<16xf32>,
          %broadcast_in_dim3A_561 = arith.constant 49 : i32
          %broadcast_in_dim3A_562 = vector.broadcast %broadcast_in_dim3A_561 : i32 to vector<16xi32>
          %gather3A_563 = tpu.vector_load_idx %arg13[%broadcast_in_dim3A_562, %and3A_108] : memref<64x100xf32, #tpu.memory_space<vmem>>[vector<16xi32>, vector<16xi32>], vector<16xf32>,
          %gather3A_564 = tpu.vector_load_idx %arg14[%broadcast_in_dim3A_562, %and3A_120] : memref<64x100xf32, #tpu.memory_space<vmem>>[vector<16xi32>, vector<16xi32>], vector<16xf32>,
          %add3A_565 = arith.addf %gather3A_563, %gather3A_564 : vector<16xf32>
          %swap3A_566 = arith.constant 49 : i32
          %swap3A_567 = arith.index_cast %swap3A_566 : i32 to index
          %swap3A_568 = arith.index_cast %mul3A_97 : i32 to index
          %swap3A_569 = tpu.vector_load %arg16[%swap3A_567, %swap3A_568] {strides = array<i32>} : memref<80x128xf32, #tpu.memory_space<vmem>>, vector<16xf32>,
          tpu.vector_store %arg16[%swap3A_567, %swap3A_568], %add3A_565 {strides = array<i32>} : memref<80x128xf32, #tpu.memory_space<vmem>>, vector<16xf32>,
          %broadcast_in_dim3A_570 = arith.constant 50 : i32
          %broadcast_in_dim3A_571 = vector.broadcast %broadcast_in_dim3A_570 : i32 to vector<16xi32>
          %gather3A_572 = tpu.vector_load_idx %arg13[%broadcast_in_dim3A_571, %and3A_108] : memref<64x100xf32, #tpu.memory_space<vmem>>[vector<16xi32>, vector<16xi32>], vector<16xf32>,
          %gather3A_573 = tpu.vector_load_idx %arg14[%broadcast_in_dim3A_571, %and3A_120] : memref<64x100xf32, #tpu.memory_space<vmem>>[vector<16xi32>, vector<16xi32>], vector<16xf32>,
          %add3A_574 = arith.addf %gather3A_572, %gather3A_573 : vector<16xf32>
          %swap3A_575 = arith.constant 50 : i32
          %swap3A_576 = arith.index_cast %swap3A_575 : i32 to index
          %swap3A_577 = arith.index_cast %mul3A_97 : i32 to index
          %swap3A_578 = tpu.vector_load %arg16[%swap3A_576, %swap3A_577] {strides = array<i32>} : memref<80x128xf32, #tpu.memory_space<vmem>>, vector<16xf32>,
          tpu.vector_store %arg16[%swap3A_576, %swap3A_577], %add3A_574 {strides = array<i32>} : memref<80x128xf32, #tpu.memory_space<vmem>>, vector<16xf32>,
          %broadcast_in_dim3A_579 = arith.constant 51 : i32
          %broadcast_in_dim3A_580 = vector.broadcast %broadcast_in_dim3A_579 : i32 to vector<16xi32>
          %gather3A_581 = tpu.vector_load_idx %arg13[%broadcast_in_dim3A_580, %and3A_108] : memref<64x100xf32, #tpu.memory_space<vmem>>[vector<16xi32>, vector<16xi32>], vector<16xf32>,
          %gather3A_582 = tpu.vector_load_idx %arg14[%broadcast_in_dim3A_580, %and3A_120] : memref<64x100xf32, #tpu.memory_space<vmem>>[vector<16xi32>, vector<16xi32>], vector<16xf32>,
          %add3A_583 = arith.addf %gather3A_581, %gather3A_582 : vector<16xf32>
          %swap3A_584 = arith.constant 51 : i32
          %swap3A_585 = arith.index_cast %swap3A_584 : i32 to index
          %swap3A_586 = arith.index_cast %mul3A_97 : i32 to index
          %swap3A_587 = tpu.vector_load %arg16[%swap3A_585, %swap3A_586] {strides = array<i32>} : memref<80x128xf32, #tpu.memory_space<vmem>>, vector<16xf32>,
          tpu.vector_store %arg16[%swap3A_585, %swap3A_586], %add3A_583 {strides = array<i32>} : memref<80x128xf32, #tpu.memory_space<vmem>>, vector<16xf32>,
          %broadcast_in_dim3A_588 = arith.constant 52 : i32
          %broadcast_in_dim3A_589 = vector.broadcast %broadcast_in_dim3A_588 : i32 to vector<16xi32>
          %gather3A_590 = tpu.vector_load_idx %arg13[%broadcast_in_dim3A_589, %and3A_108] : memref<64x100xf32, #tpu.memory_space<vmem>>[vector<16xi32>, vector<16xi32>], vector<16xf32>,
          %gather3A_591 = tpu.vector_load_idx %arg14[%broadcast_in_dim3A_589, %and3A_120] : memref<64x100xf32, #tpu.memory_space<vmem>>[vector<16xi32>, vector<16xi32>], vector<16xf32>,
          %add3A_592 = arith.addf %gather3A_590, %gather3A_591 : vector<16xf32>
          %swap3A_593 = arith.constant 52 : i32
          %swap3A_594 = arith.index_cast %swap3A_593 : i32 to index
          %swap3A_595 = arith.index_cast %mul3A_97 : i32 to index
          %swap3A_596 = tpu.vector_load %arg16[%swap3A_594, %swap3A_595] {strides = array<i32>} : memref<80x128xf32, #tpu.memory_space<vmem>>, vector<16xf32>,
          tpu.vector_store %arg16[%swap3A_594, %swap3A_595], %add3A_592 {strides = array<i32>} : memref<80x128xf32, #tpu.memory_space<vmem>>, vector<16xf32>,
          %broadcast_in_dim3A_597 = arith.constant 53 : i32
          %broadcast_in_dim3A_598 = vector.broadcast %broadcast_in_dim3A_597 : i32 to vector<16xi32>
          %gather3A_599 = tpu.vector_load_idx %arg13[%broadcast_in_dim3A_598, %and3A_108] : memref<64x100xf32, #tpu.memory_space<vmem>>[vector<16xi32>, vector<16xi32>], vector<16xf32>,
          %gather3A_600 = tpu.vector_load_idx %arg14[%broadcast_in_dim3A_598, %and3A_120] : memref<64x100xf32, #tpu.memory_space<vmem>>[vector<16xi32>, vector<16xi32>], vector<16xf32>,
          %add3A_601 = arith.addf %gather3A_599, %gather3A_600 : vector<16xf32>
          %swap3A_602 = arith.constant 53 : i32
          %swap3A_603 = arith.index_cast %swap3A_602 : i32 to index
          %swap3A_604 = arith.index_cast %mul3A_97 : i32 to index
          %swap3A_605 = tpu.vector_load %arg16[%swap3A_603, %swap3A_604] {strides = array<i32>} : memref<80x128xf32, #tpu.memory_space<vmem>>, vector<16xf32>,
          tpu.vector_store %arg16[%swap3A_603, %swap3A_604], %add3A_601 {strides = array<i32>} : memref<80x128xf32, #tpu.memory_space<vmem>>, vector<16xf32>,
          %broadcast_in_dim3A_606 = arith.constant 54 : i32
          %broadcast_in_dim3A_607 = vector.broadcast %broadcast_in_dim3A_606 : i32 to vector<16xi32>
          %gather3A_608 = tpu.vector_load_idx %arg13[%broadcast_in_dim3A_607, %and3A_108] : memref<64x100xf32, #tpu.memory_space<vmem>>[vector<16xi32>, vector<16xi32>], vector<16xf32>,
          %gather3A_609 = tpu.vector_load_idx %arg14[%broadcast_in_dim3A_607, %and3A_120] : memref<64x100xf32, #tpu.memory_space<vmem>>[vector<16xi32>, vector<16xi32>], vector<16xf32>,
          %add3A_610 = arith.addf %gather3A_608, %gather3A_609 : vector<16xf32>
          %swap3A_611 = arith.constant 54 : i32
          %swap3A_612 = arith.index_cast %swap3A_611 : i32 to index
          %swap3A_613 = arith.index_cast %mul3A_97 : i32 to index
          %swap3A_614 = tpu.vector_load %arg16[%swap3A_612, %swap3A_613] {strides = array<i32>} : memref<80x128xf32, #tpu.memory_space<vmem>>, vector<16xf32>,
          tpu.vector_store %arg16[%swap3A_612, %swap3A_613], %add3A_610 {strides = array<i32>} : memref<80x128xf32, #tpu.memory_space<vmem>>, vector<16xf32>,
          %broadcast_in_dim3A_615 = arith.constant 55 : i32
          %broadcast_in_dim3A_616 = vector.broadcast %broadcast_in_dim3A_615 : i32 to vector<16xi32>
          %gather3A_617 = tpu.vector_load_idx %arg13[%broadcast_in_dim3A_616, %and3A_108] : memref<64x100xf32, #tpu.memory_space<vmem>>[vector<16xi32>, vector<16xi32>], vector<16xf32>,
          %gather3A_618 = tpu.vector_load_idx %arg14[%broadcast_in_dim3A_616, %and3A_120] : memref<64x100xf32, #tpu.memory_space<vmem>>[vector<16xi32>, vector<16xi32>], vector<16xf32>,
          %add3A_619 = arith.addf %gather3A_617, %gather3A_618 : vector<16xf32>
          %swap3A_620 = arith.constant 55 : i32
          %swap3A_621 = arith.index_cast %swap3A_620 : i32 to index
          %swap3A_622 = arith.index_cast %mul3A_97 : i32 to index
          %swap3A_623 = tpu.vector_load %arg16[%swap3A_621, %swap3A_622] {strides = array<i32>} : memref<80x128xf32, #tpu.memory_space<vmem>>, vector<16xf32>,
          tpu.vector_store %arg16[%swap3A_621, %swap3A_622], %add3A_619 {strides = array<i32>} : memref<80x128xf32, #tpu.memory_space<vmem>>, vector<16xf32>,
          %broadcast_in_dim3A_624 = arith.constant 56 : i32
          %broadcast_in_dim3A_625 = vector.broadcast %broadcast_in_dim3A_624 : i32 to vector<16xi32>
          %gather3A_626 = tpu.vector_load_idx %arg13[%broadcast_in_dim3A_625, %and3A_108] : memref<64x100xf32, #tpu.memory_space<vmem>>[vector<16xi32>, vector<16xi32>], vector<16xf32>,
          %gather3A_627 = tpu.vector_load_idx %arg14[%broadcast_in_dim3A_625, %and3A_120] : memref<64x100xf32, #tpu.memory_space<vmem>>[vector<16xi32>, vector<16xi32>], vector<16xf32>,
          %add3A_628 = arith.addf %gather3A_626, %gather3A_627 : vector<16xf32>
          %swap3A_629 = arith.constant 56 : i32
          %swap3A_630 = arith.index_cast %swap3A_629 : i32 to index
          %swap3A_631 = arith.index_cast %mul3A_97 : i32 to index
          %swap3A_632 = tpu.vector_load %arg16[%swap3A_630, %swap3A_631] {strides = array<i32>} : memref<80x128xf32, #tpu.memory_space<vmem>>, vector<16xf32>,
          tpu.vector_store %arg16[%swap3A_630, %swap3A_631], %add3A_628 {strides = array<i32>} : memref<80x128xf32, #tpu.memory_space<vmem>>, vector<16xf32>,
          %broadcast_in_dim3A_633 = arith.constant 57 : i32
          %broadcast_in_dim3A_634 = vector.broadcast %broadcast_in_dim3A_633 : i32 to vector<16xi32>
          %gather3A_635 = tpu.vector_load_idx %arg13[%broadcast_in_dim3A_634, %and3A_108] : memref<64x100xf32, #tpu.memory_space<vmem>>[vector<16xi32>, vector<16xi32>], vector<16xf32>,
          %gather3A_636 = tpu.vector_load_idx %arg14[%broadcast_in_dim3A_634, %and3A_120] : memref<64x100xf32, #tpu.memory_space<vmem>>[vector<16xi32>, vector<16xi32>], vector<16xf32>,
          %add3A_637 = arith.addf %gather3A_635, %gather3A_636 : vector<16xf32>
          %swap3A_638 = arith.constant 57 : i32
          %swap3A_639 = arith.index_cast %swap3A_638 : i32 to index
          %swap3A_640 = arith.index_cast %mul3A_97 : i32 to index
          %swap3A_641 = tpu.vector_load %arg16[%swap3A_639, %swap3A_640] {strides = array<i32>} : memref<80x128xf32, #tpu.memory_space<vmem>>, vector<16xf32>,
          tpu.vector_store %arg16[%swap3A_639, %swap3A_640], %add3A_637 {strides = array<i32>} : memref<80x128xf32, #tpu.memory_space<vmem>>, vector<16xf32>,
          %broadcast_in_dim3A_642 = arith.constant 58 : i32
          %broadcast_in_dim3A_643 = vector.broadcast %broadcast_in_dim3A_642 : i32 to vector<16xi32>
          %gather3A_644 = tpu.vector_load_idx %arg13[%broadcast_in_dim3A_643, %and3A_108] : memref<64x100xf32, #tpu.memory_space<vmem>>[vector<16xi32>, vector<16xi32>], vector<16xf32>,
          %gather3A_645 = tpu.vector_load_idx %arg14[%broadcast_in_dim3A_643, %and3A_120] : memref<64x100xf32, #tpu.memory_space<vmem>>[vector<16xi32>, vector<16xi32>], vector<16xf32>,
          %add3A_646 = arith.addf %gather3A_644, %gather3A_645 : vector<16xf32>
          %swap3A_647 = arith.constant 58 : i32
          %swap3A_648 = arith.index_cast %swap3A_647 : i32 to index
          %swap3A_649 = arith.index_cast %mul3A_97 : i32 to index
          %swap3A_650 = tpu.vector_load %arg16[%swap3A_648, %swap3A_649] {strides = array<i32>} : memref<80x128xf32, #tpu.memory_space<vmem>>, vector<16xf32>,
          tpu.vector_store %arg16[%swap3A_648, %swap3A_649], %add3A_646 {strides = array<i32>} : memref<80x128xf32, #tpu.memory_space<vmem>>, vector<16xf32>,
          %broadcast_in_dim3A_651 = arith.constant 59 : i32
          %broadcast_in_dim3A_652 = vector.broadcast %broadcast_in_dim3A_651 : i32 to vector<16xi32>
          %gather3A_653 = tpu.vector_load_idx %arg13[%broadcast_in_dim3A_652, %and3A_108] : memref<64x100xf32, #tpu.memory_space<vmem>>[vector<16xi32>, vector<16xi32>], vector<16xf32>,
          %gather3A_654 = tpu.vector_load_idx %arg14[%broadcast_in_dim3A_652, %and3A_120] : memref<64x100xf32, #tpu.memory_space<vmem>>[vector<16xi32>, vector<16xi32>], vector<16xf32>,
          %add3A_655 = arith.addf %gather3A_653, %gather3A_654 : vector<16xf32>
          %swap3A_656 = arith.constant 59 : i32
          %swap3A_657 = arith.index_cast %swap3A_656 : i32 to index
          %swap3A_658 = arith.index_cast %mul3A_97 : i32 to index
          %swap3A_659 = tpu.vector_load %arg16[%swap3A_657, %swap3A_658] {strides = array<i32>} : memref<80x128xf32, #tpu.memory_space<vmem>>, vector<16xf32>,
          tpu.vector_store %arg16[%swap3A_657, %swap3A_658], %add3A_655 {strides = array<i32>} : memref<80x128xf32, #tpu.memory_space<vmem>>, vector<16xf32>,
          %broadcast_in_dim3A_660 = arith.constant 60 : i32
          %broadcast_in_dim3A_661 = vector.broadcast %broadcast_in_dim3A_660 : i32 to vector<16xi32>
          %gather3A_662 = tpu.vector_load_idx %arg13[%broadcast_in_dim3A_661, %and3A_108] : memref<64x100xf32, #tpu.memory_space<vmem>>[vector<16xi32>, vector<16xi32>], vector<16xf32>,
          %gather3A_663 = tpu.vector_load_idx %arg14[%broadcast_in_dim3A_661, %and3A_120] : memref<64x100xf32, #tpu.memory_space<vmem>>[vector<16xi32>, vector<16xi32>], vector<16xf32>,
          %add3A_664 = arith.addf %gather3A_662, %gather3A_663 : vector<16xf32>
          %swap3A_665 = arith.constant 60 : i32
          %swap3A_666 = arith.index_cast %swap3A_665 : i32 to index
          %swap3A_667 = arith.index_cast %mul3A_97 : i32 to index
          %swap3A_668 = tpu.vector_load %arg16[%swap3A_666, %swap3A_667] {strides = array<i32>} : memref<80x128xf32, #tpu.memory_space<vmem>>, vector<16xf32>,
          tpu.vector_store %arg16[%swap3A_666, %swap3A_667], %add3A_664 {strides = array<i32>} : memref<80x128xf32, #tpu.memory_space<vmem>>, vector<16xf32>,
          %broadcast_in_dim3A_669 = arith.constant 61 : i32
          %broadcast_in_dim3A_670 = vector.broadcast %broadcast_in_dim3A_669 : i32 to vector<16xi32>
          %gather3A_671 = tpu.vector_load_idx %arg13[%broadcast_in_dim3A_670, %and3A_108] : memref<64x100xf32, #tpu.memory_space<vmem>>[vector<16xi32>, vector<16xi32>], vector<16xf32>,
          %gather3A_672 = tpu.vector_load_idx %arg14[%broadcast_in_dim3A_670, %and3A_120] : memref<64x100xf32, #tpu.memory_space<vmem>>[vector<16xi32>, vector<16xi32>], vector<16xf32>,
          %add3A_673 = arith.addf %gather3A_671, %gather3A_672 : vector<16xf32>
          %swap3A_674 = arith.constant 61 : i32
          %swap3A_675 = arith.index_cast %swap3A_674 : i32 to index
          %swap3A_676 = arith.index_cast %mul3A_97 : i32 to index
          %swap3A_677 = tpu.vector_load %arg16[%swap3A_675, %swap3A_676] {strides = array<i32>} : memref<80x128xf32, #tpu.memory_space<vmem>>, vector<16xf32>,
          tpu.vector_store %arg16[%swap3A_675, %swap3A_676], %add3A_673 {strides = array<i32>} : memref<80x128xf32, #tpu.memory_space<vmem>>, vector<16xf32>,
          %broadcast_in_dim3A_678 = arith.constant 62 : i32
          %broadcast_in_dim3A_679 = vector.broadcast %broadcast_in_dim3A_678 : i32 to vector<16xi32>
          %gather3A_680 = tpu.vector_load_idx %arg13[%broadcast_in_dim3A_679, %and3A_108] : memref<64x100xf32, #tpu.memory_space<vmem>>[vector<16xi32>, vector<16xi32>], vector<16xf32>,
          %gather3A_681 = tpu.vector_load_idx %arg14[%broadcast_in_dim3A_679, %and3A_120] : memref<64x100xf32, #tpu.memory_space<vmem>>[vector<16xi32>, vector<16xi32>], vector<16xf32>,
          %add3A_682 = arith.addf %gather3A_680, %gather3A_681 : vector<16xf32>
          %swap3A_683 = arith.constant 62 : i32
          %swap3A_684 = arith.index_cast %swap3A_683 : i32 to index
          %swap3A_685 = arith.index_cast %mul3A_97 : i32 to index
          %swap3A_686 = tpu.vector_load %arg16[%swap3A_684, %swap3A_685] {strides = array<i32>} : memref<80x128xf32, #tpu.memory_space<vmem>>, vector<16xf32>,
          tpu.vector_store %arg16[%swap3A_684, %swap3A_685], %add3A_682 {strides = array<i32>} : memref<80x128xf32, #tpu.memory_space<vmem>>, vector<16xf32>,
          %broadcast_in_dim3A_687 = arith.constant 63 : i32
          %broadcast_in_dim3A_688 = vector.broadcast %broadcast_in_dim3A_687 : i32 to vector<16xi32>
          %gather3A_689 = tpu.vector_load_idx %arg13[%broadcast_in_dim3A_688, %and3A_108] : memref<64x100xf32, #tpu.memory_space<vmem>>[vector<16xi32>, vector<16xi32>], vector<16xf32>,
          %gather3A_690 = tpu.vector_load_idx %arg14[%broadcast_in_dim3A_688, %and3A_120] : memref<64x100xf32, #tpu.memory_space<vmem>>[vector<16xi32>, vector<16xi32>], vector<16xf32>,
          %add3A_691 = arith.addf %gather3A_689, %gather3A_690 : vector<16xf32>
          %swap3A_692 = arith.constant 63 : i32
          %swap3A_693 = arith.index_cast %swap3A_692 : i32 to index
          %swap3A_694 = arith.index_cast %mul3A_97 : i32 to index
          %swap3A_695 = tpu.vector_load %arg16[%swap3A_693, %swap3A_694] {strides = array<i32>} : memref<80x128xf32, #tpu.memory_space<vmem>>, vector<16xf32>,
          tpu.vector_store %arg16[%swap3A_693, %swap3A_694], %add3A_691 {strides = array<i32>} : memref<80x128xf32, #tpu.memory_space<vmem>>, vector<16xf32>,
          %broadcast_in_dim3A_696 = arith.constant 0 : i32
          %broadcast_in_dim3A_697 = vector.broadcast %broadcast_in_dim3A_696 : i32 to vector<16xi32>
          %gather3A_698 = tpu.vector_load_idx %arg15[%broadcast_in_dim3A_697, %get3A_98] : memref<4x10000xf32, #tpu.memory_space<vmem>>[vector<16xi32>, vector<16xi32>], vector<16xf32>,
          %gather3A_699 = tpu.vector_load_idx %arg15[%broadcast_in_dim3A_697, %get3A_100] : memref<4x10000xf32, #tpu.memory_space<vmem>>[vector<16xi32>, vector<16xi32>], vector<16xf32>,
          %add3A_700 = arith.addf %gather3A_698, %gather3A_699 : vector<16xf32>
          %swap3A_701 = arith.constant 64 : i32
          %swap3A_702 = arith.index_cast %swap3A_701 : i32 to index
          %swap3A_703 = arith.index_cast %mul3A_97 : i32 to index
          %swap3A_704 = tpu.vector_load %arg16[%swap3A_702, %swap3A_703] {strides = array<i32>} : memref<80x128xf32, #tpu.memory_space<vmem>>, vector<16xf32>,
          tpu.vector_store %arg16[%swap3A_702, %swap3A_703], %add3A_700 {strides = array<i32>} : memref<80x128xf32, #tpu.memory_space<vmem>>, vector<16xf32>,
          %broadcast_in_dim3A_705 = arith.constant 1 : i32
          %broadcast_in_dim3A_706 = vector.broadcast %broadcast_in_dim3A_705 : i32 to vector<16xi32>
          %gather3A_707 = tpu.vector_load_idx %arg15[%broadcast_in_dim3A_706, %get3A_98] : memref<4x10000xf32, #tpu.memory_space<vmem>>[vector<16xi32>, vector<16xi32>], vector<16xf32>,
          %gather3A_708 = tpu.vector_load_idx %arg15[%broadcast_in_dim3A_706, %get3A_100] : memref<4x10000xf32, #tpu.memory_space<vmem>>[vector<16xi32>, vector<16xi32>], vector<16xf32>,
          %add3A_709 = arith.addf %gather3A_707, %gather3A_708 : vector<16xf32>
          %swap3A_710 = arith.constant 65 : i32
          %swap3A_711 = arith.index_cast %swap3A_710 : i32 to index
          %swap3A_712 = arith.index_cast %mul3A_97 : i32 to index
          %swap3A_713 = tpu.vector_load %arg16[%swap3A_711, %swap3A_712] {strides = array<i32>} : memref<80x128xf32, #tpu.memory_space<vmem>>, vector<16xf32>,
          tpu.vector_store %arg16[%swap3A_711, %swap3A_712], %add3A_709 {strides = array<i32>} : memref<80x128xf32, #tpu.memory_space<vmem>>, vector<16xf32>,
          %broadcast_in_dim3A_714 = arith.constant 2 : i32
          %broadcast_in_dim3A_715 = vector.broadcast %broadcast_in_dim3A_714 : i32 to vector<16xi32>
          %gather3A_716 = tpu.vector_load_idx %arg15[%broadcast_in_dim3A_715, %get3A_98] : memref<4x10000xf32, #tpu.memory_space<vmem>>[vector<16xi32>, vector<16xi32>], vector<16xf32>,
          %gather3A_717 = tpu.vector_load_idx %arg15[%broadcast_in_dim3A_715, %get3A_100] : memref<4x10000xf32, #tpu.memory_space<vmem>>[vector<16xi32>, vector<16xi32>], vector<16xf32>,
          %add3A_718 = arith.addf %gather3A_716, %gather3A_717 : vector<16xf32>
          %swap3A_719 = arith.constant 66 : i32
          %swap3A_720 = arith.index_cast %swap3A_719 : i32 to index
          %swap3A_721 = arith.index_cast %mul3A_97 : i32 to index
          %swap3A_722 = tpu.vector_load %arg16[%swap3A_720, %swap3A_721] {strides = array<i32>} : memref<80x128xf32, #tpu.memory_space<vmem>>, vector<16xf32>,
          tpu.vector_store %arg16[%swap3A_720, %swap3A_721], %add3A_718 {strides = array<i32>} : memref<80x128xf32, #tpu.memory_space<vmem>>, vector<16xf32>,
          %broadcast_in_dim3A_723 = arith.constant 3 : i32
          %broadcast_in_dim3A_724 = vector.broadcast %broadcast_in_dim3A_723 : i32 to vector<16xi32>
          %gather3A_725 = tpu.vector_load_idx %arg15[%broadcast_in_dim3A_724, %get3A_98] : memref<4x10000xf32, #tpu.memory_space<vmem>>[vector<16xi32>, vector<16xi32>], vector<16xf32>,
          %gather3A_726 = tpu.vector_load_idx %arg15[%broadcast_in_dim3A_724, %get3A_100] : memref<4x10000xf32, #tpu.memory_space<vmem>>[vector<16xi32>, vector<16xi32>], vector<16xf32>,
          %add3A_727 = arith.addf %gather3A_725, %gather3A_726 : vector<16xf32>
          %swap3A_728 = arith.constant 67 : i32
          %swap3A_729 = arith.index_cast %swap3A_728 : i32 to index
          %swap3A_730 = arith.index_cast %mul3A_97 : i32 to index
          %swap3A_731 = tpu.vector_load %arg16[%swap3A_729, %swap3A_730] {strides = array<i32>} : memref<80x128xf32, #tpu.memory_space<vmem>>, vector<16xf32>,
          tpu.vector_store %arg16[%swap3A_729, %swap3A_730], %add3A_727 {strides = array<i32>} : memref<80x128xf32, #tpu.memory_space<vmem>>, vector<16xf32>,
        }
        %scan3A_86 = arith.constant 8 : i32
        %dma_start3A_87 = arith.constant 0 : i32
        %dma_start3A_88 = arith.constant 0 : i32
        %dma_start3A_89 = tpu.memref_slice %arg7[%add3A_42, %dma_start3A_87, %dma_start3A_88] : memref<5000x80x128xf32, #tpu.memory_space<hbm>> -> memref<1x80x128xf32, #tpu.memory_space<hbm>>
        %dma_start3A_90 = tpu.memref_squeeze %dma_start3A_89 : memref<1x80x128xf32, #tpu.memory_space<hbm>> -> memref<80x128xf32, #tpu.memory_space<hbm>>
        %dma_start3A_91 = arith.constant 0 : i32
        %dma_start3A_92 = arith.constant 0 : i32
        %dma_start3A_93 = tpu.memref_slice %arg7[%add3A_42, %dma_start3A_91, %dma_start3A_92] : memref<5000x80x128xf32, #tpu.memory_space<hbm>> -> memref<1x80x128xf32, #tpu.memory_space<hbm>>
        %dma_start3A_94 = tpu.memref_squeeze %dma_start3A_93 : memref<1x80x128xf32, #tpu.memory_space<hbm>> -> memref<80x128xf32, #tpu.memory_space<hbm>>
        tpu.enqueue_dma source(%arg16 : memref<80x128xf32, #tpu.memory_space<vmem>>) target(%dma_start3A_94 : memref<80x128xf32, #tpu.memory_space<hbm>>) target_semaphore(%arg18 : memref<!tpu.dma_semaphore, #tpu.memory_space<semaphore_mem>>)
      } else {
      }
      %mul3A_47 = arith.constant 2 : i32
      %mul3A_48 = arith.muli %mul3A_47, %scan3A_37 : i32
      %add3A_49 = arith.constant 1 : i32
      %add3A_50 = arith.addi %mul3A_48, %add3A_49 : i32
      %lt3A_51 = arith.cmpi slt, %add3A_50, %select_n3A : i32
      %convert_element_type3A_52 = arith.extui %lt3A_51 : i1 to i32
      %cond3A_53 = arith.constant 0 : i32
      %cond3A_54 = arith.cmpi ne, %convert_element_type3A_52, %cond3A_53 : i32
      scf.if %cond3A_54 {
        %add3A_55 = arith.constant 32 : i32
        %add3A_56 = arith.addi %add3A_42, %add3A_55 : i32
        %eq3A = arith.constant 0 : i32
        %eq3A_57 = arith.cmpi eq, %scan3A_37, %eq3A : i32
        %add3A_58 = arith.constant 64 : i32
        %add3A_59 = arith.addi %add3A_42, %add3A_58 : i32
        %mul3A_60 = arith.constant 128 : i32
        %mul3A_61 = arith.muli %add3A_56, %mul3A_60 : i32
        %dma_wait3A_62 = arith.constant 0 : i32
        %dma_wait3A_63 = tpu.memref_slice %arg2[%dma_wait3A_62, %mul3A_61] : memref<2x640000xi32, #tpu.memory_space<hbm>> -> memref<1x128xi32, #tpu.memory_space<hbm>>
        %dma_wait3A_64 = tpu.memref_squeeze %dma_wait3A_63 : memref<1x128xi32, #tpu.memory_space<hbm>> -> memref<128xi32, #tpu.memory_space<hbm>>
        %dma_wait3A_65 = tpu.memref_slice %arg2[%dma_wait3A_62, %mul3A_61] : memref<2x640000xi32, #tpu.memory_space<hbm>> -> memref<1x128xi32, #tpu.memory_space<hbm>>
        %dma_wait3A_66 = tpu.memref_squeeze %dma_wait3A_65 : memref<1x128xi32, #tpu.memory_space<hbm>> -> memref<128xi32, #tpu.memory_space<hbm>>
        tpu.wait_dma2 semaphore(%arg21 : memref<!tpu.dma_semaphore, #tpu.memory_space<semaphore_mem>>) src(%dma_wait3A_66 : memref<128xi32, #tpu.memory_space<hbm>>) dst(%arg10 : memref<128xi32, #tpu.memory_space<vmem>>)
        %mul3A_67 = arith.constant 128 : i32
        %mul3A_68 = arith.muli %add3A_56, %mul3A_67 : i32
        %dma_wait3A_69 = arith.constant 1 : i32
        %dma_wait3A_70 = tpu.memref_slice %arg2[%dma_wait3A_69, %mul3A_68] : memref<2x640000xi32, #tpu.memory_space<hbm>> -> memref<1x128xi32, #tpu.memory_space<hbm>>
        %dma_wait3A_71 = tpu.memref_squeeze %dma_wait3A_70 : memref<1x128xi32, #tpu.memory_space<hbm>> -> memref<128xi32, #tpu.memory_space<hbm>>
        %dma_wait3A_72 = tpu.memref_slice %arg2[%dma_wait3A_69, %mul3A_68] : memref<2x640000xi32, #tpu.memory_space<hbm>> -> memref<1x128xi32, #tpu.memory_space<hbm>>
        %dma_wait3A_73 = tpu.memref_squeeze %dma_wait3A_72 : memref<1x128xi32, #tpu.memory_space<hbm>> -> memref<128xi32, #tpu.memory_space<hbm>>
        tpu.wait_dma2 semaphore(%arg21 : memref<!tpu.dma_semaphore, #tpu.memory_space<semaphore_mem>>) src(%dma_wait3A_73 : memref<128xi32, #tpu.memory_space<hbm>>) dst(%arg11 : memref<128xi32, #tpu.memory_space<vmem>>)
        %lt3A_74 = arith.constant 5000 : i32
        %lt3A_75 = arith.cmpi slt, %add3A_59, %lt3A_74 : i32
        %convert_element_type3A_76 = arith.extui %lt3A_75 : i1 to i32
        %cond3A_77 = arith.constant 0 : i32
        %cond3A_78 = arith.cmpi ne, %convert_element_type3A_76, %cond3A_77 : i32
        scf.if %cond3A_78 {
          %mul3A_97 = arith.constant 128 : i32
          %mul3A_98 = arith.muli %add3A_59, %mul3A_97 : i32
          %dma_start3A_99 = arith.constant 0 : i32
          %dma_start3A_100 = tpu.memref_slice %arg2[%dma_start3A_99, %mul3A_98] : memref<2x640000xi32, #tpu.memory_space<hbm>> -> memref<1x128xi32, #tpu.memory_space<hbm>>
          %dma_start3A_101 = tpu.memref_squeeze %dma_start3A_100 : memref<1x128xi32, #tpu.memory_space<hbm>> -> memref<128xi32, #tpu.memory_space<hbm>>
          %dma_start3A_102 = tpu.memref_slice %arg2[%dma_start3A_99, %mul3A_98] : memref<2x640000xi32, #tpu.memory_space<hbm>> -> memref<1x128xi32, #tpu.memory_space<hbm>>
          %dma_start3A_103 = tpu.memref_squeeze %dma_start3A_102 : memref<1x128xi32, #tpu.memory_space<hbm>> -> memref<128xi32, #tpu.memory_space<hbm>>
          tpu.enqueue_dma source(%dma_start3A_103 : memref<128xi32, #tpu.memory_space<hbm>>) target(%arg8 : memref<128xi32, #tpu.memory_space<vmem>>) target_semaphore(%arg20 : memref<!tpu.dma_semaphore, #tpu.memory_space<semaphore_mem>>)
          %mul3A_104 = arith.constant 128 : i32
          %mul3A_105 = arith.muli %add3A_59, %mul3A_104 : i32
          %dma_start3A_106 = arith.constant 1 : i32
          %dma_start3A_107 = tpu.memref_slice %arg2[%dma_start3A_106, %mul3A_105] : memref<2x640000xi32, #tpu.memory_space<hbm>> -> memref<1x128xi32, #tpu.memory_space<hbm>>
          %dma_start3A_108 = tpu.memref_squeeze %dma_start3A_107 : memref<1x128xi32, #tpu.memory_space<hbm>> -> memref<128xi32, #tpu.memory_space<hbm>>
          %dma_start3A_109 = tpu.memref_slice %arg2[%dma_start3A_106, %mul3A_105] : memref<2x640000xi32, #tpu.memory_space<hbm>> -> memref<1x128xi32, #tpu.memory_space<hbm>>
          %dma_start3A_110 = tpu.memref_squeeze %dma_start3A_109 : memref<1x128xi32, #tpu.memory_space<hbm>> -> memref<128xi32, #tpu.memory_space<hbm>>
          tpu.enqueue_dma source(%dma_start3A_110 : memref<128xi32, #tpu.memory_space<hbm>>) target(%arg9 : memref<128xi32, #tpu.memory_space<vmem>>) target_semaphore(%arg20 : memref<!tpu.dma_semaphore, #tpu.memory_space<semaphore_mem>>)
        } else {
        }
        %not3A = arith.constant true
        %not3A_79 = arith.xori %eq3A_57, %not3A : i1
        %convert_element_type3A_80 = arith.extui %not3A_79 : i1 to i32
        %cond3A_81 = arith.constant 0 : i32
        %cond3A_82 = arith.cmpi ne, %convert_element_type3A_80, %cond3A_81 : i32
        scf.if %cond3A_82 {
          %dma_wait3A_97 = arith.constant 0 : i32
          %dma_wait3A_98 = arith.constant 0 : i32
          %dma_wait3A_99 = tpu.memref_slice %arg7[%add3A_56, %dma_wait3A_97, %dma_wait3A_98] : memref<5000x80x128xf32, #tpu.memory_space<hbm>> -> memref<1x80x128xf32, #tpu.memory_space<hbm>>
          %dma_wait3A_100 = tpu.memref_squeeze %dma_wait3A_99 : memref<1x80x128xf32, #tpu.memory_space<hbm>> -> memref<80x128xf32, #tpu.memory_space<hbm>>
          %dma_wait3A_101 = arith.constant 0 : i32
          %dma_wait3A_102 = arith.constant 0 : i32
          %dma_wait3A_103 = tpu.memref_slice %arg7[%add3A_56, %dma_wait3A_101, %dma_wait3A_102] : memref<5000x80x128xf32, #tpu.memory_space<hbm>> -> memref<1x80x128xf32, #tpu.memory_space<hbm>>
          %dma_wait3A_104 = tpu.memref_squeeze %dma_wait3A_103 : memref<1x80x128xf32, #tpu.memory_space<hbm>> -> memref<80x128xf32, #tpu.memory_space<hbm>>
          tpu.wait_dma2 semaphore(%arg19 : memref<!tpu.dma_semaphore, #tpu.memory_space<semaphore_mem>>) src(%arg17 : memref<80x128xf32, #tpu.memory_space<vmem>>) dst(%dma_wait3A_104 : memref<80x128xf32, #tpu.memory_space<hbm>>)
        } else {
        }
        %scan3A_83 = arith.constant 0 : i32
        %scan3A_84 = arith.constant 0 : i32
        %scan3A_85 = arith.constant 8 : i32
        %scan3A_86 = arith.addi %scan3A_84, %scan3A_85 : i32
        %scan3A_87 = arith.constant 1 : i32
        scf.for %scan3A_97 = %scan3A_84 to %scan3A_86 step %scan3A_87  : i32 {
          %mul3A_98 = arith.constant 16 : i32
          %mul3A_99 = arith.muli %scan3A_97, %mul3A_98 : i32
          %get3A = arith.index_cast %mul3A_99 : i32 to index
          %get3A_100 = tpu.vector_load %arg10[%get3A] {strides = array<i32>} : memref<128xi32, #tpu.memory_space<vmem>>, vector<16xi32>,
          %get3A_101 = arith.index_cast %mul3A_99 : i32 to index
          %get3A_102 = tpu.vector_load %arg11[%get3A_101] {strides = array<i32>} : memref<128xi32, #tpu.memory_space<vmem>>, vector<16xi32>,
          %shift_right_arithmetic3A = arith.constant 2 : i32
          %shift_right_arithmetic3A_103 = vector.broadcast %shift_right_arithmetic3A : i32 to vector<16xi32>
          %shift_right_arithmetic3A_104 = arith.shrsi %get3A_100, %shift_right_arithmetic3A_103 : vector<16xi32>
          %gather3A = tpu.vector_load_idx %arg12[%shift_right_arithmetic3A_104] : memref<2500xi32, #tpu.memory_space<vmem>>[vector<16xi32>], vector<16xi32>,
          %and3A = arith.andi %get3A_100, %broadcast_in_dim3A_1 : vector<16xi32>
          %shift_left3A = arith.constant 3 : i32
          %shift_left3A_105 = vector.broadcast %shift_left3A : i32 to vector<16xi32>
          %shift_left3A_106 = arith.shli %and3A, %shift_left3A_105 : vector<16xi32>
          %shift_right_arithmetic3A_107 = arith.shrsi %gather3A, %shift_left3A_106 : vector<16xi32>
          %and3A_108 = arith.constant 255 : i32
          %and3A_109 = vector.broadcast %and3A_108 : i32 to vector<16xi32>
          %and3A_110 = arith.andi %shift_right_arithmetic3A_107, %and3A_109 : vector<16xi32>
          %shift_right_arithmetic3A_111 = arith.constant 2 : i32
          %shift_right_arithmetic3A_112 = vector.broadcast %shift_right_arithmetic3A_111 : i32 to vector<16xi32>
          %shift_right_arithmetic3A_113 = arith.shrsi %get3A_102, %shift_right_arithmetic3A_112 : vector<16xi32>
          %gather3A_114 = tpu.vector_load_idx %arg12[%shift_right_arithmetic3A_113] : memref<2500xi32, #tpu.memory_space<vmem>>[vector<16xi32>], vector<16xi32>,
          %and3A_115 = arith.andi %get3A_102, %broadcast_in_dim3A_1 : vector<16xi32>
          %shift_left3A_116 = arith.constant 3 : i32
          %shift_left3A_117 = vector.broadcast %shift_left3A_116 : i32 to vector<16xi32>
          %shift_left3A_118 = arith.shli %and3A_115, %shift_left3A_117 : vector<16xi32>
          %shift_right_arithmetic3A_119 = arith.shrsi %gather3A_114, %shift_left3A_118 : vector<16xi32>
          %and3A_120 = arith.constant 255 : i32
          %and3A_121 = vector.broadcast %and3A_120 : i32 to vector<16xi32>
          %and3A_122 = arith.andi %shift_right_arithmetic3A_119, %and3A_121 : vector<16xi32>
          %broadcast_in_dim3A_123 = arith.constant 0 : i32
          %broadcast_in_dim3A_124 = vector.broadcast %broadcast_in_dim3A_123 : i32 to vector<16xi32>
          %gather3A_125 = tpu.vector_load_idx %arg13[%broadcast_in_dim3A_124, %and3A_110] : memref<64x100xf32, #tpu.memory_space<vmem>>[vector<16xi32>, vector<16xi32>], vector<16xf32>,
          %gather3A_126 = tpu.vector_load_idx %arg14[%broadcast_in_dim3A_124, %and3A_122] : memref<64x100xf32, #tpu.memory_space<vmem>>[vector<16xi32>, vector<16xi32>], vector<16xf32>,
          %add3A_127 = arith.addf %gather3A_125, %gather3A_126 : vector<16xf32>
          %swap3A = arith.constant 0 : i32
          %swap3A_128 = arith.index_cast %swap3A : i32 to index
          %swap3A_129 = arith.index_cast %mul3A_99 : i32 to index
          %swap3A_130 = tpu.vector_load %arg17[%swap3A_128, %swap3A_129] {strides = array<i32>} : memref<80x128xf32, #tpu.memory_space<vmem>>, vector<16xf32>,
          tpu.vector_store %arg17[%swap3A_128, %swap3A_129], %add3A_127 {strides = array<i32>} : memref<80x128xf32, #tpu.memory_space<vmem>>, vector<16xf32>,
          %broadcast_in_dim3A_131 = arith.constant 1 : i32
          %broadcast_in_dim3A_132 = vector.broadcast %broadcast_in_dim3A_131 : i32 to vector<16xi32>
          %gather3A_133 = tpu.vector_load_idx %arg13[%broadcast_in_dim3A_132, %and3A_110] : memref<64x100xf32, #tpu.memory_space<vmem>>[vector<16xi32>, vector<16xi32>], vector<16xf32>,
          %gather3A_134 = tpu.vector_load_idx %arg14[%broadcast_in_dim3A_132, %and3A_122] : memref<64x100xf32, #tpu.memory_space<vmem>>[vector<16xi32>, vector<16xi32>], vector<16xf32>,
          %add3A_135 = arith.addf %gather3A_133, %gather3A_134 : vector<16xf32>
          %swap3A_136 = arith.constant 1 : i32
          %swap3A_137 = arith.index_cast %swap3A_136 : i32 to index
          %swap3A_138 = arith.index_cast %mul3A_99 : i32 to index
          %swap3A_139 = tpu.vector_load %arg17[%swap3A_137, %swap3A_138] {strides = array<i32>} : memref<80x128xf32, #tpu.memory_space<vmem>>, vector<16xf32>,
          tpu.vector_store %arg17[%swap3A_137, %swap3A_138], %add3A_135 {strides = array<i32>} : memref<80x128xf32, #tpu.memory_space<vmem>>, vector<16xf32>,
          %broadcast_in_dim3A_140 = arith.constant 2 : i32
          %broadcast_in_dim3A_141 = vector.broadcast %broadcast_in_dim3A_140 : i32 to vector<16xi32>
          %gather3A_142 = tpu.vector_load_idx %arg13[%broadcast_in_dim3A_141, %and3A_110] : memref<64x100xf32, #tpu.memory_space<vmem>>[vector<16xi32>, vector<16xi32>], vector<16xf32>,
          %gather3A_143 = tpu.vector_load_idx %arg14[%broadcast_in_dim3A_141, %and3A_122] : memref<64x100xf32, #tpu.memory_space<vmem>>[vector<16xi32>, vector<16xi32>], vector<16xf32>,
          %add3A_144 = arith.addf %gather3A_142, %gather3A_143 : vector<16xf32>
          %swap3A_145 = arith.constant 2 : i32
          %swap3A_146 = arith.index_cast %swap3A_145 : i32 to index
          %swap3A_147 = arith.index_cast %mul3A_99 : i32 to index
          %swap3A_148 = tpu.vector_load %arg17[%swap3A_146, %swap3A_147] {strides = array<i32>} : memref<80x128xf32, #tpu.memory_space<vmem>>, vector<16xf32>,
          tpu.vector_store %arg17[%swap3A_146, %swap3A_147], %add3A_144 {strides = array<i32>} : memref<80x128xf32, #tpu.memory_space<vmem>>, vector<16xf32>,
          %broadcast_in_dim3A_149 = arith.constant 3 : i32
          %broadcast_in_dim3A_150 = vector.broadcast %broadcast_in_dim3A_149 : i32 to vector<16xi32>
          %gather3A_151 = tpu.vector_load_idx %arg13[%broadcast_in_dim3A_150, %and3A_110] : memref<64x100xf32, #tpu.memory_space<vmem>>[vector<16xi32>, vector<16xi32>], vector<16xf32>,
          %gather3A_152 = tpu.vector_load_idx %arg14[%broadcast_in_dim3A_150, %and3A_122] : memref<64x100xf32, #tpu.memory_space<vmem>>[vector<16xi32>, vector<16xi32>], vector<16xf32>,
          %add3A_153 = arith.addf %gather3A_151, %gather3A_152 : vector<16xf32>
          %swap3A_154 = arith.constant 3 : i32
          %swap3A_155 = arith.index_cast %swap3A_154 : i32 to index
          %swap3A_156 = arith.index_cast %mul3A_99 : i32 to index
          %swap3A_157 = tpu.vector_load %arg17[%swap3A_155, %swap3A_156] {strides = array<i32>} : memref<80x128xf32, #tpu.memory_space<vmem>>, vector<16xf32>,
          tpu.vector_store %arg17[%swap3A_155, %swap3A_156], %add3A_153 {strides = array<i32>} : memref<80x128xf32, #tpu.memory_space<vmem>>, vector<16xf32>,
          %broadcast_in_dim3A_158 = arith.constant 4 : i32
          %broadcast_in_dim3A_159 = vector.broadcast %broadcast_in_dim3A_158 : i32 to vector<16xi32>
          %gather3A_160 = tpu.vector_load_idx %arg13[%broadcast_in_dim3A_159, %and3A_110] : memref<64x100xf32, #tpu.memory_space<vmem>>[vector<16xi32>, vector<16xi32>], vector<16xf32>,
          %gather3A_161 = tpu.vector_load_idx %arg14[%broadcast_in_dim3A_159, %and3A_122] : memref<64x100xf32, #tpu.memory_space<vmem>>[vector<16xi32>, vector<16xi32>], vector<16xf32>,
          %add3A_162 = arith.addf %gather3A_160, %gather3A_161 : vector<16xf32>
          %swap3A_163 = arith.constant 4 : i32
          %swap3A_164 = arith.index_cast %swap3A_163 : i32 to index
          %swap3A_165 = arith.index_cast %mul3A_99 : i32 to index
          %swap3A_166 = tpu.vector_load %arg17[%swap3A_164, %swap3A_165] {strides = array<i32>} : memref<80x128xf32, #tpu.memory_space<vmem>>, vector<16xf32>,
          tpu.vector_store %arg17[%swap3A_164, %swap3A_165], %add3A_162 {strides = array<i32>} : memref<80x128xf32, #tpu.memory_space<vmem>>, vector<16xf32>,
          %broadcast_in_dim3A_167 = arith.constant 5 : i32
          %broadcast_in_dim3A_168 = vector.broadcast %broadcast_in_dim3A_167 : i32 to vector<16xi32>
          %gather3A_169 = tpu.vector_load_idx %arg13[%broadcast_in_dim3A_168, %and3A_110] : memref<64x100xf32, #tpu.memory_space<vmem>>[vector<16xi32>, vector<16xi32>], vector<16xf32>,
          %gather3A_170 = tpu.vector_load_idx %arg14[%broadcast_in_dim3A_168, %and3A_122] : memref<64x100xf32, #tpu.memory_space<vmem>>[vector<16xi32>, vector<16xi32>], vector<16xf32>,
          %add3A_171 = arith.addf %gather3A_169, %gather3A_170 : vector<16xf32>
          %swap3A_172 = arith.constant 5 : i32
          %swap3A_173 = arith.index_cast %swap3A_172 : i32 to index
          %swap3A_174 = arith.index_cast %mul3A_99 : i32 to index
          %swap3A_175 = tpu.vector_load %arg17[%swap3A_173, %swap3A_174] {strides = array<i32>} : memref<80x128xf32, #tpu.memory_space<vmem>>, vector<16xf32>,
          tpu.vector_store %arg17[%swap3A_173, %swap3A_174], %add3A_171 {strides = array<i32>} : memref<80x128xf32, #tpu.memory_space<vmem>>, vector<16xf32>,
          %broadcast_in_dim3A_176 = arith.constant 6 : i32
          %broadcast_in_dim3A_177 = vector.broadcast %broadcast_in_dim3A_176 : i32 to vector<16xi32>
          %gather3A_178 = tpu.vector_load_idx %arg13[%broadcast_in_dim3A_177, %and3A_110] : memref<64x100xf32, #tpu.memory_space<vmem>>[vector<16xi32>, vector<16xi32>], vector<16xf32>,
          %gather3A_179 = tpu.vector_load_idx %arg14[%broadcast_in_dim3A_177, %and3A_122] : memref<64x100xf32, #tpu.memory_space<vmem>>[vector<16xi32>, vector<16xi32>], vector<16xf32>,
          %add3A_180 = arith.addf %gather3A_178, %gather3A_179 : vector<16xf32>
          %swap3A_181 = arith.constant 6 : i32
          %swap3A_182 = arith.index_cast %swap3A_181 : i32 to index
          %swap3A_183 = arith.index_cast %mul3A_99 : i32 to index
          %swap3A_184 = tpu.vector_load %arg17[%swap3A_182, %swap3A_183] {strides = array<i32>} : memref<80x128xf32, #tpu.memory_space<vmem>>, vector<16xf32>,
          tpu.vector_store %arg17[%swap3A_182, %swap3A_183], %add3A_180 {strides = array<i32>} : memref<80x128xf32, #tpu.memory_space<vmem>>, vector<16xf32>,
          %broadcast_in_dim3A_185 = arith.constant 7 : i32
          %broadcast_in_dim3A_186 = vector.broadcast %broadcast_in_dim3A_185 : i32 to vector<16xi32>
          %gather3A_187 = tpu.vector_load_idx %arg13[%broadcast_in_dim3A_186, %and3A_110] : memref<64x100xf32, #tpu.memory_space<vmem>>[vector<16xi32>, vector<16xi32>], vector<16xf32>,
          %gather3A_188 = tpu.vector_load_idx %arg14[%broadcast_in_dim3A_186, %and3A_122] : memref<64x100xf32, #tpu.memory_space<vmem>>[vector<16xi32>, vector<16xi32>], vector<16xf32>,
          %add3A_189 = arith.addf %gather3A_187, %gather3A_188 : vector<16xf32>
          %swap3A_190 = arith.constant 7 : i32
          %swap3A_191 = arith.index_cast %swap3A_190 : i32 to index
          %swap3A_192 = arith.index_cast %mul3A_99 : i32 to index
          %swap3A_193 = tpu.vector_load %arg17[%swap3A_191, %swap3A_192] {strides = array<i32>} : memref<80x128xf32, #tpu.memory_space<vmem>>, vector<16xf32>,
          tpu.vector_store %arg17[%swap3A_191, %swap3A_192], %add3A_189 {strides = array<i32>} : memref<80x128xf32, #tpu.memory_space<vmem>>, vector<16xf32>,
          %broadcast_in_dim3A_194 = arith.constant 8 : i32
          %broadcast_in_dim3A_195 = vector.broadcast %broadcast_in_dim3A_194 : i32 to vector<16xi32>
          %gather3A_196 = tpu.vector_load_idx %arg13[%broadcast_in_dim3A_195, %and3A_110] : memref<64x100xf32, #tpu.memory_space<vmem>>[vector<16xi32>, vector<16xi32>], vector<16xf32>,
          %gather3A_197 = tpu.vector_load_idx %arg14[%broadcast_in_dim3A_195, %and3A_122] : memref<64x100xf32, #tpu.memory_space<vmem>>[vector<16xi32>, vector<16xi32>], vector<16xf32>,
          %add3A_198 = arith.addf %gather3A_196, %gather3A_197 : vector<16xf32>
          %swap3A_199 = arith.constant 8 : i32
          %swap3A_200 = arith.index_cast %swap3A_199 : i32 to index
          %swap3A_201 = arith.index_cast %mul3A_99 : i32 to index
          %swap3A_202 = tpu.vector_load %arg17[%swap3A_200, %swap3A_201] {strides = array<i32>} : memref<80x128xf32, #tpu.memory_space<vmem>>, vector<16xf32>,
          tpu.vector_store %arg17[%swap3A_200, %swap3A_201], %add3A_198 {strides = array<i32>} : memref<80x128xf32, #tpu.memory_space<vmem>>, vector<16xf32>,
          %broadcast_in_dim3A_203 = arith.constant 9 : i32
          %broadcast_in_dim3A_204 = vector.broadcast %broadcast_in_dim3A_203 : i32 to vector<16xi32>
          %gather3A_205 = tpu.vector_load_idx %arg13[%broadcast_in_dim3A_204, %and3A_110] : memref<64x100xf32, #tpu.memory_space<vmem>>[vector<16xi32>, vector<16xi32>], vector<16xf32>,
          %gather3A_206 = tpu.vector_load_idx %arg14[%broadcast_in_dim3A_204, %and3A_122] : memref<64x100xf32, #tpu.memory_space<vmem>>[vector<16xi32>, vector<16xi32>], vector<16xf32>,
          %add3A_207 = arith.addf %gather3A_205, %gather3A_206 : vector<16xf32>
          %swap3A_208 = arith.constant 9 : i32
          %swap3A_209 = arith.index_cast %swap3A_208 : i32 to index
          %swap3A_210 = arith.index_cast %mul3A_99 : i32 to index
          %swap3A_211 = tpu.vector_load %arg17[%swap3A_209, %swap3A_210] {strides = array<i32>} : memref<80x128xf32, #tpu.memory_space<vmem>>, vector<16xf32>,
          tpu.vector_store %arg17[%swap3A_209, %swap3A_210], %add3A_207 {strides = array<i32>} : memref<80x128xf32, #tpu.memory_space<vmem>>, vector<16xf32>,
          %broadcast_in_dim3A_212 = arith.constant 10 : i32
          %broadcast_in_dim3A_213 = vector.broadcast %broadcast_in_dim3A_212 : i32 to vector<16xi32>
          %gather3A_214 = tpu.vector_load_idx %arg13[%broadcast_in_dim3A_213, %and3A_110] : memref<64x100xf32, #tpu.memory_space<vmem>>[vector<16xi32>, vector<16xi32>], vector<16xf32>,
          %gather3A_215 = tpu.vector_load_idx %arg14[%broadcast_in_dim3A_213, %and3A_122] : memref<64x100xf32, #tpu.memory_space<vmem>>[vector<16xi32>, vector<16xi32>], vector<16xf32>,
          %add3A_216 = arith.addf %gather3A_214, %gather3A_215 : vector<16xf32>
          %swap3A_217 = arith.constant 10 : i32
          %swap3A_218 = arith.index_cast %swap3A_217 : i32 to index
          %swap3A_219 = arith.index_cast %mul3A_99 : i32 to index
          %swap3A_220 = tpu.vector_load %arg17[%swap3A_218, %swap3A_219] {strides = array<i32>} : memref<80x128xf32, #tpu.memory_space<vmem>>, vector<16xf32>,
          tpu.vector_store %arg17[%swap3A_218, %swap3A_219], %add3A_216 {strides = array<i32>} : memref<80x128xf32, #tpu.memory_space<vmem>>, vector<16xf32>,
          %broadcast_in_dim3A_221 = arith.constant 11 : i32
          %broadcast_in_dim3A_222 = vector.broadcast %broadcast_in_dim3A_221 : i32 to vector<16xi32>
          %gather3A_223 = tpu.vector_load_idx %arg13[%broadcast_in_dim3A_222, %and3A_110] : memref<64x100xf32, #tpu.memory_space<vmem>>[vector<16xi32>, vector<16xi32>], vector<16xf32>,
          %gather3A_224 = tpu.vector_load_idx %arg14[%broadcast_in_dim3A_222, %and3A_122] : memref<64x100xf32, #tpu.memory_space<vmem>>[vector<16xi32>, vector<16xi32>], vector<16xf32>,
          %add3A_225 = arith.addf %gather3A_223, %gather3A_224 : vector<16xf32>
          %swap3A_226 = arith.constant 11 : i32
          %swap3A_227 = arith.index_cast %swap3A_226 : i32 to index
          %swap3A_228 = arith.index_cast %mul3A_99 : i32 to index
          %swap3A_229 = tpu.vector_load %arg17[%swap3A_227, %swap3A_228] {strides = array<i32>} : memref<80x128xf32, #tpu.memory_space<vmem>>, vector<16xf32>,
          tpu.vector_store %arg17[%swap3A_227, %swap3A_228], %add3A_225 {strides = array<i32>} : memref<80x128xf32, #tpu.memory_space<vmem>>, vector<16xf32>,
          %broadcast_in_dim3A_230 = arith.constant 12 : i32
          %broadcast_in_dim3A_231 = vector.broadcast %broadcast_in_dim3A_230 : i32 to vector<16xi32>
          %gather3A_232 = tpu.vector_load_idx %arg13[%broadcast_in_dim3A_231, %and3A_110] : memref<64x100xf32, #tpu.memory_space<vmem>>[vector<16xi32>, vector<16xi32>], vector<16xf32>,
          %gather3A_233 = tpu.vector_load_idx %arg14[%broadcast_in_dim3A_231, %and3A_122] : memref<64x100xf32, #tpu.memory_space<vmem>>[vector<16xi32>, vector<16xi32>], vector<16xf32>,
          %add3A_234 = arith.addf %gather3A_232, %gather3A_233 : vector<16xf32>
          %swap3A_235 = arith.constant 12 : i32
          %swap3A_236 = arith.index_cast %swap3A_235 : i32 to index
          %swap3A_237 = arith.index_cast %mul3A_99 : i32 to index
          %swap3A_238 = tpu.vector_load %arg17[%swap3A_236, %swap3A_237] {strides = array<i32>} : memref<80x128xf32, #tpu.memory_space<vmem>>, vector<16xf32>,
          tpu.vector_store %arg17[%swap3A_236, %swap3A_237], %add3A_234 {strides = array<i32>} : memref<80x128xf32, #tpu.memory_space<vmem>>, vector<16xf32>,
          %broadcast_in_dim3A_239 = arith.constant 13 : i32
          %broadcast_in_dim3A_240 = vector.broadcast %broadcast_in_dim3A_239 : i32 to vector<16xi32>
          %gather3A_241 = tpu.vector_load_idx %arg13[%broadcast_in_dim3A_240, %and3A_110] : memref<64x100xf32, #tpu.memory_space<vmem>>[vector<16xi32>, vector<16xi32>], vector<16xf32>,
          %gather3A_242 = tpu.vector_load_idx %arg14[%broadcast_in_dim3A_240, %and3A_122] : memref<64x100xf32, #tpu.memory_space<vmem>>[vector<16xi32>, vector<16xi32>], vector<16xf32>,
          %add3A_243 = arith.addf %gather3A_241, %gather3A_242 : vector<16xf32>
          %swap3A_244 = arith.constant 13 : i32
          %swap3A_245 = arith.index_cast %swap3A_244 : i32 to index
          %swap3A_246 = arith.index_cast %mul3A_99 : i32 to index
          %swap3A_247 = tpu.vector_load %arg17[%swap3A_245, %swap3A_246] {strides = array<i32>} : memref<80x128xf32, #tpu.memory_space<vmem>>, vector<16xf32>,
          tpu.vector_store %arg17[%swap3A_245, %swap3A_246], %add3A_243 {strides = array<i32>} : memref<80x128xf32, #tpu.memory_space<vmem>>, vector<16xf32>,
          %broadcast_in_dim3A_248 = arith.constant 14 : i32
          %broadcast_in_dim3A_249 = vector.broadcast %broadcast_in_dim3A_248 : i32 to vector<16xi32>
          %gather3A_250 = tpu.vector_load_idx %arg13[%broadcast_in_dim3A_249, %and3A_110] : memref<64x100xf32, #tpu.memory_space<vmem>>[vector<16xi32>, vector<16xi32>], vector<16xf32>,
          %gather3A_251 = tpu.vector_load_idx %arg14[%broadcast_in_dim3A_249, %and3A_122] : memref<64x100xf32, #tpu.memory_space<vmem>>[vector<16xi32>, vector<16xi32>], vector<16xf32>,
          %add3A_252 = arith.addf %gather3A_250, %gather3A_251 : vector<16xf32>
          %swap3A_253 = arith.constant 14 : i32
          %swap3A_254 = arith.index_cast %swap3A_253 : i32 to index
          %swap3A_255 = arith.index_cast %mul3A_99 : i32 to index
          %swap3A_256 = tpu.vector_load %arg17[%swap3A_254, %swap3A_255] {strides = array<i32>} : memref<80x128xf32, #tpu.memory_space<vmem>>, vector<16xf32>,
          tpu.vector_store %arg17[%swap3A_254, %swap3A_255], %add3A_252 {strides = array<i32>} : memref<80x128xf32, #tpu.memory_space<vmem>>, vector<16xf32>,
          %broadcast_in_dim3A_257 = arith.constant 15 : i32
          %broadcast_in_dim3A_258 = vector.broadcast %broadcast_in_dim3A_257 : i32 to vector<16xi32>
          %gather3A_259 = tpu.vector_load_idx %arg13[%broadcast_in_dim3A_258, %and3A_110] : memref<64x100xf32, #tpu.memory_space<vmem>>[vector<16xi32>, vector<16xi32>], vector<16xf32>,
          %gather3A_260 = tpu.vector_load_idx %arg14[%broadcast_in_dim3A_258, %and3A_122] : memref<64x100xf32, #tpu.memory_space<vmem>>[vector<16xi32>, vector<16xi32>], vector<16xf32>,
          %add3A_261 = arith.addf %gather3A_259, %gather3A_260 : vector<16xf32>
          %swap3A_262 = arith.constant 15 : i32
          %swap3A_263 = arith.index_cast %swap3A_262 : i32 to index
          %swap3A_264 = arith.index_cast %mul3A_99 : i32 to index
          %swap3A_265 = tpu.vector_load %arg17[%swap3A_263, %swap3A_264] {strides = array<i32>} : memref<80x128xf32, #tpu.memory_space<vmem>>, vector<16xf32>,
          tpu.vector_store %arg17[%swap3A_263, %swap3A_264], %add3A_261 {strides = array<i32>} : memref<80x128xf32, #tpu.memory_space<vmem>>, vector<16xf32>,
          %broadcast_in_dim3A_266 = arith.constant 16 : i32
          %broadcast_in_dim3A_267 = vector.broadcast %broadcast_in_dim3A_266 : i32 to vector<16xi32>
          %gather3A_268 = tpu.vector_load_idx %arg13[%broadcast_in_dim3A_267, %and3A_110] : memref<64x100xf32, #tpu.memory_space<vmem>>[vector<16xi32>, vector<16xi32>], vector<16xf32>,
          %gather3A_269 = tpu.vector_load_idx %arg14[%broadcast_in_dim3A_267, %and3A_122] : memref<64x100xf32, #tpu.memory_space<vmem>>[vector<16xi32>, vector<16xi32>], vector<16xf32>,
          %add3A_270 = arith.addf %gather3A_268, %gather3A_269 : vector<16xf32>
          %swap3A_271 = arith.constant 16 : i32
          %swap3A_272 = arith.index_cast %swap3A_271 : i32 to index
          %swap3A_273 = arith.index_cast %mul3A_99 : i32 to index
          %swap3A_274 = tpu.vector_load %arg17[%swap3A_272, %swap3A_273] {strides = array<i32>} : memref<80x128xf32, #tpu.memory_space<vmem>>, vector<16xf32>,
          tpu.vector_store %arg17[%swap3A_272, %swap3A_273], %add3A_270 {strides = array<i32>} : memref<80x128xf32, #tpu.memory_space<vmem>>, vector<16xf32>,
          %broadcast_in_dim3A_275 = arith.constant 17 : i32
          %broadcast_in_dim3A_276 = vector.broadcast %broadcast_in_dim3A_275 : i32 to vector<16xi32>
          %gather3A_277 = tpu.vector_load_idx %arg13[%broadcast_in_dim3A_276, %and3A_110] : memref<64x100xf32, #tpu.memory_space<vmem>>[vector<16xi32>, vector<16xi32>], vector<16xf32>,
          %gather3A_278 = tpu.vector_load_idx %arg14[%broadcast_in_dim3A_276, %and3A_122] : memref<64x100xf32, #tpu.memory_space<vmem>>[vector<16xi32>, vector<16xi32>], vector<16xf32>,
          %add3A_279 = arith.addf %gather3A_277, %gather3A_278 : vector<16xf32>
          %swap3A_280 = arith.constant 17 : i32
          %swap3A_281 = arith.index_cast %swap3A_280 : i32 to index
          %swap3A_282 = arith.index_cast %mul3A_99 : i32 to index
          %swap3A_283 = tpu.vector_load %arg17[%swap3A_281, %swap3A_282] {strides = array<i32>} : memref<80x128xf32, #tpu.memory_space<vmem>>, vector<16xf32>,
          tpu.vector_store %arg17[%swap3A_281, %swap3A_282], %add3A_279 {strides = array<i32>} : memref<80x128xf32, #tpu.memory_space<vmem>>, vector<16xf32>,
          %broadcast_in_dim3A_284 = arith.constant 18 : i32
          %broadcast_in_dim3A_285 = vector.broadcast %broadcast_in_dim3A_284 : i32 to vector<16xi32>
          %gather3A_286 = tpu.vector_load_idx %arg13[%broadcast_in_dim3A_285, %and3A_110] : memref<64x100xf32, #tpu.memory_space<vmem>>[vector<16xi32>, vector<16xi32>], vector<16xf32>,
          %gather3A_287 = tpu.vector_load_idx %arg14[%broadcast_in_dim3A_285, %and3A_122] : memref<64x100xf32, #tpu.memory_space<vmem>>[vector<16xi32>, vector<16xi32>], vector<16xf32>,
          %add3A_288 = arith.addf %gather3A_286, %gather3A_287 : vector<16xf32>
          %swap3A_289 = arith.constant 18 : i32
          %swap3A_290 = arith.index_cast %swap3A_289 : i32 to index
          %swap3A_291 = arith.index_cast %mul3A_99 : i32 to index
          %swap3A_292 = tpu.vector_load %arg17[%swap3A_290, %swap3A_291] {strides = array<i32>} : memref<80x128xf32, #tpu.memory_space<vmem>>, vector<16xf32>,
          tpu.vector_store %arg17[%swap3A_290, %swap3A_291], %add3A_288 {strides = array<i32>} : memref<80x128xf32, #tpu.memory_space<vmem>>, vector<16xf32>,
          %broadcast_in_dim3A_293 = arith.constant 19 : i32
          %broadcast_in_dim3A_294 = vector.broadcast %broadcast_in_dim3A_293 : i32 to vector<16xi32>
          %gather3A_295 = tpu.vector_load_idx %arg13[%broadcast_in_dim3A_294, %and3A_110] : memref<64x100xf32, #tpu.memory_space<vmem>>[vector<16xi32>, vector<16xi32>], vector<16xf32>,
          %gather3A_296 = tpu.vector_load_idx %arg14[%broadcast_in_dim3A_294, %and3A_122] : memref<64x100xf32, #tpu.memory_space<vmem>>[vector<16xi32>, vector<16xi32>], vector<16xf32>,
          %add3A_297 = arith.addf %gather3A_295, %gather3A_296 : vector<16xf32>
          %swap3A_298 = arith.constant 19 : i32
          %swap3A_299 = arith.index_cast %swap3A_298 : i32 to index
          %swap3A_300 = arith.index_cast %mul3A_99 : i32 to index
          %swap3A_301 = tpu.vector_load %arg17[%swap3A_299, %swap3A_300] {strides = array<i32>} : memref<80x128xf32, #tpu.memory_space<vmem>>, vector<16xf32>,
          tpu.vector_store %arg17[%swap3A_299, %swap3A_300], %add3A_297 {strides = array<i32>} : memref<80x128xf32, #tpu.memory_space<vmem>>, vector<16xf32>,
          %broadcast_in_dim3A_302 = arith.constant 20 : i32
          %broadcast_in_dim3A_303 = vector.broadcast %broadcast_in_dim3A_302 : i32 to vector<16xi32>
          %gather3A_304 = tpu.vector_load_idx %arg13[%broadcast_in_dim3A_303, %and3A_110] : memref<64x100xf32, #tpu.memory_space<vmem>>[vector<16xi32>, vector<16xi32>], vector<16xf32>,
          %gather3A_305 = tpu.vector_load_idx %arg14[%broadcast_in_dim3A_303, %and3A_122] : memref<64x100xf32, #tpu.memory_space<vmem>>[vector<16xi32>, vector<16xi32>], vector<16xf32>,
          %add3A_306 = arith.addf %gather3A_304, %gather3A_305 : vector<16xf32>
          %swap3A_307 = arith.constant 20 : i32
          %swap3A_308 = arith.index_cast %swap3A_307 : i32 to index
          %swap3A_309 = arith.index_cast %mul3A_99 : i32 to index
          %swap3A_310 = tpu.vector_load %arg17[%swap3A_308, %swap3A_309] {strides = array<i32>} : memref<80x128xf32, #tpu.memory_space<vmem>>, vector<16xf32>,
          tpu.vector_store %arg17[%swap3A_308, %swap3A_309], %add3A_306 {strides = array<i32>} : memref<80x128xf32, #tpu.memory_space<vmem>>, vector<16xf32>,
          %broadcast_in_dim3A_311 = arith.constant 21 : i32
          %broadcast_in_dim3A_312 = vector.broadcast %broadcast_in_dim3A_311 : i32 to vector<16xi32>
          %gather3A_313 = tpu.vector_load_idx %arg13[%broadcast_in_dim3A_312, %and3A_110] : memref<64x100xf32, #tpu.memory_space<vmem>>[vector<16xi32>, vector<16xi32>], vector<16xf32>,
          %gather3A_314 = tpu.vector_load_idx %arg14[%broadcast_in_dim3A_312, %and3A_122] : memref<64x100xf32, #tpu.memory_space<vmem>>[vector<16xi32>, vector<16xi32>], vector<16xf32>,
          %add3A_315 = arith.addf %gather3A_313, %gather3A_314 : vector<16xf32>
          %swap3A_316 = arith.constant 21 : i32
          %swap3A_317 = arith.index_cast %swap3A_316 : i32 to index
          %swap3A_318 = arith.index_cast %mul3A_99 : i32 to index
          %swap3A_319 = tpu.vector_load %arg17[%swap3A_317, %swap3A_318] {strides = array<i32>} : memref<80x128xf32, #tpu.memory_space<vmem>>, vector<16xf32>,
          tpu.vector_store %arg17[%swap3A_317, %swap3A_318], %add3A_315 {strides = array<i32>} : memref<80x128xf32, #tpu.memory_space<vmem>>, vector<16xf32>,
          %broadcast_in_dim3A_320 = arith.constant 22 : i32
          %broadcast_in_dim3A_321 = vector.broadcast %broadcast_in_dim3A_320 : i32 to vector<16xi32>
          %gather3A_322 = tpu.vector_load_idx %arg13[%broadcast_in_dim3A_321, %and3A_110] : memref<64x100xf32, #tpu.memory_space<vmem>>[vector<16xi32>, vector<16xi32>], vector<16xf32>,
          %gather3A_323 = tpu.vector_load_idx %arg14[%broadcast_in_dim3A_321, %and3A_122] : memref<64x100xf32, #tpu.memory_space<vmem>>[vector<16xi32>, vector<16xi32>], vector<16xf32>,
          %add3A_324 = arith.addf %gather3A_322, %gather3A_323 : vector<16xf32>
          %swap3A_325 = arith.constant 22 : i32
          %swap3A_326 = arith.index_cast %swap3A_325 : i32 to index
          %swap3A_327 = arith.index_cast %mul3A_99 : i32 to index
          %swap3A_328 = tpu.vector_load %arg17[%swap3A_326, %swap3A_327] {strides = array<i32>} : memref<80x128xf32, #tpu.memory_space<vmem>>, vector<16xf32>,
          tpu.vector_store %arg17[%swap3A_326, %swap3A_327], %add3A_324 {strides = array<i32>} : memref<80x128xf32, #tpu.memory_space<vmem>>, vector<16xf32>,
          %broadcast_in_dim3A_329 = arith.constant 23 : i32
          %broadcast_in_dim3A_330 = vector.broadcast %broadcast_in_dim3A_329 : i32 to vector<16xi32>
          %gather3A_331 = tpu.vector_load_idx %arg13[%broadcast_in_dim3A_330, %and3A_110] : memref<64x100xf32, #tpu.memory_space<vmem>>[vector<16xi32>, vector<16xi32>], vector<16xf32>,
          %gather3A_332 = tpu.vector_load_idx %arg14[%broadcast_in_dim3A_330, %and3A_122] : memref<64x100xf32, #tpu.memory_space<vmem>>[vector<16xi32>, vector<16xi32>], vector<16xf32>,
          %add3A_333 = arith.addf %gather3A_331, %gather3A_332 : vector<16xf32>
          %swap3A_334 = arith.constant 23 : i32
          %swap3A_335 = arith.index_cast %swap3A_334 : i32 to index
          %swap3A_336 = arith.index_cast %mul3A_99 : i32 to index
          %swap3A_337 = tpu.vector_load %arg17[%swap3A_335, %swap3A_336] {strides = array<i32>} : memref<80x128xf32, #tpu.memory_space<vmem>>, vector<16xf32>,
          tpu.vector_store %arg17[%swap3A_335, %swap3A_336], %add3A_333 {strides = array<i32>} : memref<80x128xf32, #tpu.memory_space<vmem>>, vector<16xf32>,
          %broadcast_in_dim3A_338 = arith.constant 24 : i32
          %broadcast_in_dim3A_339 = vector.broadcast %broadcast_in_dim3A_338 : i32 to vector<16xi32>
          %gather3A_340 = tpu.vector_load_idx %arg13[%broadcast_in_dim3A_339, %and3A_110] : memref<64x100xf32, #tpu.memory_space<vmem>>[vector<16xi32>, vector<16xi32>], vector<16xf32>,
          %gather3A_341 = tpu.vector_load_idx %arg14[%broadcast_in_dim3A_339, %and3A_122] : memref<64x100xf32, #tpu.memory_space<vmem>>[vector<16xi32>, vector<16xi32>], vector<16xf32>,
          %add3A_342 = arith.addf %gather3A_340, %gather3A_341 : vector<16xf32>
          %swap3A_343 = arith.constant 24 : i32
          %swap3A_344 = arith.index_cast %swap3A_343 : i32 to index
          %swap3A_345 = arith.index_cast %mul3A_99 : i32 to index
          %swap3A_346 = tpu.vector_load %arg17[%swap3A_344, %swap3A_345] {strides = array<i32>} : memref<80x128xf32, #tpu.memory_space<vmem>>, vector<16xf32>,
          tpu.vector_store %arg17[%swap3A_344, %swap3A_345], %add3A_342 {strides = array<i32>} : memref<80x128xf32, #tpu.memory_space<vmem>>, vector<16xf32>,
          %broadcast_in_dim3A_347 = arith.constant 25 : i32
          %broadcast_in_dim3A_348 = vector.broadcast %broadcast_in_dim3A_347 : i32 to vector<16xi32>
          %gather3A_349 = tpu.vector_load_idx %arg13[%broadcast_in_dim3A_348, %and3A_110] : memref<64x100xf32, #tpu.memory_space<vmem>>[vector<16xi32>, vector<16xi32>], vector<16xf32>,
          %gather3A_350 = tpu.vector_load_idx %arg14[%broadcast_in_dim3A_348, %and3A_122] : memref<64x100xf32, #tpu.memory_space<vmem>>[vector<16xi32>, vector<16xi32>], vector<16xf32>,
          %add3A_351 = arith.addf %gather3A_349, %gather3A_350 : vector<16xf32>
          %swap3A_352 = arith.constant 25 : i32
          %swap3A_353 = arith.index_cast %swap3A_352 : i32 to index
          %swap3A_354 = arith.index_cast %mul3A_99 : i32 to index
          %swap3A_355 = tpu.vector_load %arg17[%swap3A_353, %swap3A_354] {strides = array<i32>} : memref<80x128xf32, #tpu.memory_space<vmem>>, vector<16xf32>,
          tpu.vector_store %arg17[%swap3A_353, %swap3A_354], %add3A_351 {strides = array<i32>} : memref<80x128xf32, #tpu.memory_space<vmem>>, vector<16xf32>,
          %broadcast_in_dim3A_356 = arith.constant 26 : i32
          %broadcast_in_dim3A_357 = vector.broadcast %broadcast_in_dim3A_356 : i32 to vector<16xi32>
          %gather3A_358 = tpu.vector_load_idx %arg13[%broadcast_in_dim3A_357, %and3A_110] : memref<64x100xf32, #tpu.memory_space<vmem>>[vector<16xi32>, vector<16xi32>], vector<16xf32>,
          %gather3A_359 = tpu.vector_load_idx %arg14[%broadcast_in_dim3A_357, %and3A_122] : memref<64x100xf32, #tpu.memory_space<vmem>>[vector<16xi32>, vector<16xi32>], vector<16xf32>,
          %add3A_360 = arith.addf %gather3A_358, %gather3A_359 : vector<16xf32>
          %swap3A_361 = arith.constant 26 : i32
          %swap3A_362 = arith.index_cast %swap3A_361 : i32 to index
          %swap3A_363 = arith.index_cast %mul3A_99 : i32 to index
          %swap3A_364 = tpu.vector_load %arg17[%swap3A_362, %swap3A_363] {strides = array<i32>} : memref<80x128xf32, #tpu.memory_space<vmem>>, vector<16xf32>,
          tpu.vector_store %arg17[%swap3A_362, %swap3A_363], %add3A_360 {strides = array<i32>} : memref<80x128xf32, #tpu.memory_space<vmem>>, vector<16xf32>,
          %broadcast_in_dim3A_365 = arith.constant 27 : i32
          %broadcast_in_dim3A_366 = vector.broadcast %broadcast_in_dim3A_365 : i32 to vector<16xi32>
          %gather3A_367 = tpu.vector_load_idx %arg13[%broadcast_in_dim3A_366, %and3A_110] : memref<64x100xf32, #tpu.memory_space<vmem>>[vector<16xi32>, vector<16xi32>], vector<16xf32>,
          %gather3A_368 = tpu.vector_load_idx %arg14[%broadcast_in_dim3A_366, %and3A_122] : memref<64x100xf32, #tpu.memory_space<vmem>>[vector<16xi32>, vector<16xi32>], vector<16xf32>,
          %add3A_369 = arith.addf %gather3A_367, %gather3A_368 : vector<16xf32>
          %swap3A_370 = arith.constant 27 : i32
          %swap3A_371 = arith.index_cast %swap3A_370 : i32 to index
          %swap3A_372 = arith.index_cast %mul3A_99 : i32 to index
          %swap3A_373 = tpu.vector_load %arg17[%swap3A_371, %swap3A_372] {strides = array<i32>} : memref<80x128xf32, #tpu.memory_space<vmem>>, vector<16xf32>,
          tpu.vector_store %arg17[%swap3A_371, %swap3A_372], %add3A_369 {strides = array<i32>} : memref<80x128xf32, #tpu.memory_space<vmem>>, vector<16xf32>,
          %broadcast_in_dim3A_374 = arith.constant 28 : i32
          %broadcast_in_dim3A_375 = vector.broadcast %broadcast_in_dim3A_374 : i32 to vector<16xi32>
          %gather3A_376 = tpu.vector_load_idx %arg13[%broadcast_in_dim3A_375, %and3A_110] : memref<64x100xf32, #tpu.memory_space<vmem>>[vector<16xi32>, vector<16xi32>], vector<16xf32>,
          %gather3A_377 = tpu.vector_load_idx %arg14[%broadcast_in_dim3A_375, %and3A_122] : memref<64x100xf32, #tpu.memory_space<vmem>>[vector<16xi32>, vector<16xi32>], vector<16xf32>,
          %add3A_378 = arith.addf %gather3A_376, %gather3A_377 : vector<16xf32>
          %swap3A_379 = arith.constant 28 : i32
          %swap3A_380 = arith.index_cast %swap3A_379 : i32 to index
          %swap3A_381 = arith.index_cast %mul3A_99 : i32 to index
          %swap3A_382 = tpu.vector_load %arg17[%swap3A_380, %swap3A_381] {strides = array<i32>} : memref<80x128xf32, #tpu.memory_space<vmem>>, vector<16xf32>,
          tpu.vector_store %arg17[%swap3A_380, %swap3A_381], %add3A_378 {strides = array<i32>} : memref<80x128xf32, #tpu.memory_space<vmem>>, vector<16xf32>,
          %broadcast_in_dim3A_383 = arith.constant 29 : i32
          %broadcast_in_dim3A_384 = vector.broadcast %broadcast_in_dim3A_383 : i32 to vector<16xi32>
          %gather3A_385 = tpu.vector_load_idx %arg13[%broadcast_in_dim3A_384, %and3A_110] : memref<64x100xf32, #tpu.memory_space<vmem>>[vector<16xi32>, vector<16xi32>], vector<16xf32>,
          %gather3A_386 = tpu.vector_load_idx %arg14[%broadcast_in_dim3A_384, %and3A_122] : memref<64x100xf32, #tpu.memory_space<vmem>>[vector<16xi32>, vector<16xi32>], vector<16xf32>,
          %add3A_387 = arith.addf %gather3A_385, %gather3A_386 : vector<16xf32>
          %swap3A_388 = arith.constant 29 : i32
          %swap3A_389 = arith.index_cast %swap3A_388 : i32 to index
          %swap3A_390 = arith.index_cast %mul3A_99 : i32 to index
          %swap3A_391 = tpu.vector_load %arg17[%swap3A_389, %swap3A_390] {strides = array<i32>} : memref<80x128xf32, #tpu.memory_space<vmem>>, vector<16xf32>,
          tpu.vector_store %arg17[%swap3A_389, %swap3A_390], %add3A_387 {strides = array<i32>} : memref<80x128xf32, #tpu.memory_space<vmem>>, vector<16xf32>,
          %broadcast_in_dim3A_392 = arith.constant 30 : i32
          %broadcast_in_dim3A_393 = vector.broadcast %broadcast_in_dim3A_392 : i32 to vector<16xi32>
          %gather3A_394 = tpu.vector_load_idx %arg13[%broadcast_in_dim3A_393, %and3A_110] : memref<64x100xf32, #tpu.memory_space<vmem>>[vector<16xi32>, vector<16xi32>], vector<16xf32>,
          %gather3A_395 = tpu.vector_load_idx %arg14[%broadcast_in_dim3A_393, %and3A_122] : memref<64x100xf32, #tpu.memory_space<vmem>>[vector<16xi32>, vector<16xi32>], vector<16xf32>,
          %add3A_396 = arith.addf %gather3A_394, %gather3A_395 : vector<16xf32>
          %swap3A_397 = arith.constant 30 : i32
          %swap3A_398 = arith.index_cast %swap3A_397 : i32 to index
          %swap3A_399 = arith.index_cast %mul3A_99 : i32 to index
          %swap3A_400 = tpu.vector_load %arg17[%swap3A_398, %swap3A_399] {strides = array<i32>} : memref<80x128xf32, #tpu.memory_space<vmem>>, vector<16xf32>,
          tpu.vector_store %arg17[%swap3A_398, %swap3A_399], %add3A_396 {strides = array<i32>} : memref<80x128xf32, #tpu.memory_space<vmem>>, vector<16xf32>,
          %broadcast_in_dim3A_401 = arith.constant 31 : i32
          %broadcast_in_dim3A_402 = vector.broadcast %broadcast_in_dim3A_401 : i32 to vector<16xi32>
          %gather3A_403 = tpu.vector_load_idx %arg13[%broadcast_in_dim3A_402, %and3A_110] : memref<64x100xf32, #tpu.memory_space<vmem>>[vector<16xi32>, vector<16xi32>], vector<16xf32>,
          %gather3A_404 = tpu.vector_load_idx %arg14[%broadcast_in_dim3A_402, %and3A_122] : memref<64x100xf32, #tpu.memory_space<vmem>>[vector<16xi32>, vector<16xi32>], vector<16xf32>,
          %add3A_405 = arith.addf %gather3A_403, %gather3A_404 : vector<16xf32>
          %swap3A_406 = arith.constant 31 : i32
          %swap3A_407 = arith.index_cast %swap3A_406 : i32 to index
          %swap3A_408 = arith.index_cast %mul3A_99 : i32 to index
          %swap3A_409 = tpu.vector_load %arg17[%swap3A_407, %swap3A_408] {strides = array<i32>} : memref<80x128xf32, #tpu.memory_space<vmem>>, vector<16xf32>,
          tpu.vector_store %arg17[%swap3A_407, %swap3A_408], %add3A_405 {strides = array<i32>} : memref<80x128xf32, #tpu.memory_space<vmem>>, vector<16xf32>,
          %broadcast_in_dim3A_410 = arith.constant 32 : i32
          %broadcast_in_dim3A_411 = vector.broadcast %broadcast_in_dim3A_410 : i32 to vector<16xi32>
          %gather3A_412 = tpu.vector_load_idx %arg13[%broadcast_in_dim3A_411, %and3A_110] : memref<64x100xf32, #tpu.memory_space<vmem>>[vector<16xi32>, vector<16xi32>], vector<16xf32>,
          %gather3A_413 = tpu.vector_load_idx %arg14[%broadcast_in_dim3A_411, %and3A_122] : memref<64x100xf32, #tpu.memory_space<vmem>>[vector<16xi32>, vector<16xi32>], vector<16xf32>,
          %add3A_414 = arith.addf %gather3A_412, %gather3A_413 : vector<16xf32>
          %swap3A_415 = arith.constant 32 : i32
          %swap3A_416 = arith.index_cast %swap3A_415 : i32 to index
          %swap3A_417 = arith.index_cast %mul3A_99 : i32 to index
          %swap3A_418 = tpu.vector_load %arg17[%swap3A_416, %swap3A_417] {strides = array<i32>} : memref<80x128xf32, #tpu.memory_space<vmem>>, vector<16xf32>,
          tpu.vector_store %arg17[%swap3A_416, %swap3A_417], %add3A_414 {strides = array<i32>} : memref<80x128xf32, #tpu.memory_space<vmem>>, vector<16xf32>,
          %broadcast_in_dim3A_419 = arith.constant 33 : i32
          %broadcast_in_dim3A_420 = vector.broadcast %broadcast_in_dim3A_419 : i32 to vector<16xi32>
          %gather3A_421 = tpu.vector_load_idx %arg13[%broadcast_in_dim3A_420, %and3A_110] : memref<64x100xf32, #tpu.memory_space<vmem>>[vector<16xi32>, vector<16xi32>], vector<16xf32>,
          %gather3A_422 = tpu.vector_load_idx %arg14[%broadcast_in_dim3A_420, %and3A_122] : memref<64x100xf32, #tpu.memory_space<vmem>>[vector<16xi32>, vector<16xi32>], vector<16xf32>,
          %add3A_423 = arith.addf %gather3A_421, %gather3A_422 : vector<16xf32>
          %swap3A_424 = arith.constant 33 : i32
          %swap3A_425 = arith.index_cast %swap3A_424 : i32 to index
          %swap3A_426 = arith.index_cast %mul3A_99 : i32 to index
          %swap3A_427 = tpu.vector_load %arg17[%swap3A_425, %swap3A_426] {strides = array<i32>} : memref<80x128xf32, #tpu.memory_space<vmem>>, vector<16xf32>,
          tpu.vector_store %arg17[%swap3A_425, %swap3A_426], %add3A_423 {strides = array<i32>} : memref<80x128xf32, #tpu.memory_space<vmem>>, vector<16xf32>,
          %broadcast_in_dim3A_428 = arith.constant 34 : i32
          %broadcast_in_dim3A_429 = vector.broadcast %broadcast_in_dim3A_428 : i32 to vector<16xi32>
          %gather3A_430 = tpu.vector_load_idx %arg13[%broadcast_in_dim3A_429, %and3A_110] : memref<64x100xf32, #tpu.memory_space<vmem>>[vector<16xi32>, vector<16xi32>], vector<16xf32>,
          %gather3A_431 = tpu.vector_load_idx %arg14[%broadcast_in_dim3A_429, %and3A_122] : memref<64x100xf32, #tpu.memory_space<vmem>>[vector<16xi32>, vector<16xi32>], vector<16xf32>,
          %add3A_432 = arith.addf %gather3A_430, %gather3A_431 : vector<16xf32>
          %swap3A_433 = arith.constant 34 : i32
          %swap3A_434 = arith.index_cast %swap3A_433 : i32 to index
          %swap3A_435 = arith.index_cast %mul3A_99 : i32 to index
          %swap3A_436 = tpu.vector_load %arg17[%swap3A_434, %swap3A_435] {strides = array<i32>} : memref<80x128xf32, #tpu.memory_space<vmem>>, vector<16xf32>,
          tpu.vector_store %arg17[%swap3A_434, %swap3A_435], %add3A_432 {strides = array<i32>} : memref<80x128xf32, #tpu.memory_space<vmem>>, vector<16xf32>,
          %broadcast_in_dim3A_437 = arith.constant 35 : i32
          %broadcast_in_dim3A_438 = vector.broadcast %broadcast_in_dim3A_437 : i32 to vector<16xi32>
          %gather3A_439 = tpu.vector_load_idx %arg13[%broadcast_in_dim3A_438, %and3A_110] : memref<64x100xf32, #tpu.memory_space<vmem>>[vector<16xi32>, vector<16xi32>], vector<16xf32>,
          %gather3A_440 = tpu.vector_load_idx %arg14[%broadcast_in_dim3A_438, %and3A_122] : memref<64x100xf32, #tpu.memory_space<vmem>>[vector<16xi32>, vector<16xi32>], vector<16xf32>,
          %add3A_441 = arith.addf %gather3A_439, %gather3A_440 : vector<16xf32>
          %swap3A_442 = arith.constant 35 : i32
          %swap3A_443 = arith.index_cast %swap3A_442 : i32 to index
          %swap3A_444 = arith.index_cast %mul3A_99 : i32 to index
          %swap3A_445 = tpu.vector_load %arg17[%swap3A_443, %swap3A_444] {strides = array<i32>} : memref<80x128xf32, #tpu.memory_space<vmem>>, vector<16xf32>,
          tpu.vector_store %arg17[%swap3A_443, %swap3A_444], %add3A_441 {strides = array<i32>} : memref<80x128xf32, #tpu.memory_space<vmem>>, vector<16xf32>,
          %broadcast_in_dim3A_446 = arith.constant 36 : i32
          %broadcast_in_dim3A_447 = vector.broadcast %broadcast_in_dim3A_446 : i32 to vector<16xi32>
          %gather3A_448 = tpu.vector_load_idx %arg13[%broadcast_in_dim3A_447, %and3A_110] : memref<64x100xf32, #tpu.memory_space<vmem>>[vector<16xi32>, vector<16xi32>], vector<16xf32>,
          %gather3A_449 = tpu.vector_load_idx %arg14[%broadcast_in_dim3A_447, %and3A_122] : memref<64x100xf32, #tpu.memory_space<vmem>>[vector<16xi32>, vector<16xi32>], vector<16xf32>,
          %add3A_450 = arith.addf %gather3A_448, %gather3A_449 : vector<16xf32>
          %swap3A_451 = arith.constant 36 : i32
          %swap3A_452 = arith.index_cast %swap3A_451 : i32 to index
          %swap3A_453 = arith.index_cast %mul3A_99 : i32 to index
          %swap3A_454 = tpu.vector_load %arg17[%swap3A_452, %swap3A_453] {strides = array<i32>} : memref<80x128xf32, #tpu.memory_space<vmem>>, vector<16xf32>,
          tpu.vector_store %arg17[%swap3A_452, %swap3A_453], %add3A_450 {strides = array<i32>} : memref<80x128xf32, #tpu.memory_space<vmem>>, vector<16xf32>,
          %broadcast_in_dim3A_455 = arith.constant 37 : i32
          %broadcast_in_dim3A_456 = vector.broadcast %broadcast_in_dim3A_455 : i32 to vector<16xi32>
          %gather3A_457 = tpu.vector_load_idx %arg13[%broadcast_in_dim3A_456, %and3A_110] : memref<64x100xf32, #tpu.memory_space<vmem>>[vector<16xi32>, vector<16xi32>], vector<16xf32>,
          %gather3A_458 = tpu.vector_load_idx %arg14[%broadcast_in_dim3A_456, %and3A_122] : memref<64x100xf32, #tpu.memory_space<vmem>>[vector<16xi32>, vector<16xi32>], vector<16xf32>,
          %add3A_459 = arith.addf %gather3A_457, %gather3A_458 : vector<16xf32>
          %swap3A_460 = arith.constant 37 : i32
          %swap3A_461 = arith.index_cast %swap3A_460 : i32 to index
          %swap3A_462 = arith.index_cast %mul3A_99 : i32 to index
          %swap3A_463 = tpu.vector_load %arg17[%swap3A_461, %swap3A_462] {strides = array<i32>} : memref<80x128xf32, #tpu.memory_space<vmem>>, vector<16xf32>,
          tpu.vector_store %arg17[%swap3A_461, %swap3A_462], %add3A_459 {strides = array<i32>} : memref<80x128xf32, #tpu.memory_space<vmem>>, vector<16xf32>,
          %broadcast_in_dim3A_464 = arith.constant 38 : i32
          %broadcast_in_dim3A_465 = vector.broadcast %broadcast_in_dim3A_464 : i32 to vector<16xi32>
          %gather3A_466 = tpu.vector_load_idx %arg13[%broadcast_in_dim3A_465, %and3A_110] : memref<64x100xf32, #tpu.memory_space<vmem>>[vector<16xi32>, vector<16xi32>], vector<16xf32>,
          %gather3A_467 = tpu.vector_load_idx %arg14[%broadcast_in_dim3A_465, %and3A_122] : memref<64x100xf32, #tpu.memory_space<vmem>>[vector<16xi32>, vector<16xi32>], vector<16xf32>,
          %add3A_468 = arith.addf %gather3A_466, %gather3A_467 : vector<16xf32>
          %swap3A_469 = arith.constant 38 : i32
          %swap3A_470 = arith.index_cast %swap3A_469 : i32 to index
          %swap3A_471 = arith.index_cast %mul3A_99 : i32 to index
          %swap3A_472 = tpu.vector_load %arg17[%swap3A_470, %swap3A_471] {strides = array<i32>} : memref<80x128xf32, #tpu.memory_space<vmem>>, vector<16xf32>,
          tpu.vector_store %arg17[%swap3A_470, %swap3A_471], %add3A_468 {strides = array<i32>} : memref<80x128xf32, #tpu.memory_space<vmem>>, vector<16xf32>,
          %broadcast_in_dim3A_473 = arith.constant 39 : i32
          %broadcast_in_dim3A_474 = vector.broadcast %broadcast_in_dim3A_473 : i32 to vector<16xi32>
          %gather3A_475 = tpu.vector_load_idx %arg13[%broadcast_in_dim3A_474, %and3A_110] : memref<64x100xf32, #tpu.memory_space<vmem>>[vector<16xi32>, vector<16xi32>], vector<16xf32>,
          %gather3A_476 = tpu.vector_load_idx %arg14[%broadcast_in_dim3A_474, %and3A_122] : memref<64x100xf32, #tpu.memory_space<vmem>>[vector<16xi32>, vector<16xi32>], vector<16xf32>,
          %add3A_477 = arith.addf %gather3A_475, %gather3A_476 : vector<16xf32>
          %swap3A_478 = arith.constant 39 : i32
          %swap3A_479 = arith.index_cast %swap3A_478 : i32 to index
          %swap3A_480 = arith.index_cast %mul3A_99 : i32 to index
          %swap3A_481 = tpu.vector_load %arg17[%swap3A_479, %swap3A_480] {strides = array<i32>} : memref<80x128xf32, #tpu.memory_space<vmem>>, vector<16xf32>,
          tpu.vector_store %arg17[%swap3A_479, %swap3A_480], %add3A_477 {strides = array<i32>} : memref<80x128xf32, #tpu.memory_space<vmem>>, vector<16xf32>,
          %broadcast_in_dim3A_482 = arith.constant 40 : i32
          %broadcast_in_dim3A_483 = vector.broadcast %broadcast_in_dim3A_482 : i32 to vector<16xi32>
          %gather3A_484 = tpu.vector_load_idx %arg13[%broadcast_in_dim3A_483, %and3A_110] : memref<64x100xf32, #tpu.memory_space<vmem>>[vector<16xi32>, vector<16xi32>], vector<16xf32>,
          %gather3A_485 = tpu.vector_load_idx %arg14[%broadcast_in_dim3A_483, %and3A_122] : memref<64x100xf32, #tpu.memory_space<vmem>>[vector<16xi32>, vector<16xi32>], vector<16xf32>,
          %add3A_486 = arith.addf %gather3A_484, %gather3A_485 : vector<16xf32>
          %swap3A_487 = arith.constant 40 : i32
          %swap3A_488 = arith.index_cast %swap3A_487 : i32 to index
          %swap3A_489 = arith.index_cast %mul3A_99 : i32 to index
          %swap3A_490 = tpu.vector_load %arg17[%swap3A_488, %swap3A_489] {strides = array<i32>} : memref<80x128xf32, #tpu.memory_space<vmem>>, vector<16xf32>,
          tpu.vector_store %arg17[%swap3A_488, %swap3A_489], %add3A_486 {strides = array<i32>} : memref<80x128xf32, #tpu.memory_space<vmem>>, vector<16xf32>,
          %broadcast_in_dim3A_491 = arith.constant 41 : i32
          %broadcast_in_dim3A_492 = vector.broadcast %broadcast_in_dim3A_491 : i32 to vector<16xi32>
          %gather3A_493 = tpu.vector_load_idx %arg13[%broadcast_in_dim3A_492, %and3A_110] : memref<64x100xf32, #tpu.memory_space<vmem>>[vector<16xi32>, vector<16xi32>], vector<16xf32>,
          %gather3A_494 = tpu.vector_load_idx %arg14[%broadcast_in_dim3A_492, %and3A_122] : memref<64x100xf32, #tpu.memory_space<vmem>>[vector<16xi32>, vector<16xi32>], vector<16xf32>,
          %add3A_495 = arith.addf %gather3A_493, %gather3A_494 : vector<16xf32>
          %swap3A_496 = arith.constant 41 : i32
          %swap3A_497 = arith.index_cast %swap3A_496 : i32 to index
          %swap3A_498 = arith.index_cast %mul3A_99 : i32 to index
          %swap3A_499 = tpu.vector_load %arg17[%swap3A_497, %swap3A_498] {strides = array<i32>} : memref<80x128xf32, #tpu.memory_space<vmem>>, vector<16xf32>,
          tpu.vector_store %arg17[%swap3A_497, %swap3A_498], %add3A_495 {strides = array<i32>} : memref<80x128xf32, #tpu.memory_space<vmem>>, vector<16xf32>,
          %broadcast_in_dim3A_500 = arith.constant 42 : i32
          %broadcast_in_dim3A_501 = vector.broadcast %broadcast_in_dim3A_500 : i32 to vector<16xi32>
          %gather3A_502 = tpu.vector_load_idx %arg13[%broadcast_in_dim3A_501, %and3A_110] : memref<64x100xf32, #tpu.memory_space<vmem>>[vector<16xi32>, vector<16xi32>], vector<16xf32>,
          %gather3A_503 = tpu.vector_load_idx %arg14[%broadcast_in_dim3A_501, %and3A_122] : memref<64x100xf32, #tpu.memory_space<vmem>>[vector<16xi32>, vector<16xi32>], vector<16xf32>,
          %add3A_504 = arith.addf %gather3A_502, %gather3A_503 : vector<16xf32>
          %swap3A_505 = arith.constant 42 : i32
          %swap3A_506 = arith.index_cast %swap3A_505 : i32 to index
          %swap3A_507 = arith.index_cast %mul3A_99 : i32 to index
          %swap3A_508 = tpu.vector_load %arg17[%swap3A_506, %swap3A_507] {strides = array<i32>} : memref<80x128xf32, #tpu.memory_space<vmem>>, vector<16xf32>,
          tpu.vector_store %arg17[%swap3A_506, %swap3A_507], %add3A_504 {strides = array<i32>} : memref<80x128xf32, #tpu.memory_space<vmem>>, vector<16xf32>,
          %broadcast_in_dim3A_509 = arith.constant 43 : i32
          %broadcast_in_dim3A_510 = vector.broadcast %broadcast_in_dim3A_509 : i32 to vector<16xi32>
          %gather3A_511 = tpu.vector_load_idx %arg13[%broadcast_in_dim3A_510, %and3A_110] : memref<64x100xf32, #tpu.memory_space<vmem>>[vector<16xi32>, vector<16xi32>], vector<16xf32>,
          %gather3A_512 = tpu.vector_load_idx %arg14[%broadcast_in_dim3A_510, %and3A_122] : memref<64x100xf32, #tpu.memory_space<vmem>>[vector<16xi32>, vector<16xi32>], vector<16xf32>,
          %add3A_513 = arith.addf %gather3A_511, %gather3A_512 : vector<16xf32>
          %swap3A_514 = arith.constant 43 : i32
          %swap3A_515 = arith.index_cast %swap3A_514 : i32 to index
          %swap3A_516 = arith.index_cast %mul3A_99 : i32 to index
          %swap3A_517 = tpu.vector_load %arg17[%swap3A_515, %swap3A_516] {strides = array<i32>} : memref<80x128xf32, #tpu.memory_space<vmem>>, vector<16xf32>,
          tpu.vector_store %arg17[%swap3A_515, %swap3A_516], %add3A_513 {strides = array<i32>} : memref<80x128xf32, #tpu.memory_space<vmem>>, vector<16xf32>,
          %broadcast_in_dim3A_518 = arith.constant 44 : i32
          %broadcast_in_dim3A_519 = vector.broadcast %broadcast_in_dim3A_518 : i32 to vector<16xi32>
          %gather3A_520 = tpu.vector_load_idx %arg13[%broadcast_in_dim3A_519, %and3A_110] : memref<64x100xf32, #tpu.memory_space<vmem>>[vector<16xi32>, vector<16xi32>], vector<16xf32>,
          %gather3A_521 = tpu.vector_load_idx %arg14[%broadcast_in_dim3A_519, %and3A_122] : memref<64x100xf32, #tpu.memory_space<vmem>>[vector<16xi32>, vector<16xi32>], vector<16xf32>,
          %add3A_522 = arith.addf %gather3A_520, %gather3A_521 : vector<16xf32>
          %swap3A_523 = arith.constant 44 : i32
          %swap3A_524 = arith.index_cast %swap3A_523 : i32 to index
          %swap3A_525 = arith.index_cast %mul3A_99 : i32 to index
          %swap3A_526 = tpu.vector_load %arg17[%swap3A_524, %swap3A_525] {strides = array<i32>} : memref<80x128xf32, #tpu.memory_space<vmem>>, vector<16xf32>,
          tpu.vector_store %arg17[%swap3A_524, %swap3A_525], %add3A_522 {strides = array<i32>} : memref<80x128xf32, #tpu.memory_space<vmem>>, vector<16xf32>,
          %broadcast_in_dim3A_527 = arith.constant 45 : i32
          %broadcast_in_dim3A_528 = vector.broadcast %broadcast_in_dim3A_527 : i32 to vector<16xi32>
          %gather3A_529 = tpu.vector_load_idx %arg13[%broadcast_in_dim3A_528, %and3A_110] : memref<64x100xf32, #tpu.memory_space<vmem>>[vector<16xi32>, vector<16xi32>], vector<16xf32>,
          %gather3A_530 = tpu.vector_load_idx %arg14[%broadcast_in_dim3A_528, %and3A_122] : memref<64x100xf32, #tpu.memory_space<vmem>>[vector<16xi32>, vector<16xi32>], vector<16xf32>,
          %add3A_531 = arith.addf %gather3A_529, %gather3A_530 : vector<16xf32>
          %swap3A_532 = arith.constant 45 : i32
          %swap3A_533 = arith.index_cast %swap3A_532 : i32 to index
          %swap3A_534 = arith.index_cast %mul3A_99 : i32 to index
          %swap3A_535 = tpu.vector_load %arg17[%swap3A_533, %swap3A_534] {strides = array<i32>} : memref<80x128xf32, #tpu.memory_space<vmem>>, vector<16xf32>,
          tpu.vector_store %arg17[%swap3A_533, %swap3A_534], %add3A_531 {strides = array<i32>} : memref<80x128xf32, #tpu.memory_space<vmem>>, vector<16xf32>,
          %broadcast_in_dim3A_536 = arith.constant 46 : i32
          %broadcast_in_dim3A_537 = vector.broadcast %broadcast_in_dim3A_536 : i32 to vector<16xi32>
          %gather3A_538 = tpu.vector_load_idx %arg13[%broadcast_in_dim3A_537, %and3A_110] : memref<64x100xf32, #tpu.memory_space<vmem>>[vector<16xi32>, vector<16xi32>], vector<16xf32>,
          %gather3A_539 = tpu.vector_load_idx %arg14[%broadcast_in_dim3A_537, %and3A_122] : memref<64x100xf32, #tpu.memory_space<vmem>>[vector<16xi32>, vector<16xi32>], vector<16xf32>,
          %add3A_540 = arith.addf %gather3A_538, %gather3A_539 : vector<16xf32>
          %swap3A_541 = arith.constant 46 : i32
          %swap3A_542 = arith.index_cast %swap3A_541 : i32 to index
          %swap3A_543 = arith.index_cast %mul3A_99 : i32 to index
          %swap3A_544 = tpu.vector_load %arg17[%swap3A_542, %swap3A_543] {strides = array<i32>} : memref<80x128xf32, #tpu.memory_space<vmem>>, vector<16xf32>,
          tpu.vector_store %arg17[%swap3A_542, %swap3A_543], %add3A_540 {strides = array<i32>} : memref<80x128xf32, #tpu.memory_space<vmem>>, vector<16xf32>,
          %broadcast_in_dim3A_545 = arith.constant 47 : i32
          %broadcast_in_dim3A_546 = vector.broadcast %broadcast_in_dim3A_545 : i32 to vector<16xi32>
          %gather3A_547 = tpu.vector_load_idx %arg13[%broadcast_in_dim3A_546, %and3A_110] : memref<64x100xf32, #tpu.memory_space<vmem>>[vector<16xi32>, vector<16xi32>], vector<16xf32>,
          %gather3A_548 = tpu.vector_load_idx %arg14[%broadcast_in_dim3A_546, %and3A_122] : memref<64x100xf32, #tpu.memory_space<vmem>>[vector<16xi32>, vector<16xi32>], vector<16xf32>,
          %add3A_549 = arith.addf %gather3A_547, %gather3A_548 : vector<16xf32>
          %swap3A_550 = arith.constant 47 : i32
          %swap3A_551 = arith.index_cast %swap3A_550 : i32 to index
          %swap3A_552 = arith.index_cast %mul3A_99 : i32 to index
          %swap3A_553 = tpu.vector_load %arg17[%swap3A_551, %swap3A_552] {strides = array<i32>} : memref<80x128xf32, #tpu.memory_space<vmem>>, vector<16xf32>,
          tpu.vector_store %arg17[%swap3A_551, %swap3A_552], %add3A_549 {strides = array<i32>} : memref<80x128xf32, #tpu.memory_space<vmem>>, vector<16xf32>,
          %broadcast_in_dim3A_554 = arith.constant 48 : i32
          %broadcast_in_dim3A_555 = vector.broadcast %broadcast_in_dim3A_554 : i32 to vector<16xi32>
          %gather3A_556 = tpu.vector_load_idx %arg13[%broadcast_in_dim3A_555, %and3A_110] : memref<64x100xf32, #tpu.memory_space<vmem>>[vector<16xi32>, vector<16xi32>], vector<16xf32>,
          %gather3A_557 = tpu.vector_load_idx %arg14[%broadcast_in_dim3A_555, %and3A_122] : memref<64x100xf32, #tpu.memory_space<vmem>>[vector<16xi32>, vector<16xi32>], vector<16xf32>,
          %add3A_558 = arith.addf %gather3A_556, %gather3A_557 : vector<16xf32>
          %swap3A_559 = arith.constant 48 : i32
          %swap3A_560 = arith.index_cast %swap3A_559 : i32 to index
          %swap3A_561 = arith.index_cast %mul3A_99 : i32 to index
          %swap3A_562 = tpu.vector_load %arg17[%swap3A_560, %swap3A_561] {strides = array<i32>} : memref<80x128xf32, #tpu.memory_space<vmem>>, vector<16xf32>,
          tpu.vector_store %arg17[%swap3A_560, %swap3A_561], %add3A_558 {strides = array<i32>} : memref<80x128xf32, #tpu.memory_space<vmem>>, vector<16xf32>,
          %broadcast_in_dim3A_563 = arith.constant 49 : i32
          %broadcast_in_dim3A_564 = vector.broadcast %broadcast_in_dim3A_563 : i32 to vector<16xi32>
          %gather3A_565 = tpu.vector_load_idx %arg13[%broadcast_in_dim3A_564, %and3A_110] : memref<64x100xf32, #tpu.memory_space<vmem>>[vector<16xi32>, vector<16xi32>], vector<16xf32>,
          %gather3A_566 = tpu.vector_load_idx %arg14[%broadcast_in_dim3A_564, %and3A_122] : memref<64x100xf32, #tpu.memory_space<vmem>>[vector<16xi32>, vector<16xi32>], vector<16xf32>,
          %add3A_567 = arith.addf %gather3A_565, %gather3A_566 : vector<16xf32>
          %swap3A_568 = arith.constant 49 : i32
          %swap3A_569 = arith.index_cast %swap3A_568 : i32 to index
          %swap3A_570 = arith.index_cast %mul3A_99 : i32 to index
          %swap3A_571 = tpu.vector_load %arg17[%swap3A_569, %swap3A_570] {strides = array<i32>} : memref<80x128xf32, #tpu.memory_space<vmem>>, vector<16xf32>,
          tpu.vector_store %arg17[%swap3A_569, %swap3A_570], %add3A_567 {strides = array<i32>} : memref<80x128xf32, #tpu.memory_space<vmem>>, vector<16xf32>,
          %broadcast_in_dim3A_572 = arith.constant 50 : i32
          %broadcast_in_dim3A_573 = vector.broadcast %broadcast_in_dim3A_572 : i32 to vector<16xi32>
          %gather3A_574 = tpu.vector_load_idx %arg13[%broadcast_in_dim3A_573, %and3A_110] : memref<64x100xf32, #tpu.memory_space<vmem>>[vector<16xi32>, vector<16xi32>], vector<16xf32>,
          %gather3A_575 = tpu.vector_load_idx %arg14[%broadcast_in_dim3A_573, %and3A_122] : memref<64x100xf32, #tpu.memory_space<vmem>>[vector<16xi32>, vector<16xi32>], vector<16xf32>,
          %add3A_576 = arith.addf %gather3A_574, %gather3A_575 : vector<16xf32>
          %swap3A_577 = arith.constant 50 : i32
          %swap3A_578 = arith.index_cast %swap3A_577 : i32 to index
          %swap3A_579 = arith.index_cast %mul3A_99 : i32 to index
          %swap3A_580 = tpu.vector_load %arg17[%swap3A_578, %swap3A_579] {strides = array<i32>} : memref<80x128xf32, #tpu.memory_space<vmem>>, vector<16xf32>,
          tpu.vector_store %arg17[%swap3A_578, %swap3A_579], %add3A_576 {strides = array<i32>} : memref<80x128xf32, #tpu.memory_space<vmem>>, vector<16xf32>,
          %broadcast_in_dim3A_581 = arith.constant 51 : i32
          %broadcast_in_dim3A_582 = vector.broadcast %broadcast_in_dim3A_581 : i32 to vector<16xi32>
          %gather3A_583 = tpu.vector_load_idx %arg13[%broadcast_in_dim3A_582, %and3A_110] : memref<64x100xf32, #tpu.memory_space<vmem>>[vector<16xi32>, vector<16xi32>], vector<16xf32>,
          %gather3A_584 = tpu.vector_load_idx %arg14[%broadcast_in_dim3A_582, %and3A_122] : memref<64x100xf32, #tpu.memory_space<vmem>>[vector<16xi32>, vector<16xi32>], vector<16xf32>,
          %add3A_585 = arith.addf %gather3A_583, %gather3A_584 : vector<16xf32>
          %swap3A_586 = arith.constant 51 : i32
          %swap3A_587 = arith.index_cast %swap3A_586 : i32 to index
          %swap3A_588 = arith.index_cast %mul3A_99 : i32 to index
          %swap3A_589 = tpu.vector_load %arg17[%swap3A_587, %swap3A_588] {strides = array<i32>} : memref<80x128xf32, #tpu.memory_space<vmem>>, vector<16xf32>,
          tpu.vector_store %arg17[%swap3A_587, %swap3A_588], %add3A_585 {strides = array<i32>} : memref<80x128xf32, #tpu.memory_space<vmem>>, vector<16xf32>,
          %broadcast_in_dim3A_590 = arith.constant 52 : i32
          %broadcast_in_dim3A_591 = vector.broadcast %broadcast_in_dim3A_590 : i32 to vector<16xi32>
          %gather3A_592 = tpu.vector_load_idx %arg13[%broadcast_in_dim3A_591, %and3A_110] : memref<64x100xf32, #tpu.memory_space<vmem>>[vector<16xi32>, vector<16xi32>], vector<16xf32>,
          %gather3A_593 = tpu.vector_load_idx %arg14[%broadcast_in_dim3A_591, %and3A_122] : memref<64x100xf32, #tpu.memory_space<vmem>>[vector<16xi32>, vector<16xi32>], vector<16xf32>,
          %add3A_594 = arith.addf %gather3A_592, %gather3A_593 : vector<16xf32>
          %swap3A_595 = arith.constant 52 : i32
          %swap3A_596 = arith.index_cast %swap3A_595 : i32 to index
          %swap3A_597 = arith.index_cast %mul3A_99 : i32 to index
          %swap3A_598 = tpu.vector_load %arg17[%swap3A_596, %swap3A_597] {strides = array<i32>} : memref<80x128xf32, #tpu.memory_space<vmem>>, vector<16xf32>,
          tpu.vector_store %arg17[%swap3A_596, %swap3A_597], %add3A_594 {strides = array<i32>} : memref<80x128xf32, #tpu.memory_space<vmem>>, vector<16xf32>,
          %broadcast_in_dim3A_599 = arith.constant 53 : i32
          %broadcast_in_dim3A_600 = vector.broadcast %broadcast_in_dim3A_599 : i32 to vector<16xi32>
          %gather3A_601 = tpu.vector_load_idx %arg13[%broadcast_in_dim3A_600, %and3A_110] : memref<64x100xf32, #tpu.memory_space<vmem>>[vector<16xi32>, vector<16xi32>], vector<16xf32>,
          %gather3A_602 = tpu.vector_load_idx %arg14[%broadcast_in_dim3A_600, %and3A_122] : memref<64x100xf32, #tpu.memory_space<vmem>>[vector<16xi32>, vector<16xi32>], vector<16xf32>,
          %add3A_603 = arith.addf %gather3A_601, %gather3A_602 : vector<16xf32>
          %swap3A_604 = arith.constant 53 : i32
          %swap3A_605 = arith.index_cast %swap3A_604 : i32 to index
          %swap3A_606 = arith.index_cast %mul3A_99 : i32 to index
          %swap3A_607 = tpu.vector_load %arg17[%swap3A_605, %swap3A_606] {strides = array<i32>} : memref<80x128xf32, #tpu.memory_space<vmem>>, vector<16xf32>,
          tpu.vector_store %arg17[%swap3A_605, %swap3A_606], %add3A_603 {strides = array<i32>} : memref<80x128xf32, #tpu.memory_space<vmem>>, vector<16xf32>,
          %broadcast_in_dim3A_608 = arith.constant 54 : i32
          %broadcast_in_dim3A_609 = vector.broadcast %broadcast_in_dim3A_608 : i32 to vector<16xi32>
          %gather3A_610 = tpu.vector_load_idx %arg13[%broadcast_in_dim3A_609, %and3A_110] : memref<64x100xf32, #tpu.memory_space<vmem>>[vector<16xi32>, vector<16xi32>], vector<16xf32>,
          %gather3A_611 = tpu.vector_load_idx %arg14[%broadcast_in_dim3A_609, %and3A_122] : memref<64x100xf32, #tpu.memory_space<vmem>>[vector<16xi32>, vector<16xi32>], vector<16xf32>,
          %add3A_612 = arith.addf %gather3A_610, %gather3A_611 : vector<16xf32>
          %swap3A_613 = arith.constant 54 : i32
          %swap3A_614 = arith.index_cast %swap3A_613 : i32 to index
          %swap3A_615 = arith.index_cast %mul3A_99 : i32 to index
          %swap3A_616 = tpu.vector_load %arg17[%swap3A_614, %swap3A_615] {strides = array<i32>} : memref<80x128xf32, #tpu.memory_space<vmem>>, vector<16xf32>,
          tpu.vector_store %arg17[%swap3A_614, %swap3A_615], %add3A_612 {strides = array<i32>} : memref<80x128xf32, #tpu.memory_space<vmem>>, vector<16xf32>,
          %broadcast_in_dim3A_617 = arith.constant 55 : i32
          %broadcast_in_dim3A_618 = vector.broadcast %broadcast_in_dim3A_617 : i32 to vector<16xi32>
          %gather3A_619 = tpu.vector_load_idx %arg13[%broadcast_in_dim3A_618, %and3A_110] : memref<64x100xf32, #tpu.memory_space<vmem>>[vector<16xi32>, vector<16xi32>], vector<16xf32>,
          %gather3A_620 = tpu.vector_load_idx %arg14[%broadcast_in_dim3A_618, %and3A_122] : memref<64x100xf32, #tpu.memory_space<vmem>>[vector<16xi32>, vector<16xi32>], vector<16xf32>,
          %add3A_621 = arith.addf %gather3A_619, %gather3A_620 : vector<16xf32>
          %swap3A_622 = arith.constant 55 : i32
          %swap3A_623 = arith.index_cast %swap3A_622 : i32 to index
          %swap3A_624 = arith.index_cast %mul3A_99 : i32 to index
          %swap3A_625 = tpu.vector_load %arg17[%swap3A_623, %swap3A_624] {strides = array<i32>} : memref<80x128xf32, #tpu.memory_space<vmem>>, vector<16xf32>,
          tpu.vector_store %arg17[%swap3A_623, %swap3A_624], %add3A_621 {strides = array<i32>} : memref<80x128xf32, #tpu.memory_space<vmem>>, vector<16xf32>,
          %broadcast_in_dim3A_626 = arith.constant 56 : i32
          %broadcast_in_dim3A_627 = vector.broadcast %broadcast_in_dim3A_626 : i32 to vector<16xi32>
          %gather3A_628 = tpu.vector_load_idx %arg13[%broadcast_in_dim3A_627, %and3A_110] : memref<64x100xf32, #tpu.memory_space<vmem>>[vector<16xi32>, vector<16xi32>], vector<16xf32>,
          %gather3A_629 = tpu.vector_load_idx %arg14[%broadcast_in_dim3A_627, %and3A_122] : memref<64x100xf32, #tpu.memory_space<vmem>>[vector<16xi32>, vector<16xi32>], vector<16xf32>,
          %add3A_630 = arith.addf %gather3A_628, %gather3A_629 : vector<16xf32>
          %swap3A_631 = arith.constant 56 : i32
          %swap3A_632 = arith.index_cast %swap3A_631 : i32 to index
          %swap3A_633 = arith.index_cast %mul3A_99 : i32 to index
          %swap3A_634 = tpu.vector_load %arg17[%swap3A_632, %swap3A_633] {strides = array<i32>} : memref<80x128xf32, #tpu.memory_space<vmem>>, vector<16xf32>,
          tpu.vector_store %arg17[%swap3A_632, %swap3A_633], %add3A_630 {strides = array<i32>} : memref<80x128xf32, #tpu.memory_space<vmem>>, vector<16xf32>,
          %broadcast_in_dim3A_635 = arith.constant 57 : i32
          %broadcast_in_dim3A_636 = vector.broadcast %broadcast_in_dim3A_635 : i32 to vector<16xi32>
          %gather3A_637 = tpu.vector_load_idx %arg13[%broadcast_in_dim3A_636, %and3A_110] : memref<64x100xf32, #tpu.memory_space<vmem>>[vector<16xi32>, vector<16xi32>], vector<16xf32>,
          %gather3A_638 = tpu.vector_load_idx %arg14[%broadcast_in_dim3A_636, %and3A_122] : memref<64x100xf32, #tpu.memory_space<vmem>>[vector<16xi32>, vector<16xi32>], vector<16xf32>,
          %add3A_639 = arith.addf %gather3A_637, %gather3A_638 : vector<16xf32>
          %swap3A_640 = arith.constant 57 : i32
          %swap3A_641 = arith.index_cast %swap3A_640 : i32 to index
          %swap3A_642 = arith.index_cast %mul3A_99 : i32 to index
          %swap3A_643 = tpu.vector_load %arg17[%swap3A_641, %swap3A_642] {strides = array<i32>} : memref<80x128xf32, #tpu.memory_space<vmem>>, vector<16xf32>,
          tpu.vector_store %arg17[%swap3A_641, %swap3A_642], %add3A_639 {strides = array<i32>} : memref<80x128xf32, #tpu.memory_space<vmem>>, vector<16xf32>,
          %broadcast_in_dim3A_644 = arith.constant 58 : i32
          %broadcast_in_dim3A_645 = vector.broadcast %broadcast_in_dim3A_644 : i32 to vector<16xi32>
          %gather3A_646 = tpu.vector_load_idx %arg13[%broadcast_in_dim3A_645, %and3A_110] : memref<64x100xf32, #tpu.memory_space<vmem>>[vector<16xi32>, vector<16xi32>], vector<16xf32>,
          %gather3A_647 = tpu.vector_load_idx %arg14[%broadcast_in_dim3A_645, %and3A_122] : memref<64x100xf32, #tpu.memory_space<vmem>>[vector<16xi32>, vector<16xi32>], vector<16xf32>,
          %add3A_648 = arith.addf %gather3A_646, %gather3A_647 : vector<16xf32>
          %swap3A_649 = arith.constant 58 : i32
          %swap3A_650 = arith.index_cast %swap3A_649 : i32 to index
          %swap3A_651 = arith.index_cast %mul3A_99 : i32 to index
          %swap3A_652 = tpu.vector_load %arg17[%swap3A_650, %swap3A_651] {strides = array<i32>} : memref<80x128xf32, #tpu.memory_space<vmem>>, vector<16xf32>,
          tpu.vector_store %arg17[%swap3A_650, %swap3A_651], %add3A_648 {strides = array<i32>} : memref<80x128xf32, #tpu.memory_space<vmem>>, vector<16xf32>,
          %broadcast_in_dim3A_653 = arith.constant 59 : i32
          %broadcast_in_dim3A_654 = vector.broadcast %broadcast_in_dim3A_653 : i32 to vector<16xi32>
          %gather3A_655 = tpu.vector_load_idx %arg13[%broadcast_in_dim3A_654, %and3A_110] : memref<64x100xf32, #tpu.memory_space<vmem>>[vector<16xi32>, vector<16xi32>], vector<16xf32>,
          %gather3A_656 = tpu.vector_load_idx %arg14[%broadcast_in_dim3A_654, %and3A_122] : memref<64x100xf32, #tpu.memory_space<vmem>>[vector<16xi32>, vector<16xi32>], vector<16xf32>,
          %add3A_657 = arith.addf %gather3A_655, %gather3A_656 : vector<16xf32>
          %swap3A_658 = arith.constant 59 : i32
          %swap3A_659 = arith.index_cast %swap3A_658 : i32 to index
          %swap3A_660 = arith.index_cast %mul3A_99 : i32 to index
          %swap3A_661 = tpu.vector_load %arg17[%swap3A_659, %swap3A_660] {strides = array<i32>} : memref<80x128xf32, #tpu.memory_space<vmem>>, vector<16xf32>,
          tpu.vector_store %arg17[%swap3A_659, %swap3A_660], %add3A_657 {strides = array<i32>} : memref<80x128xf32, #tpu.memory_space<vmem>>, vector<16xf32>,
          %broadcast_in_dim3A_662 = arith.constant 60 : i32
          %broadcast_in_dim3A_663 = vector.broadcast %broadcast_in_dim3A_662 : i32 to vector<16xi32>
          %gather3A_664 = tpu.vector_load_idx %arg13[%broadcast_in_dim3A_663, %and3A_110] : memref<64x100xf32, #tpu.memory_space<vmem>>[vector<16xi32>, vector<16xi32>], vector<16xf32>,
          %gather3A_665 = tpu.vector_load_idx %arg14[%broadcast_in_dim3A_663, %and3A_122] : memref<64x100xf32, #tpu.memory_space<vmem>>[vector<16xi32>, vector<16xi32>], vector<16xf32>,
          %add3A_666 = arith.addf %gather3A_664, %gather3A_665 : vector<16xf32>
          %swap3A_667 = arith.constant 60 : i32
          %swap3A_668 = arith.index_cast %swap3A_667 : i32 to index
          %swap3A_669 = arith.index_cast %mul3A_99 : i32 to index
          %swap3A_670 = tpu.vector_load %arg17[%swap3A_668, %swap3A_669] {strides = array<i32>} : memref<80x128xf32, #tpu.memory_space<vmem>>, vector<16xf32>,
          tpu.vector_store %arg17[%swap3A_668, %swap3A_669], %add3A_666 {strides = array<i32>} : memref<80x128xf32, #tpu.memory_space<vmem>>, vector<16xf32>,
          %broadcast_in_dim3A_671 = arith.constant 61 : i32
          %broadcast_in_dim3A_672 = vector.broadcast %broadcast_in_dim3A_671 : i32 to vector<16xi32>
          %gather3A_673 = tpu.vector_load_idx %arg13[%broadcast_in_dim3A_672, %and3A_110] : memref<64x100xf32, #tpu.memory_space<vmem>>[vector<16xi32>, vector<16xi32>], vector<16xf32>,
          %gather3A_674 = tpu.vector_load_idx %arg14[%broadcast_in_dim3A_672, %and3A_122] : memref<64x100xf32, #tpu.memory_space<vmem>>[vector<16xi32>, vector<16xi32>], vector<16xf32>,
          %add3A_675 = arith.addf %gather3A_673, %gather3A_674 : vector<16xf32>
          %swap3A_676 = arith.constant 61 : i32
          %swap3A_677 = arith.index_cast %swap3A_676 : i32 to index
          %swap3A_678 = arith.index_cast %mul3A_99 : i32 to index
          %swap3A_679 = tpu.vector_load %arg17[%swap3A_677, %swap3A_678] {strides = array<i32>} : memref<80x128xf32, #tpu.memory_space<vmem>>, vector<16xf32>,
          tpu.vector_store %arg17[%swap3A_677, %swap3A_678], %add3A_675 {strides = array<i32>} : memref<80x128xf32, #tpu.memory_space<vmem>>, vector<16xf32>,
          %broadcast_in_dim3A_680 = arith.constant 62 : i32
          %broadcast_in_dim3A_681 = vector.broadcast %broadcast_in_dim3A_680 : i32 to vector<16xi32>
          %gather3A_682 = tpu.vector_load_idx %arg13[%broadcast_in_dim3A_681, %and3A_110] : memref<64x100xf32, #tpu.memory_space<vmem>>[vector<16xi32>, vector<16xi32>], vector<16xf32>,
          %gather3A_683 = tpu.vector_load_idx %arg14[%broadcast_in_dim3A_681, %and3A_122] : memref<64x100xf32, #tpu.memory_space<vmem>>[vector<16xi32>, vector<16xi32>], vector<16xf32>,
          %add3A_684 = arith.addf %gather3A_682, %gather3A_683 : vector<16xf32>
          %swap3A_685 = arith.constant 62 : i32
          %swap3A_686 = arith.index_cast %swap3A_685 : i32 to index
          %swap3A_687 = arith.index_cast %mul3A_99 : i32 to index
          %swap3A_688 = tpu.vector_load %arg17[%swap3A_686, %swap3A_687] {strides = array<i32>} : memref<80x128xf32, #tpu.memory_space<vmem>>, vector<16xf32>,
          tpu.vector_store %arg17[%swap3A_686, %swap3A_687], %add3A_684 {strides = array<i32>} : memref<80x128xf32, #tpu.memory_space<vmem>>, vector<16xf32>,
          %broadcast_in_dim3A_689 = arith.constant 63 : i32
          %broadcast_in_dim3A_690 = vector.broadcast %broadcast_in_dim3A_689 : i32 to vector<16xi32>
          %gather3A_691 = tpu.vector_load_idx %arg13[%broadcast_in_dim3A_690, %and3A_110] : memref<64x100xf32, #tpu.memory_space<vmem>>[vector<16xi32>, vector<16xi32>], vector<16xf32>,
          %gather3A_692 = tpu.vector_load_idx %arg14[%broadcast_in_dim3A_690, %and3A_122] : memref<64x100xf32, #tpu.memory_space<vmem>>[vector<16xi32>, vector<16xi32>], vector<16xf32>,
          %add3A_693 = arith.addf %gather3A_691, %gather3A_692 : vector<16xf32>
          %swap3A_694 = arith.constant 63 : i32
          %swap3A_695 = arith.index_cast %swap3A_694 : i32 to index
          %swap3A_696 = arith.index_cast %mul3A_99 : i32 to index
          %swap3A_697 = tpu.vector_load %arg17[%swap3A_695, %swap3A_696] {strides = array<i32>} : memref<80x128xf32, #tpu.memory_space<vmem>>, vector<16xf32>,
          tpu.vector_store %arg17[%swap3A_695, %swap3A_696], %add3A_693 {strides = array<i32>} : memref<80x128xf32, #tpu.memory_space<vmem>>, vector<16xf32>,
          %broadcast_in_dim3A_698 = arith.constant 0 : i32
          %broadcast_in_dim3A_699 = vector.broadcast %broadcast_in_dim3A_698 : i32 to vector<16xi32>
          %gather3A_700 = tpu.vector_load_idx %arg15[%broadcast_in_dim3A_699, %get3A_100] : memref<4x10000xf32, #tpu.memory_space<vmem>>[vector<16xi32>, vector<16xi32>], vector<16xf32>,
          %gather3A_701 = tpu.vector_load_idx %arg15[%broadcast_in_dim3A_699, %get3A_102] : memref<4x10000xf32, #tpu.memory_space<vmem>>[vector<16xi32>, vector<16xi32>], vector<16xf32>,
          %add3A_702 = arith.addf %gather3A_700, %gather3A_701 : vector<16xf32>
          %swap3A_703 = arith.constant 64 : i32
          %swap3A_704 = arith.index_cast %swap3A_703 : i32 to index
          %swap3A_705 = arith.index_cast %mul3A_99 : i32 to index
          %swap3A_706 = tpu.vector_load %arg17[%swap3A_704, %swap3A_705] {strides = array<i32>} : memref<80x128xf32, #tpu.memory_space<vmem>>, vector<16xf32>,
          tpu.vector_store %arg17[%swap3A_704, %swap3A_705], %add3A_702 {strides = array<i32>} : memref<80x128xf32, #tpu.memory_space<vmem>>, vector<16xf32>,
          %broadcast_in_dim3A_707 = arith.constant 1 : i32
          %broadcast_in_dim3A_708 = vector.broadcast %broadcast_in_dim3A_707 : i32 to vector<16xi32>
          %gather3A_709 = tpu.vector_load_idx %arg15[%broadcast_in_dim3A_708, %get3A_100] : memref<4x10000xf32, #tpu.memory_space<vmem>>[vector<16xi32>, vector<16xi32>], vector<16xf32>,
          %gather3A_710 = tpu.vector_load_idx %arg15[%broadcast_in_dim3A_708, %get3A_102] : memref<4x10000xf32, #tpu.memory_space<vmem>>[vector<16xi32>, vector<16xi32>], vector<16xf32>,
          %add3A_711 = arith.addf %gather3A_709, %gather3A_710 : vector<16xf32>
          %swap3A_712 = arith.constant 65 : i32
          %swap3A_713 = arith.index_cast %swap3A_712 : i32 to index
          %swap3A_714 = arith.index_cast %mul3A_99 : i32 to index
          %swap3A_715 = tpu.vector_load %arg17[%swap3A_713, %swap3A_714] {strides = array<i32>} : memref<80x128xf32, #tpu.memory_space<vmem>>, vector<16xf32>,
          tpu.vector_store %arg17[%swap3A_713, %swap3A_714], %add3A_711 {strides = array<i32>} : memref<80x128xf32, #tpu.memory_space<vmem>>, vector<16xf32>,
          %broadcast_in_dim3A_716 = arith.constant 2 : i32
          %broadcast_in_dim3A_717 = vector.broadcast %broadcast_in_dim3A_716 : i32 to vector<16xi32>
          %gather3A_718 = tpu.vector_load_idx %arg15[%broadcast_in_dim3A_717, %get3A_100] : memref<4x10000xf32, #tpu.memory_space<vmem>>[vector<16xi32>, vector<16xi32>], vector<16xf32>,
          %gather3A_719 = tpu.vector_load_idx %arg15[%broadcast_in_dim3A_717, %get3A_102] : memref<4x10000xf32, #tpu.memory_space<vmem>>[vector<16xi32>, vector<16xi32>], vector<16xf32>,
          %add3A_720 = arith.addf %gather3A_718, %gather3A_719 : vector<16xf32>
          %swap3A_721 = arith.constant 66 : i32
          %swap3A_722 = arith.index_cast %swap3A_721 : i32 to index
          %swap3A_723 = arith.index_cast %mul3A_99 : i32 to index
          %swap3A_724 = tpu.vector_load %arg17[%swap3A_722, %swap3A_723] {strides = array<i32>} : memref<80x128xf32, #tpu.memory_space<vmem>>, vector<16xf32>,
          tpu.vector_store %arg17[%swap3A_722, %swap3A_723], %add3A_720 {strides = array<i32>} : memref<80x128xf32, #tpu.memory_space<vmem>>, vector<16xf32>,
          %broadcast_in_dim3A_725 = arith.constant 3 : i32
          %broadcast_in_dim3A_726 = vector.broadcast %broadcast_in_dim3A_725 : i32 to vector<16xi32>
          %gather3A_727 = tpu.vector_load_idx %arg15[%broadcast_in_dim3A_726, %get3A_100] : memref<4x10000xf32, #tpu.memory_space<vmem>>[vector<16xi32>, vector<16xi32>], vector<16xf32>,
          %gather3A_728 = tpu.vector_load_idx %arg15[%broadcast_in_dim3A_726, %get3A_102] : memref<4x10000xf32, #tpu.memory_space<vmem>>[vector<16xi32>, vector<16xi32>], vector<16xf32>,
          %add3A_729 = arith.addf %gather3A_727, %gather3A_728 : vector<16xf32>
          %swap3A_730 = arith.constant 67 : i32
          %swap3A_731 = arith.index_cast %swap3A_730 : i32 to index
          %swap3A_732 = arith.index_cast %mul3A_99 : i32 to index
          %swap3A_733 = tpu.vector_load %arg17[%swap3A_731, %swap3A_732] {strides = array<i32>} : memref<80x128xf32, #tpu.memory_space<vmem>>, vector<16xf32>,
          tpu.vector_store %arg17[%swap3A_731, %swap3A_732], %add3A_729 {strides = array<i32>} : memref<80x128xf32, #tpu.memory_space<vmem>>, vector<16xf32>,
        }
        %scan3A_88 = arith.constant 8 : i32
        %dma_start3A_89 = arith.constant 0 : i32
        %dma_start3A_90 = arith.constant 0 : i32
        %dma_start3A_91 = tpu.memref_slice %arg7[%add3A_56, %dma_start3A_89, %dma_start3A_90] : memref<5000x80x128xf32, #tpu.memory_space<hbm>> -> memref<1x80x128xf32, #tpu.memory_space<hbm>>
        %dma_start3A_92 = tpu.memref_squeeze %dma_start3A_91 : memref<1x80x128xf32, #tpu.memory_space<hbm>> -> memref<80x128xf32, #tpu.memory_space<hbm>>
        %dma_start3A_93 = arith.constant 0 : i32
        %dma_start3A_94 = arith.constant 0 : i32
        %dma_start3A_95 = tpu.memref_slice %arg7[%add3A_56, %dma_start3A_93, %dma_start3A_94] : memref<5000x80x128xf32, #tpu.memory_space<hbm>> -> memref<1x80x128xf32, #tpu.memory_space<hbm>>
        %dma_start3A_96 = tpu.memref_squeeze %dma_start3A_95 : memref<1x80x128xf32, #tpu.memory_space<hbm>> -> memref<80x128xf32, #tpu.memory_space<hbm>>
        tpu.enqueue_dma source(%arg17 : memref<80x128xf32, #tpu.memory_space<vmem>>) target(%dma_start3A_96 : memref<80x128xf32, #tpu.memory_space<hbm>>) target_semaphore(%arg19 : memref<!tpu.dma_semaphore, #tpu.memory_space<semaphore_mem>>)
      } else {
      }
    }
    %scan3A_21 = arith.constant 79 : i32
    %dma_wait3A = arith.constant 0 : i32
    %dma_wait3A_22 = arith.constant 0 : i32
    %dma_wait3A_23 = tpu.memref_slice %arg7[%add3A, %dma_wait3A, %dma_wait3A_22] : memref<5000x80x128xf32, #tpu.memory_space<hbm>> -> memref<1x80x128xf32, #tpu.memory_space<hbm>>
    %dma_wait3A_24 = tpu.memref_squeeze %dma_wait3A_23 : memref<1x80x128xf32, #tpu.memory_space<hbm>> -> memref<80x128xf32, #tpu.memory_space<hbm>>
    %dma_wait3A_25 = arith.constant 0 : i32
    %dma_wait3A_26 = arith.constant 0 : i32
    %dma_wait3A_27 = tpu.memref_slice %arg7[%add3A, %dma_wait3A_25, %dma_wait3A_26] : memref<5000x80x128xf32, #tpu.memory_space<hbm>> -> memref<1x80x128xf32, #tpu.memory_space<hbm>>
    %dma_wait3A_28 = tpu.memref_squeeze %dma_wait3A_27 : memref<1x80x128xf32, #tpu.memory_space<hbm>> -> memref<80x128xf32, #tpu.memory_space<hbm>>
    tpu.wait_dma2 semaphore(%arg18 : memref<!tpu.dma_semaphore, #tpu.memory_space<semaphore_mem>>) src(%arg16 : memref<80x128xf32, #tpu.memory_space<vmem>>) dst(%dma_wait3A_28 : memref<80x128xf32, #tpu.memory_space<hbm>>)
    %dma_wait3A_29 = arith.constant 0 : i32
    %dma_wait3A_30 = arith.constant 0 : i32
    %dma_wait3A_31 = tpu.memref_slice %arg7[%add3A, %dma_wait3A_29, %dma_wait3A_30] : memref<5000x80x128xf32, #tpu.memory_space<hbm>> -> memref<1x80x128xf32, #tpu.memory_space<hbm>>
    %dma_wait3A_32 = tpu.memref_squeeze %dma_wait3A_31 : memref<1x80x128xf32, #tpu.memory_space<hbm>> -> memref<80x128xf32, #tpu.memory_space<hbm>>
    %dma_wait3A_33 = arith.constant 0 : i32
    %dma_wait3A_34 = arith.constant 0 : i32
    %dma_wait3A_35 = tpu.memref_slice %arg7[%add3A, %dma_wait3A_33, %dma_wait3A_34] : memref<5000x80x128xf32, #tpu.memory_space<hbm>> -> memref<1x80x128xf32, #tpu.memory_space<hbm>>
    %dma_wait3A_36 = tpu.memref_squeeze %dma_wait3A_35 : memref<1x80x128xf32, #tpu.memory_space<hbm>> -> memref<80x128xf32, #tpu.memory_space<hbm>>
    tpu.wait_dma2 semaphore(%arg19 : memref<!tpu.dma_semaphore, #tpu.memory_space<semaphore_mem>>) src(%arg17 : memref<80x128xf32, #tpu.memory_space<vmem>>) dst(%dma_wait3A_36 : memref<80x128xf32, #tpu.memory_space<hbm>>)
    return
  }
}

#map = affine_map<(d0, d1) -> (0, 0)>
#map1 = affine_map<(d0, d1) -> (0, 0, 0)>
module attributes {stable_mosaic.version = 14 : i64} {
  func.func @_scatter_body(%arg0: i32, %arg1: i32, %arg2: memref<2x640000xi32, #tpu.memory_space<hbm>>, %arg3: memref<640000x16xf32, #tpu.memory_space<hbm>>, %arg4: memref<10000x64xf32, #tpu.memory_space<hbm>>, %arg5: memref<10000x80xf32, #tpu.memory_space<hbm>>, %arg6: memref<2x10000x80xf32, #tpu.memory_space<hbm>>, %arg7: memref<80xi32, #tpu.memory_space<vmem>>, %arg8: memref<80xi32, #tpu.memory_space<vmem>>, %arg9: memref<80x16xf32, #tpu.memory_space<vmem>>, %arg10: memref<80xi32, #tpu.memory_space<vmem>>, %arg11: memref<80xi32, #tpu.memory_space<vmem>>, %arg12: memref<80x16xf32, #tpu.memory_space<vmem>>, %arg13: memref<80x64xf32, #tpu.memory_space<vmem>>, %arg14: memref<80x64xf32, #tpu.memory_space<vmem>>, %arg15: memref<80x80xf32, #tpu.memory_space<vmem>>, %arg16: memref<10000x64xf32, #tpu.memory_space<vmem_shared>>, %arg17: memref<10000x80xf32, #tpu.memory_space<vmem_shared>>, %arg18: memref<!tpu.dma_semaphore, #tpu.memory_space<semaphore_mem>>, %arg19: memref<!tpu.dma_semaphore, #tpu.memory_space<semaphore_mem>>, %arg20: memref<!tpu.dma_semaphore, #tpu.memory_space<semaphore_mem>>, %arg21: memref<!tpu.dma_semaphore, #tpu.memory_space<semaphore_mem>>) attributes {dimension_semantics = [#tpu.dimension_semantics<core_parallel>, #tpu.dimension_semantics<subcore_parallel>], iteration_bounds = array<i64: 2, 16>, scalar_prefetch = 0 : i64, scratch_operands = 15 : i64, tpu.core_type = #tpu.core_type<sc_vector_subcore>, window_params = [{transform_indices = #map}, {transform_indices = #map}, {transform_indices = #map}, {transform_indices = #map}, {transform_indices = #map1}]} {
    %mul3A = arith.constant 16 : i32
    %mul3A_0 = arith.muli %arg0, %mul3A : i32
    %add3A = arith.addi %mul3A_0, %arg1 : i32
    %mul3A_1 = arith.constant 20000 : i32
    %mul3A_2 = arith.muli %add3A, %mul3A_1 : i32
    %eq3A = arith.constant 0 : i32
    %eq3A_3 = arith.cmpi eq, %arg1, %eq3A : i32
    %convert_element_type3A = arith.extui %eq3A_3 : i1 to i32
    %cond3A = arith.constant 0 : i32
    %cond3A_4 = arith.cmpi ne, %convert_element_type3A, %cond3A : i32
    scf.if %cond3A_4 {
      "tpu.region"() ({
        %run_scoped3A = tpu.sem_alloc : memref<!tpu.dma_semaphore, #tpu.memory_space<semaphore_mem>>
        tpu.enqueue_dma source(%arg4 : memref<10000x64xf32, #tpu.memory_space<hbm>>) target(%arg16 : memref<10000x64xf32, #tpu.memory_space<vmem_shared>>) target_semaphore(%run_scoped3A : memref<!tpu.dma_semaphore, #tpu.memory_space<semaphore_mem>>)
        tpu.wait_dma2 semaphore(%run_scoped3A : memref<!tpu.dma_semaphore, #tpu.memory_space<semaphore_mem>>) src(%arg4 : memref<10000x64xf32, #tpu.memory_space<hbm>>) dst(%arg16 : memref<10000x64xf32, #tpu.memory_space<vmem_shared>>)
        tpu.yield
      }) : () -> ()
      "tpu.region"() ({
        %run_scoped3A = tpu.sem_alloc : memref<!tpu.dma_semaphore, #tpu.memory_space<semaphore_mem>>
        tpu.enqueue_dma source(%arg5 : memref<10000x80xf32, #tpu.memory_space<hbm>>) target(%arg17 : memref<10000x80xf32, #tpu.memory_space<vmem_shared>>) target_semaphore(%run_scoped3A : memref<!tpu.dma_semaphore, #tpu.memory_space<semaphore_mem>>)
        tpu.wait_dma2 semaphore(%run_scoped3A : memref<!tpu.dma_semaphore, #tpu.memory_space<semaphore_mem>>) src(%arg5 : memref<10000x80xf32, #tpu.memory_space<hbm>>) dst(%arg17 : memref<10000x80xf32, #tpu.memory_space<vmem_shared>>)
        tpu.yield
      }) : () -> ()
    } else {
    }
    %barrier3A = arith.constant 0 : index
    tpu.barrier barrier_id(%barrier3A)
    %dma_start3A = arith.constant 0 : i32
    %dma_start3A_5 = tpu.memref_slice %arg2[%dma_start3A, %mul3A_2] : memref<2x640000xi32, #tpu.memory_space<hbm>> -> memref<1x80xi32, #tpu.memory_space<hbm>>
    %dma_start3A_6 = tpu.memref_squeeze %dma_start3A_5 : memref<1x80xi32, #tpu.memory_space<hbm>> -> memref<80xi32, #tpu.memory_space<hbm>>
    %dma_start3A_7 = tpu.memref_slice %arg2[%dma_start3A, %mul3A_2] : memref<2x640000xi32, #tpu.memory_space<hbm>> -> memref<1x80xi32, #tpu.memory_space<hbm>>
    %dma_start3A_8 = tpu.memref_squeeze %dma_start3A_7 : memref<1x80xi32, #tpu.memory_space<hbm>> -> memref<80xi32, #tpu.memory_space<hbm>>
    tpu.enqueue_dma source(%dma_start3A_8 : memref<80xi32, #tpu.memory_space<hbm>>) target(%arg7 : memref<80xi32, #tpu.memory_space<vmem>>) target_semaphore(%arg18 : memref<!tpu.dma_semaphore, #tpu.memory_space<semaphore_mem>>)
    %dma_start3A_9 = arith.constant 1 : i32
    %dma_start3A_10 = tpu.memref_slice %arg2[%dma_start3A_9, %mul3A_2] : memref<2x640000xi32, #tpu.memory_space<hbm>> -> memref<1x80xi32, #tpu.memory_space<hbm>>
    %dma_start3A_11 = tpu.memref_squeeze %dma_start3A_10 : memref<1x80xi32, #tpu.memory_space<hbm>> -> memref<80xi32, #tpu.memory_space<hbm>>
    %dma_start3A_12 = tpu.memref_slice %arg2[%dma_start3A_9, %mul3A_2] : memref<2x640000xi32, #tpu.memory_space<hbm>> -> memref<1x80xi32, #tpu.memory_space<hbm>>
    %dma_start3A_13 = tpu.memref_squeeze %dma_start3A_12 : memref<1x80xi32, #tpu.memory_space<hbm>> -> memref<80xi32, #tpu.memory_space<hbm>>
    tpu.enqueue_dma source(%dma_start3A_13 : memref<80xi32, #tpu.memory_space<hbm>>) target(%arg8 : memref<80xi32, #tpu.memory_space<vmem>>) target_semaphore(%arg18 : memref<!tpu.dma_semaphore, #tpu.memory_space<semaphore_mem>>)
    %dma_start3A_14 = arith.constant 0 : i32
    %dma_start3A_15 = tpu.memref_slice %arg3[%mul3A_2, %dma_start3A_14] : memref<640000x16xf32, #tpu.memory_space<hbm>> -> memref<80x16xf32, #tpu.memory_space<hbm>>
    %dma_start3A_16 = arith.constant 0 : i32
    %dma_start3A_17 = tpu.memref_slice %arg3[%mul3A_2, %dma_start3A_16] : memref<640000x16xf32, #tpu.memory_space<hbm>> -> memref<80x16xf32, #tpu.memory_space<hbm>>
    tpu.enqueue_dma source(%dma_start3A_17 : memref<80x16xf32, #tpu.memory_space<hbm>>) target(%arg9 : memref<80x16xf32, #tpu.memory_space<vmem>>) target_semaphore(%arg18 : memref<!tpu.dma_semaphore, #tpu.memory_space<semaphore_mem>>)
    %scan3A = arith.constant 0 : i32
    %scan3A_18 = arith.constant 0 : i32
    %scan3A_19 = arith.constant 125 : i32
    %scan3A_20 = arith.addi %scan3A_18, %scan3A_19 : i32
    %scan3A_21 = arith.constant 1 : i32
    scf.for %scan3A_34 = %scan3A_18 to %scan3A_20 step %scan3A_21  : i32 {
      %mul3A_35 = arith.constant 2 : i32
      %mul3A_36 = arith.muli %scan3A_34, %mul3A_35 : i32
      %eq3A_37 = arith.constant 0 : i32
      %eq3A_38 = arith.cmpi eq, %mul3A_36, %eq3A_37 : i32
      %mul3A_39 = arith.constant 80 : i32
      %mul3A_40 = arith.muli %mul3A_36, %mul3A_39 : i32
      %add3A_41 = arith.addi %mul3A_2, %mul3A_40 : i32
      %dma_wait3A_42 = arith.constant 0 : i32
      %dma_wait3A_43 = tpu.memref_slice %arg2[%dma_wait3A_42, %add3A_41] : memref<2x640000xi32, #tpu.memory_space<hbm>> -> memref<1x80xi32, #tpu.memory_space<hbm>>
      %dma_wait3A_44 = tpu.memref_squeeze %dma_wait3A_43 : memref<1x80xi32, #tpu.memory_space<hbm>> -> memref<80xi32, #tpu.memory_space<hbm>>
      %dma_wait3A_45 = tpu.memref_slice %arg2[%dma_wait3A_42, %add3A_41] : memref<2x640000xi32, #tpu.memory_space<hbm>> -> memref<1x80xi32, #tpu.memory_space<hbm>>
      %dma_wait3A_46 = tpu.memref_squeeze %dma_wait3A_45 : memref<1x80xi32, #tpu.memory_space<hbm>> -> memref<80xi32, #tpu.memory_space<hbm>>
      tpu.wait_dma2 semaphore(%arg18 : memref<!tpu.dma_semaphore, #tpu.memory_space<semaphore_mem>>) src(%dma_wait3A_46 : memref<80xi32, #tpu.memory_space<hbm>>) dst(%arg7 : memref<80xi32, #tpu.memory_space<vmem>>)
      %dma_wait3A_47 = arith.constant 1 : i32
      %dma_wait3A_48 = tpu.memref_slice %arg2[%dma_wait3A_47, %add3A_41] : memref<2x640000xi32, #tpu.memory_space<hbm>> -> memref<1x80xi32, #tpu.memory_space<hbm>>
      %dma_wait3A_49 = tpu.memref_squeeze %dma_wait3A_48 : memref<1x80xi32, #tpu.memory_space<hbm>> -> memref<80xi32, #tpu.memory_space<hbm>>
      %dma_wait3A_50 = tpu.memref_slice %arg2[%dma_wait3A_47, %add3A_41] : memref<2x640000xi32, #tpu.memory_space<hbm>> -> memref<1x80xi32, #tpu.memory_space<hbm>>
      %dma_wait3A_51 = tpu.memref_squeeze %dma_wait3A_50 : memref<1x80xi32, #tpu.memory_space<hbm>> -> memref<80xi32, #tpu.memory_space<hbm>>
      tpu.wait_dma2 semaphore(%arg18 : memref<!tpu.dma_semaphore, #tpu.memory_space<semaphore_mem>>) src(%dma_wait3A_51 : memref<80xi32, #tpu.memory_space<hbm>>) dst(%arg8 : memref<80xi32, #tpu.memory_space<vmem>>)
      %dma_wait3A_52 = arith.constant 0 : i32
      %dma_wait3A_53 = tpu.memref_slice %arg3[%add3A_41, %dma_wait3A_52] : memref<640000x16xf32, #tpu.memory_space<hbm>> -> memref<80x16xf32, #tpu.memory_space<hbm>>
      %dma_wait3A_54 = arith.constant 0 : i32
      %dma_wait3A_55 = tpu.memref_slice %arg3[%add3A_41, %dma_wait3A_54] : memref<640000x16xf32, #tpu.memory_space<hbm>> -> memref<80x16xf32, #tpu.memory_space<hbm>>
      tpu.wait_dma2 semaphore(%arg18 : memref<!tpu.dma_semaphore, #tpu.memory_space<semaphore_mem>>) src(%dma_wait3A_55 : memref<80x16xf32, #tpu.memory_space<hbm>>) dst(%arg9 : memref<80x16xf32, #tpu.memory_space<vmem>>)
      %dma_start3A_56 = arith.constant 0 : i32
      %dma_start3A_57 = arith.constant 0 : i32
      %dma_start3A_58 = tpu.memref_slice %arg13[%dma_start3A_56, %dma_start3A_57] : memref<80x64xf32, #tpu.memory_space<vmem>> -> memref<80x64xf32, #tpu.memory_space<vmem>>
      %dma_start3A_59 = arith.constant 0 : i32
      %dma_start3A_60 = tpu.memref_slice %arg7[%dma_start3A_59] : memref<80xi32, #tpu.memory_space<vmem>> -> memref<80xi32, #tpu.memory_space<vmem>>
      %dma_start3A_61 = arith.constant 0 : i32
      %dma_start3A_62 = arith.constant 0 : i32
      %dma_start3A_63 = tpu.memref_slice %arg16[%dma_start3A_61, %dma_start3A_62] : memref<10000x64xf32, #tpu.memory_space<vmem_shared>> -> memref<10000x64xf32, #tpu.memory_space<vmem_shared>>
      tpu.enqueue_indirect_dma source(%dma_start3A_63 : memref<10000x64xf32, #tpu.memory_space<vmem_shared>>) target(%dma_start3A_58 : memref<80x64xf32, #tpu.memory_space<vmem>>) offsets(%dma_start3A_60 : memref<80xi32, #tpu.memory_space<vmem>>) semaphore(%arg19 : memref<!tpu.dma_semaphore, #tpu.memory_space<semaphore_mem>>)
      %dma_start3A_64 = arith.constant 0 : i32
      %dma_start3A_65 = arith.constant 0 : i32
      %dma_start3A_66 = tpu.memref_slice %arg14[%dma_start3A_64, %dma_start3A_65] : memref<80x64xf32, #tpu.memory_space<vmem>> -> memref<80x64xf32, #tpu.memory_space<vmem>>
      %dma_start3A_67 = arith.constant 0 : i32
      %dma_start3A_68 = tpu.memref_slice %arg8[%dma_start3A_67] : memref<80xi32, #tpu.memory_space<vmem>> -> memref<80xi32, #tpu.memory_space<vmem>>
      %dma_start3A_69 = arith.constant 0 : i32
      %dma_start3A_70 = arith.constant 0 : i32
      %dma_start3A_71 = tpu.memref_slice %arg16[%dma_start3A_69, %dma_start3A_70] : memref<10000x64xf32, #tpu.memory_space<vmem_shared>> -> memref<10000x64xf32, #tpu.memory_space<vmem_shared>>
      tpu.enqueue_indirect_dma source(%dma_start3A_71 : memref<10000x64xf32, #tpu.memory_space<vmem_shared>>) target(%dma_start3A_66 : memref<80x64xf32, #tpu.memory_space<vmem>>) offsets(%dma_start3A_68 : memref<80xi32, #tpu.memory_space<vmem>>) semaphore(%arg20 : memref<!tpu.dma_semaphore, #tpu.memory_space<semaphore_mem>>)
      %not3A = arith.constant true
      %not3A_72 = arith.xori %eq3A_38, %not3A : i1
      %convert_element_type3A_73 = arith.extui %not3A_72 : i1 to i32
      %cond3A_74 = arith.constant 0 : i32
      %cond3A_75 = arith.cmpi ne, %convert_element_type3A_73, %cond3A_74 : i32
      scf.if %cond3A_75 {
        %dma_wait3A_184 = arith.constant 0 : i32
        %dma_wait3A_185 = arith.constant 0 : i32
        %dma_wait3A_186 = tpu.memref_slice %arg5[%dma_wait3A_184, %dma_wait3A_185] : memref<10000x80xf32, #tpu.memory_space<hbm>> -> memref<80x80xf32, #tpu.memory_space<hbm>>
        %dma_wait3A_187 = arith.constant 0 : i32
        %dma_wait3A_188 = arith.constant 0 : i32
        %dma_wait3A_189 = tpu.memref_slice %arg5[%dma_wait3A_187, %dma_wait3A_188] : memref<10000x80xf32, #tpu.memory_space<hbm>> -> memref<80x80xf32, #tpu.memory_space<hbm>>
        tpu.wait_dma2 semaphore(%arg21 : memref<!tpu.dma_semaphore, #tpu.memory_space<semaphore_mem>>) src(%dma_wait3A_189 : memref<80x80xf32, #tpu.memory_space<hbm>>) dst(%arg15 : memref<80x80xf32, #tpu.memory_space<vmem>>)
      } else {
      }
      %not3A_76 = arith.constant false
      %not3A_77 = arith.constant true
      %not3A_78 = arith.xori %not3A_76, %not3A_77 : i1
      %convert_element_type3A_79 = arith.extui %not3A_78 : i1 to i32
      %cond3A_80 = arith.constant 0 : i32
      %cond3A_81 = arith.cmpi ne, %convert_element_type3A_79, %cond3A_80 : i32
      scf.if %cond3A_81 {
        %add3A_184 = arith.constant 80 : i32
        %add3A_185 = arith.addi %add3A_41, %add3A_184 : i32
        %dma_start3A_186 = arith.constant 0 : i32
        %dma_start3A_187 = tpu.memref_slice %arg2[%dma_start3A_186, %add3A_185] : memref<2x640000xi32, #tpu.memory_space<hbm>> -> memref<1x80xi32, #tpu.memory_space<hbm>>
        %dma_start3A_188 = tpu.memref_squeeze %dma_start3A_187 : memref<1x80xi32, #tpu.memory_space<hbm>> -> memref<80xi32, #tpu.memory_space<hbm>>
        %dma_start3A_189 = tpu.memref_slice %arg2[%dma_start3A_186, %add3A_185] : memref<2x640000xi32, #tpu.memory_space<hbm>> -> memref<1x80xi32, #tpu.memory_space<hbm>>
        %dma_start3A_190 = tpu.memref_squeeze %dma_start3A_189 : memref<1x80xi32, #tpu.memory_space<hbm>> -> memref<80xi32, #tpu.memory_space<hbm>>
        tpu.enqueue_dma source(%dma_start3A_190 : memref<80xi32, #tpu.memory_space<hbm>>) target(%arg10 : memref<80xi32, #tpu.memory_space<vmem>>) target_semaphore(%arg18 : memref<!tpu.dma_semaphore, #tpu.memory_space<semaphore_mem>>)
        %dma_start3A_191 = arith.constant 1 : i32
        %dma_start3A_192 = tpu.memref_slice %arg2[%dma_start3A_191, %add3A_185] : memref<2x640000xi32, #tpu.memory_space<hbm>> -> memref<1x80xi32, #tpu.memory_space<hbm>>
        %dma_start3A_193 = tpu.memref_squeeze %dma_start3A_192 : memref<1x80xi32, #tpu.memory_space<hbm>> -> memref<80xi32, #tpu.memory_space<hbm>>
        %dma_start3A_194 = tpu.memref_slice %arg2[%dma_start3A_191, %add3A_185] : memref<2x640000xi32, #tpu.memory_space<hbm>> -> memref<1x80xi32, #tpu.memory_space<hbm>>
        %dma_start3A_195 = tpu.memref_squeeze %dma_start3A_194 : memref<1x80xi32, #tpu.memory_space<hbm>> -> memref<80xi32, #tpu.memory_space<hbm>>
        tpu.enqueue_dma source(%dma_start3A_195 : memref<80xi32, #tpu.memory_space<hbm>>) target(%arg11 : memref<80xi32, #tpu.memory_space<vmem>>) target_semaphore(%arg18 : memref<!tpu.dma_semaphore, #tpu.memory_space<semaphore_mem>>)
        %dma_start3A_196 = arith.constant 0 : i32
        %dma_start3A_197 = tpu.memref_slice %arg3[%add3A_185, %dma_start3A_196] : memref<640000x16xf32, #tpu.memory_space<hbm>> -> memref<80x16xf32, #tpu.memory_space<hbm>>
        %dma_start3A_198 = arith.constant 0 : i32
        %dma_start3A_199 = tpu.memref_slice %arg3[%add3A_185, %dma_start3A_198] : memref<640000x16xf32, #tpu.memory_space<hbm>> -> memref<80x16xf32, #tpu.memory_space<hbm>>
        tpu.enqueue_dma source(%dma_start3A_199 : memref<80x16xf32, #tpu.memory_space<hbm>>) target(%arg12 : memref<80x16xf32, #tpu.memory_space<vmem>>) target_semaphore(%arg18 : memref<!tpu.dma_semaphore, #tpu.memory_space<semaphore_mem>>)
      } else {
      }
      %dma_wait3A_82 = arith.constant 0 : i32
      %dma_wait3A_83 = arith.constant 0 : i32
      %dma_wait3A_84 = tpu.memref_slice %arg4[%dma_wait3A_82, %dma_wait3A_83] : memref<10000x64xf32, #tpu.memory_space<hbm>> -> memref<80x64xf32, #tpu.memory_space<hbm>>
      %dma_wait3A_85 = arith.constant 0 : i32
      %dma_wait3A_86 = arith.constant 0 : i32
      %dma_wait3A_87 = tpu.memref_slice %arg4[%dma_wait3A_85, %dma_wait3A_86] : memref<10000x64xf32, #tpu.memory_space<hbm>> -> memref<80x64xf32, #tpu.memory_space<hbm>>
      tpu.wait_dma2 semaphore(%arg19 : memref<!tpu.dma_semaphore, #tpu.memory_space<semaphore_mem>>) src(%dma_wait3A_87 : memref<80x64xf32, #tpu.memory_space<hbm>>) dst(%arg13 : memref<80x64xf32, #tpu.memory_space<vmem>>)
      %dma_wait3A_88 = arith.constant 0 : i32
      %dma_wait3A_89 = arith.constant 0 : i32
      %dma_wait3A_90 = tpu.memref_slice %arg4[%dma_wait3A_88, %dma_wait3A_89] : memref<10000x64xf32, #tpu.memory_space<hbm>> -> memref<80x64xf32, #tpu.memory_space<hbm>>
      %dma_wait3A_91 = arith.constant 0 : i32
      %dma_wait3A_92 = arith.constant 0 : i32
      %dma_wait3A_93 = tpu.memref_slice %arg4[%dma_wait3A_91, %dma_wait3A_92] : memref<10000x64xf32, #tpu.memory_space<hbm>> -> memref<80x64xf32, #tpu.memory_space<hbm>>
      tpu.wait_dma2 semaphore(%arg20 : memref<!tpu.dma_semaphore, #tpu.memory_space<semaphore_mem>>) src(%dma_wait3A_93 : memref<80x64xf32, #tpu.memory_space<hbm>>) dst(%arg14 : memref<80x64xf32, #tpu.memory_space<vmem>>)
      %scan3A_94 = arith.constant 0 : i32
      %scan3A_95 = arith.constant 0 : i32
      %scan3A_96 = arith.constant 80 : i32
      %scan3A_97 = arith.addi %scan3A_95, %scan3A_96 : i32
      %scan3A_98 = arith.constant 2 : i32
      scf.for %scan3A_184 = %scan3A_95 to %scan3A_97 step %scan3A_98  : i32 {
        %get3A = arith.index_cast %scan3A_184 : i32 to index
        %get3A_185 = arith.constant 0 : index
        %get3A_186 = tpu.vector_load %arg9[%get3A, %get3A_185] {strides = array<i32>} : memref<80x16xf32, #tpu.memory_space<vmem>>, vector<16xf32>,
        %swap3A = arith.index_cast %scan3A_184 : i32 to index
        %swap3A_187 = arith.constant 64 : index
        %swap3A_188 = tpu.vector_load %arg15[%swap3A, %swap3A_187] {strides = array<i32>} : memref<80x80xf32, #tpu.memory_space<vmem>>, vector<16xf32>,
        tpu.vector_store %arg15[%swap3A, %swap3A_187], %get3A_186 {strides = array<i32>} : memref<80x80xf32, #tpu.memory_space<vmem>>, vector<16xf32>,
        %get3A_189 = arith.index_cast %scan3A_184 : i32 to index
        %get3A_190 = arith.constant 0 : index
        %get3A_191 = tpu.vector_load %arg13[%get3A_189, %get3A_190] {strides = array<i32>} : memref<80x64xf32, #tpu.memory_space<vmem>>, vector<16xf32>,
        %get3A_192 = arith.index_cast %scan3A_184 : i32 to index
        %get3A_193 = arith.constant 0 : index
        %get3A_194 = tpu.vector_load %arg14[%get3A_192, %get3A_193] {strides = array<i32>} : memref<80x64xf32, #tpu.memory_space<vmem>>, vector<16xf32>,
        %add3A_195 = arith.addf %get3A_191, %get3A_194 : vector<16xf32>
        %slice3A = vector.extract_strided_slice %get3A_186 {offsets = [0], sizes = [1], strides = [1]} : vector<16xf32> to vector<1xf32>
        %squeeze3A = vector.extract %slice3A[0] : f32 from vector<1xf32>
        %mul3A_196 = vector.broadcast %squeeze3A : f32 to vector<16xf32>
        %mul3A_197 = arith.mulf %add3A_195, %mul3A_196 : vector<16xf32>
        %swap3A_198 = arith.index_cast %scan3A_184 : i32 to index
        %swap3A_199 = arith.constant 0 : index
        %swap3A_200 = tpu.vector_load %arg15[%swap3A_198, %swap3A_199] {strides = array<i32>} : memref<80x80xf32, #tpu.memory_space<vmem>>, vector<16xf32>,
        tpu.vector_store %arg15[%swap3A_198, %swap3A_199], %mul3A_197 {strides = array<i32>} : memref<80x80xf32, #tpu.memory_space<vmem>>, vector<16xf32>,
        %get3A_201 = arith.index_cast %scan3A_184 : i32 to index
        %get3A_202 = arith.constant 16 : index
        %get3A_203 = tpu.vector_load %arg13[%get3A_201, %get3A_202] {strides = array<i32>} : memref<80x64xf32, #tpu.memory_space<vmem>>, vector<16xf32>,
        %get3A_204 = arith.index_cast %scan3A_184 : i32 to index
        %get3A_205 = arith.constant 16 : index
        %get3A_206 = tpu.vector_load %arg14[%get3A_204, %get3A_205] {strides = array<i32>} : memref<80x64xf32, #tpu.memory_space<vmem>>, vector<16xf32>,
        %add3A_207 = arith.addf %get3A_203, %get3A_206 : vector<16xf32>
        %slice3A_208 = vector.extract_strided_slice %get3A_186 {offsets = [1], sizes = [1], strides = [1]} : vector<16xf32> to vector<1xf32>
        %squeeze3A_209 = vector.extract %slice3A_208[0] : f32 from vector<1xf32>
        %mul3A_210 = vector.broadcast %squeeze3A_209 : f32 to vector<16xf32>
        %mul3A_211 = arith.mulf %add3A_207, %mul3A_210 : vector<16xf32>
        %swap3A_212 = arith.index_cast %scan3A_184 : i32 to index
        %swap3A_213 = arith.constant 16 : index
        %swap3A_214 = tpu.vector_load %arg15[%swap3A_212, %swap3A_213] {strides = array<i32>} : memref<80x80xf32, #tpu.memory_space<vmem>>, vector<16xf32>,
        tpu.vector_store %arg15[%swap3A_212, %swap3A_213], %mul3A_211 {strides = array<i32>} : memref<80x80xf32, #tpu.memory_space<vmem>>, vector<16xf32>,
        %get3A_215 = arith.index_cast %scan3A_184 : i32 to index
        %get3A_216 = arith.constant 32 : index
        %get3A_217 = tpu.vector_load %arg13[%get3A_215, %get3A_216] {strides = array<i32>} : memref<80x64xf32, #tpu.memory_space<vmem>>, vector<16xf32>,
        %get3A_218 = arith.index_cast %scan3A_184 : i32 to index
        %get3A_219 = arith.constant 32 : index
        %get3A_220 = tpu.vector_load %arg14[%get3A_218, %get3A_219] {strides = array<i32>} : memref<80x64xf32, #tpu.memory_space<vmem>>, vector<16xf32>,
        %add3A_221 = arith.addf %get3A_217, %get3A_220 : vector<16xf32>
        %slice3A_222 = vector.extract_strided_slice %get3A_186 {offsets = [2], sizes = [1], strides = [1]} : vector<16xf32> to vector<1xf32>
        %squeeze3A_223 = vector.extract %slice3A_222[0] : f32 from vector<1xf32>
        %mul3A_224 = vector.broadcast %squeeze3A_223 : f32 to vector<16xf32>
        %mul3A_225 = arith.mulf %add3A_221, %mul3A_224 : vector<16xf32>
        %swap3A_226 = arith.index_cast %scan3A_184 : i32 to index
        %swap3A_227 = arith.constant 32 : index
        %swap3A_228 = tpu.vector_load %arg15[%swap3A_226, %swap3A_227] {strides = array<i32>} : memref<80x80xf32, #tpu.memory_space<vmem>>, vector<16xf32>,
        tpu.vector_store %arg15[%swap3A_226, %swap3A_227], %mul3A_225 {strides = array<i32>} : memref<80x80xf32, #tpu.memory_space<vmem>>, vector<16xf32>,
        %get3A_229 = arith.index_cast %scan3A_184 : i32 to index
        %get3A_230 = arith.constant 48 : index
        %get3A_231 = tpu.vector_load %arg13[%get3A_229, %get3A_230] {strides = array<i32>} : memref<80x64xf32, #tpu.memory_space<vmem>>, vector<16xf32>,
        %get3A_232 = arith.index_cast %scan3A_184 : i32 to index
        %get3A_233 = arith.constant 48 : index
        %get3A_234 = tpu.vector_load %arg14[%get3A_232, %get3A_233] {strides = array<i32>} : memref<80x64xf32, #tpu.memory_space<vmem>>, vector<16xf32>,
        %add3A_235 = arith.addf %get3A_231, %get3A_234 : vector<16xf32>
        %slice3A_236 = vector.extract_strided_slice %get3A_186 {offsets = [3], sizes = [1], strides = [1]} : vector<16xf32> to vector<1xf32>
        %squeeze3A_237 = vector.extract %slice3A_236[0] : f32 from vector<1xf32>
        %mul3A_238 = vector.broadcast %squeeze3A_237 : f32 to vector<16xf32>
        %mul3A_239 = arith.mulf %add3A_235, %mul3A_238 : vector<16xf32>
        %swap3A_240 = arith.index_cast %scan3A_184 : i32 to index
        %swap3A_241 = arith.constant 48 : index
        %swap3A_242 = tpu.vector_load %arg15[%swap3A_240, %swap3A_241] {strides = array<i32>} : memref<80x80xf32, #tpu.memory_space<vmem>>, vector<16xf32>,
        tpu.vector_store %arg15[%swap3A_240, %swap3A_241], %mul3A_239 {strides = array<i32>} : memref<80x80xf32, #tpu.memory_space<vmem>>, vector<16xf32>,
        %scan3A_243 = arith.constant 1 : i32
        %scan3A_244 = arith.addi %scan3A_184, %scan3A_243 : i32
        %get3A_245 = arith.index_cast %scan3A_244 : i32 to index
        %get3A_246 = arith.constant 0 : index
        %get3A_247 = tpu.vector_load %arg9[%get3A_245, %get3A_246] {strides = array<i32>} : memref<80x16xf32, #tpu.memory_space<vmem>>, vector<16xf32>,
        %swap3A_248 = arith.index_cast %scan3A_244 : i32 to index
        %swap3A_249 = arith.constant 64 : index
        %swap3A_250 = tpu.vector_load %arg15[%swap3A_248, %swap3A_249] {strides = array<i32>} : memref<80x80xf32, #tpu.memory_space<vmem>>, vector<16xf32>,
        tpu.vector_store %arg15[%swap3A_248, %swap3A_249], %get3A_247 {strides = array<i32>} : memref<80x80xf32, #tpu.memory_space<vmem>>, vector<16xf32>,
        %get3A_251 = arith.index_cast %scan3A_244 : i32 to index
        %get3A_252 = arith.constant 0 : index
        %get3A_253 = tpu.vector_load %arg13[%get3A_251, %get3A_252] {strides = array<i32>} : memref<80x64xf32, #tpu.memory_space<vmem>>, vector<16xf32>,
        %get3A_254 = arith.index_cast %scan3A_244 : i32 to index
        %get3A_255 = arith.constant 0 : index
        %get3A_256 = tpu.vector_load %arg14[%get3A_254, %get3A_255] {strides = array<i32>} : memref<80x64xf32, #tpu.memory_space<vmem>>, vector<16xf32>,
        %add3A_257 = arith.addf %get3A_253, %get3A_256 : vector<16xf32>
        %slice3A_258 = vector.extract_strided_slice %get3A_247 {offsets = [0], sizes = [1], strides = [1]} : vector<16xf32> to vector<1xf32>
        %squeeze3A_259 = vector.extract %slice3A_258[0] : f32 from vector<1xf32>
        %mul3A_260 = vector.broadcast %squeeze3A_259 : f32 to vector<16xf32>
        %mul3A_261 = arith.mulf %add3A_257, %mul3A_260 : vector<16xf32>
        %swap3A_262 = arith.index_cast %scan3A_244 : i32 to index
        %swap3A_263 = arith.constant 0 : index
        %swap3A_264 = tpu.vector_load %arg15[%swap3A_262, %swap3A_263] {strides = array<i32>} : memref<80x80xf32, #tpu.memory_space<vmem>>, vector<16xf32>,
        tpu.vector_store %arg15[%swap3A_262, %swap3A_263], %mul3A_261 {strides = array<i32>} : memref<80x80xf32, #tpu.memory_space<vmem>>, vector<16xf32>,
        %get3A_265 = arith.index_cast %scan3A_244 : i32 to index
        %get3A_266 = arith.constant 16 : index
        %get3A_267 = tpu.vector_load %arg13[%get3A_265, %get3A_266] {strides = array<i32>} : memref<80x64xf32, #tpu.memory_space<vmem>>, vector<16xf32>,
        %get3A_268 = arith.index_cast %scan3A_244 : i32 to index
        %get3A_269 = arith.constant 16 : index
        %get3A_270 = tpu.vector_load %arg14[%get3A_268, %get3A_269] {strides = array<i32>} : memref<80x64xf32, #tpu.memory_space<vmem>>, vector<16xf32>,
        %add3A_271 = arith.addf %get3A_267, %get3A_270 : vector<16xf32>
        %slice3A_272 = vector.extract_strided_slice %get3A_247 {offsets = [1], sizes = [1], strides = [1]} : vector<16xf32> to vector<1xf32>
        %squeeze3A_273 = vector.extract %slice3A_272[0] : f32 from vector<1xf32>
        %mul3A_274 = vector.broadcast %squeeze3A_273 : f32 to vector<16xf32>
        %mul3A_275 = arith.mulf %add3A_271, %mul3A_274 : vector<16xf32>
        %swap3A_276 = arith.index_cast %scan3A_244 : i32 to index
        %swap3A_277 = arith.constant 16 : index
        %swap3A_278 = tpu.vector_load %arg15[%swap3A_276, %swap3A_277] {strides = array<i32>} : memref<80x80xf32, #tpu.memory_space<vmem>>, vector<16xf32>,
        tpu.vector_store %arg15[%swap3A_276, %swap3A_277], %mul3A_275 {strides = array<i32>} : memref<80x80xf32, #tpu.memory_space<vmem>>, vector<16xf32>,
        %get3A_279 = arith.index_cast %scan3A_244 : i32 to index
        %get3A_280 = arith.constant 32 : index
        %get3A_281 = tpu.vector_load %arg13[%get3A_279, %get3A_280] {strides = array<i32>} : memref<80x64xf32, #tpu.memory_space<vmem>>, vector<16xf32>,
        %get3A_282 = arith.index_cast %scan3A_244 : i32 to index
        %get3A_283 = arith.constant 32 : index
        %get3A_284 = tpu.vector_load %arg14[%get3A_282, %get3A_283] {strides = array<i32>} : memref<80x64xf32, #tpu.memory_space<vmem>>, vector<16xf32>,
        %add3A_285 = arith.addf %get3A_281, %get3A_284 : vector<16xf32>
        %slice3A_286 = vector.extract_strided_slice %get3A_247 {offsets = [2], sizes = [1], strides = [1]} : vector<16xf32> to vector<1xf32>
        %squeeze3A_287 = vector.extract %slice3A_286[0] : f32 from vector<1xf32>
        %mul3A_288 = vector.broadcast %squeeze3A_287 : f32 to vector<16xf32>
        %mul3A_289 = arith.mulf %add3A_285, %mul3A_288 : vector<16xf32>
        %swap3A_290 = arith.index_cast %scan3A_244 : i32 to index
        %swap3A_291 = arith.constant 32 : index
        %swap3A_292 = tpu.vector_load %arg15[%swap3A_290, %swap3A_291] {strides = array<i32>} : memref<80x80xf32, #tpu.memory_space<vmem>>, vector<16xf32>,
        tpu.vector_store %arg15[%swap3A_290, %swap3A_291], %mul3A_289 {strides = array<i32>} : memref<80x80xf32, #tpu.memory_space<vmem>>, vector<16xf32>,
        %get3A_293 = arith.index_cast %scan3A_244 : i32 to index
        %get3A_294 = arith.constant 48 : index
        %get3A_295 = tpu.vector_load %arg13[%get3A_293, %get3A_294] {strides = array<i32>} : memref<80x64xf32, #tpu.memory_space<vmem>>, vector<16xf32>,
        %get3A_296 = arith.index_cast %scan3A_244 : i32 to index
        %get3A_297 = arith.constant 48 : index
        %get3A_298 = tpu.vector_load %arg14[%get3A_296, %get3A_297] {strides = array<i32>} : memref<80x64xf32, #tpu.memory_space<vmem>>, vector<16xf32>,
        %add3A_299 = arith.addf %get3A_295, %get3A_298 : vector<16xf32>
        %slice3A_300 = vector.extract_strided_slice %get3A_247 {offsets = [3], sizes = [1], strides = [1]} : vector<16xf32> to vector<1xf32>
        %squeeze3A_301 = vector.extract %slice3A_300[0] : f32 from vector<1xf32>
        %mul3A_302 = vector.broadcast %squeeze3A_301 : f32 to vector<16xf32>
        %mul3A_303 = arith.mulf %add3A_299, %mul3A_302 : vector<16xf32>
        %swap3A_304 = arith.index_cast %scan3A_244 : i32 to index
        %swap3A_305 = arith.constant 48 : index
        %swap3A_306 = tpu.vector_load %arg15[%swap3A_304, %swap3A_305] {strides = array<i32>} : memref<80x80xf32, #tpu.memory_space<vmem>>, vector<16xf32>,
        tpu.vector_store %arg15[%swap3A_304, %swap3A_305], %mul3A_303 {strides = array<i32>} : memref<80x80xf32, #tpu.memory_space<vmem>>, vector<16xf32>,
      }
      %scan3A_99 = arith.constant 80 : i32
      %dma_start3A_100 = arith.constant 0 : i32
      %dma_start3A_101 = arith.constant 0 : i32
      %dma_start3A_102 = tpu.memref_slice %arg15[%dma_start3A_100, %dma_start3A_101] : memref<80x80xf32, #tpu.memory_space<vmem>> -> memref<80x80xf32, #tpu.memory_space<vmem>>
      %dma_start3A_103 = arith.constant 0 : i32
      %dma_start3A_104 = tpu.memref_slice %arg8[%dma_start3A_103] : memref<80xi32, #tpu.memory_space<vmem>> -> memref<80xi32, #tpu.memory_space<vmem>>
      %dma_start3A_105 = arith.constant 0 : i32
      %dma_start3A_106 = arith.constant 0 : i32
      %dma_start3A_107 = tpu.memref_slice %arg17[%dma_start3A_105, %dma_start3A_106] : memref<10000x80xf32, #tpu.memory_space<vmem_shared>> -> memref<10000x80xf32, #tpu.memory_space<vmem_shared>>
      tpu.enqueue_indirect_dma source(%dma_start3A_102 : memref<80x80xf32, #tpu.memory_space<vmem>>) target(%dma_start3A_107 : memref<10000x80xf32, #tpu.memory_space<vmem_shared>>) offsets(%dma_start3A_104 : memref<80xi32, #tpu.memory_space<vmem>>) semaphore(%arg21 : memref<!tpu.dma_semaphore, #tpu.memory_space<semaphore_mem>>) {add = true}
      %add3A_108 = arith.constant 1 : i32
      %add3A_109 = arith.addi %mul3A_36, %add3A_108 : i32
      %add3A_110 = arith.constant 1 : i32
      %add3A_111 = arith.addi %mul3A_36, %add3A_110 : i32
      %eq3A_112 = arith.constant 249 : i32
      %eq3A_113 = arith.cmpi eq, %add3A_111, %eq3A_112 : i32
      %mul3A_114 = arith.constant 80 : i32
      %mul3A_115 = arith.muli %add3A_109, %mul3A_114 : i32
      %add3A_116 = arith.addi %mul3A_2, %mul3A_115 : i32
      %dma_wait3A_117 = arith.constant 0 : i32
      %dma_wait3A_118 = tpu.memref_slice %arg2[%dma_wait3A_117, %add3A_116] : memref<2x640000xi32, #tpu.memory_space<hbm>> -> memref<1x80xi32, #tpu.memory_space<hbm>>
      %dma_wait3A_119 = tpu.memref_squeeze %dma_wait3A_118 : memref<1x80xi32, #tpu.memory_space<hbm>> -> memref<80xi32, #tpu.memory_space<hbm>>
      %dma_wait3A_120 = tpu.memref_slice %arg2[%dma_wait3A_117, %add3A_116] : memref<2x640000xi32, #tpu.memory_space<hbm>> -> memref<1x80xi32, #tpu.memory_space<hbm>>
      %dma_wait3A_121 = tpu.memref_squeeze %dma_wait3A_120 : memref<1x80xi32, #tpu.memory_space<hbm>> -> memref<80xi32, #tpu.memory_space<hbm>>
      tpu.wait_dma2 semaphore(%arg18 : memref<!tpu.dma_semaphore, #tpu.memory_space<semaphore_mem>>) src(%dma_wait3A_121 : memref<80xi32, #tpu.memory_space<hbm>>) dst(%arg10 : memref<80xi32, #tpu.memory_space<vmem>>)
      %dma_wait3A_122 = arith.constant 1 : i32
      %dma_wait3A_123 = tpu.memref_slice %arg2[%dma_wait3A_122, %add3A_116] : memref<2x640000xi32, #tpu.memory_space<hbm>> -> memref<1x80xi32, #tpu.memory_space<hbm>>
      %dma_wait3A_124 = tpu.memref_squeeze %dma_wait3A_123 : memref<1x80xi32, #tpu.memory_space<hbm>> -> memref<80xi32, #tpu.memory_space<hbm>>
      %dma_wait3A_125 = tpu.memref_slice %arg2[%dma_wait3A_122, %add3A_116] : memref<2x640000xi32, #tpu.memory_space<hbm>> -> memref<1x80xi32, #tpu.memory_space<hbm>>
      %dma_wait3A_126 = tpu.memref_squeeze %dma_wait3A_125 : memref<1x80xi32, #tpu.memory_space<hbm>> -> memref<80xi32, #tpu.memory_space<hbm>>
      tpu.wait_dma2 semaphore(%arg18 : memref<!tpu.dma_semaphore, #tpu.memory_space<semaphore_mem>>) src(%dma_wait3A_126 : memref<80xi32, #tpu.memory_space<hbm>>) dst(%arg11 : memref<80xi32, #tpu.memory_space<vmem>>)
      %dma_wait3A_127 = arith.constant 0 : i32
      %dma_wait3A_128 = tpu.memref_slice %arg3[%add3A_116, %dma_wait3A_127] : memref<640000x16xf32, #tpu.memory_space<hbm>> -> memref<80x16xf32, #tpu.memory_space<hbm>>
      %dma_wait3A_129 = arith.constant 0 : i32
      %dma_wait3A_130 = tpu.memref_slice %arg3[%add3A_116, %dma_wait3A_129] : memref<640000x16xf32, #tpu.memory_space<hbm>> -> memref<80x16xf32, #tpu.memory_space<hbm>>
      tpu.wait_dma2 semaphore(%arg18 : memref<!tpu.dma_semaphore, #tpu.memory_space<semaphore_mem>>) src(%dma_wait3A_130 : memref<80x16xf32, #tpu.memory_space<hbm>>) dst(%arg12 : memref<80x16xf32, #tpu.memory_space<vmem>>)
      %dma_start3A_131 = arith.constant 0 : i32
      %dma_start3A_132 = arith.constant 0 : i32
      %dma_start3A_133 = tpu.memref_slice %arg13[%dma_start3A_131, %dma_start3A_132] : memref<80x64xf32, #tpu.memory_space<vmem>> -> memref<80x64xf32, #tpu.memory_space<vmem>>
      %dma_start3A_134 = arith.constant 0 : i32
      %dma_start3A_135 = tpu.memref_slice %arg10[%dma_start3A_134] : memref<80xi32, #tpu.memory_space<vmem>> -> memref<80xi32, #tpu.memory_space<vmem>>
      %dma_start3A_136 = arith.constant 0 : i32
      %dma_start3A_137 = arith.constant 0 : i32
      %dma_start3A_138 = tpu.memref_slice %arg16[%dma_start3A_136, %dma_start3A_137] : memref<10000x64xf32, #tpu.memory_space<vmem_shared>> -> memref<10000x64xf32, #tpu.memory_space<vmem_shared>>
      tpu.enqueue_indirect_dma source(%dma_start3A_138 : memref<10000x64xf32, #tpu.memory_space<vmem_shared>>) target(%dma_start3A_133 : memref<80x64xf32, #tpu.memory_space<vmem>>) offsets(%dma_start3A_135 : memref<80xi32, #tpu.memory_space<vmem>>) semaphore(%arg19 : memref<!tpu.dma_semaphore, #tpu.memory_space<semaphore_mem>>)
      %dma_start3A_139 = arith.constant 0 : i32
      %dma_start3A_140 = arith.constant 0 : i32
      %dma_start3A_141 = tpu.memref_slice %arg14[%dma_start3A_139, %dma_start3A_140] : memref<80x64xf32, #tpu.memory_space<vmem>> -> memref<80x64xf32, #tpu.memory_space<vmem>>
      %dma_start3A_142 = arith.constant 0 : i32
      %dma_start3A_143 = tpu.memref_slice %arg11[%dma_start3A_142] : memref<80xi32, #tpu.memory_space<vmem>> -> memref<80xi32, #tpu.memory_space<vmem>>
      %dma_start3A_144 = arith.constant 0 : i32
      %dma_start3A_145 = arith.constant 0 : i32
      %dma_start3A_146 = tpu.memref_slice %arg16[%dma_start3A_144, %dma_start3A_145] : memref<10000x64xf32, #tpu.memory_space<vmem_shared>> -> memref<10000x64xf32, #tpu.memory_space<vmem_shared>>
      tpu.enqueue_indirect_dma source(%dma_start3A_146 : memref<10000x64xf32, #tpu.memory_space<vmem_shared>>) target(%dma_start3A_141 : memref<80x64xf32, #tpu.memory_space<vmem>>) offsets(%dma_start3A_143 : memref<80xi32, #tpu.memory_space<vmem>>) semaphore(%arg20 : memref<!tpu.dma_semaphore, #tpu.memory_space<semaphore_mem>>)
      %not3A_147 = arith.constant false
      %not3A_148 = arith.constant true
      %not3A_149 = arith.xori %not3A_147, %not3A_148 : i1
      %convert_element_type3A_150 = arith.extui %not3A_149 : i1 to i32
      %cond3A_151 = arith.constant 0 : i32
      %cond3A_152 = arith.cmpi ne, %convert_element_type3A_150, %cond3A_151 : i32
      scf.if %cond3A_152 {
        %dma_wait3A_184 = arith.constant 0 : i32
        %dma_wait3A_185 = arith.constant 0 : i32
        %dma_wait3A_186 = tpu.memref_slice %arg5[%dma_wait3A_184, %dma_wait3A_185] : memref<10000x80xf32, #tpu.memory_space<hbm>> -> memref<80x80xf32, #tpu.memory_space<hbm>>
        %dma_wait3A_187 = arith.constant 0 : i32
        %dma_wait3A_188 = arith.constant 0 : i32
        %dma_wait3A_189 = tpu.memref_slice %arg5[%dma_wait3A_187, %dma_wait3A_188] : memref<10000x80xf32, #tpu.memory_space<hbm>> -> memref<80x80xf32, #tpu.memory_space<hbm>>
        tpu.wait_dma2 semaphore(%arg21 : memref<!tpu.dma_semaphore, #tpu.memory_space<semaphore_mem>>) src(%dma_wait3A_189 : memref<80x80xf32, #tpu.memory_space<hbm>>) dst(%arg15 : memref<80x80xf32, #tpu.memory_space<vmem>>)
      } else {
      }
      %not3A_153 = arith.constant true
      %not3A_154 = arith.xori %eq3A_113, %not3A_153 : i1
      %convert_element_type3A_155 = arith.extui %not3A_154 : i1 to i32
      %cond3A_156 = arith.constant 0 : i32
      %cond3A_157 = arith.cmpi ne, %convert_element_type3A_155, %cond3A_156 : i32
      scf.if %cond3A_157 {
        %add3A_184 = arith.constant 80 : i32
        %add3A_185 = arith.addi %add3A_116, %add3A_184 : i32
        %dma_start3A_186 = arith.constant 0 : i32
        %dma_start3A_187 = tpu.memref_slice %arg2[%dma_start3A_186, %add3A_185] : memref<2x640000xi32, #tpu.memory_space<hbm>> -> memref<1x80xi32, #tpu.memory_space<hbm>>
        %dma_start3A_188 = tpu.memref_squeeze %dma_start3A_187 : memref<1x80xi32, #tpu.memory_space<hbm>> -> memref<80xi32, #tpu.memory_space<hbm>>
        %dma_start3A_189 = tpu.memref_slice %arg2[%dma_start3A_186, %add3A_185] : memref<2x640000xi32, #tpu.memory_space<hbm>> -> memref<1x80xi32, #tpu.memory_space<hbm>>
        %dma_start3A_190 = tpu.memref_squeeze %dma_start3A_189 : memref<1x80xi32, #tpu.memory_space<hbm>> -> memref<80xi32, #tpu.memory_space<hbm>>
        tpu.enqueue_dma source(%dma_start3A_190 : memref<80xi32, #tpu.memory_space<hbm>>) target(%arg7 : memref<80xi32, #tpu.memory_space<vmem>>) target_semaphore(%arg18 : memref<!tpu.dma_semaphore, #tpu.memory_space<semaphore_mem>>)
        %dma_start3A_191 = arith.constant 1 : i32
        %dma_start3A_192 = tpu.memref_slice %arg2[%dma_start3A_191, %add3A_185] : memref<2x640000xi32, #tpu.memory_space<hbm>> -> memref<1x80xi32, #tpu.memory_space<hbm>>
        %dma_start3A_193 = tpu.memref_squeeze %dma_start3A_192 : memref<1x80xi32, #tpu.memory_space<hbm>> -> memref<80xi32, #tpu.memory_space<hbm>>
        %dma_start3A_194 = tpu.memref_slice %arg2[%dma_start3A_191, %add3A_185] : memref<2x640000xi32, #tpu.memory_space<hbm>> -> memref<1x80xi32, #tpu.memory_space<hbm>>
        %dma_start3A_195 = tpu.memref_squeeze %dma_start3A_194 : memref<1x80xi32, #tpu.memory_space<hbm>> -> memref<80xi32, #tpu.memory_space<hbm>>
        tpu.enqueue_dma source(%dma_start3A_195 : memref<80xi32, #tpu.memory_space<hbm>>) target(%arg8 : memref<80xi32, #tpu.memory_space<vmem>>) target_semaphore(%arg18 : memref<!tpu.dma_semaphore, #tpu.memory_space<semaphore_mem>>)
        %dma_start3A_196 = arith.constant 0 : i32
        %dma_start3A_197 = tpu.memref_slice %arg3[%add3A_185, %dma_start3A_196] : memref<640000x16xf32, #tpu.memory_space<hbm>> -> memref<80x16xf32, #tpu.memory_space<hbm>>
        %dma_start3A_198 = arith.constant 0 : i32
        %dma_start3A_199 = tpu.memref_slice %arg3[%add3A_185, %dma_start3A_198] : memref<640000x16xf32, #tpu.memory_space<hbm>> -> memref<80x16xf32, #tpu.memory_space<hbm>>
        tpu.enqueue_dma source(%dma_start3A_199 : memref<80x16xf32, #tpu.memory_space<hbm>>) target(%arg9 : memref<80x16xf32, #tpu.memory_space<vmem>>) target_semaphore(%arg18 : memref<!tpu.dma_semaphore, #tpu.memory_space<semaphore_mem>>)
      } else {
      }
      %dma_wait3A_158 = arith.constant 0 : i32
      %dma_wait3A_159 = arith.constant 0 : i32
      %dma_wait3A_160 = tpu.memref_slice %arg4[%dma_wait3A_158, %dma_wait3A_159] : memref<10000x64xf32, #tpu.memory_space<hbm>> -> memref<80x64xf32, #tpu.memory_space<hbm>>
      %dma_wait3A_161 = arith.constant 0 : i32
      %dma_wait3A_162 = arith.constant 0 : i32
      %dma_wait3A_163 = tpu.memref_slice %arg4[%dma_wait3A_161, %dma_wait3A_162] : memref<10000x64xf32, #tpu.memory_space<hbm>> -> memref<80x64xf32, #tpu.memory_space<hbm>>
      tpu.wait_dma2 semaphore(%arg19 : memref<!tpu.dma_semaphore, #tpu.memory_space<semaphore_mem>>) src(%dma_wait3A_163 : memref<80x64xf32, #tpu.memory_space<hbm>>) dst(%arg13 : memref<80x64xf32, #tpu.memory_space<vmem>>)
      %dma_wait3A_164 = arith.constant 0 : i32
      %dma_wait3A_165 = arith.constant 0 : i32
      %dma_wait3A_166 = tpu.memref_slice %arg4[%dma_wait3A_164, %dma_wait3A_165] : memref<10000x64xf32, #tpu.memory_space<hbm>> -> memref<80x64xf32, #tpu.memory_space<hbm>>
      %dma_wait3A_167 = arith.constant 0 : i32
      %dma_wait3A_168 = arith.constant 0 : i32
      %dma_wait3A_169 = tpu.memref_slice %arg4[%dma_wait3A_167, %dma_wait3A_168] : memref<10000x64xf32, #tpu.memory_space<hbm>> -> memref<80x64xf32, #tpu.memory_space<hbm>>
      tpu.wait_dma2 semaphore(%arg20 : memref<!tpu.dma_semaphore, #tpu.memory_space<semaphore_mem>>) src(%dma_wait3A_169 : memref<80x64xf32, #tpu.memory_space<hbm>>) dst(%arg14 : memref<80x64xf32, #tpu.memory_space<vmem>>)
      %scan3A_170 = arith.constant 0 : i32
      %scan3A_171 = arith.constant 0 : i32
      %scan3A_172 = arith.constant 80 : i32
      %scan3A_173 = arith.addi %scan3A_171, %scan3A_172 : i32
      %scan3A_174 = arith.constant 2 : i32
      scf.for %scan3A_184 = %scan3A_171 to %scan3A_173 step %scan3A_174  : i32 {
        %get3A = arith.index_cast %scan3A_184 : i32 to index
        %get3A_185 = arith.constant 0 : index
        %get3A_186 = tpu.vector_load %arg12[%get3A, %get3A_185] {strides = array<i32>} : memref<80x16xf32, #tpu.memory_space<vmem>>, vector<16xf32>,
        %swap3A = arith.index_cast %scan3A_184 : i32 to index
        %swap3A_187 = arith.constant 64 : index
        %swap3A_188 = tpu.vector_load %arg15[%swap3A, %swap3A_187] {strides = array<i32>} : memref<80x80xf32, #tpu.memory_space<vmem>>, vector<16xf32>,
        tpu.vector_store %arg15[%swap3A, %swap3A_187], %get3A_186 {strides = array<i32>} : memref<80x80xf32, #tpu.memory_space<vmem>>, vector<16xf32>,
        %get3A_189 = arith.index_cast %scan3A_184 : i32 to index
        %get3A_190 = arith.constant 0 : index
        %get3A_191 = tpu.vector_load %arg13[%get3A_189, %get3A_190] {strides = array<i32>} : memref<80x64xf32, #tpu.memory_space<vmem>>, vector<16xf32>,
        %get3A_192 = arith.index_cast %scan3A_184 : i32 to index
        %get3A_193 = arith.constant 0 : index
        %get3A_194 = tpu.vector_load %arg14[%get3A_192, %get3A_193] {strides = array<i32>} : memref<80x64xf32, #tpu.memory_space<vmem>>, vector<16xf32>,
        %add3A_195 = arith.addf %get3A_191, %get3A_194 : vector<16xf32>
        %slice3A = vector.extract_strided_slice %get3A_186 {offsets = [0], sizes = [1], strides = [1]} : vector<16xf32> to vector<1xf32>
        %squeeze3A = vector.extract %slice3A[0] : f32 from vector<1xf32>
        %mul3A_196 = vector.broadcast %squeeze3A : f32 to vector<16xf32>
        %mul3A_197 = arith.mulf %add3A_195, %mul3A_196 : vector<16xf32>
        %swap3A_198 = arith.index_cast %scan3A_184 : i32 to index
        %swap3A_199 = arith.constant 0 : index
        %swap3A_200 = tpu.vector_load %arg15[%swap3A_198, %swap3A_199] {strides = array<i32>} : memref<80x80xf32, #tpu.memory_space<vmem>>, vector<16xf32>,
        tpu.vector_store %arg15[%swap3A_198, %swap3A_199], %mul3A_197 {strides = array<i32>} : memref<80x80xf32, #tpu.memory_space<vmem>>, vector<16xf32>,
        %get3A_201 = arith.index_cast %scan3A_184 : i32 to index
        %get3A_202 = arith.constant 16 : index
        %get3A_203 = tpu.vector_load %arg13[%get3A_201, %get3A_202] {strides = array<i32>} : memref<80x64xf32, #tpu.memory_space<vmem>>, vector<16xf32>,
        %get3A_204 = arith.index_cast %scan3A_184 : i32 to index
        %get3A_205 = arith.constant 16 : index
        %get3A_206 = tpu.vector_load %arg14[%get3A_204, %get3A_205] {strides = array<i32>} : memref<80x64xf32, #tpu.memory_space<vmem>>, vector<16xf32>,
        %add3A_207 = arith.addf %get3A_203, %get3A_206 : vector<16xf32>
        %slice3A_208 = vector.extract_strided_slice %get3A_186 {offsets = [1], sizes = [1], strides = [1]} : vector<16xf32> to vector<1xf32>
        %squeeze3A_209 = vector.extract %slice3A_208[0] : f32 from vector<1xf32>
        %mul3A_210 = vector.broadcast %squeeze3A_209 : f32 to vector<16xf32>
        %mul3A_211 = arith.mulf %add3A_207, %mul3A_210 : vector<16xf32>
        %swap3A_212 = arith.index_cast %scan3A_184 : i32 to index
        %swap3A_213 = arith.constant 16 : index
        %swap3A_214 = tpu.vector_load %arg15[%swap3A_212, %swap3A_213] {strides = array<i32>} : memref<80x80xf32, #tpu.memory_space<vmem>>, vector<16xf32>,
        tpu.vector_store %arg15[%swap3A_212, %swap3A_213], %mul3A_211 {strides = array<i32>} : memref<80x80xf32, #tpu.memory_space<vmem>>, vector<16xf32>,
        %get3A_215 = arith.index_cast %scan3A_184 : i32 to index
        %get3A_216 = arith.constant 32 : index
        %get3A_217 = tpu.vector_load %arg13[%get3A_215, %get3A_216] {strides = array<i32>} : memref<80x64xf32, #tpu.memory_space<vmem>>, vector<16xf32>,
        %get3A_218 = arith.index_cast %scan3A_184 : i32 to index
        %get3A_219 = arith.constant 32 : index
        %get3A_220 = tpu.vector_load %arg14[%get3A_218, %get3A_219] {strides = array<i32>} : memref<80x64xf32, #tpu.memory_space<vmem>>, vector<16xf32>,
        %add3A_221 = arith.addf %get3A_217, %get3A_220 : vector<16xf32>
        %slice3A_222 = vector.extract_strided_slice %get3A_186 {offsets = [2], sizes = [1], strides = [1]} : vector<16xf32> to vector<1xf32>
        %squeeze3A_223 = vector.extract %slice3A_222[0] : f32 from vector<1xf32>
        %mul3A_224 = vector.broadcast %squeeze3A_223 : f32 to vector<16xf32>
        %mul3A_225 = arith.mulf %add3A_221, %mul3A_224 : vector<16xf32>
        %swap3A_226 = arith.index_cast %scan3A_184 : i32 to index
        %swap3A_227 = arith.constant 32 : index
        %swap3A_228 = tpu.vector_load %arg15[%swap3A_226, %swap3A_227] {strides = array<i32>} : memref<80x80xf32, #tpu.memory_space<vmem>>, vector<16xf32>,
        tpu.vector_store %arg15[%swap3A_226, %swap3A_227], %mul3A_225 {strides = array<i32>} : memref<80x80xf32, #tpu.memory_space<vmem>>, vector<16xf32>,
        %get3A_229 = arith.index_cast %scan3A_184 : i32 to index
        %get3A_230 = arith.constant 48 : index
        %get3A_231 = tpu.vector_load %arg13[%get3A_229, %get3A_230] {strides = array<i32>} : memref<80x64xf32, #tpu.memory_space<vmem>>, vector<16xf32>,
        %get3A_232 = arith.index_cast %scan3A_184 : i32 to index
        %get3A_233 = arith.constant 48 : index
        %get3A_234 = tpu.vector_load %arg14[%get3A_232, %get3A_233] {strides = array<i32>} : memref<80x64xf32, #tpu.memory_space<vmem>>, vector<16xf32>,
        %add3A_235 = arith.addf %get3A_231, %get3A_234 : vector<16xf32>
        %slice3A_236 = vector.extract_strided_slice %get3A_186 {offsets = [3], sizes = [1], strides = [1]} : vector<16xf32> to vector<1xf32>
        %squeeze3A_237 = vector.extract %slice3A_236[0] : f32 from vector<1xf32>
        %mul3A_238 = vector.broadcast %squeeze3A_237 : f32 to vector<16xf32>
        %mul3A_239 = arith.mulf %add3A_235, %mul3A_238 : vector<16xf32>
        %swap3A_240 = arith.index_cast %scan3A_184 : i32 to index
        %swap3A_241 = arith.constant 48 : index
        %swap3A_242 = tpu.vector_load %arg15[%swap3A_240, %swap3A_241] {strides = array<i32>} : memref<80x80xf32, #tpu.memory_space<vmem>>, vector<16xf32>,
        tpu.vector_store %arg15[%swap3A_240, %swap3A_241], %mul3A_239 {strides = array<i32>} : memref<80x80xf32, #tpu.memory_space<vmem>>, vector<16xf32>,
        %scan3A_243 = arith.constant 1 : i32
        %scan3A_244 = arith.addi %scan3A_184, %scan3A_243 : i32
        %get3A_245 = arith.index_cast %scan3A_244 : i32 to index
        %get3A_246 = arith.constant 0 : index
        %get3A_247 = tpu.vector_load %arg12[%get3A_245, %get3A_246] {strides = array<i32>} : memref<80x16xf32, #tpu.memory_space<vmem>>, vector<16xf32>,
        %swap3A_248 = arith.index_cast %scan3A_244 : i32 to index
        %swap3A_249 = arith.constant 64 : index
        %swap3A_250 = tpu.vector_load %arg15[%swap3A_248, %swap3A_249] {strides = array<i32>} : memref<80x80xf32, #tpu.memory_space<vmem>>, vector<16xf32>,
        tpu.vector_store %arg15[%swap3A_248, %swap3A_249], %get3A_247 {strides = array<i32>} : memref<80x80xf32, #tpu.memory_space<vmem>>, vector<16xf32>,
        %get3A_251 = arith.index_cast %scan3A_244 : i32 to index
        %get3A_252 = arith.constant 0 : index
        %get3A_253 = tpu.vector_load %arg13[%get3A_251, %get3A_252] {strides = array<i32>} : memref<80x64xf32, #tpu.memory_space<vmem>>, vector<16xf32>,
        %get3A_254 = arith.index_cast %scan3A_244 : i32 to index
        %get3A_255 = arith.constant 0 : index
        %get3A_256 = tpu.vector_load %arg14[%get3A_254, %get3A_255] {strides = array<i32>} : memref<80x64xf32, #tpu.memory_space<vmem>>, vector<16xf32>,
        %add3A_257 = arith.addf %get3A_253, %get3A_256 : vector<16xf32>
        %slice3A_258 = vector.extract_strided_slice %get3A_247 {offsets = [0], sizes = [1], strides = [1]} : vector<16xf32> to vector<1xf32>
        %squeeze3A_259 = vector.extract %slice3A_258[0] : f32 from vector<1xf32>
        %mul3A_260 = vector.broadcast %squeeze3A_259 : f32 to vector<16xf32>
        %mul3A_261 = arith.mulf %add3A_257, %mul3A_260 : vector<16xf32>
        %swap3A_262 = arith.index_cast %scan3A_244 : i32 to index
        %swap3A_263 = arith.constant 0 : index
        %swap3A_264 = tpu.vector_load %arg15[%swap3A_262, %swap3A_263] {strides = array<i32>} : memref<80x80xf32, #tpu.memory_space<vmem>>, vector<16xf32>,
        tpu.vector_store %arg15[%swap3A_262, %swap3A_263], %mul3A_261 {strides = array<i32>} : memref<80x80xf32, #tpu.memory_space<vmem>>, vector<16xf32>,
        %get3A_265 = arith.index_cast %scan3A_244 : i32 to index
        %get3A_266 = arith.constant 16 : index
        %get3A_267 = tpu.vector_load %arg13[%get3A_265, %get3A_266] {strides = array<i32>} : memref<80x64xf32, #tpu.memory_space<vmem>>, vector<16xf32>,
        %get3A_268 = arith.index_cast %scan3A_244 : i32 to index
        %get3A_269 = arith.constant 16 : index
        %get3A_270 = tpu.vector_load %arg14[%get3A_268, %get3A_269] {strides = array<i32>} : memref<80x64xf32, #tpu.memory_space<vmem>>, vector<16xf32>,
        %add3A_271 = arith.addf %get3A_267, %get3A_270 : vector<16xf32>
        %slice3A_272 = vector.extract_strided_slice %get3A_247 {offsets = [1], sizes = [1], strides = [1]} : vector<16xf32> to vector<1xf32>
        %squeeze3A_273 = vector.extract %slice3A_272[0] : f32 from vector<1xf32>
        %mul3A_274 = vector.broadcast %squeeze3A_273 : f32 to vector<16xf32>
        %mul3A_275 = arith.mulf %add3A_271, %mul3A_274 : vector<16xf32>
        %swap3A_276 = arith.index_cast %scan3A_244 : i32 to index
        %swap3A_277 = arith.constant 16 : index
        %swap3A_278 = tpu.vector_load %arg15[%swap3A_276, %swap3A_277] {strides = array<i32>} : memref<80x80xf32, #tpu.memory_space<vmem>>, vector<16xf32>,
        tpu.vector_store %arg15[%swap3A_276, %swap3A_277], %mul3A_275 {strides = array<i32>} : memref<80x80xf32, #tpu.memory_space<vmem>>, vector<16xf32>,
        %get3A_279 = arith.index_cast %scan3A_244 : i32 to index
        %get3A_280 = arith.constant 32 : index
        %get3A_281 = tpu.vector_load %arg13[%get3A_279, %get3A_280] {strides = array<i32>} : memref<80x64xf32, #tpu.memory_space<vmem>>, vector<16xf32>,
        %get3A_282 = arith.index_cast %scan3A_244 : i32 to index
        %get3A_283 = arith.constant 32 : index
        %get3A_284 = tpu.vector_load %arg14[%get3A_282, %get3A_283] {strides = array<i32>} : memref<80x64xf32, #tpu.memory_space<vmem>>, vector<16xf32>,
        %add3A_285 = arith.addf %get3A_281, %get3A_284 : vector<16xf32>
        %slice3A_286 = vector.extract_strided_slice %get3A_247 {offsets = [2], sizes = [1], strides = [1]} : vector<16xf32> to vector<1xf32>
        %squeeze3A_287 = vector.extract %slice3A_286[0] : f32 from vector<1xf32>
        %mul3A_288 = vector.broadcast %squeeze3A_287 : f32 to vector<16xf32>
        %mul3A_289 = arith.mulf %add3A_285, %mul3A_288 : vector<16xf32>
        %swap3A_290 = arith.index_cast %scan3A_244 : i32 to index
        %swap3A_291 = arith.constant 32 : index
        %swap3A_292 = tpu.vector_load %arg15[%swap3A_290, %swap3A_291] {strides = array<i32>} : memref<80x80xf32, #tpu.memory_space<vmem>>, vector<16xf32>,
        tpu.vector_store %arg15[%swap3A_290, %swap3A_291], %mul3A_289 {strides = array<i32>} : memref<80x80xf32, #tpu.memory_space<vmem>>, vector<16xf32>,
        %get3A_293 = arith.index_cast %scan3A_244 : i32 to index
        %get3A_294 = arith.constant 48 : index
        %get3A_295 = tpu.vector_load %arg13[%get3A_293, %get3A_294] {strides = array<i32>} : memref<80x64xf32, #tpu.memory_space<vmem>>, vector<16xf32>,
        %get3A_296 = arith.index_cast %scan3A_244 : i32 to index
        %get3A_297 = arith.constant 48 : index
        %get3A_298 = tpu.vector_load %arg14[%get3A_296, %get3A_297] {strides = array<i32>} : memref<80x64xf32, #tpu.memory_space<vmem>>, vector<16xf32>,
        %add3A_299 = arith.addf %get3A_295, %get3A_298 : vector<16xf32>
        %slice3A_300 = vector.extract_strided_slice %get3A_247 {offsets = [3], sizes = [1], strides = [1]} : vector<16xf32> to vector<1xf32>
        %squeeze3A_301 = vector.extract %slice3A_300[0] : f32 from vector<1xf32>
        %mul3A_302 = vector.broadcast %squeeze3A_301 : f32 to vector<16xf32>
        %mul3A_303 = arith.mulf %add3A_299, %mul3A_302 : vector<16xf32>
        %swap3A_304 = arith.index_cast %scan3A_244 : i32 to index
        %swap3A_305 = arith.constant 48 : index
        %swap3A_306 = tpu.vector_load %arg15[%swap3A_304, %swap3A_305] {strides = array<i32>} : memref<80x80xf32, #tpu.memory_space<vmem>>, vector<16xf32>,
        tpu.vector_store %arg15[%swap3A_304, %swap3A_305], %mul3A_303 {strides = array<i32>} : memref<80x80xf32, #tpu.memory_space<vmem>>, vector<16xf32>,
      }
      %scan3A_175 = arith.constant 80 : i32
      %dma_start3A_176 = arith.constant 0 : i32
      %dma_start3A_177 = arith.constant 0 : i32
      %dma_start3A_178 = tpu.memref_slice %arg15[%dma_start3A_176, %dma_start3A_177] : memref<80x80xf32, #tpu.memory_space<vmem>> -> memref<80x80xf32, #tpu.memory_space<vmem>>
      %dma_start3A_179 = arith.constant 0 : i32
      %dma_start3A_180 = tpu.memref_slice %arg11[%dma_start3A_179] : memref<80xi32, #tpu.memory_space<vmem>> -> memref<80xi32, #tpu.memory_space<vmem>>
      %dma_start3A_181 = arith.constant 0 : i32
      %dma_start3A_182 = arith.constant 0 : i32
      %dma_start3A_183 = tpu.memref_slice %arg17[%dma_start3A_181, %dma_start3A_182] : memref<10000x80xf32, #tpu.memory_space<vmem_shared>> -> memref<10000x80xf32, #tpu.memory_space<vmem_shared>>
      tpu.enqueue_indirect_dma source(%dma_start3A_178 : memref<80x80xf32, #tpu.memory_space<vmem>>) target(%dma_start3A_183 : memref<10000x80xf32, #tpu.memory_space<vmem_shared>>) offsets(%dma_start3A_180 : memref<80xi32, #tpu.memory_space<vmem>>) semaphore(%arg21 : memref<!tpu.dma_semaphore, #tpu.memory_space<semaphore_mem>>) {add = true}
    }
    %scan3A_22 = arith.constant 125 : i32
    %dma_wait3A = arith.constant 0 : i32
    %dma_wait3A_23 = arith.constant 0 : i32
    %dma_wait3A_24 = tpu.memref_slice %arg5[%dma_wait3A, %dma_wait3A_23] : memref<10000x80xf32, #tpu.memory_space<hbm>> -> memref<80x80xf32, #tpu.memory_space<hbm>>
    %dma_wait3A_25 = arith.constant 0 : i32
    %dma_wait3A_26 = arith.constant 0 : i32
    %dma_wait3A_27 = tpu.memref_slice %arg5[%dma_wait3A_25, %dma_wait3A_26] : memref<10000x80xf32, #tpu.memory_space<hbm>> -> memref<80x80xf32, #tpu.memory_space<hbm>>
    tpu.wait_dma2 semaphore(%arg21 : memref<!tpu.dma_semaphore, #tpu.memory_space<semaphore_mem>>) src(%dma_wait3A_27 : memref<80x80xf32, #tpu.memory_space<hbm>>) dst(%arg15 : memref<80x80xf32, #tpu.memory_space<vmem>>)
    %barrier3A_28 = arith.constant 0 : index
    tpu.barrier barrier_id(%barrier3A_28)
    %eq3A_29 = arith.constant 0 : i32
    %eq3A_30 = arith.cmpi eq, %arg1, %eq3A_29 : i32
    %convert_element_type3A_31 = arith.extui %eq3A_30 : i1 to i32
    %cond3A_32 = arith.constant 0 : i32
    %cond3A_33 = arith.cmpi ne, %convert_element_type3A_31, %cond3A_32 : i32
    scf.if %cond3A_33 {
      "tpu.region"() ({
        %run_scoped3A = tpu.sem_alloc : memref<!tpu.dma_semaphore, #tpu.memory_space<semaphore_mem>>
        %dma_start3A_34 = arith.constant 0 : i32
        %dma_start3A_35 = arith.constant 0 : i32
        %dma_start3A_36 = tpu.memref_slice %arg6[%arg0, %dma_start3A_34, %dma_start3A_35] : memref<2x10000x80xf32, #tpu.memory_space<hbm>> -> memref<1x10000x80xf32, #tpu.memory_space<hbm>>
        %dma_start3A_37 = tpu.memref_squeeze %dma_start3A_36 : memref<1x10000x80xf32, #tpu.memory_space<hbm>> -> memref<10000x80xf32, #tpu.memory_space<hbm>>
        tpu.enqueue_dma source(%arg17 : memref<10000x80xf32, #tpu.memory_space<vmem_shared>>) target(%dma_start3A_37 : memref<10000x80xf32, #tpu.memory_space<hbm>>) target_semaphore(%run_scoped3A : memref<!tpu.dma_semaphore, #tpu.memory_space<semaphore_mem>>)
        %dma_wait3A_38 = arith.constant 0 : i32
        %dma_wait3A_39 = arith.constant 0 : i32
        %dma_wait3A_40 = tpu.memref_slice %arg6[%arg0, %dma_wait3A_38, %dma_wait3A_39] : memref<2x10000x80xf32, #tpu.memory_space<hbm>> -> memref<1x10000x80xf32, #tpu.memory_space<hbm>>
        %dma_wait3A_41 = tpu.memref_squeeze %dma_wait3A_40 : memref<1x10000x80xf32, #tpu.memory_space<hbm>> -> memref<10000x80xf32, #tpu.memory_space<hbm>>
        tpu.wait_dma2 semaphore(%run_scoped3A : memref<!tpu.dma_semaphore, #tpu.memory_space<semaphore_mem>>) src(%arg17 : memref<10000x80xf32, #tpu.memory_space<vmem_shared>>) dst(%dma_wait3A_41 : memref<10000x80xf32, #tpu.memory_space<hbm>>)
        tpu.yield
      }) : () -> ()
    } else {
    }
    return
  }
}

module attributes {stable_mosaic.version = 14 : i64} {
  func.func @_tables_body(%arg0: memref<10000x128xf32, #tpu.memory_space<vmem>>, %arg1: memref<100x32xf32, #tpu.memory_space<vmem>>, %arg2: memref<100x32xf32, #tpu.memory_space<vmem>>, %arg3: memref<32x64xf32, #tpu.memory_space<vmem>>, %arg4: memref<32x64xf32, #tpu.memory_space<vmem>>, %arg5: memref<32x4xf32, #tpu.memory_space<vmem>>, %arg6: memref<128x64xf32, #tpu.memory_space<vmem>>, %arg7: memref<100x64xf32, #tpu.memory_space<vmem>>, %arg8: memref<100x64xf32, #tpu.memory_space<vmem>>, %arg9: memref<10000x4xf32, #tpu.memory_space<vmem>>, %arg10: memref<10000x64xf32, #tpu.memory_space<vmem>>) attributes {dimension_semantics = [], scalar_prefetch = 0 : i64, scratch_operands = 0 : i64, tpu.core_type = #tpu.core_type<tc>} {
    %get3A = arith.constant 0 : index
    %get3A_0 = arith.constant 0 : index
    %get3A_1 = vector.load %arg0[%get3A, %get3A_0] : memref<10000x128xf32, #tpu.memory_space<vmem>>, vector<10000x128xf32>
    %get3A_2 = arith.constant 0 : index
    %get3A_3 = arith.constant 0 : index
    %get3A_4 = vector.load %arg1[%get3A_2, %get3A_3] : memref<100x32xf32, #tpu.memory_space<vmem>>, vector<100x32xf32>
    %get3A_5 = arith.constant 0 : index
    %get3A_6 = arith.constant 0 : index
    %get3A_7 = vector.load %arg3[%get3A_5, %get3A_6] : memref<32x64xf32, #tpu.memory_space<vmem>>, vector<32x64xf32>
    %dot_general3A = arith.constant dense<0.000000e+00> : vector<100x64xf32>
    %dot_general3A_8 = tpu.matmul %get3A_4, %get3A_7, %dot_general3A {dimension_numbers = #tpu.dot_dimension_numbers<[1], [0], [0], [1], [0, 0, 1, 1], [], []>, transpose_lhs_hint = false} : vector<100x32xf32>, vector<32x64xf32>, vector<100x64xf32> -> vector<100x64xf32>
    %swap3A = arith.constant 0 : index
    %swap3A_9 = arith.constant 0 : index
    %swap3A_10 = vector.load %arg7[%swap3A, %swap3A_9] : memref<100x64xf32, #tpu.memory_space<vmem>>, vector<100x64xf32>
    tpu.vector_store %arg7[%swap3A, %swap3A_9], %dot_general3A_8 {strides = array<i32>} : memref<100x64xf32, #tpu.memory_space<vmem>>, vector<100x64xf32>,
    %get3A_11 = arith.constant 0 : index
    %get3A_12 = arith.constant 0 : index
    %get3A_13 = vector.load %arg2[%get3A_11, %get3A_12] : memref<100x32xf32, #tpu.memory_space<vmem>>, vector<100x32xf32>
    %get3A_14 = arith.constant 0 : index
    %get3A_15 = arith.constant 0 : index
    %get3A_16 = vector.load %arg4[%get3A_14, %get3A_15] : memref<32x64xf32, #tpu.memory_space<vmem>>, vector<32x64xf32>
    %dot_general3A_17 = arith.constant dense<0.000000e+00> : vector<100x64xf32>
    %dot_general3A_18 = tpu.matmul %get3A_13, %get3A_16, %dot_general3A_17 {dimension_numbers = #tpu.dot_dimension_numbers<[1], [0], [0], [1], [0, 0, 1, 1], [], []>, transpose_lhs_hint = false} : vector<100x32xf32>, vector<32x64xf32>, vector<100x64xf32> -> vector<100x64xf32>
    %swap3A_19 = arith.constant 0 : index
    %swap3A_20 = arith.constant 0 : index
    %swap3A_21 = vector.load %arg8[%swap3A_19, %swap3A_20] : memref<100x64xf32, #tpu.memory_space<vmem>>, vector<100x64xf32>
    tpu.vector_store %arg8[%swap3A_19, %swap3A_20], %dot_general3A_18 {strides = array<i32>} : memref<100x64xf32, #tpu.memory_space<vmem>>, vector<100x64xf32>,
    %slice3A = vector.extract_strided_slice %get3A_1 {offsets = [0, 0], sizes = [10000, 32], strides = [1, 1]} : vector<10000x128xf32> to vector<10000x32xf32>
    %get3A_22 = arith.constant 0 : index
    %get3A_23 = arith.constant 0 : index
    %get3A_24 = vector.load %arg5[%get3A_22, %get3A_23] : memref<32x4xf32, #tpu.memory_space<vmem>>, vector<32x4xf32>
    %dot_general3A_25 = arith.constant dense<0.000000e+00> : vector<10000x4xf32>
    %dot_general3A_26 = tpu.matmul %slice3A, %get3A_24, %dot_general3A_25 {dimension_numbers = #tpu.dot_dimension_numbers<[1], [0], [0], [1], [0, 0, 1, 1], [], []>, transpose_lhs_hint = false} : vector<10000x32xf32>, vector<32x4xf32>, vector<10000x4xf32> -> vector<10000x4xf32>
    %swap3A_27 = arith.constant 0 : index
    %swap3A_28 = arith.constant 0 : index
    %swap3A_29 = vector.load %arg9[%swap3A_27, %swap3A_28] : memref<10000x4xf32, #tpu.memory_space<vmem>>, vector<10000x4xf32>
    tpu.vector_store %arg9[%swap3A_27, %swap3A_28], %dot_general3A_26 {strides = array<i32>} : memref<10000x4xf32, #tpu.memory_space<vmem>>, vector<10000x4xf32>,
    %get3A_30 = arith.constant 0 : index
    %get3A_31 = arith.constant 0 : index
    %get3A_32 = vector.load %arg6[%get3A_30, %get3A_31] : memref<128x64xf32, #tpu.memory_space<vmem>>, vector<128x64xf32>
    %dot_general3A_33 = arith.constant dense<0.000000e+00> : vector<10000x64xf32>
    %dot_general3A_34 = tpu.matmul %get3A_1, %get3A_32, %dot_general3A_33 {dimension_numbers = #tpu.dot_dimension_numbers<[1], [0], [0], [1], [0, 0, 1, 1], [], []>, transpose_lhs_hint = false} : vector<10000x128xf32>, vector<128x64xf32>, vector<10000x64xf32> -> vector<10000x64xf32>
    %swap3A_35 = arith.constant 0 : index
    %swap3A_36 = arith.constant 0 : index
    %swap3A_37 = vector.load %arg10[%swap3A_35, %swap3A_36] : memref<10000x64xf32, #tpu.memory_space<vmem>>, vector<10000x64xf32>
    tpu.vector_store %arg10[%swap3A_35, %swap3A_36], %dot_general3A_34 {strides = array<i32>} : memref<10000x64xf32, #tpu.memory_space<vmem>>, vector<10000x64xf32>,
    return
  }
}

module attributes {stable_mosaic.version = 14 : i64} {
  func.func @_edge_mlp_body(%arg0: i32, %arg1: memref<5120x64xf32, #tpu.memory_space<vmem>>, %arg2: memref<40x80x128xf32, #tpu.memory_space<vmem>>, %arg3: memref<64x64xf32, #tpu.memory_space<vmem>>, %arg4: memref<1x64xf32, #tpu.memory_space<vmem>>, %arg5: memref<64x64xf32, #tpu.memory_space<vmem>>, %arg6: memref<1x64xf32, #tpu.memory_space<vmem>>, %arg7: memref<64x4xf32, #tpu.memory_space<vmem>>, %arg8: memref<5120x16xf32, #tpu.memory_space<vmem>>) attributes {dimension_semantics = [#tpu.dimension_semantics<arbitrary>], iteration_bounds = array<i64: 125>, scalar_prefetch = 0 : i64, scratch_operands = 0 : i64, tpu.core_type = #tpu.core_type<tc>, window_params = [{transform_indices = @transform_0, window_bounds = array<i64: 5120, 64>}, {transform_indices = @transform_1, window_bounds = array<i64: 40, 80, 128>}, {pipeline_mode = #tpu.pipeline_mode<synchronous>, transform_indices = @transform_2, window_bounds = array<i64: 64, 64>}, {pipeline_mode = #tpu.pipeline_mode<synchronous>, transform_indices = @transform_3, window_bounds = array<i64: 1, 64>}, {pipeline_mode = #tpu.pipeline_mode<synchronous>, transform_indices = @transform_4, window_bounds = array<i64: 64, 64>}, {pipeline_mode = #tpu.pipeline_mode<synchronous>, transform_indices = @transform_5, window_bounds = array<i64: 1, 64>}, {pipeline_mode = #tpu.pipeline_mode<synchronous>, transform_indices = @transform_6, window_bounds = array<i64: 64, 4>}, {transform_indices = @transform_7, window_bounds = array<i64: 5120, 16>}]} {
    %get3A = arith.constant 0 : index
    %get3A_0 = arith.constant 0 : index
    %get3A_1 = vector.load %arg1[%get3A, %get3A_0] : memref<5120x64xf32, #tpu.memory_space<vmem>>, vector<5120x64xf32>
    %get3A_2 = arith.constant 0 : index
    %get3A_3 = arith.constant 0 : index
    %get3A_4 = arith.constant 0 : index
    %get3A_5 = vector.load %arg2[%get3A_2, %get3A_3, %get3A_4] : memref<40x80x128xf32, #tpu.memory_space<vmem>>, vector<40x80x128xf32>
    %transpose3A = tpu.transpose %get3A_5, [0, 2, 1] : vector<40x80x128xf32> -> vector<40x128x80xf32>
    %reshape3A = vector.shape_cast %transpose3A : vector<40x128x80xf32> to vector<5120x80xf32>
    %get3A_6 = arith.constant 0 : index
    %get3A_7 = arith.constant 0 : index
    %get3A_8 = vector.load %arg3[%get3A_6, %get3A_7] : memref<64x64xf32, #tpu.memory_space<vmem>>, vector<64x64xf32>
    %dot_general3A = arith.constant dense<0.000000e+00> : vector<5120x64xf32>
    %dot_general3A_9 = tpu.matmul %get3A_1, %get3A_8, %dot_general3A {dimension_numbers = #tpu.dot_dimension_numbers<[1], [0], [0], [1], [0, 0, 1, 1], [], []>, transpose_lhs_hint = false} : vector<5120x64xf32>, vector<64x64xf32>, vector<5120x64xf32> -> vector<5120x64xf32>
    %slice3A = vector.extract_strided_slice %reshape3A {offsets = [0, 0], sizes = [5120, 64], strides = [1, 1]} : vector<5120x80xf32> to vector<5120x64xf32>
    %add3A = arith.addf %dot_general3A_9, %slice3A : vector<5120x64xf32>
    %get3A_10 = arith.constant 0 : index
    %get3A_11 = arith.constant 0 : index
    %get3A_12 = vector.load %arg4[%get3A_10, %get3A_11] : memref<1x64xf32, #tpu.memory_space<vmem>>, vector<1x64xf32>
    %add3A_13 = vector.broadcast %get3A_12 : vector<1x64xf32> to vector<5120x64xf32>
    %add3A_14 = arith.addf %add3A, %add3A_13 : vector<5120x64xf32>
    %neg3A = arith.constant 0.000000e+00 : f32
    %neg3A_15 = vector.broadcast %neg3A : f32 to vector<5120x64xf32>
    %neg3A_16 = arith.subf %neg3A_15, %add3A_14 : vector<5120x64xf32>
    %exp3A = math.exp %neg3A_16 : vector<5120x64xf32>
    %add3A_17 = arith.constant 1.000000e+00 : f32
    %add3A_18 = vector.broadcast %add3A_17 : f32 to vector<5120x64xf32>
    %add3A_19 = arith.addf %add3A_18, %exp3A : vector<5120x64xf32>
    %div3A = arith.constant 1.000000e+00 : f32
    %div3A_20 = vector.broadcast %div3A : f32 to vector<5120x64xf32>
    %div3A_21 = arith.divf %div3A_20, %add3A_19 : vector<5120x64xf32>
    %mul3A = arith.mulf %add3A_14, %div3A_21 : vector<5120x64xf32>
    %get3A_22 = arith.constant 0 : index
    %get3A_23 = arith.constant 0 : index
    %get3A_24 = vector.load %arg5[%get3A_22, %get3A_23] : memref<64x64xf32, #tpu.memory_space<vmem>>, vector<64x64xf32>
    %dot_general3A_25 = arith.constant dense<0.000000e+00> : vector<5120x64xf32>
    %dot_general3A_26 = tpu.matmul %mul3A, %get3A_24, %dot_general3A_25 {dimension_numbers = #tpu.dot_dimension_numbers<[1], [0], [0], [1], [0, 0, 1, 1], [], []>, transpose_lhs_hint = false} : vector<5120x64xf32>, vector<64x64xf32>, vector<5120x64xf32> -> vector<5120x64xf32>
    %get3A_27 = arith.constant 0 : index
    %get3A_28 = arith.constant 0 : index
    %get3A_29 = vector.load %arg6[%get3A_27, %get3A_28] : memref<1x64xf32, #tpu.memory_space<vmem>>, vector<1x64xf32>
    %add3A_30 = vector.broadcast %get3A_29 : vector<1x64xf32> to vector<5120x64xf32>
    %add3A_31 = arith.addf %dot_general3A_26, %add3A_30 : vector<5120x64xf32>
    %neg3A_32 = arith.constant 0.000000e+00 : f32
    %neg3A_33 = vector.broadcast %neg3A_32 : f32 to vector<5120x64xf32>
    %neg3A_34 = arith.subf %neg3A_33, %add3A_31 : vector<5120x64xf32>
    %exp3A_35 = math.exp %neg3A_34 : vector<5120x64xf32>
    %add3A_36 = arith.constant 1.000000e+00 : f32
    %add3A_37 = vector.broadcast %add3A_36 : f32 to vector<5120x64xf32>
    %add3A_38 = arith.addf %add3A_37, %exp3A_35 : vector<5120x64xf32>
    %div3A_39 = arith.constant 1.000000e+00 : f32
    %div3A_40 = vector.broadcast %div3A_39 : f32 to vector<5120x64xf32>
    %div3A_41 = arith.divf %div3A_40, %add3A_38 : vector<5120x64xf32>
    %mul3A_42 = arith.mulf %add3A_31, %div3A_41 : vector<5120x64xf32>
    %slice3A_43 = vector.extract_strided_slice %reshape3A {offsets = [0, 64], sizes = [5120, 4], strides = [1, 1]} : vector<5120x80xf32> to vector<5120x4xf32>
    %get3A_44 = arith.constant 0 : index
    %get3A_45 = arith.constant 0 : index
    %get3A_46 = vector.load %arg7[%get3A_44, %get3A_45] : memref<64x4xf32, #tpu.memory_space<vmem>>, vector<64x4xf32>
    %dot_general3A_47 = arith.constant dense<0.000000e+00> : vector<5120x4xf32>
    %dot_general3A_48 = tpu.matmul %mul3A_42, %get3A_46, %dot_general3A_47 {dimension_numbers = #tpu.dot_dimension_numbers<[1], [0], [0], [1], [0, 0, 1, 1], [], []>, transpose_lhs_hint = false} : vector<5120x64xf32>, vector<64x4xf32>, vector<5120x4xf32> -> vector<5120x4xf32>
    %add3A_49 = arith.addf %slice3A_43, %dot_general3A_48 : vector<5120x4xf32>
    %ge3A = arith.constant 0.000000e+00 : f32
    %ge3A_50 = vector.broadcast %ge3A : f32 to vector<5120x4xf32>
    %ge3A_51 = arith.cmpf oge, %add3A_49, %ge3A_50 : vector<5120x4xf32>
    %mul3A_52 = arith.constant 2.000000e-01 : f32
    %mul3A_53 = vector.broadcast %mul3A_52 : f32 to vector<5120x4xf32>
    %mul3A_54 = arith.mulf %mul3A_53, %add3A_49 : vector<5120x4xf32>
    %select_n3A = arith.select %ge3A_51, %add3A_49, %mul3A_54 : vector<5120x4xi1>, vector<5120x4xf32>
    %exp3A_55 = math.exp %select_n3A : vector<5120x4xf32>
    %broadcast_in_dim3A = arith.constant 0.000000e+00 : f32
    %broadcast_in_dim3A_56 = vector.broadcast %broadcast_in_dim3A : f32 to vector<5120x12xf32>
    %concatenate3A = tpu.concatenate %exp3A_55, %broadcast_in_dim3A_56 in 1 : vector<5120x4xf32>, vector<5120x12xf32> -> vector<5120x16xf32>
    %swap3A = arith.constant 0 : index
    %swap3A_57 = arith.constant 0 : index
    %swap3A_58 = vector.load %arg8[%swap3A, %swap3A_57] : memref<5120x16xf32, #tpu.memory_space<vmem>>, vector<5120x16xf32>
    tpu.vector_store %arg8[%swap3A, %swap3A_57], %concatenate3A {strides = array<i32>} : memref<5120x16xf32, #tpu.memory_space<vmem>>, vector<5120x16xf32>,
    return
  }
  func.func @transform_0(%arg0: i32) -> (i32, i32) {
    %c0_i32 = arith.constant 0 : i32
    %c0_i32_0 = arith.constant 0 : i32
    return %arg0, %c0_i32 : i32, i32
  }
  func.func @transform_1(%arg0: i32) -> (i32, i32, i32) {
    %c0_i32 = arith.constant 0 : i32
    %c0_i32_0 = arith.constant 0 : i32
    %c0_i32_1 = arith.constant 0 : i32
    return %arg0, %c0_i32, %c0_i32_0 : i32, i32, i32
  }
  func.func @transform_2(%arg0: i32) -> (i32, i32) {
    %c0_i32 = arith.constant 0 : i32
    %c0_i32_0 = arith.constant 0 : i32
    %c0_i32_1 = arith.constant 0 : i32
    return %c0_i32, %c0_i32_0 : i32, i32
  }
  func.func @transform_3(%arg0: i32) -> (i32, i32) {
    %c0_i32 = arith.constant 0 : i32
    %c0_i32_0 = arith.constant 0 : i32
    %c0_i32_1 = arith.constant 0 : i32
    return %c0_i32, %c0_i32_0 : i32, i32
  }
  func.func @transform_4(%arg0: i32) -> (i32, i32) {
    %c0_i32 = arith.constant 0 : i32
    %c0_i32_0 = arith.constant 0 : i32
    %c0_i32_1 = arith.constant 0 : i32
    return %c0_i32, %c0_i32_0 : i32, i32
  }
  func.func @transform_5(%arg0: i32) -> (i32, i32) {
    %c0_i32 = arith.constant 0 : i32
    %c0_i32_0 = arith.constant 0 : i32
    %c0_i32_1 = arith.constant 0 : i32
    return %c0_i32, %c0_i32_0 : i32, i32
  }
  func.func @transform_6(%arg0: i32) -> (i32, i32) {
    %c0_i32 = arith.constant 0 : i32
    %c0_i32_0 = arith.constant 0 : i32
    %c0_i32_1 = arith.constant 0 : i32
    return %c0_i32, %c0_i32_0 : i32, i32
  }
  func.func @transform_7(%arg0: i32) -> (i32, i32) {
    %c0_i32 = arith.constant 0 : i32
    %c0_i32_0 = arith.constant 0 : i32
    return %arg0, %c0_i32 : i32, i32
  }
}

module attributes {stable_mosaic.version = 14 : i64} {
  func.func @_final_body(%arg0: memref<2x10000x80xf32, #tpu.memory_space<vmem>>, %arg1: memref<64x3xf32, #tpu.memory_space<vmem>>, %arg2: memref<4x64xf32, #tpu.memory_space<vmem>>, %arg3: memref<10000x3xf32, #tpu.memory_space<vmem>>) attributes {dimension_semantics = [], scalar_prefetch = 0 : i64, scratch_operands = 0 : i64, tpu.core_type = #tpu.core_type<tc>} {
    %get3A = arith.constant 0 : index
    %get3A_0 = arith.constant 0 : index
    %get3A_1 = arith.constant 0 : index
    %get3A_2 = vector.load %arg0[%get3A, %get3A_0, %get3A_1] : memref<2x10000x80xf32, #tpu.memory_space<vmem>>, vector<1x10000x80xf32>
    %get3A_3 = vector.shape_cast %get3A_2 : vector<1x10000x80xf32> to vector<10000x80xf32>
    %get3A_4 = arith.constant 1 : index
    %get3A_5 = arith.constant 0 : index
    %get3A_6 = arith.constant 0 : index
    %get3A_7 = vector.load %arg0[%get3A_4, %get3A_5, %get3A_6] : memref<2x10000x80xf32, #tpu.memory_space<vmem>>, vector<1x10000x80xf32>
    %get3A_8 = vector.shape_cast %get3A_7 : vector<1x10000x80xf32> to vector<10000x80xf32>
    %add3A = arith.addf %get3A_3, %get3A_8 : vector<10000x80xf32>
    %slice3A = vector.extract_strided_slice %add3A {offsets = [0, 0], sizes = [10000, 64], strides = [1, 1]} : vector<10000x80xf32> to vector<10000x64xf32>
    %slice3A_9 = vector.extract_strided_slice %add3A {offsets = [0, 64], sizes = [10000, 4], strides = [1, 1]} : vector<10000x80xf32> to vector<10000x4xf32>
    %get3A_10 = arith.constant 0 : index
    %get3A_11 = arith.constant 0 : index
    %get3A_12 = vector.load %arg2[%get3A_10, %get3A_11] : memref<4x64xf32, #tpu.memory_space<vmem>>, vector<4x64xf32>
    %dot_general3A = arith.constant dense<0.000000e+00> : vector<10000x64xf32>
    %dot_general3A_13 = tpu.matmul %slice3A_9, %get3A_12, %dot_general3A {dimension_numbers = #tpu.dot_dimension_numbers<[1], [0], [0], [1], [0, 0, 1, 1], [], []>, transpose_lhs_hint = false} : vector<10000x4xf32>, vector<4x64xf32>, vector<10000x64xf32> -> vector<10000x64xf32>
    %add3A_14 = arith.constant 9.99999971E-10 : f32
    %add3A_15 = vector.broadcast %add3A_14 : f32 to vector<10000x64xf32>
    %add3A_16 = arith.addf %dot_general3A_13, %add3A_15 : vector<10000x64xf32>
    %div3A = arith.divf %slice3A, %add3A_16 : vector<10000x64xf32>
    %get3A_17 = arith.constant 0 : index
    %get3A_18 = arith.constant 0 : index
    %get3A_19 = vector.load %arg1[%get3A_17, %get3A_18] : memref<64x3xf32, #tpu.memory_space<vmem>>, vector<64x3xf32>
    %dot_general3A_20 = arith.constant dense<0.000000e+00> : vector<10000x3xf32>
    %dot_general3A_21 = tpu.matmul %div3A, %get3A_19, %dot_general3A_20 {dimension_numbers = #tpu.dot_dimension_numbers<[1], [0], [0], [1], [0, 0, 1, 1], [], []>, transpose_lhs_hint = false} : vector<10000x64xf32>, vector<64x3xf32>, vector<10000x3xf32> -> vector<10000x3xf32>
    %swap3A = arith.constant 0 : index
    %swap3A_22 = arith.constant 0 : index
    %swap3A_23 = vector.load %arg3[%swap3A, %swap3A_22] : memref<10000x3xf32, #tpu.memory_space<vmem>>, vector<10000x3xf32>
    tpu.vector_store %arg3[%swap3A, %swap3A_22], %dot_general3A_21 {strides = array<i32>} : memref<10000x3xf32, #tpu.memory_space<vmem>>, vector<10000x3xf32>,
    return
  }
}

</mosaic_0001>

<sc_bundles>
// kernel: kernel.10.cloned.1.call-start
scs
__scs_entry_jumppad:
0x0: {  	(pc) =	sbr.rel $0x88, $3  }
0x1: {  	(tag) =	ssettag $0x0;
	lr =	simm.s32 $0x1  }
0x2: {  	[smem:$0x3F94] =	sst lr;
	_ =	strace $0xD0000000  }
0x3: {  	_ = 	snop  }
0x4: {  	_ = 	snop  }
0x5: {  	_ = 	snop  }
0x6: {  	_ = 	snop  }
0x7: {  	_ = 	snop  }
__scs_overlays_trampoline_lowered:
0x8: {  	[smem:$0x3FA3] =	sst s0  }
0x9: {  	[smem:$0x3FA4] =	sst s1  }
0xa: {  	[smem:$0x3FA5] =	sst s2  }
0xb: {  	[smem:$0x3FA6] =	sst s3  }
0xc: {  	[smem:$0x3FA7] =	sst s4  }
0xd: {  	[smem:$0x3FA8] =	sst s5  }
0xe: {  	[smem:$0x3FA9] =	sst s6  }
0xf: {  	[smem:$0x3FAA] =	sst s7  }
0x10: {  	[smem:$0x3FAB] =	sst s8  }
0x11: {  	[smem:$0x3FAC] =	sst s9;
	s0 =	simm.s32 @!p0 $0x0  }
0x12: {  	s1 =	sld [smem:$0x3F92];
	s0 =	simm.s32 @p0 $0x1  }
0x13: {  	[smem:$0x3FAD] =	sst s0;
	s0 =	simm.s32 @!p1 $0x0  }
0x14: {  	s2 =	sld [smem:$0x3F91];
	s0 =	simm.s32 @p1 $0x1  }
0x15: {  	[smem:$0x3FAE] =	sst s0;
	s0 =	simm.s32 @!p2 $0x0  }
0x16: {  	s3 =	sld [smem:$0x3FDB];
	s0 =	simm.s32 @p2 $0x1  }
0x17: {  	s4 =	simm.s32 $0x1BF5;
	[smem:$0x3FB0] =	sst s0  }
0x18: {  	s0 =	sld [smem:$0x3F93];
	_ =	swait.ge [sflag:s4], $0x0  }
0x19: {  	s7 =	sld [smem:$0x3F94]  }
0x1a: {  	s8 =	sadd.s32 $0xFFFFE003, lr  }
0x1b: {  	s9 =	sadd.s32 $0xFFFFFEF7, lr;
	s5 =	simm.s32 $0xFFFFFFFF;
	p2 =	slt.u32 s8, $0xFFFFF086  }
0x1c: {  	p1 =	slt.u32 s9, $0xF7A;
	s5 =	simm.s32 @!p2 $0x0  }
0x1d: {  	s5 =	simm.s32 @p1 $0x1;
	p0 =	seq.s32 s7, s2  }
0x1e: {  	s7 =	smul.u32 @!p0 $0xF7A, s2;
	p2 =	seq.s32 @!p0 s5, $0x0  }
0x1f: {  	s9 =	smul.u32 $0xF7A, s1;
	s8 =	simm.s32 @!p0 $0x1BF5;
	p2 =	por !p2, p0  }
0x20: {  	[sflag:s8] =	ssyncset.s32 @!p0 $0xFFFFF086;
	s6 =	sadd.s32 @!p0 s3, s7;
	s7 =	simm.s32 @!p0 $0x108  }
0x21: {  	s3 =	sadd.s32 s3, s9;
	s6 =	sadd.s32 @!p0 $0x88, s6;
	s7 =	simm.s32 @p2 $0x1082  }
0x22: {  	[simem:s7], [sflag:s8] =	dma.local @!p0 [hbm:s6], $0xF7A  }
0x23: {  	s9 =	sor.u32 $0xD0000000, s2;
	s6 =	simm.s32 $0x108;
	_ =	swait.ge @!p0 [sflag:s8], $0x0  }
0x24: {  	s3 =	sadd.s32 $0x88, s3;
	s6 =	simm.s32 @!p1 $0x1082;
	[sflag:s4] =	ssyncset.s32 $0xFFFFF086  }
0x25: {  	[simem:s6], [sflag:s4] =	dma.local [hbm:s3], $0xF7A  }
0x26: {  	[smem:$0x3F94] =	sst s1;
	(tag) =	ssettag s2;
	_ =	strace s9  }
0x27: {  	s1 =	sld [smem:$0x3FA4]  }
0x28: {  	s2 =	sld [smem:$0x3FA5]  }
0x29: {  	s4 =	sld [smem:$0x3FA7]  }
0x2a: {  	p0 =	seq.s32 s5, $0x0;
	s5 =	sld [smem:$0x3FA8]  }
0x2b: {  	s6 =	sld [smem:$0x3FA9]  }
0x2c: {  	s7 =	sld [smem:$0x3FAA]  }
0x2d: {  	s3 =	simm.s32 $0x108;
	s8 =	sld [smem:$0x3FAB]  }
0x2e: {  	s3 =	simm.s32 @!p0 $0x1082;
	s9 =	sld [smem:$0x3FAC]  }
0x2f: {  	lr =	sadd.s32 s0, s3;
	s0 =	sld [smem:$0x3FA3]  }
0x30: {  	s3 =	sld [smem:$0x3FA6]  }
0x31: {  	[smem:$0x3FAF] =	sst s10  }
0x32: {  	s10 =	sld [smem:$0x3FAD];
	_ =	sdelay $0x3  }
0x33: {  	p0 =	seq.s32 s10, $0x1;
	s10 =	sld [smem:$0x3FAF];
	_ =	sdelay $0x3  }
0x34: {  	[smem:$0x3FAF] =	sst s10  }
0x35: {  	s10 =	sld [smem:$0x3FAE];
	_ =	sdelay $0x3  }
0x36: {  	p1 =	seq.s32 s10, $0x1;
	s10 =	sld [smem:$0x3FAF];
	_ =	sdelay $0x3  }
0x37: {  	[smem:$0x3FAF] =	sst s10  }
0x38: {  	s10 =	sld [smem:$0x3FB0]  }
0x39: {  	_ = 	snop;
	(pc) =	sbr.ind lr, $3  }
0x3a: {  	_ = 	snop  }
0x3b: {  	_ = 	snop  }
0x3c: {  	p2 =	seq.s32 s10, $0x1;
	s10 =	sld [smem:$0x3FAF]  }
0x3d: {  	_ =	shalt  }
0x3e: {  	_ =	shalt  }
0x3f: {  	_ =	shalt  }
0x40: {  	_ =	shalt  }
0x41: {  	_ =	shalt  }
0x42: {  	_ =	shalt  }
0x43: {  	_ =	shalt  }
0x44: {  	_ =	shalt  }
0x45: {  	_ =	shalt  }
0x46: {  	_ =	shalt  }
0x47: {  	_ =	shalt  }
0x48: {  	_ =	shalt  }
0x49: {  	_ =	shalt  }
0x4a: {  	_ =	shalt  }
0x4b: {  	_ =	shalt  }
0x4c: {  	_ =	shalt  }
0x4d: {  	_ =	shalt  }
0x4e: {  	_ =	shalt  }
0x4f: {  	_ =	shalt  }
0x50: {  	_ =	shalt  }
0x51: {  	_ =	shalt  }
0x52: {  	_ =	shalt  }
0x53: {  	_ =	shalt  }
0x54: {  	_ =	shalt  }
0x55: {  	_ =	shalt  }
0x56: {  	_ =	shalt  }
0x57: {  	_ =	shalt  }
0x58: {  	_ =	shalt  }
0x59: {  	_ =	shalt  }
0x5a: {  	_ =	shalt  }
0x5b: {  	_ =	shalt  }
0x5c: {  	_ =	shalt  }
0x5d: {  	_ =	shalt  }
0x5e: {  	_ =	shalt  }
0x5f: {  	_ =	shalt  }
0x60: {  	_ =	shalt  }
0x61: {  	_ =	shalt  }
0x62: {  	_ =	shalt  }
0x63: {  	_ =	shalt  }
0x64: {  	_ =	shalt  }
0x65: {  	_ =	shalt  }
0x66: {  	_ =	shalt  }
0x67: {  	_ =	shalt  }
0x68: {  	_ =	shalt  }
0x69: {  	_ =	shalt  }
0x6a: {  	_ =	shalt  }
0x6b: {  	_ =	shalt  }
0x6c: {  	_ =	shalt  }
0x6d: {  	_ =	shalt  }
0x6e: {  	_ =	shalt  }
0x6f: {  	_ =	shalt  }
0x70: {  	_ =	shalt  }
0x71: {  	_ =	shalt  }
0x72: {  	_ =	shalt  }
0x73: {  	_ =	shalt  }
0x74: {  	_ =	shalt  }
0x75: {  	_ =	shalt  }
0x76: {  	_ =	shalt  }
0x77: {  	_ =	shalt  }
0x78: {  	_ =	shalt  }
0x79: {  	_ =	shalt  }
0x7a: {  	_ =	shalt  }
0x7b: {  	_ =	shalt  }
0x7c: {  	_ =	shalt  }
0x7d: {  	_ =	shalt  }
0x7e: {  	_ =	shalt  }
0x7f: {  	_ =	shalt  }
0x80: {  	_ =	shalt  }
0x81: {  	_ =	shalt  }
0x82: {  	_ =	shalt  }
0x83: {  	_ =	shalt  }
0x84: {  	_ =	shalt  }
0x85: {  	_ =	shalt  }
0x86: {  	_ =	shalt  }
0x87: {  	_ =	shalt  }
.Lfunc_end0:
.L_simem_size_0:
called_computation.1_lowered:
.L_overlay_start_0:
0x88: {  	s2 =	sld [smem:$0x3FD9]  }
0x89: {  	s3 =	sld [smem:$0x3FFE];
	_ =	sdelay $0x1  }
0x8a: {  	s1 =	srdreg.scid  }
0x8b: {  	s0 =	sand.u32 $0x1, s1  }
0x8c: {  	s16 =	sshll.u32 s0, $0xA;
	s2 =	sadd.s32 s3, s2  }
0x8d: {  	s2 =	sadd.s32 s2, s16  }
0x8e: {  	[smem:$0x3FBB] =	sst s2  }
0x8f: {  	_ = 	snop  }
0x90: {  	(tm) =	ssettm $0x1  }
0x91: {  	s17 =	sld [smem:$0x3FFB];
	_ =	sdelay $0x3  }
0x92: {  	_ =	strace s17  }
0x93: {  	s2 =	sld [smem:$0x3FFC];
	_ =	sdelay $0x3  }
0x94: {  	_ =	strace s2  }
0x95: {  	s2 =	sld [smem:$0x3FFD];
	_ =	sdelay $0x3  }
0x96: {  	_ =	strace s2  }
0x97: {  	_ =	strace $0x8FFFFFFF  }
0x98: {  	s18 =	sld [smem:$0x3FDB];
	_ =	sdelay $0x1  }
0x99: {  	s19 =	simm.s32 $_scs_section_size  }
0x9a: {  	s4 =	simm.s32 $_size__tile_overlayer_lowered;
	s5 =	simm.s32 $_tile_overlayer_lowered  }
0x9b: {  	s22 =	simm.s32 $0x1BFF;
	s21 =	sshll.u32 s5, $0x1;
	s2 =	sadd.s32 s19, s18  }
0x9c: {  	s6 =	simm.s32 $0x0;
	s20 =	sshll.u32 s4, $0x1;
	s4 =	sadd.s32 s21, s2  }
0x9d: {  	[timem:s6], [sflag:s22] =	dma.local [hbm:s4], s20  }
0x9e: {  	_ =	swait.ge [sflag:s22], s20  }
0x9f: {  	s3 =	ssub.s32 $0x0, s20;
	[sflag:s22] =	ssyncset.done $0x0  }
0xa0: {  	[sflag:s22] =	ssyncadd.s32 s3;
	_ =	sdelay $0x1  }
0xa1: {  	s23 =	simm.s32 $0x1B8B  }
0xa2: {  	_ =	swait.ge [sflag:s23], $0x1  }
0xa3: {  	[sflag:s23] =	ssyncset.done $0x0  }
0xa4: {  	s25 =	simm.s32 $0x1B8E;
	s24 =	sld [smem:$0x3FFE];
	[sflag:s23] =	ssyncadd.s32 $0xFFFFFFFF  }
0xa5: {  	s26 =	simm.s32 $execute0_lowered;
	[smem:$0x3FD2] =	sst s25  }
0xa6: {  	s4 =	sshll.u32 s26, $0x1;
	_ =	strace $0x80000049;
	[dreg:$0x1] =	wrdreg $0xFFFFFFFF  }
0xa7: {  	s28 =	simm.s32 $_size_execute0_lowered;
	s2 =	sadd.s32 s2, s4;
	[dreg:$0x0] =	wrdreg $0x0  }
0xa8: {  	s4 =	sshll.u32 s28, $0x1;
	[dreg:$0x2] =	wrdreg s2  }
0xa9: {  	[dreg:$0x3] =	wrdreg s4  }
0xaa: {  	[dreg:$0x4] =	wrdreg $0xC0  }
0xab: {  	_ =	task [dreg:s6], $0x5FFFF  }
0xac: {  	[dreg:$0x1] =	wrdreg $0xFFFFFFFF  }
0xad: {  	[dreg:$0x0] =	wrdreg $0x60  }
0xae: {  	[dreg:$0x2] =	wrdreg s24  }
0xaf: {  	[dreg:$0x3] =	wrdreg $0x4C400  }
0xb0: {  	[dreg:$0x4] =	wrdreg $0xE8800  }
0xb1: {  	[dreg:$0x5] =	wrdreg $0x9  }
0xb2: {  	_ =	task.clear_ibuf [dreg:s6], $0x6FFFF;
	_ =	strace $0x90000049  }
0xb3: {  	s29 =	simm.s32 $0x9;
	_ =	strace $0x8000004B  }
0xb4: {  	_ =	swait.ge [sflag:s29], $0x1  }
0xb5: {  	[sflag:s29] =	ssyncadd.s32 $0xFFFFFFFF  }
0xb6: {  	_ =	strace $0x9000004B  }
0xb7: {  	_ =	sfence  }
0xb8: {  	s30 =	sld [smem:$0x0];
	_ =	sdelay $0x2  }
0xb9: {  	s31 =	sshll.u32 s1, $0xD;
	s1 =	sshrl.u32 s1, $0x2  }
0xba: {  	s3 =	sand.u32 $0x4000, s31;
	s1 =	sadd.s32 s1, s30  }
0xbb: {  	s0 =	sor.u32 s3, s0;
	s1 =	sshll.u32 s1, $0x11  }
0xbc: {  	s0 =	sor.u32 s1, s0  }
0xbd: {  	s0 =	sadd.s32 $0x8F2B, s0  }
0xbe: {  	[sflag:s0] =	ssyncadd.remote.s32 $0x1  }
0xbf: {  	_ =	sfence.sel $0xFFFF  }
0xc0: {  	[dreg:$0x0] =	wrdreg $0xFFFFFFFF;
	(pc) =	sbr.abs _section_cstart, $3  }
0xc1: {  	[dreg:$0x1] =	wrdreg $0xFFFFFFFF  }
0xc2: {  	_ =	task.clear_ibuf [dreg:s6], $0x2FFFF;
	_ =	strace $0x9FFFFFFF  }
0xc3: {  	(tm) =	ssettm $0x7FFFFFFF  }
tec
execute0_lowered:
.L_overlay_start_1:
0x0: {  	(tag) =	ssettag $0x1  }
0x1: {  	s0 =	rddreg [dreg:$0x0]  }
0x2: {  	s1 =	rddreg [dreg:$0x1]  }
0x3: {  	s2 =	rddreg [dreg:$0x2];
	s4 =	srdreg.scid  }
0x4: {  	s3 =	simm.s32 $0x0;
	s8 =	stileid.u32;
	s17 =	simm.s32 $0x50  }
0x5: {  	s19 =	simm.s32 $0x1;
	s20 =	simm.s32 $0xB40;
	s21 =	simm.s32 $0x1F40  }
0x6: {  	s22 =	simm.s32 $0x5A0;
	s23 =	simm.s32 $0x5F0;
	s24 =	simm.s32 $0x640  }
0x7: {  	s28 =	simm.s32 $0x3340;
	s29 =	simm.s32 $0x4;
	s30 =	simm.s32 $0x0  }
0x8: {  	s6 =	sand.u32 $0x1, s4;
	[smem:$0x7FF] =	sst s3;
	s4 =	sadd.s32 $0x2BE00, s0  }
0x9: {  	s7 =	sadd.s32 $0x3400, s0;
	s10 =	sadd.s32 $0x18B800, s0;
	p0 =	sne.s32 s8, $0x0  }
0xa: {  	s5 =	sshll.u32 s6, $0x4;
	_ =	strace $0x8000004A;
	[dreg:$0x4] =	wrdreg s7  }
0xb: {  	[dreg:$0x5] =	wrdreg s10;
	s25 =	smul.u32 $0x186A0, s6;
	s6 =	ssub.s32 $0x2, s6  }
0xc: {  	s15 =	sshrl.u32 @!p0 s1, $0x3;
	s16 =	sshrl.u32 @!p0 s2, $0x3;
	s9 =	sor.u32 s8, s5  }
0xd: {  	s5 =	sadd.s32 $0x53000, s0;
	s11 =	sshrl.u32 s6, $0x1;
	s7 =	smul.u32 $0x4E20, s9  }
0xe: {  	s13 =	smul.u32 $0x9C40, s9;
	s0 =	sadd.s32 s25, s0;
	s6 =	ssub.s32 s6, s11  }
0xf: {  	s25 =	simm.s32 $0x2;
	s0 =	sadd.s32 $0x1A4000, s0;
	s12 =	sshrl.u32 s7, $0x3  }
0x10: {  	s31 =	sadd.s32 s5, s13;
	[dreg:$0x8] =	wrdreg s0;
	s9 =	sadd.s32 s4, s12  }
0x11: {  	s14 =	smax.u32 s6, $0x1;
	[dreg:$0x7] =	wrdreg s31;
	s26 =	sadd.s32 $0x13880, s9  }
0x12: {  	s12 =	sadd.s32 $0x50, s7;
	[dreg:$0x6] =	wrdreg s26;
	s26 =	simm.s32 $0x3  }
.LBB2_1:
0x13: {  	s0 =	simm.s32 @!p0 $0x1C05;
	s6 =	rddreg [dreg:$0x4]  }
0x14: {  	[spmem:s15], [sflag:s0] =	dma.local @!p0 [hbm:s6], $0x13880  }
0x15: {  	s6 =	simm.s32 @!p0 $0x5  }
0x16: {  	_ =	swait.ge @!p0 [sflag:s6], $0x13880  }
0x17: {  	[sflag:s6] =	ssyncset.done @!p0 $0x0  }
0x18: {  	s8 =	rddreg [dreg:$0x5];
	[sflag:s6] =	ssyncadd.s32 @!p0 $0xFFFEC780  }
0x19: {  	[spmem:s16], [sflag:s0] =	dma.local @!p0 [hbm:s8], $0x186A0  }
0x1a: {  	_ =	swait.ge @!p0 [sflag:s6], $0x186A0  }
0x1b: {  	[sflag:s6] =	ssyncset.done @!p0 $0x0  }
0x1c: {  	[sflag:s6] =	ssyncadd.s32 @!p0 $0xFFFE7960  }
0x1d: {  	[bflag:$0x0] =	sbarrier.arrive $0xFFFF  }
0x1e: {  	[tilespmem:s3], [sflag:$0x1] =	stream.linear.gather [hbm4b:s9+s3], $0x50, $0x38;
	[tilespmem:$0x1ABD0] =	vst v63  }
0x1f: {  	s11 =	rddreg [dreg:$0x6]  }
0x20: {  	[tilespmem:s17], [sflag:$0x1] =	stream.linear.gather [hbm4b:s11+s3], $0x50, $0x38;
	[tilespmem:$0x1ABD0] =	vst v63  }
0x21: {  	s18 =	simm.s32 $0xA0;
	s31 =	simm.s32 $0x0;
	s13 =	rddreg [dreg:$0x7]  }
0x22: {  	[tilespmem:s18], [sflag:$0x1] =	stream.linear.gather [hbm4b:s13+s3], $0x500, $0x38;
	[tilespmem:$0x1ABD0] =	vst v63  }
.LBB2_2:
0x23: {  	_ =	swait.ge [sflag:s19], $0x50  }
0x24: {  	[sflag:s19] =	ssyncset.done $0x0  }
0x25: {  	[sflag:s19] =	ssyncadd.s32 $0xFFFFFFB0  }
0x26: {  	_ =	swait.ge [sflag:s19], $0x50  }
0x27: {  	[sflag:s19] =	ssyncset.done $0x0  }
0x28: {  	[sflag:s19] =	ssyncadd.s32 $0xFFFFFFB0  }
0x29: {  	_ =	swait.ge [sflag:s19], $0x500  }
0x2a: {  	[sflag:s19] =	ssyncset.done $0x0  }
0x2b: {  	s0 =	smul.u32 $0xA0, s31;
	p1 =	seq.s32 s31, $0x0;
	[sflag:s19] =	ssyncadd.s32 $0xFFFFFB00  }
0x2c: {  	[tilespmem:s20], [sflag:$0x2] =	stream.indirect.gather [spmem:s1], $0x40, s3, s17, $0xb8;
	[tilespmem:$0x1ABD0] =	vst v63  }
0x2d: {  	s8 =	simm.s32 @!p1 $0x4;
	s6 =	sadd.s32 s7, s0  }
0x2e: {  	[tilespmem:s21], [sflag:$0x3] =	stream.indirect.gather [spmem:s1], $0x40, s17, s17, $0xb8;
	[tilespmem:$0x1ABD0] =	vst v63  }
0x2f: {  	s10 =	sadd.s32 $0x50, s6;
	_ =	swait.ge @!p1 [sflag:s8], $0x1900  }
0x30: {  	s6 =	sshrl.u32 s6, $0x3;
	s11 =	sshrl.u32 s10, $0x3;
	[sflag:s8] =	ssyncset.done @!p1 $0x0  }
0x31: {  	s6 =	sadd.s32 s4, s6;
	s18 =	sadd.s32 s4, s11;
	[sflag:s8] =	ssyncadd.s32 @!p1 $0xFFFFE700  }
0x32: {  	[tilespmem:s22], [sflag:$0x1] =	stream.linear.gather [hbm4b:s18+s3], $0x50, $0x38;
	[tilespmem:$0x1ABD0] =	vst v63  }
0x33: {  	s10 =	sshll.u32 s10, $0x1;
	s6 =	sadd.s32 $0x1388A, s6  }
0x34: {  	[tilespmem:s23], [sflag:$0x1] =	stream.linear.gather [hbm4b:s6+s3], $0x50, $0x38;
	[tilespmem:$0x1ABD0] =	vst v63  }
0x35: {  	s6 =	sand.u32 $0x1FFFFFE0, s10  }
0x36: {  	s6 =	sadd.s32 s5, s6  }
0x37: {  	[tilespmem:s24], [sflag:$0x1] =	stream.linear.gather [hbm4b:s6+s3], $0x500, $0x38;
	[tilespmem:$0x1ABD0] =	vst v63  }
0x38: {  	_ =	swait.ge [sflag:s25], $0x1400  }
0x39: {  	[sflag:s25] =	ssyncset.done $0x0  }
0x3a: {  	[sflag:s25] =	ssyncadd.s32 $0xFFFFEC00  }
0x3b: {  	_ =	swait.ge [sflag:s26], $0x1400  }
0x3c: {  	[sflag:s26] =	ssyncset.done $0x0  }
0x3d: {  	s18 =	simm.s32 $0xB0;
	[sflag:s26] =	ssyncadd.s32 $0xFFFFEC00  }
0x3e: {  	v0 =	vld [tilespmem:s18+$0xFFFFFFF0];
	_ =	sdelay $0x3  }
0x3f: {  	s6 =	simm.s32 $0x3390  }
0x40: {  	s11 =	simm.s32 $0xB80;
	[tilespmem:s6+$0xFFFFFFF0] =	vst v0  }
0x41: {  	s13 =	simm.s32 $0x1F80;
	v1 =	vld [tilespmem:s11+$0xFFFFFFC0]  }
0x42: {  	v2 =	vld [tilespmem:s13+$0xFFFFFFC0];
	_ =	sdelay $0x4  }
0x43: {  	v3 =	vbroadcast v0, $0x0;
	v1 =	vadd.f32 v2, v1;
	_ =	sdelay $0x1  }
0x44: {  	v1 =	vmul.f32 v1, v3;
	_ =	sdelay $0x1  }
0x45: {  	[tilespmem:s6+$0xFFFFFFB0] =	vst v1  }
0x46: {  	v1 =	vld [tilespmem:s11+$0xFFFFFFD0]  }
0x47: {  	v2 =	vld [tilespmem:s13+$0xFFFFFFD0];
	_ =	sdelay $0x4  }
0x48: {  	v3 =	vbroadcast v0, $0x1;
	v1 =	vadd.f32 v2, v1;
	_ =	sdelay $0x1  }
0x49: {  	v1 =	vmul.f32 v1, v3;
	_ =	sdelay $0x1  }
0x4a: {  	[tilespmem:s6+$0xFFFFFFC0] =	vst v1  }
0x4b: {  	v1 =	vld [tilespmem:s11+$0xFFFFFFE0]  }
0x4c: {  	v2 =	vld [tilespmem:s13+$0xFFFFFFE0];
	_ =	sdelay $0x4  }
0x4d: {  	v3 =	vbroadcast v0, $0x2;
	v1 =	vadd.f32 v2, v1;
	_ =	sdelay $0x1  }
0x4e: {  	v1 =	vmul.f32 v1, v3;
	_ =	sdelay $0x1  }
0x4f: {  	[tilespmem:s6+$0xFFFFFFD0] =	vst v1  }
0x50: {  	v1 =	vld [tilespmem:s11+$0xFFFFFFF0]  }
0x51: {  	v2 =	vld [tilespmem:s13+$0xFFFFFFF0];
	_ =	sdelay $0x4  }
0x52: {  	v0 =	vbroadcast v0, $0x3;
	v1 =	vadd.f32 v2, v1;
	_ =	sdelay $0x1  }
0x53: {  	v0 =	vmul.f32 v1, v0;
	_ =	sdelay $0x1  }
0x54: {  	[tilespmem:s6+$0xFFFFFFE0] =	vst v0  }
0x55: {  	v0 =	vld [tilespmem:s18+$0x0];
	_ =	sdelay $0x4  }
0x56: {  	[tilespmem:s6+$0x40] =	vst v0  }
0x57: {  	v1 =	vld [tilespmem:s11+$0x0]  }
0x58: {  	v2 =	vld [tilespmem:s13+$0x0];
	_ =	sdelay $0x4  }
0x59: {  	v3 =	vbroadcast v0, $0x0;
	v1 =	vadd.f32 v2, v1;
	_ =	sdelay $0x1  }
0x5a: {  	v1 =	vmul.f32 v1, v3;
	_ =	sdelay $0x1  }
0x5b: {  	[tilespmem:s6+$0x0] =	vst v1  }
0x5c: {  	v1 =	vld [tilespmem:s11+$0x10]  }
0x5d: {  	v2 =	vld [tilespmem:s13+$0x10];
	_ =	sdelay $0x4  }
0x5e: {  	v3 =	vbroadcast v0, $0x1;
	v1 =	vadd.f32 v2, v1;
	_ =	sdelay $0x1  }
0x5f: {  	v1 =	vmul.f32 v1, v3;
	_ =	sdelay $0x1  }
0x60: {  	[tilespmem:s6+$0x10] =	vst v1  }
0x61: {  	v1 =	vld [tilespmem:s11+$0x20]  }
0x62: {  	v2 =	vld [tilespmem:s13+$0x20];
	_ =	sdelay $0x4  }
0x63: {  	v3 =	vbroadcast v0, $0x2;
	v1 =	vadd.f32 v2, v1;
	_ =	sdelay $0x1  }
0x64: {  	v1 =	vmul.f32 v1, v3;
	_ =	sdelay $0x1  }
0x65: {  	[tilespmem:s6+$0x20] =	vst v1  }
0x66: {  	s8 =	simm.s32 $0x0;
	v1 =	vld [tilespmem:s11+$0x30]  }
0x67: {  	s10 =	simm.s32 $0x3390;
	v0 =	vbroadcast v0, $0x3;
	v2 =	vld [tilespmem:s13+$0x30];
	s11 =	simm.s32 $0xC00;
	s13 =	simm.s32 $0x2000  }
.LBB2_3:
0x68: {  	s8 =	sadd.s32 $0x2, s8;
	s18 =	sadd.s32 $0x20, s18;
	s6 =	sadd.s32 $0xA0, s6  }
0x69: {  	p1 =	slt.u32 s8, $0x4E;
	_ =	sdelay $0x2  }
0x6a: {  	v1 =	vadd.f32 v2, v1;
	_ =	sdelay $0x1  }
0x6b: {  	v0 =	vmul.f32 v1, v0;
	_ =	sdelay $0x1  }
0x6c: {  	[tilespmem:s10+$0x30] =	vst v0;
	s10 =	smov.u32 s6  }
0x6d: {  	v0 =	vld [tilespmem:s18+$0xFFFFFFF0];
	_ =	sdelay $0x4  }
0x6e: {  	[tilespmem:s6+$0xFFFFFFF0] =	vst v0  }
0x6f: {  	v1 =	vld [tilespmem:s11+$0xFFFFFFC0]  }
0x70: {  	v2 =	vld [tilespmem:s13+$0xFFFFFFC0];
	_ =	sdelay $0x3  }
0x71: {  	v3 =	vbroadcast v0, $0x0  }
0x72: {  	v1 =	vadd.f32 v2, v1;
	_ =	sdelay $0x1  }
0x73: {  	v1 =	vmul.f32 v1, v3;
	_ =	sdelay $0x1  }
0x74: {  	[tilespmem:s6+$0xFFFFFFB0] =	vst v1  }
0x75: {  	v1 =	vld [tilespmem:s11+$0xFFFFFFD0]  }
0x76: {  	v2 =	vld [tilespmem:s13+$0xFFFFFFD0];
	_ =	sdelay $0x2  }
0x77: {  	v3 =	vbroadcast v0, $0x1;
	_ =	sdelay $0x1  }
0x78: {  	v1 =	vadd.f32 v2, v1;
	_ =	sdelay $0x1  }
0x79: {  	v1 =	vmul.f32 v1, v3;
	_ =	sdelay $0x1  }
0x7a: {  	[tilespmem:s6+$0xFFFFFFC0] =	vst v1  }
0x7b: {  	v1 =	vld [tilespmem:s11+$0xFFFFFFE0]  }
0x7c: {  	v2 =	vld [tilespmem:s13+$0xFFFFFFE0];
	_ =	sdelay $0x1  }
0x7d: {  	v3 =	vbroadcast v0, $0x2;
	_ =	sdelay $0x2  }
0x7e: {  	v1 =	vadd.f32 v2, v1;
	_ =	sdelay $0x1  }
0x7f: {  	v1 =	vmul.f32 v1, v3;
	_ =	sdelay $0x1  }
0x80: {  	[tilespmem:s6+$0xFFFFFFD0] =	vst v1  }
0x81: {  	v1 =	vld [tilespmem:s11+$0xFFFFFFF0]  }
0x82: {  	v2 =	vld [tilespmem:s13+$0xFFFFFFF0]  }
0x83: {  	v0 =	vbroadcast v0, $0x3;
	_ =	sdelay $0x3  }
0x84: {  	v1 =	vadd.f32 v2, v1;
	_ =	sdelay $0x1  }
0x85: {  	v0 =	vmul.f32 v1, v0;
	_ =	sdelay $0x1  }
0x86: {  	[tilespmem:s6+$0xFFFFFFE0] =	vst v0  }
0x87: {  	v0 =	vld [tilespmem:s18+$0x0];
	_ =	sdelay $0x4  }
0x88: {  	[tilespmem:s6+$0x40] =	vst v0  }
0x89: {  	v1 =	vld [tilespmem:s11+$0x0]  }
0x8a: {  	v3 =	vbroadcast v0, $0x0;
	v2 =	vld [tilespmem:s13+$0x0];
	_ =	sdelay $0x4  }
0x8b: {  	v1 =	vadd.f32 v2, v1;
	_ =	sdelay $0x1  }
0x8c: {  	v1 =	vmul.f32 v1, v3;
	_ =	sdelay $0x1  }
0x8d: {  	[tilespmem:s6+$0x0] =	vst v1  }
0x8e: {  	v2 =	vbroadcast v0, $0x1;
	v1 =	vld [tilespmem:s11+$0x10]  }
0x8f: {  	v3 =	vld [tilespmem:s13+$0x10];
	_ =	sdelay $0x4  }
0x90: {  	v1 =	vadd.f32 v3, v1;
	_ =	sdelay $0x1  }
0x91: {  	v1 =	vmul.f32 v1, v2;
	_ =	sdelay $0x1  }
0x92: {  	[tilespmem:s6+$0x10] =	vst v1;
	v1 =	vbroadcast v0, $0x2  }
0x93: {  	v2 =	vld [tilespmem:s11+$0x20]  }
0x94: {  	v3 =	vld [tilespmem:s13+$0x20];
	_ =	sdelay $0x4  }
0x95: {  	v2 =	vadd.f32 v3, v2;
	_ =	sdelay $0x1  }
.Ltmp0:
0x96: {  	v1 =	vmul.f32 v2, v1;
	(pc) =	sbr.rel @p1 .LBB2_3-.Ltmp0, $4  }
0x97: {  	v0 =	vbroadcast v0, $0x3  }
0x98: {  	[tilespmem:s6+$0x20] =	vst v1  }
0x99: {  	v1 =	vld [tilespmem:s11+$0x30]  }
0x9a: {  	s11 =	sadd.s32 $0x80, s11;
	v2 =	vld [tilespmem:s13+$0x30];
	s13 =	sadd.s32 $0x80, s13  }
0x9b: {  	_ =	sdelay $0x3  }
0x9c: {  	v1 =	vadd.f32 v2, v1;
	_ =	sdelay $0x1  }
0x9d: {  	v0 =	vmul.f32 v1, v0;
	_ =	sdelay $0x1  }
0x9e: {  	[tilespmem:s10+$0x30] =	vst v0  }
0x9f: {  	[spmem:s2] =	stream.indirect.scatter.add.f32 [tilespmem:s28], [sflag:$0x4], $0x50, s17, s17, $0xb8;
	[tilespmem:$0x1ABD0] =	vst v63  }
0xa0: {  	_ =	swait.ge [sflag:s19], $0x50  }
0xa1: {  	[sflag:s19] =	ssyncset.done $0x0  }
0xa2: {  	[sflag:s19] =	ssyncadd.s32 $0xFFFFFFB0  }
0xa3: {  	_ =	swait.ge [sflag:s19], $0x50  }
0xa4: {  	[sflag:s19] =	ssyncset.done $0x0  }
0xa5: {  	[sflag:s19] =	ssyncadd.s32 $0xFFFFFFB0  }
0xa6: {  	_ =	swait.ge [sflag:s19], $0x500  }
0xa7: {  	[sflag:s19] =	ssyncset.done $0x0  }
0xa8: {  	p1 =	seq.s32 s31, $0x7C;
	[sflag:s19] =	ssyncadd.s32 $0xFFFFFB00  }
0xa9: {  	[tilespmem:s20], [sflag:$0x2] =	stream.indirect.gather [spmem:s1], $0x40, s22, s17, $0xb8;
	[tilespmem:$0x1ABD0] =	vst v63  }
0xaa: {  	s0 =	sadd.s32 @!p1 s0, s12  }
0xab: {  	[tilespmem:s21], [sflag:$0x3] =	stream.indirect.gather [spmem:s1], $0x40, s23, s17, $0xb8;
	[tilespmem:$0x1ABD0] =	vst v63  }
0xac: {  	s6 =	sadd.s32 @!p1 $0x50, s0;
	s0 =	sshrl.u32 @!p1 s0, $0x3;
	_ =	swait.ge [sflag:s29], $0x1900  }
0xad: {  	s8 =	sshrl.u32 @!p1 s6, $0x3;
	s0 =	sadd.s32 @!p1 s4, s0;
	[sflag:s29] =	ssyncset.done $0x0  }
0xae: {  	s8 =	sadd.s32 @!p1 s4, s8;
	s10 =	simm.s32 @!p1 $0x0;
	[sflag:s29] =	ssyncadd.s32 $0xFFFFE700  }
0xaf: {  	[tilespmem:s10], [sflag:$0x1] =	stream.linear.gather @!p1 [hbm4b:s8+s10], $0x50, $0x38;
	[tilespmem:$0x1ABD0] =	vst v63  }
0xb0: {  	s0 =	sadd.s32 @!p1 $0x1388A, s0;
	s8 =	simm.s32 @!p1 $0x50  }
0xb1: {  	[tilespmem:s8], [sflag:$0x1] =	stream.linear.gather @!p1 [hbm4b:s0+s10], $0x50, $0x38;
	[tilespmem:$0x1ABD0] =	vst v63  }
0xb2: {  	s0 =	sshll.u32 @!p1 s6, $0x1  }
0xb3: {  	s0 =	sand.u32 @!p1 $0x1FFFFFC0, s0  }
0xb4: {  	s6 =	simm.s32 @!p1 $0xA0;
	s0 =	sadd.s32 @!p1 s5, s0  }
0xb5: {  	[tilespmem:s6], [sflag:$0x1] =	stream.linear.gather @!p1 [hbm4b:s0+s10], $0x500, $0x38;
	[tilespmem:$0x1ABD0] =	vst v63  }
0xb6: {  	_ =	swait.ge [sflag:s25], $0x1400  }
0xb7: {  	[sflag:s25] =	ssyncset.done $0x0  }
0xb8: {  	[sflag:s25] =	ssyncadd.s32 $0xFFFFEC00  }
0xb9: {  	_ =	swait.ge [sflag:s26], $0x1400  }
0xba: {  	[sflag:s26] =	ssyncset.done $0x0  }
0xbb: {  	s0 =	simm.s32 $0x650;
	[sflag:s26] =	ssyncadd.s32 $0xFFFFEC00  }
0xbc: {  	v0 =	vld [tilespmem:s0+$0xFFFFFFF0];
	_ =	sdelay $0x3  }
0xbd: {  	s6 =	simm.s32 $0x3390  }
0xbe: {  	s18 =	simm.s32 $0xB80;
	[tilespmem:s6+$0xFFFFFFF0] =	vst v0  }
0xbf: {  	s11 =	simm.s32 $0x1F80;
	v1 =	vld [tilespmem:s18+$0xFFFFFFC0]  }
0xc0: {  	v2 =	vld [tilespmem:s11+$0xFFFFFFC0];
	_ =	sdelay $0x4  }
0xc1: {  	v3 =	vbroadcast v0, $0x0;
	v1 =	vadd.f32 v2, v1;
	_ =	sdelay $0x1  }
0xc2: {  	v1 =	vmul.f32 v1, v3;
	_ =	sdelay $0x1  }
0xc3: {  	[tilespmem:s6+$0xFFFFFFB0] =	vst v1  }
0xc4: {  	v1 =	vld [tilespmem:s18+$0xFFFFFFD0]  }
0xc5: {  	v2 =	vld [tilespmem:s11+$0xFFFFFFD0];
	_ =	sdelay $0x4  }
0xc6: {  	v3 =	vbroadcast v0, $0x1;
	v1 =	vadd.f32 v2, v1;
	_ =	sdelay $0x1  }
0xc7: {  	v1 =	vmul.f32 v1, v3;
	_ =	sdelay $0x1  }
0xc8: {  	[tilespmem:s6+$0xFFFFFFC0] =	vst v1  }
0xc9: {  	v1 =	vld [tilespmem:s18+$0xFFFFFFE0]  }
0xca: {  	v2 =	vld [tilespmem:s11+$0xFFFFFFE0];
	_ =	sdelay $0x4  }
0xcb: {  	v3 =	vbroadcast v0, $0x2;
	v1 =	vadd.f32 v2, v1;
	_ =	sdelay $0x1  }
0xcc: {  	v1 =	vmul.f32 v1, v3;
	_ =	sdelay $0x1  }
0xcd: {  	[tilespmem:s6+$0xFFFFFFD0] =	vst v1  }
0xce: {  	v1 =	vld [tilespmem:s18+$0xFFFFFFF0]  }
0xcf: {  	v2 =	vld [tilespmem:s11+$0xFFFFFFF0];
	_ =	sdelay $0x4  }
0xd0: {  	v0 =	vbroadcast v0, $0x3;
	v1 =	vadd.f32 v2, v1;
	_ =	sdelay $0x1  }
0xd1: {  	v0 =	vmul.f32 v1, v0;
	_ =	sdelay $0x1  }
0xd2: {  	[tilespmem:s6+$0xFFFFFFE0] =	vst v0  }
0xd3: {  	v0 =	vld [tilespmem:s0+$0x0];
	_ =	sdelay $0x4  }
0xd4: {  	[tilespmem:s6+$0x40] =	vst v0  }
0xd5: {  	v1 =	vld [tilespmem:s18+$0x0]  }
0xd6: {  	v2 =	vld [tilespmem:s11+$0x0];
	_ =	sdelay $0x4  }
0xd7: {  	v3 =	vbroadcast v0, $0x0;
	v1 =	vadd.f32 v2, v1;
	_ =	sdelay $0x1  }
0xd8: {  	v1 =	vmul.f32 v1, v3;
	_ =	sdelay $0x1  }
0xd9: {  	[tilespmem:s6+$0x0] =	vst v1  }
0xda: {  	v1 =	vld [tilespmem:s18+$0x10]  }
0xdb: {  	v2 =	vld [tilespmem:s11+$0x10];
	_ =	sdelay $0x4  }
0xdc: {  	v3 =	vbroadcast v0, $0x1;
	v1 =	vadd.f32 v2, v1;
	_ =	sdelay $0x1  }
0xdd: {  	v1 =	vmul.f32 v1, v3;
	_ =	sdelay $0x1  }
0xde: {  	[tilespmem:s6+$0x10] =	vst v1  }
0xdf: {  	v1 =	vld [tilespmem:s18+$0x20]  }
0xe0: {  	v2 =	vld [tilespmem:s11+$0x20];
	_ =	sdelay $0x4  }
0xe1: {  	v3 =	vbroadcast v0, $0x2;
	v1 =	vadd.f32 v2, v1;
	_ =	sdelay $0x1  }
0xe2: {  	v1 =	vmul.f32 v1, v3;
	_ =	sdelay $0x1  }
0xe3: {  	[tilespmem:s6+$0x20] =	vst v1  }
0xe4: {  	s13 =	simm.s32 $0x2000;
	v1 =	vld [tilespmem:s18+$0x30]  }
0xe5: {  	s8 =	simm.s32 $0x0;
	s10 =	simm.s32 $0x3390;
	v0 =	vbroadcast v0, $0x3;
	v2 =	vld [tilespmem:s11+$0x30];
	s11 =	simm.s32 $0xC00  }
.LBB2_5:
0xe6: {  	s8 =	sadd.s32 $0x2, s8;
	s0 =	sadd.s32 $0x20, s0;
	s6 =	sadd.s32 $0xA0, s6  }
0xe7: {  	p1 =	slt.u32 s8, $0x4E;
	_ =	sdelay $0x2  }
0xe8: {  	v1 =	vadd.f32 v2, v1;
	_ =	sdelay $0x1  }
0xe9: {  	v0 =	vmul.f32 v1, v0;
	_ =	sdelay $0x1  }
0xea: {  	[tilespmem:s10+$0x30] =	vst v0;
	s10 =	smov.u32 s6  }
0xeb: {  	v0 =	vld [tilespmem:s0+$0xFFFFFFF0];
	_ =	sdelay $0x4  }
0xec: {  	[tilespmem:s6+$0xFFFFFFF0] =	vst v0  }
0xed: {  	v1 =	vld [tilespmem:s11+$0xFFFFFFC0]  }
0xee: {  	v2 =	vld [tilespmem:s13+$0xFFFFFFC0];
	_ =	sdelay $0x3  }
0xef: {  	v3 =	vbroadcast v0, $0x0  }
0xf0: {  	v1 =	vadd.f32 v2, v1;
	_ =	sdelay $0x1  }
0xf1: {  	v1 =	vmul.f32 v1, v3;
	_ =	sdelay $0x1  }
0xf2: {  	[tilespmem:s6+$0xFFFFFFB0] =	vst v1  }
0xf3: {  	v1 =	vld [tilespmem:s11+$0xFFFFFFD0]  }
0xf4: {  	v2 =	vld [tilespmem:s13+$0xFFFFFFD0];
	_ =	sdelay $0x2  }
0xf5: {  	v3 =	vbroadcast v0, $0x1;
	_ =	sdelay $0x1  }
0xf6: {  	v1 =	vadd.f32 v2, v1;
	_ =	sdelay $0x1  }
0xf7: {  	v1 =	vmul.f32 v1, v3;
	_ =	sdelay $0x1  }
0xf8: {  	[tilespmem:s6+$0xFFFFFFC0] =	vst v1  }
0xf9: {  	v1 =	vld [tilespmem:s11+$0xFFFFFFE0]  }
0xfa: {  	v2 =	vld [tilespmem:s13+$0xFFFFFFE0];
	_ =	sdelay $0x1  }
0xfb: {  	v3 =	vbroadcast v0, $0x2;
	_ =	sdelay $0x2  }
0xfc: {  	v1 =	vadd.f32 v2, v1;
	_ =	sdelay $0x1  }
0xfd: {  	v1 =	vmul.f32 v1, v3;
	_ =	sdelay $0x1  }
0xfe: {  	[tilespmem:s6+$0xFFFFFFD0] =	vst v1  }
0xff: {  	v1 =	vld [tilespmem:s11+$0xFFFFFFF0]  }
0x100: {  	v2 =	vld [tilespmem:s13+$0xFFFFFFF0]  }
0x101: {  	v0 =	vbroadcast v0, $0x3;
	_ =	sdelay $0x3  }
0x102: {  	v1 =	vadd.f32 v2, v1;
	_ =	sdelay $0x1  }
0x103: {  	v0 =	vmul.f32 v1, v0;
	_ =	sdelay $0x1  }
0x104: {  	[tilespmem:s6+$0xFFFFFFE0] =	vst v0  }
0x105: {  	v0 =	vld [tilespmem:s0+$0x0];
	_ =	sdelay $0x4  }
0x106: {  	[tilespmem:s6+$0x40] =	vst v0  }
0x107: {  	v1 =	vld [tilespmem:s11+$0x0]  }
0x108: {  	v3 =	vbroadcast v0, $0x0;
	v2 =	vld [tilespmem:s13+$0x0];
	_ =	sdelay $0x4  }
0x109: {  	v1 =	vadd.f32 v2, v1;
	_ =	sdelay $0x1  }
0x10a: {  	v1 =	vmul.f32 v1, v3;
	_ =	sdelay $0x1  }
0x10b: {  	[tilespmem:s6+$0x0] =	vst v1  }
0x10c: {  	v2 =	vbroadcast v0, $0x1;
	v1 =	vld [tilespmem:s11+$0x10]  }
0x10d: {  	v3 =	vld [tilespmem:s13+$0x10];
	_ =	sdelay $0x4  }
0x10e: {  	v1 =	vadd.f32 v3, v1;
	_ =	sdelay $0x1  }
0x10f: {  	v1 =	vmul.f32 v1, v2;
	_ =	sdelay $0x1  }
0x110: {  	[tilespmem:s6+$0x10] =	vst v1;
	v1 =	vbroadcast v0, $0x2  }
0x111: {  	v2 =	vld [tilespmem:s11+$0x20]  }
0x112: {  	v3 =	vld [tilespmem:s13+$0x20];
	_ =	sdelay $0x4  }
0x113: {  	v2 =	vadd.f32 v3, v2;
	_ =	sdelay $0x1  }
.Ltmp1:
0x114: {  	v1 =	vmul.f32 v2, v1;
	(pc) =	sbr.rel @p1 .LBB2_5-.Ltmp1, $4  }
0x115: {  	v0 =	vbroadcast v0, $0x3  }
0x116: {  	[tilespmem:s6+$0x20] =	vst v1  }
0x117: {  	v1 =	vld [tilespmem:s11+$0x30]  }
0x118: {  	s11 =	sadd.s32 $0x80, s11;
	v2 =	vld [tilespmem:s13+$0x30];
	s13 =	sadd.s32 $0x80, s13  }
0x119: {  	_ =	sdelay $0x2  }
0x11a: {  	s31 =	sadd.s32 $0x1, s31  }
0x11b: {  	p1 =	sne.s32 s31, $0x7D;
	v1 =	vadd.f32 v2, v1  }
.Ltmp2:
0x11c: {  	_ = 	snop;
	(pc) =	sbr.rel @p1 .LBB2_2-.Ltmp2, $3  }
0x11d: {  	v0 =	vmul.f32 v1, v0;
	_ =	sdelay $0x1  }
0x11e: {  	[tilespmem:s10+$0x30] =	vst v0  }
0x11f: {  	[spmem:s2] =	stream.indirect.scatter.add.f32 [tilespmem:s28], [sflag:$0x4], $0x50, s23, s17, $0xb8;
	[tilespmem:$0x1ABD0] =	vst v63  }
0x120: {  	_ =	swait.ge [sflag:s29], $0x1900  }
0x121: {  	[sflag:s29] =	ssyncset.done $0x0  }
0x122: {  	[sflag:s29] =	ssyncadd.s32 $0xFFFFE700  }
0x123: {  	s30 =	sadd.s32 $0x1, s30;
	[bflag:$0x0] =	sbarrier.arrive $0xFFFF  }
0x124: {  	s0 =	simm.s32 @!p0 $0x1C05;
	p1 =	sne.s32 s30, s14;
	s6 =	rddreg [dreg:$0x8]  }
0x125: {  	[hbm:s6], [sflag:s0] =	dma.local @!p0 [spmem:s16], $0x186A0  }
.Ltmp3:
0x126: {  	_ = 	snop;
	(pc) =	sbr.rel @p1 .LBB2_1-.Ltmp3, $4  }
0x127: {  	s0 =	simm.s32 @!p0 $0x5  }
0x128: {  	_ =	swait.ge @!p0 [sflag:s0], $0x186A0  }
0x129: {  	[sflag:s0] =	ssyncset.done @!p0 $0x0  }
0x12a: {  	[sflag:s0] =	ssyncadd.s32 @!p0 $0xFFFE7960  }
0x12b: {  	_ =	sfence.sel $0x180000  }
0x12c: {  	[bflag:$0x0] =	sbarrier.arrive $0xFFFF  }
0x12d: {  	_ =	strace $0x9000004A  }
0x12e: {  	[bflag:$0x2] =	sbarrier.arrive $0xFFFF  }
0x12f: {  	s0 =	rddreg [dreg:$0x3]  }
0x130: {  	s0 =	sadd.s32 @!p0 $0x100000, s0  }
0x131: {  	[sflag:s0] =	ssyncadd.tile.s32 @!p0 $0x1;
	_ =	shalt  }
.Lfunc_end2:
_tile_overlayer_lowered:
.L_overlay_start_2:
0x132: {  	(tag) =	ssettag $0x2  }
0x133: {  	s0 =	rddreg [dreg:$0x0];
	s2 =	stileid.u32  }
0x134: {  	s1 =	rddreg [dreg:$0x1];
	p0 =	sne.s32 s2, $0x0  }
0x135: {  	s3 =	rddreg [dreg:$0x2];
	[bflag:$0x3] =	sbarrier.arrive $0xFFFF;
	s2 =	simm.s32 @!p0 $0x1C05  }
0x136: {  	[timem:s3], [sflag:s2] =	dma.local @!p0 [hbm:s0], s1  }
0x137: {  	s0 =	simm.s32 @!p0 $0x5  }
0x138: {  	_ =	swait.ge @!p0 [sflag:s0], s1  }
0x139: {  	s1 =	ssub.s32 @!p0 $0x0, s1;
	[sflag:s0] =	ssyncset.done @!p0 $0x0  }
0x13a: {  	[sflag:s0] =	ssyncadd.s32 @!p0 s1  }
0x13b: {  	[bflag:$0x3] =	sbarrier.arrive $0xFFFF  }
0x13c: {  	_ =	shalt  }

// kernel: kernel.7.cloned.1.call-start
scs
__scs_entry_jumppad:
0x0: {  	(pc) =	sbr.rel $0x88, $3  }
0x1: {  	(tag) =	ssettag $0x0;
	lr =	simm.s32 $0x1  }
0x2: {  	[smem:$0x3F94] =	sst lr;
	_ =	strace $0xD0000000  }
0x3: {  	_ = 	snop  }
0x4: {  	_ = 	snop  }
0x5: {  	_ = 	snop  }
0x6: {  	_ = 	snop  }
0x7: {  	_ = 	snop  }
__scs_overlays_trampoline_lowered:
0x8: {  	[smem:$0x3FA3] =	sst s0  }
0x9: {  	[smem:$0x3FA4] =	sst s1  }
0xa: {  	[smem:$0x3FA5] =	sst s2  }
0xb: {  	[smem:$0x3FA6] =	sst s3  }
0xc: {  	[smem:$0x3FA7] =	sst s4  }
0xd: {  	[smem:$0x3FA8] =	sst s5  }
0xe: {  	[smem:$0x3FA9] =	sst s6  }
0xf: {  	[smem:$0x3FAA] =	sst s7  }
0x10: {  	[smem:$0x3FAB] =	sst s8  }
0x11: {  	[smem:$0x3FAC] =	sst s9;
	s0 =	simm.s32 @!p0 $0x0  }
0x12: {  	s1 =	sld [smem:$0x3F92];
	s0 =	simm.s32 @p0 $0x1  }
0x13: {  	[smem:$0x3FAD] =	sst s0;
	s0 =	simm.s32 @!p1 $0x0  }
0x14: {  	s2 =	sld [smem:$0x3F91];
	s0 =	simm.s32 @p1 $0x1  }
0x15: {  	[smem:$0x3FAE] =	sst s0;
	s0 =	simm.s32 @!p2 $0x0  }
0x16: {  	s3 =	sld [smem:$0x3FDB];
	s0 =	simm.s32 @p2 $0x1  }
0x17: {  	s4 =	simm.s32 $0x1BF5;
	[smem:$0x3FB0] =	sst s0  }
0x18: {  	s0 =	sld [smem:$0x3F93];
	_ =	swait.ge [sflag:s4], $0x0  }
0x19: {  	s7 =	sld [smem:$0x3F94]  }
0x1a: {  	s8 =	sadd.s32 $0xFFFFE003, lr  }
0x1b: {  	s9 =	sadd.s32 $0xFFFFFEF7, lr;
	s5 =	simm.s32 $0xFFFFFFFF;
	p2 =	slt.u32 s8, $0xFFFFF086  }
0x1c: {  	p1 =	slt.u32 s9, $0xF7A;
	s5 =	simm.s32 @!p2 $0x0  }
0x1d: {  	s5 =	simm.s32 @p1 $0x1;
	p0 =	seq.s32 s7, s2  }
0x1e: {  	s7 =	smul.u32 @!p0 $0xF7A, s2;
	p2 =	seq.s32 @!p0 s5, $0x0  }
0x1f: {  	s9 =	smul.u32 $0xF7A, s1;
	s8 =	simm.s32 @!p0 $0x1BF5;
	p2 =	por !p2, p0  }
0x20: {  	[sflag:s8] =	ssyncset.s32 @!p0 $0xFFFFF086;
	s6 =	sadd.s32 @!p0 s3, s7;
	s7 =	simm.s32 @!p0 $0x108  }
0x21: {  	s3 =	sadd.s32 s3, s9;
	s6 =	sadd.s32 @!p0 $0x88, s6;
	s7 =	simm.s32 @p2 $0x1082  }
0x22: {  	[simem:s7], [sflag:s8] =	dma.local @!p0 [hbm:s6], $0xF7A  }
0x23: {  	s9 =	sor.u32 $0xD0000000, s2;
	s6 =	simm.s32 $0x108;
	_ =	swait.ge @!p0 [sflag:s8], $0x0  }
0x24: {  	s3 =	sadd.s32 $0x88, s3;
	s6 =	simm.s32 @!p1 $0x1082;
	[sflag:s4] =	ssyncset.s32 $0xFFFFF086  }
0x25: {  	[simem:s6], [sflag:s4] =	dma.local [hbm:s3], $0xF7A  }
0x26: {  	[smem:$0x3F94] =	sst s1;
	(tag) =	ssettag s2;
	_ =	strace s9  }
0x27: {  	s1 =	sld [smem:$0x3FA4]  }
0x28: {  	s2 =	sld [smem:$0x3FA5]  }
0x29: {  	s4 =	sld [smem:$0x3FA7]  }
0x2a: {  	p0 =	seq.s32 s5, $0x0;
	s5 =	sld [smem:$0x3FA8]  }
0x2b: {  	s6 =	sld [smem:$0x3FA9]  }
0x2c: {  	s7 =	sld [smem:$0x3FAA]  }
0x2d: {  	s3 =	simm.s32 $0x108;
	s8 =	sld [smem:$0x3FAB]  }
0x2e: {  	s3 =	simm.s32 @!p0 $0x1082;
	s9 =	sld [smem:$0x3FAC]  }
0x2f: {  	lr =	sadd.s32 s0, s3;
	s0 =	sld [smem:$0x3FA3]  }
0x30: {  	s3 =	sld [smem:$0x3FA6]  }
0x31: {  	[smem:$0x3FAF] =	sst s10  }
0x32: {  	s10 =	sld [smem:$0x3FAD];
	_ =	sdelay $0x3  }
0x33: {  	p0 =	seq.s32 s10, $0x1;
	s10 =	sld [smem:$0x3FAF];
	_ =	sdelay $0x3  }
0x34: {  	[smem:$0x3FAF] =	sst s10  }
0x35: {  	s10 =	sld [smem:$0x3FAE];
	_ =	sdelay $0x3  }
0x36: {  	p1 =	seq.s32 s10, $0x1;
	s10 =	sld [smem:$0x3FAF];
	_ =	sdelay $0x3  }
0x37: {  	[smem:$0x3FAF] =	sst s10  }
0x38: {  	s10 =	sld [smem:$0x3FB0]  }
0x39: {  	_ = 	snop;
	(pc) =	sbr.ind lr, $3  }
0x3a: {  	_ = 	snop  }
0x3b: {  	_ = 	snop  }
0x3c: {  	p2 =	seq.s32 s10, $0x1;
	s10 =	sld [smem:$0x3FAF]  }
0x3d: {  	_ =	shalt  }
0x3e: {  	_ =	shalt  }
0x3f: {  	_ =	shalt  }
0x40: {  	_ =	shalt  }
0x41: {  	_ =	shalt  }
0x42: {  	_ =	shalt  }
0x43: {  	_ =	shalt  }
0x44: {  	_ =	shalt  }
0x45: {  	_ =	shalt  }
0x46: {  	_ =	shalt  }
0x47: {  	_ =	shalt  }
0x48: {  	_ =	shalt  }
0x49: {  	_ =	shalt  }
0x4a: {  	_ =	shalt  }
0x4b: {  	_ =	shalt  }
0x4c: {  	_ =	shalt  }
0x4d: {  	_ =	shalt  }
0x4e: {  	_ =	shalt  }
0x4f: {  	_ =	shalt  }
0x50: {  	_ =	shalt  }
0x51: {  	_ =	shalt  }
0x52: {  	_ =	shalt  }
0x53: {  	_ =	shalt  }
0x54: {  	_ =	shalt  }
0x55: {  	_ =	shalt  }
0x56: {  	_ =	shalt  }
0x57: {  	_ =	shalt  }
0x58: {  	_ =	shalt  }
0x59: {  	_ =	shalt  }
0x5a: {  	_ =	shalt  }
0x5b: {  	_ =	shalt  }
0x5c: {  	_ =	shalt  }
0x5d: {  	_ =	shalt  }
0x5e: {  	_ =	shalt  }
0x5f: {  	_ =	shalt  }
0x60: {  	_ =	shalt  }
0x61: {  	_ =	shalt  }
0x62: {  	_ =	shalt  }
0x63: {  	_ =	shalt  }
0x64: {  	_ =	shalt  }
0x65: {  	_ =	shalt  }
0x66: {  	_ =	shalt  }
0x67: {  	_ =	shalt  }
0x68: {  	_ =	shalt  }
0x69: {  	_ =	shalt  }
0x6a: {  	_ =	shalt  }
0x6b: {  	_ =	shalt  }
0x6c: {  	_ =	shalt  }
0x6d: {  	_ =	shalt  }
0x6e: {  	_ =	shalt  }
0x6f: {  	_ =	shalt  }
0x70: {  	_ =	shalt  }
0x71: {  	_ =	shalt  }
0x72: {  	_ =	shalt  }
0x73: {  	_ =	shalt  }
0x74: {  	_ =	shalt  }
0x75: {  	_ =	shalt  }
0x76: {  	_ =	shalt  }
0x77: {  	_ =	shalt  }
0x78: {  	_ =	shalt  }
0x79: {  	_ =	shalt  }
0x7a: {  	_ =	shalt  }
0x7b: {  	_ =	shalt  }
0x7c: {  	_ =	shalt  }
0x7d: {  	_ =	shalt  }
0x7e: {  	_ =	shalt  }
0x7f: {  	_ =	shalt  }
0x80: {  	_ =	shalt  }
0x81: {  	_ =	shalt  }
0x82: {  	_ =	shalt  }
0x83: {  	_ =	shalt  }
0x84: {  	_ =	shalt  }
0x85: {  	_ =	shalt  }
0x86: {  	_ =	shalt  }
0x87: {  	_ =	shalt  }
.Lfunc_end0:
.L_simem_size_0:
called_computation_lowered:
.L_overlay_start_0:
0x88: {  	s2 =	sld [smem:$0x3FD9]  }
0x89: {  	s3 =	sld [smem:$0x3FFE];
	_ =	sdelay $0x1  }
0x8a: {  	s1 =	srdreg.scid  }
0x8b: {  	s0 =	sand.u32 $0x1, s1  }
0x8c: {  	s17 =	sshll.u32 s0, $0xA;
	s2 =	sadd.s32 s3, s2  }
0x8d: {  	s2 =	sadd.s32 s2, s17  }
0x8e: {  	[smem:$0x3FBB] =	sst s2  }
0x8f: {  	_ = 	snop  }
0x90: {  	s2 =	sld [smem:$0x3FD0];
	(tm) =	ssettm $0x1  }
0x91: {  	s18 =	sld [smem:$0x3FFB];
	_ =	sdelay $0x3  }
0x92: {  	_ =	strace s18  }
0x93: {  	s3 =	sld [smem:$0x3FFC];
	_ =	sdelay $0x3  }
0x94: {  	_ =	strace s3  }
0x95: {  	s3 =	sld [smem:$0x3FFD];
	_ =	sdelay $0x3  }
0x96: {  	_ =	strace s3  }
0x97: {  	_ =	strace $0x8FFFFFFF  }
0x98: {  	s19 =	sld [smem:$0x3FDB];
	_ =	sdelay $0x1  }
0x99: {  	s4 =	simm.s32 $_scs_section_size  }
0x9a: {  	s5 =	simm.s32 $_size__tile_overlayer_lowered;
	s6 =	simm.s32 $_tile_overlayer_lowered  }
0x9b: {  	s22 =	simm.s32 $0x1BFF;
	s21 =	sshll.u32 s6, $0x1;
	s3 =	sadd.s32 s4, s19  }
0x9c: {  	s7 =	simm.s32 $0x0;
	s20 =	sshll.u32 s5, $0x1;
	s5 =	sadd.s32 s21, s3  }
0x9d: {  	[timem:s7], [sflag:s22] =	dma.local [hbm:s5], s20  }
0x9e: {  	_ =	swait.ge [sflag:s22], s20  }
0x9f: {  	s4 =	ssub.s32 $0x0, s20;
	[sflag:s22] =	ssyncset.done $0x0  }
0xa0: {  	[sflag:s22] =	ssyncadd.s32 s4;
	_ =	sdelay $0x1  }
0xa1: {  	s23 =	simm.s32 $0x1B8B  }
0xa2: {  	_ =	swait.ge [sflag:s23], $0x1  }
0xa3: {  	[sflag:s23] =	ssyncset.done $0x0  }
0xa4: {  	s25 =	simm.s32 $0x1B8E;
	s24 =	sld [smem:$0x3FFE];
	[sflag:s23] =	ssyncadd.s32 $0xFFFFFFFF  }
0xa5: {  	s26 =	simm.s32 $execute0_lowered;
	[smem:$0x3FD2] =	sst s25  }
0xa6: {  	s5 =	sshll.u32 s26, $0x1;
	_ =	strace $0x80000046;
	[dreg:$0x1] =	wrdreg $0xFFFFFFFF  }
0xa7: {  	s28 =	simm.s32 $_size_execute0_lowered;
	s3 =	sadd.s32 s3, s5;
	[dreg:$0x0] =	wrdreg $0x0  }
0xa8: {  	s5 =	sshll.u32 s28, $0x1;
	[dreg:$0x2] =	wrdreg s3  }
0xa9: {  	[dreg:$0x3] =	wrdreg s5  }
0xaa: {  	[dreg:$0x4] =	wrdreg $0xC0  }
0xab: {  	_ =	task [dreg:s7], $0x5FFFF  }
0xac: {  	[dreg:$0x1] =	wrdreg $0xFFFFFFFF  }
0xad: {  	[dreg:$0x0] =	wrdreg $0x60  }
0xae: {  	[dreg:$0x2] =	wrdreg s24  }
0xaf: {  	[dreg:$0x3] =	wrdreg s2  }
0xb0: {  	[dreg:$0x4] =	wrdreg $0x9  }
0xb1: {  	_ =	task.clear_ibuf [dreg:s7], $0x5FFFF;
	_ =	strace $0x90000046  }
0xb2: {  	s29 =	simm.s32 $0x9;
	_ =	strace $0x80000048  }
0xb3: {  	_ =	swait.ge [sflag:s29], $0x1  }
0xb4: {  	[sflag:s29] =	ssyncadd.s32 $0xFFFFFFFF  }
0xb5: {  	_ =	strace $0x90000048  }
0xb6: {  	_ =	sfence  }
0xb7: {  	s30 =	sld [smem:$0x0];
	_ =	sdelay $0x2  }
0xb8: {  	s31 =	sshll.u32 s1, $0xD;
	s1 =	sshrl.u32 s1, $0x2  }
0xb9: {  	s3 =	sand.u32 $0x4000, s31;
	s1 =	sadd.s32 s1, s30  }
0xba: {  	s0 =	sor.u32 s3, s0;
	s1 =	sshll.u32 s1, $0x11  }
0xbb: {  	s0 =	sor.u32 s1, s0  }
0xbc: {  	s0 =	sadd.s32 $0x8F2B, s0  }
0xbd: {  	[sflag:s0] =	ssyncadd.remote.s32 $0x1  }
0xbe: {  	_ =	sfence.sel $0xFFFF  }
0xbf: {  	[dreg:$0x0] =	wrdreg $0xFFFFFFFF;
	(pc) =	sbr.abs _section_cstart, $3  }
0xc0: {  	[dreg:$0x1] =	wrdreg $0xFFFFFFFF  }
0xc1: {  	_ =	task.clear_ibuf [dreg:s7], $0x2FFFF;
	_ =	strace $0x9FFFFFFF  }
0xc2: {  	(tm) =	ssettm $0x7FFFFFFF  }
0xc3: {  	_ =	shalt  }
tec
execute0_lowered:
.L_overlay_start_1:
0x0: {  	(tag) =	ssettag $0x1  }
0x1: {  	s0 =	rddreg [dreg:$0x0]  }
0x2: {  	s2 =	simm.s32 $0x0;
	s1 =	srdreg.scid;
	s5 =	stileid.u32  }
0x3: {  	s16 =	simm.s32 $0x200;
	s17 =	simm.s32 $0x5;
	s18 =	simm.s32 $0xBC8  }
0x4: {  	s19 =	simm.s32 $0x25C8;
	s20 =	simm.s32 $0x3FC8;
	s22 =	simm.s32 $0x3  }
0x5: {  	s23 =	simm.s32 $0xDC08;
	s24 =	simm.s32 $0x4;
	s25 =	simm.s32 $0x10408  }
0x6: {  	s28 =	simm.s32 $0x2;
	s29 =	simm.s32 $0x0;
	[smem:$0x7FF] =	sst s2  }
0x7: {  	s3 =	sadd.s32 $0x2BE00, s0;
	s4 =	sadd.s32 $0x53000, s0;
	s6 =	sadd.s32 $0x2BA00, s0  }
0x8: {  	s1 =	sand.u32 $0x1, s1;
	s7 =	sadd.s32 $0x2A600, s0;
	s9 =	sadd.s32 $0x53200, s0  }
0x9: {  	s11 =	sadd.s32 $0x3F680, s0;
	_ =	strace $0x80000047;
	s26 =	ssub.s32 $0x2, s1  }
.Ltmp0:
0xa: {  	s1 =	sshll.u32 s1, $0x4;
	s10 =	sshrl.u32 s26, $0x1;
	(pc) =	sbr.rel .LBB2_1-.Ltmp0, $4  }
0xb: {  	[dreg:$0x3] =	wrdreg s4;
	s8 =	sor.u32 s5, s1;
	s30 =	ssub.s32 s26, s10  }
0xc: {  	p0 =	slt.u32 s8, $0x8;
	s10 =	simm.s32 $0x9D;
	s31 =	sshll.u32 s8, $0x4  }
0xd: {  	s26 =	simm.s32 $0x1;
	s10 =	simm.s32 @!p0 $0x9C;
	s12 =	sadd.s32 s3, s31  }
0xe: {  	s13 =	sadd.s32 s31, s11;
	s15 =	smax.u32 s30, $0x1;
	s14 =	sadd.s32 $0xFFFFFFFF, s10  }
.LBB2_11:
0xf: {  	s29 =	sadd.s32 $0x1, s29  }
0x10: {  	_ =	swait.ge [sflag:s26], $0x2800;
	p0 =	sne.s32 s29, s15  }
.Ltmp1:
0x11: {  	[sflag:s26] =	ssyncset.done $0x0;
	(pc) =	sbr.rel @!p0 .LBB2_12-.Ltmp1, $4  }
0x12: {  	[sflag:s26] =	ssyncadd.s32 $0xFFFFD800  }
0x13: {  	_ =	swait.ge [sflag:s28], $0x2800  }
0x14: {  	[sflag:s28] =	ssyncset.done $0x0  }
0x15: {  	[sflag:s28] =	ssyncadd.s32 $0xFFFFD800  }
.LBB2_1:
0x16: {  	s0 =	rddreg [dreg:$0x3]  }
0x17: {  	[tilespmem:s16], [sflag:$0x5] =	stream.linear.gather [hbm4b:s0+s2], $0x9C8, $0x38;
	[tilespmem:$0x12C08] =	vst v63  }
0x18: {  	_ =	swait.ge [sflag:s17], $0x9C8  }
0x19: {  	[sflag:s17] =	ssyncset.done $0x0  }
0x1a: {  	[sflag:s17] =	ssyncadd.s32 $0xFFFFF638  }
0x1b: {  	s21 =	rddreg [dreg:$0x1]  }
0x1c: {  	[tilespmem:s18], [sflag:$0x5] =	stream.linear.gather [hbm4b:s21+s2], $0x1A00, $0x38;
	[tilespmem:$0x12C08] =	vst v63  }
0x1d: {  	_ =	swait.ge [sflag:s17], $0x1A00  }
0x1e: {  	[sflag:s17] =	ssyncset.done $0x0  }
0x1f: {  	[sflag:s17] =	ssyncadd.s32 $0xFFFFE600  }
0x20: {  	[tilespmem:s19], [sflag:$0x5] =	stream.linear.gather [hbm4b:s6+s2], $0x1A00, $0x38;
	[tilespmem:$0x12C08] =	vst v63  }
0x21: {  	_ =	swait.ge [sflag:s17], $0x1A00  }
0x22: {  	[sflag:s17] =	ssyncset.done $0x0  }
0x23: {  	[sflag:s17] =	ssyncadd.s32 $0xFFFFE600  }
0x24: {  	[tilespmem:s20], [sflag:$0x5] =	stream.linear.gather [hbm4b:s7+s2], $0x9C40, $0x38;
	[tilespmem:$0x12C08] =	vst v63  }
0x25: {  	_ =	swait.ge [sflag:s17], $0x9C40  }
.Ltmp2:
0x26: {  	[sflag:s17] =	ssyncset.done $0x0;
	(pc) =	sbr.rel .LBB2_2-.Ltmp2, $4  }
0x27: {  	[sflag:s17] =	ssyncadd.s32 $0xFFFF63C0  }
0x28: {  	[tilespmem:s2], [sflag:$0x3] =	stream.linear.gather [hbm4b:s12+s2], $0x80, $0x38;
	[tilespmem:$0x12C08] =	vst v63  }
0x29: {  	s31 =	simm.s32 $0x80;
	s30 =	simm.s32 $0x0  }
0x2a: {  	[tilespmem:s31], [sflag:$0x3] =	stream.linear.gather [hbm4b:s13+s2], $0x80, $0x38;
	[tilespmem:$0x12C08] =	vst v63  }
.LBB2_10:
0x2b: {  	s30 =	sadd.s32 $0x1, s30  }
0x2c: {  	p0 =	sne.s32 s30, $0x4F  }
.Ltmp3:
0x2d: {  	_ = 	snop;
	(pc) =	sbr.rel @!p0 .LBB2_11-.Ltmp3, $1  }
0x2e: {  	_ =	sdelay $0x3  }
.LBB2_2:
0x2f: {  	s0 =	sshll.u32 s30, $0x1  }
0x30: {  	p0 =	sge.u32 s0, s10  }
.Ltmp4:
0x31: {  	_ = 	snop;
	(pc) =	sbr.rel @p0 .LBB2_6-.Ltmp4, $3  }
0x32: {  	_ =	sdelay $0x1  }
0x33: {  	s1 =	sshll.u32 s30, $0x6  }
0x34: {  	s31 =	sor.u32 s8, s1  }
0x35: {  	_ =	swait.ge [sflag:s22], $0x80  }
0x36: {  	[sflag:s22] =	ssyncset.done $0x0  }
0x37: {  	s1 =	sor.u32 $0x20, s31;
	[sflag:s22] =	ssyncadd.s32 $0xFFFFFF80  }
0x38: {  	p0 =	sgt.u32 s1, $0x1387;
	_ =	swait.ge [sflag:s22], $0x80  }
0x39: {  	s1 =	sshll.u32 @!p0 s1, $0x4;
	s21 =	simm.s32 @!p0 $0x0;
	[sflag:s22] =	ssyncset.done $0x0  }
0x3a: {  	s5 =	simm.s32 @!p0 $0x100;
	s4 =	sadd.s32 @!p0 s3, s1;
	[sflag:s22] =	ssyncadd.s32 $0xFFFFFF80  }
0x3b: {  	[tilespmem:s5], [sflag:$0x4] =	stream.linear.gather @!p0 [hbm4b:s4+s21], $0x80, $0x38;
	[tilespmem:$0x12C08] =	vst v63  }
0x3c: {  	s1 =	sadd.s32 @!p0 s1, s11;
	s4 =	simm.s32 @!p0 $0x180  }
0x3d: {  	[tilespmem:s4], [sflag:$0x4] =	stream.linear.gather @!p0 [hbm4b:s1+s21], $0x80, $0x38;
	[tilespmem:$0x12C08] =	vst v63  }
0x3e: {  	p0 =	seq.s32 s30, $0x0  }
0x3f: {  	s1 =	simm.s32 @!p0 $0x1  }
0x40: {  	_ =	swait.ge @!p0 [sflag:s1], $0x2800  }
0x41: {  	[sflag:s1] =	ssyncset.done @!p0 $0x0  }
0x42: {  	s4 =	simm.s32 $0x0;
	[sflag:s1] =	ssyncadd.s32 @!p0 $0xFFFFD800  }
.LBB2_4:
0x43: {  	s1 =	sshra.s32 s4, $0x2  }
0x44: {  	v0 =	vld [tilespmem:s1+$0x0]  }
0x45: {  	v1 =	vld [tilespmem:s1+$0x80];
	_ =	sdelay $0x3  }
0x46: {  	v2 =	vshra.s32 v0, $0x2  }
0x47: {  	v3 =	vshra.s32 v1, $0x2;
	_ =	sdelay $0x3  }
0x48: {  	v2 =	vld.idx.msk [tilespmem:v2+s16+$0x0], $0xffff  }
0x49: {  	v3 =	vld.idx.msk [tilespmem:v3+s16+$0x0], $0xffff;
	_ =	sdelay $0x1  }
0x4a: {  	v4 =	vshll.u32 v0, $0x3  }
0x4b: {  	v5 =	vshll.u32 v1, $0x3;
	v4 =	vand.u32 $0x18, v4  }
0x4c: {  	v35 =	vand.u32 $0x18, v5;
	v2 =	vshra.s32 v2, v4  }
0x4d: {  	v3 =	vshra.s32 v3, v35;
	v2 =	vand.u32 $0xFF, v2  }
0x4e: {  	v3 =	vand.u32 $0xFF, v3;
	_ =	sdelay $0x3  }
0x4f: {  	v36 =	vld.idx.msk [tilespmem:v2+s18+$0x0], $0xffff  }
0x50: {  	v37 =	vld.idx.msk [tilespmem:v3+s19+$0x0], $0xffff;
	_ =	sdelay $0x2  }
0x51: {  	v6 =	vadd.s32 $0x68, v2  }
0x52: {  	v7 =	vadd.s32 $0x68, v3  }
0x53: {  	v4 =	vadd.f32 v37, v36;
	_ =	sdelay $0x1  }
0x54: {  	[tilespmem:s1+$0xDC08] =	vst v4  }
0x55: {  	v4 =	vld.idx.msk [tilespmem:v6+s18+$0x0], $0xffff  }
0x56: {  	v38 =	vld.idx.msk [tilespmem:v7+s19+$0x0], $0xffff;
	_ =	sdelay $0x2  }
0x57: {  	v39 =	vadd.s32 $0xD0, v2  }
0x58: {  	v40 =	vadd.s32 $0xD0, v3  }
0x59: {  	v4 =	vadd.f32 v38, v4;
	_ =	sdelay $0x1  }
0x5a: {  	[tilespmem:s1+$0xDC88] =	vst v4  }
0x5b: {  	v4 =	vld.idx.msk [tilespmem:v39+s18+$0x0], $0xffff  }
0x5c: {  	v41 =	vld.idx.msk [tilespmem:v40+s19+$0x0], $0xffff;
	_ =	sdelay $0x2  }
0x5d: {  	v42 =	vadd.s32 $0x138, v2  }
0x5e: {  	v43 =	vadd.s32 $0x138, v3  }
0x5f: {  	v4 =	vadd.f32 v41, v4;
	_ =	sdelay $0x1  }
0x60: {  	[tilespmem:s1+$0xDD08] =	vst v4  }
0x61: {  	v4 =	vld.idx.msk [tilespmem:v42+s18+$0x0], $0xffff  }
0x62: {  	v44 =	vld.idx.msk [tilespmem:v43+s19+$0x0], $0xffff;
	_ =	sdelay $0x2  }
0x63: {  	v45 =	vadd.s32 $0x1A0, v2  }
0x64: {  	v46 =	vadd.s32 $0x1A0, v3  }
0x65: {  	v4 =	vadd.f32 v44, v4;
	_ =	sdelay $0x1  }
0x66: {  	[tilespmem:s1+$0xDD88] =	vst v4  }
0x67: {  	v4 =	vld.idx.msk [tilespmem:v45+s18+$0x0], $0xffff  }
0x68: {  	v47 =	vld.idx.msk [tilespmem:v46+s19+$0x0], $0xffff;
	_ =	sdelay $0x2  }
0x69: {  	v48 =	vadd.s32 $0x208, v2  }
0x6a: {  	v49 =	vadd.s32 $0x208, v3  }
0x6b: {  	v4 =	vadd.f32 v47, v4;
	_ =	sdelay $0x1  }
0x6c: {  	[tilespmem:s1+$0xDE08] =	vst v4  }
0x6d: {  	v4 =	vld.idx.msk [tilespmem:v48+s18+$0x0], $0xffff  }
0x6e: {  	v50 =	vld.idx.msk [tilespmem:v49+s19+$0x0], $0xffff;
	_ =	sdelay $0x2  }
0x6f: {  	v51 =	vadd.s32 $0x270, v2  }
0x70: {  	v52 =	vadd.s32 $0x270, v3  }
0x71: {  	v4 =	vadd.f32 v50, v4;
	_ =	sdelay $0x1  }
0x72: {  	[tilespmem:s1+$0xDE88] =	vst v4  }
0x73: {  	v4 =	vld.idx.msk [tilespmem:v51+s18+$0x0], $0xffff  }
0x74: {  	v53 =	vld.idx.msk [tilespmem:v52+s19+$0x0], $0xffff;
	_ =	sdelay $0x2  }
0x75: {  	v54 =	vadd.s32 $0x2D8, v2  }
0x76: {  	v55 =	vadd.s32 $0x2D8, v3  }
0x77: {  	v4 =	vadd.f32 v53, v4;
	_ =	sdelay $0x1  }
0x78: {  	[tilespmem:s1+$0xDF08] =	vst v4  }
0x79: {  	v4 =	vld.idx.msk [tilespmem:v54+s18+$0x0], $0xffff  }
0x7a: {  	v56 =	vld.idx.msk [tilespmem:v55+s19+$0x0], $0xffff;
	_ =	sdelay $0x2  }
0x7b: {  	v57 =	vadd.s32 $0x340, v2  }
0x7c: {  	v58 =	vadd.s32 $0x340, v3  }
0x7d: {  	v4 =	vadd.f32 v56, v4;
	_ =	sdelay $0x1  }
0x7e: {  	[tilespmem:s1+$0xDF88] =	vst v4  }
0x7f: {  	v4 =	vld.idx.msk [tilespmem:v57+s18+$0x0], $0xffff  }
0x80: {  	v59 =	vld.idx.msk [tilespmem:v58+s19+$0x0], $0xffff;
	_ =	sdelay $0x2  }
0x81: {  	v60 =	vadd.s32 $0x3A8, v2  }
0x82: {  	v61 =	vadd.s32 $0x3A8, v3  }
0x83: {  	v4 =	vadd.f32 v59, v4;
	_ =	sdelay $0x1  }
0x84: {  	[tilespmem:s1+$0xE008] =	vst v4  }
0x85: {  	v4 =	vld.idx.msk [tilespmem:v60+s18+$0x0], $0xffff  }
0x86: {  	v62 =	vld.idx.msk [tilespmem:v61+s19+$0x0], $0xffff;
	_ =	sdelay $0x2  }
0x87: {  	v63 =	vadd.s32 $0x410, v2  }
0x88: {  	v9 =	vadd.s32 $0x410, v3  }
0x89: {  	v4 =	vadd.f32 v62, v4;
	_ =	sdelay $0x1  }
0x8a: {  	[tilespmem:s1+$0xE088] =	vst v4  }
0x8b: {  	v4 =	vld.idx.msk [tilespmem:v63+s18+$0x0], $0xffff  }
0x8c: {  	v10 =	vld.idx.msk [tilespmem:v9+s19+$0x0], $0xffff;
	_ =	sdelay $0x2  }
0x8d: {  	v11 =	vadd.s32 $0x478, v2  }
0x8e: {  	v12 =	vadd.s32 $0x478, v3  }
0x8f: {  	v4 =	vadd.f32 v10, v4;
	_ =	sdelay $0x1  }
0x90: {  	[tilespmem:s1+$0xE108] =	vst v4  }
0x91: {  	v4 =	vld.idx.msk [tilespmem:v11+s18+$0x0], $0xffff  }
0x92: {  	v13 =	vld.idx.msk [tilespmem:v12+s19+$0x0], $0xffff;
	_ =	sdelay $0x2  }
0x93: {  	v14 =	vadd.s32 $0x4E0, v2  }
0x94: {  	v15 =	vadd.s32 $0x4E0, v3  }
0x95: {  	v4 =	vadd.f32 v13, v4;
	_ =	sdelay $0x1  }
0x96: {  	[tilespmem:s1+$0xE188] =	vst v4  }
0x97: {  	v4 =	vld.idx.msk [tilespmem:v14+s18+$0x0], $0xffff  }
0x98: {  	v16 =	vld.idx.msk [tilespmem:v15+s19+$0x0], $0xffff;
	_ =	sdelay $0x2  }
0x99: {  	v17 =	vadd.s32 $0x548, v2  }
0x9a: {  	v18 =	vadd.s32 $0x548, v3  }
0x9b: {  	v4 =	vadd.f32 v16, v4;
	_ =	sdelay $0x1  }
0x9c: {  	[tilespmem:s1+$0xE208] =	vst v4  }
0x9d: {  	v4 =	vld.idx.msk [tilespmem:v17+s18+$0x0], $0xffff  }
0x9e: {  	v19 =	vld.idx.msk [tilespmem:v18+s19+$0x0], $0xffff;
	_ =	sdelay $0x2  }
0x9f: {  	v20 =	vadd.s32 $0x5B0, v2  }
0xa0: {  	v21 =	vadd.s32 $0x5B0, v3  }
0xa1: {  	v4 =	vadd.f32 v19, v4;
	_ =	sdelay $0x1  }
0xa2: {  	[tilespmem:s1+$0xE288] =	vst v4  }
0xa3: {  	v4 =	vld.idx.msk [tilespmem:v20+s18+$0x0], $0xffff  }
0xa4: {  	v22 =	vld.idx.msk [tilespmem:v21+s19+$0x0], $0xffff;
	_ =	sdelay $0x2  }
0xa5: {  	v23 =	vadd.s32 $0x618, v2  }
0xa6: {  	v24 =	vadd.s32 $0x618, v3  }
0xa7: {  	v4 =	vadd.f32 v22, v4;
	_ =	sdelay $0x1  }
0xa8: {  	[tilespmem:s1+$0xE308] =	vst v4  }
0xa9: {  	v4 =	vld.idx.msk [tilespmem:v23+s18+$0x0], $0xffff  }
0xaa: {  	v25 =	vld.idx.msk [tilespmem:v24+s19+$0x0], $0xffff;
	_ =	sdelay $0x2  }
0xab: {  	v26 =	vadd.s32 $0x680, v2  }
0xac: {  	v27 =	vadd.s32 $0x680, v3  }
0xad: {  	v4 =	vadd.f32 v25, v4;
	_ =	sdelay $0x1  }
0xae: {  	[tilespmem:s1+$0xE388] =	vst v4  }
0xaf: {  	v4 =	vld.idx.msk [tilespmem:v26+s18+$0x0], $0xffff  }
0xb0: {  	v28 =	vld.idx.msk [tilespmem:v27+s19+$0x0], $0xffff;
	_ =	sdelay $0x2  }
0xb1: {  	v29 =	vadd.s32 $0x6E8, v2  }
0xb2: {  	v30 =	vadd.s32 $0x6E8, v3  }
0xb3: {  	v4 =	vadd.f32 v28, v4;
	_ =	sdelay $0x1  }
0xb4: {  	[tilespmem:s1+$0xE408] =	vst v4  }
0xb5: {  	v4 =	vld.idx.msk [tilespmem:v29+s18+$0x0], $0xffff  }
0xb6: {  	v31 =	vld.idx.msk [tilespmem:v30+s19+$0x0], $0xffff;
	_ =	sdelay $0x2  }
0xb7: {  	v32 =	vadd.s32 $0x750, v2  }
0xb8: {  	v33 =	vadd.s32 $0x750, v3  }
0xb9: {  	v4 =	vadd.f32 v31, v4;
	_ =	sdelay $0x1  }
0xba: {  	[tilespmem:s1+$0xE488] =	vst v4  }
0xbb: {  	v4 =	vld.idx.msk [tilespmem:v32+s18+$0x0], $0xffff  }
0xbc: {  	v34 =	vld.idx.msk [tilespmem:v33+s19+$0x0], $0xffff;
	_ =	sdelay $0x2  }
0xbd: {  	v35 =	vadd.s32 $0x7B8, v2  }
0xbe: {  	v36 =	vadd.s32 $0x7B8, v3  }
0xbf: {  	v4 =	vadd.f32 v34, v4;
	_ =	sdelay $0x1  }
0xc0: {  	[tilespmem:s1+$0xE508] =	vst v4  }
0xc1: {  	v4 =	vld.idx.msk [tilespmem:v35+s18+$0x0], $0xffff  }
0xc2: {  	v37 =	vld.idx.msk [tilespmem:v36+s19+$0x0], $0xffff;
	_ =	sdelay $0x2  }
0xc3: {  	v38 =	vadd.s32 $0x820, v2  }
0xc4: {  	v39 =	vadd.s32 $0x820, v3  }
0xc5: {  	v4 =	vadd.f32 v37, v4;
	_ =	sdelay $0x1  }
0xc6: {  	[tilespmem:s1+$0xE588] =	vst v4  }
0xc7: {  	v4 =	vld.idx.msk [tilespmem:v38+s18+$0x0], $0xffff  }
0xc8: {  	v40 =	vld.idx.msk [tilespmem:v39+s19+$0x0], $0xffff;
	_ =	sdelay $0x2  }
0xc9: {  	v41 =	vadd.s32 $0x888, v2  }
0xca: {  	v42 =	vadd.s32 $0x888, v3  }
0xcb: {  	v4 =	vadd.f32 v40, v4;
	_ =	sdelay $0x1  }
0xcc: {  	[tilespmem:s1+$0xE608] =	vst v4  }
0xcd: {  	v4 =	vld.idx.msk [tilespmem:v41+s18+$0x0], $0xffff  }
0xce: {  	v43 =	vld.idx.msk [tilespmem:v42+s19+$0x0], $0xffff;
	_ =	sdelay $0x2  }
0xcf: {  	v44 =	vadd.s32 $0x8F0, v2  }
0xd0: {  	v45 =	vadd.s32 $0x8F0, v3  }
0xd1: {  	v4 =	vadd.f32 v43, v4;
	_ =	sdelay $0x1  }
0xd2: {  	[tilespmem:s1+$0xE688] =	vst v4  }
0xd3: {  	v4 =	vld.idx.msk [tilespmem:v44+s18+$0x0], $0xffff  }
0xd4: {  	v46 =	vld.idx.msk [tilespmem:v45+s19+$0x0], $0xffff;
	_ =	sdelay $0x2  }
0xd5: {  	v47 =	vadd.s32 $0x958, v2  }
0xd6: {  	v48 =	vadd.s32 $0x958, v3  }
0xd7: {  	v4 =	vadd.f32 v46, v4;
	_ =	sdelay $0x1  }
0xd8: {  	[tilespmem:s1+$0xE708] =	vst v4  }
0xd9: {  	v4 =	vld.idx.msk [tilespmem:v47+s18+$0x0], $0xffff  }
0xda: {  	v49 =	vld.idx.msk [tilespmem:v48+s19+$0x0], $0xffff;
	_ =	sdelay $0x2  }
0xdb: {  	v50 =	vadd.s32 $0x9C0, v2  }
0xdc: {  	v51 =	vadd.s32 $0x9C0, v3  }
0xdd: {  	v4 =	vadd.f32 v49, v4;
	_ =	sdelay $0x1  }
0xde: {  	[tilespmem:s1+$0xE788] =	vst v4  }
0xdf: {  	v4 =	vld.idx.msk [tilespmem:v50+s18+$0x0], $0xffff  }
0xe0: {  	v52 =	vld.idx.msk [tilespmem:v51+s19+$0x0], $0xffff;
	_ =	sdelay $0x2  }
0xe1: {  	v53 =	vadd.s32 $0xA28, v2  }
0xe2: {  	v54 =	vadd.s32 $0xA28, v3  }
0xe3: {  	v4 =	vadd.f32 v52, v4;
	_ =	sdelay $0x1  }
0xe4: {  	[tilespmem:s1+$0xE808] =	vst v4  }
0xe5: {  	v4 =	vld.idx.msk [tilespmem:v53+s18+$0x0], $0xffff  }
0xe6: {  	v55 =	vld.idx.msk [tilespmem:v54+s19+$0x0], $0xffff;
	_ =	sdelay $0x2  }
0xe7: {  	v56 =	vadd.s32 $0xA90, v2  }
0xe8: {  	v57 =	vadd.s32 $0xA90, v3  }
0xe9: {  	v4 =	vadd.f32 v55, v4;
	_ =	sdelay $0x1  }
0xea: {  	[tilespmem:s1+$0xE888] =	vst v4  }
0xeb: {  	v4 =	vld.idx.msk [tilespmem:v56+s18+$0x0], $0xffff  }
0xec: {  	v58 =	vld.idx.msk [tilespmem:v57+s19+$0x0], $0xffff;
	_ =	sdelay $0x2  }
0xed: {  	v59 =	vadd.s32 $0xAF8, v2  }
0xee: {  	v60 =	vadd.s32 $0xAF8, v3  }
0xef: {  	v4 =	vadd.f32 v58, v4;
	_ =	sdelay $0x1  }
0xf0: {  	[tilespmem:s1+$0xE908] =	vst v4  }
0xf1: {  	v4 =	vld.idx.msk [tilespmem:v59+s18+$0x0], $0xffff  }
0xf2: {  	v61 =	vld.idx.msk [tilespmem:v60+s19+$0x0], $0xffff;
	_ =	sdelay $0x2  }
0xf3: {  	v62 =	vadd.s32 $0xB60, v2  }
0xf4: {  	v63 =	vadd.s32 $0xB60, v3  }
0xf5: {  	v4 =	vadd.f32 v61, v4;
	_ =	sdelay $0x1  }
0xf6: {  	[tilespmem:s1+$0xE988] =	vst v4  }
0xf7: {  	v4 =	vld.idx.msk [tilespmem:v62+s18+$0x0], $0xffff  }
0xf8: {  	v9 =	vld.idx.msk [tilespmem:v63+s19+$0x0], $0xffff;
	_ =	sdelay $0x2  }
0xf9: {  	v10 =	vadd.s32 $0xBC8, v2  }
0xfa: {  	v11 =	vadd.s32 $0xBC8, v3  }
0xfb: {  	v4 =	vadd.f32 v9, v4;
	_ =	sdelay $0x1  }
0xfc: {  	[tilespmem:s1+$0xEA08] =	vst v4  }
0xfd: {  	v4 =	vld.idx.msk [tilespmem:v10+s18+$0x0], $0xffff  }
0xfe: {  	v12 =	vld.idx.msk [tilespmem:v11+s19+$0x0], $0xffff;
	_ =	sdelay $0x2  }
0xff: {  	v13 =	vadd.s32 $0xC30, v2  }
0x100: {  	v14 =	vadd.s32 $0xC30, v3  }
0x101: {  	v4 =	vadd.f32 v12, v4;
	_ =	sdelay $0x1  }
0x102: {  	[tilespmem:s1+$0xEA88] =	vst v4  }
0x103: {  	v4 =	vld.idx.msk [tilespmem:v13+s18+$0x0], $0xffff  }
0x104: {  	v15 =	vld.idx.msk [tilespmem:v14+s19+$0x0], $0xffff;
	_ =	sdelay $0x2  }
0x105: {  	v16 =	vadd.s32 $0xC98, v2  }
0x106: {  	v17 =	vadd.s32 $0xC98, v3  }
0x107: {  	v4 =	vadd.f32 v15, v4;
	_ =	sdelay $0x1  }
0x108: {  	[tilespmem:s1+$0xEB08] =	vst v4  }
0x109: {  	v4 =	vld.idx.msk [tilespmem:v16+s18+$0x0], $0xffff  }
0x10a: {  	v18 =	vld.idx.msk [tilespmem:v17+s19+$0x0], $0xffff;
	_ =	sdelay $0x2  }
0x10b: {  	v19 =	vor.u32 $0xD00, v2  }
0x10c: {  	v20 =	vor.u32 $0xD00, v3  }
0x10d: {  	v4 =	vadd.f32 v18, v4;
	_ =	sdelay $0x1  }
0x10e: {  	[tilespmem:s1+$0xEB88] =	vst v4  }
0x10f: {  	v4 =	vld.idx.msk [tilespmem:v19+s18+$0x0], $0xffff  }
0x110: {  	v21 =	vld.idx.msk [tilespmem:v20+s19+$0x0], $0xffff;
	_ =	sdelay $0x2  }
0x111: {  	v22 =	vadd.s32 $0xD68, v2  }
0x112: {  	v23 =	vadd.s32 $0xD68, v3  }
0x113: {  	v4 =	vadd.f32 v21, v4;
	_ =	sdelay $0x1  }
0x114: {  	[tilespmem:s1+$0xEC08] =	vst v4  }
0x115: {  	v4 =	vld.idx.msk [tilespmem:v22+s18+$0x0], $0xffff  }
0x116: {  	v24 =	vld.idx.msk [tilespmem:v23+s19+$0x0], $0xffff;
	_ =	sdelay $0x2  }
0x117: {  	v25 =	vadd.s32 $0xDD0, v2  }
0x118: {  	v26 =	vadd.s32 $0xDD0, v3  }
0x119: {  	v4 =	vadd.f32 v24, v4;
	_ =	sdelay $0x1  }
0x11a: {  	[tilespmem:s1+$0xEC88] =	vst v4  }
0x11b: {  	v4 =	vld.idx.msk [tilespmem:v25+s18+$0x0], $0xffff  }
0x11c: {  	v27 =	vld.idx.msk [tilespmem:v26+s19+$0x0], $0xffff;
	_ =	sdelay $0x2  }
0x11d: {  	v28 =	vadd.s32 $0xE38, v2  }
0x11e: {  	v29 =	vadd.s32 $0xE38, v3  }
0x11f: {  	v4 =	vadd.f32 v27, v4;
	_ =	sdelay $0x1  }
0x120: {  	[tilespmem:s1+$0xED08] =	vst v4  }
0x121: {  	v4 =	vld.idx.msk [tilespmem:v28+s18+$0x0], $0xffff  }
0x122: {  	v30 =	vld.idx.msk [tilespmem:v29+s19+$0x0], $0xffff;
	_ =	sdelay $0x2  }
0x123: {  	v31 =	vadd.s32 $0xEA0, v2  }
0x124: {  	v32 =	vadd.s32 $0xEA0, v3  }
0x125: {  	v4 =	vadd.f32 v30, v4;
	_ =	sdelay $0x1  }
0x126: {  	[tilespmem:s1+$0xED88] =	vst v4  }
0x127: {  	v4 =	vld.idx.msk [tilespmem:v31+s18+$0x0], $0xffff  }
0x128: {  	v33 =	vld.idx.msk [tilespmem:v32+s19+$0x0], $0xffff;
	_ =	sdelay $0x2  }
0x129: {  	v34 =	vadd.s32 $0xF08, v2  }
0x12a: {  	v35 =	vadd.s32 $0xF08, v3  }
0x12b: {  	v4 =	vadd.f32 v33, v4;
	_ =	sdelay $0x1  }
0x12c: {  	[tilespmem:s1+$0xEE08] =	vst v4  }
0x12d: {  	v4 =	vld.idx.msk [tilespmem:v34+s18+$0x0], $0xffff  }
0x12e: {  	v36 =	vld.idx.msk [tilespmem:v35+s19+$0x0], $0xffff;
	_ =	sdelay $0x2  }
0x12f: {  	v37 =	vadd.s32 $0xF70, v2  }
0x130: {  	v38 =	vadd.s32 $0xF70, v3  }
0x131: {  	v4 =	vadd.f32 v36, v4;
	_ =	sdelay $0x1  }
0x132: {  	[tilespmem:s1+$0xEE88] =	vst v4  }
0x133: {  	v4 =	vld.idx.msk [tilespmem:v37+s18+$0x0], $0xffff  }
0x134: {  	v39 =	vld.idx.msk [tilespmem:v38+s19+$0x0], $0xffff;
	_ =	sdelay $0x2  }
0x135: {  	v40 =	vadd.s32 $0xFD8, v2  }
0x136: {  	v41 =	vadd.s32 $0xFD8, v3  }
0x137: {  	v4 =	vadd.f32 v39, v4;
	_ =	sdelay $0x1  }
0x138: {  	[tilespmem:s1+$0xEF08] =	vst v4  }
0x139: {  	v4 =	vld.idx.msk [tilespmem:v40+s18+$0x0], $0xffff  }
0x13a: {  	v42 =	vld.idx.msk [tilespmem:v41+s19+$0x0], $0xffff;
	_ =	sdelay $0x2  }
0x13b: {  	v43 =	vadd.s32 $0x1040, v2  }
0x13c: {  	v44 =	vadd.s32 $0x1040, v3  }
0x13d: {  	v4 =	vadd.f32 v42, v4;
	_ =	sdelay $0x1  }
0x13e: {  	[tilespmem:s1+$0xEF88] =	vst v4  }
0x13f: {  	v4 =	vld.idx.msk [tilespmem:v43+s18+$0x0], $0xffff  }
0x140: {  	v45 =	vld.idx.msk [tilespmem:v44+s19+$0x0], $0xffff;
	_ =	sdelay $0x2  }
0x141: {  	v46 =	vadd.s32 $0x10A8, v2  }
0x142: {  	v47 =	vadd.s32 $0x10A8, v3  }
0x143: {  	v4 =	vadd.f32 v45, v4;
	_ =	sdelay $0x1  }
0x144: {  	[tilespmem:s1+$0xF008] =	vst v4  }
0x145: {  	v4 =	vld.idx.msk [tilespmem:v46+s18+$0x0], $0xffff  }
0x146: {  	v48 =	vld.idx.msk [tilespmem:v47+s19+$0x0], $0xffff;
	_ =	sdelay $0x2  }
0x147: {  	v49 =	vadd.s32 $0x1110, v2  }
0x148: {  	v50 =	vadd.s32 $0x1110, v3  }
0x149: {  	v4 =	vadd.f32 v48, v4;
	_ =	sdelay $0x1  }
0x14a: {  	[tilespmem:s1+$0xF088] =	vst v4  }
0x14b: {  	v4 =	vld.idx.msk [tilespmem:v49+s18+$0x0], $0xffff  }
0x14c: {  	v51 =	vld.idx.msk [tilespmem:v50+s19+$0x0], $0xffff;
	_ =	sdelay $0x2  }
0x14d: {  	v52 =	vadd.s32 $0x1178, v2  }
0x14e: {  	v53 =	vadd.s32 $0x1178, v3  }
0x14f: {  	v4 =	vadd.f32 v51, v4;
	_ =	sdelay $0x1  }
0x150: {  	[tilespmem:s1+$0xF108] =	vst v4  }
0x151: {  	v4 =	vld.idx.msk [tilespmem:v52+s18+$0x0], $0xffff  }
0x152: {  	v54 =	vld.idx.msk [tilespmem:v53+s19+$0x0], $0xffff;
	_ =	sdelay $0x2  }
0x153: {  	v55 =	vadd.s32 $0x11E0, v2  }
0x154: {  	v56 =	vadd.s32 $0x11E0, v3  }
0x155: {  	v4 =	vadd.f32 v54, v4;
	_ =	sdelay $0x1  }
0x156: {  	[tilespmem:s1+$0xF188] =	vst v4  }
0x157: {  	v4 =	vld.idx.msk [tilespmem:v55+s18+$0x0], $0xffff  }
0x158: {  	v57 =	vld.idx.msk [tilespmem:v56+s19+$0x0], $0xffff;
	_ =	sdelay $0x2  }
0x159: {  	v58 =	vadd.s32 $0x1248, v2  }
0x15a: {  	v59 =	vadd.s32 $0x1248, v3  }
0x15b: {  	v4 =	vadd.f32 v57, v4;
	_ =	sdelay $0x1  }
0x15c: {  	[tilespmem:s1+$0xF208] =	vst v4  }
0x15d: {  	v4 =	vld.idx.msk [tilespmem:v58+s18+$0x0], $0xffff  }
0x15e: {  	v60 =	vld.idx.msk [tilespmem:v59+s19+$0x0], $0xffff;
	_ =	sdelay $0x2  }
0x15f: {  	v61 =	vadd.s32 $0x12B0, v2  }
0x160: {  	v62 =	vadd.s32 $0x12B0, v3  }
0x161: {  	v4 =	vadd.f32 v60, v4;
	_ =	sdelay $0x1  }
0x162: {  	[tilespmem:s1+$0xF288] =	vst v4  }
0x163: {  	v4 =	vld.idx.msk [tilespmem:v61+s18+$0x0], $0xffff  }
0x164: {  	v63 =	vld.idx.msk [tilespmem:v62+s19+$0x0], $0xffff;
	_ =	sdelay $0x2  }
0x165: {  	v9 =	vadd.s32 $0x1318, v2  }
0x166: {  	v10 =	vadd.s32 $0x1318, v3  }
0x167: {  	v4 =	vadd.f32 v63, v4;
	_ =	sdelay $0x1  }
0x168: {  	[tilespmem:s1+$0xF308] =	vst v4  }
0x169: {  	v4 =	vld.idx.msk [tilespmem:v9+s18+$0x0], $0xffff  }
0x16a: {  	v11 =	vld.idx.msk [tilespmem:v10+s19+$0x0], $0xffff;
	_ =	sdelay $0x2  }
0x16b: {  	v12 =	vadd.s32 $0x1380, v2  }
0x16c: {  	v13 =	vadd.s32 $0x1380, v3  }
0x16d: {  	v4 =	vadd.f32 v11, v4;
	_ =	sdelay $0x1  }
0x16e: {  	[tilespmem:s1+$0xF388] =	vst v4  }
0x16f: {  	v4 =	vld.idx.msk [tilespmem:v12+s18+$0x0], $0xffff  }
0x170: {  	v14 =	vld.idx.msk [tilespmem:v13+s19+$0x0], $0xffff;
	_ =	sdelay $0x2  }
0x171: {  	v15 =	vadd.s32 $0x13E8, v2  }
0x172: {  	v16 =	vadd.s32 $0x13E8, v3  }
0x173: {  	v4 =	vadd.f32 v14, v4;
	_ =	sdelay $0x1  }
0x174: {  	[tilespmem:s1+$0xF408] =	vst v4  }
0x175: {  	v4 =	vld.idx.msk [tilespmem:v15+s18+$0x0], $0xffff  }
0x176: {  	v17 =	vld.idx.msk [tilespmem:v16+s19+$0x0], $0xffff;
	_ =	sdelay $0x2  }
0x177: {  	v18 =	vadd.s32 $0x1450, v2  }
0x178: {  	v19 =	vadd.s32 $0x1450, v3  }
0x179: {  	v4 =	vadd.f32 v17, v4;
	_ =	sdelay $0x1  }
0x17a: {  	[tilespmem:s1+$0xF488] =	vst v4  }
0x17b: {  	v4 =	vld.idx.msk [tilespmem:v18+s18+$0x0], $0xffff  }
0x17c: {  	v20 =	vld.idx.msk [tilespmem:v19+s19+$0x0], $0xffff;
	_ =	sdelay $0x2  }
0x17d: {  	v21 =	vadd.s32 $0x14B8, v2  }
0x17e: {  	v22 =	vadd.s32 $0x14B8, v3  }
0x17f: {  	v4 =	vadd.f32 v20, v4;
	_ =	sdelay $0x1  }
0x180: {  	[tilespmem:s1+$0xF508] =	vst v4  }
0x181: {  	v4 =	vld.idx.msk [tilespmem:v21+s18+$0x0], $0xffff  }
0x182: {  	v23 =	vld.idx.msk [tilespmem:v22+s19+$0x0], $0xffff;
	_ =	sdelay $0x2  }
0x183: {  	v24 =	vadd.s32 $0x1520, v2  }
0x184: {  	v25 =	vadd.s32 $0x1520, v3  }
0x185: {  	v4 =	vadd.f32 v23, v4;
	_ =	sdelay $0x1  }
0x186: {  	[tilespmem:s1+$0xF588] =	vst v4  }
0x187: {  	v4 =	vld.idx.msk [tilespmem:v24+s18+$0x0], $0xffff  }
0x188: {  	v26 =	vld.idx.msk [tilespmem:v25+s19+$0x0], $0xffff;
	_ =	sdelay $0x2  }
0x189: {  	v27 =	vadd.s32 $0x1588, v2  }
0x18a: {  	v28 =	vadd.s32 $0x1588, v3  }
0x18b: {  	v4 =	vadd.f32 v26, v4;
	_ =	sdelay $0x1  }
0x18c: {  	[tilespmem:s1+$0xF608] =	vst v4  }
0x18d: {  	v4 =	vld.idx.msk [tilespmem:v27+s18+$0x0], $0xffff  }
0x18e: {  	v29 =	vld.idx.msk [tilespmem:v28+s19+$0x0], $0xffff;
	_ =	sdelay $0x2  }
0x18f: {  	v30 =	vadd.s32 $0x15F0, v2  }
0x190: {  	v31 =	vadd.s32 $0x15F0, v3  }
0x191: {  	v4 =	vadd.f32 v29, v4;
	_ =	sdelay $0x1  }
0x192: {  	[tilespmem:s1+$0xF688] =	vst v4  }
0x193: {  	v4 =	vld.idx.msk [tilespmem:v30+s18+$0x0], $0xffff  }
0x194: {  	v32 =	vld.idx.msk [tilespmem:v31+s19+$0x0], $0xffff;
	_ =	sdelay $0x2  }
0x195: {  	v33 =	vadd.s32 $0x1658, v2  }
0x196: {  	v34 =	vadd.s32 $0x1658, v3  }
0x197: {  	v4 =	vadd.f32 v32, v4;
	_ =	sdelay $0x1  }
0x198: {  	[tilespmem:s1+$0xF708] =	vst v4  }
0x199: {  	v4 =	vld.idx.msk [tilespmem:v33+s18+$0x0], $0xffff  }
0x19a: {  	v35 =	vld.idx.msk [tilespmem:v34+s19+$0x0], $0xffff;
	_ =	sdelay $0x2  }
0x19b: {  	v36 =	vadd.s32 $0x16C0, v2  }
0x19c: {  	v37 =	vadd.s32 $0x16C0, v3  }
0x19d: {  	v4 =	vadd.f32 v35, v4;
	_ =	sdelay $0x1  }
0x19e: {  	[tilespmem:s1+$0xF788] =	vst v4  }
0x19f: {  	v4 =	vld.idx.msk [tilespmem:v36+s18+$0x0], $0xffff  }
0x1a0: {  	v38 =	vld.idx.msk [tilespmem:v37+s19+$0x0], $0xffff;
	_ =	sdelay $0x2  }
0x1a1: {  	v39 =	vadd.s32 $0x1728, v2  }
0x1a2: {  	v40 =	vadd.s32 $0x1728, v3  }
0x1a3: {  	v4 =	vadd.f32 v38, v4;
	_ =	sdelay $0x1  }
0x1a4: {  	[tilespmem:s1+$0xF808] =	vst v4  }
0x1a5: {  	v4 =	vld.idx.msk [tilespmem:v39+s18+$0x0], $0xffff  }
0x1a6: {  	v41 =	vld.idx.msk [tilespmem:v40+s19+$0x0], $0xffff;
	_ =	sdelay $0x2  }
0x1a7: {  	v42 =	vadd.s32 $0x1790, v2  }
0x1a8: {  	v43 =	vadd.s32 $0x1790, v3  }
0x1a9: {  	v4 =	vadd.f32 v41, v4;
	_ =	sdelay $0x1  }
0x1aa: {  	[tilespmem:s1+$0xF888] =	vst v4  }
0x1ab: {  	v4 =	vld.idx.msk [tilespmem:v42+s18+$0x0], $0xffff  }
0x1ac: {  	v44 =	vld.idx.msk [tilespmem:v43+s19+$0x0], $0xffff;
	_ =	sdelay $0x2  }
0x1ad: {  	v45 =	vadd.s32 $0x17F8, v2  }
0x1ae: {  	v46 =	vadd.s32 $0x17F8, v3  }
0x1af: {  	v4 =	vadd.f32 v44, v4;
	_ =	sdelay $0x1  }
0x1b0: {  	[tilespmem:s1+$0xF908] =	vst v4  }
0x1b1: {  	v4 =	vld.idx.msk [tilespmem:v45+s18+$0x0], $0xffff  }
0x1b2: {  	v47 =	vld.idx.msk [tilespmem:v46+s19+$0x0], $0xffff;
	_ =	sdelay $0x2  }
0x1b3: {  	v48 =	vadd.s32 $0x1860, v2  }
0x1b4: {  	v49 =	vadd.s32 $0x1860, v3  }
0x1b5: {  	v4 =	vadd.f32 v47, v4;
	_ =	sdelay $0x1  }
0x1b6: {  	[tilespmem:s1+$0xF988] =	vst v4  }
0x1b7: {  	v4 =	vld.idx.msk [tilespmem:v48+s18+$0x0], $0xffff  }
0x1b8: {  	v50 =	vld.idx.msk [tilespmem:v49+s19+$0x0], $0xffff;
	_ =	sdelay $0x2  }
0x1b9: {  	v51 =	vadd.s32 $0x18C8, v2  }
0x1ba: {  	v52 =	vadd.s32 $0x18C8, v3  }
0x1bb: {  	v4 =	vadd.f32 v50, v4;
	_ =	sdelay $0x1  }
0x1bc: {  	[tilespmem:s1+$0xFA08] =	vst v4  }
0x1bd: {  	v4 =	vld.idx.msk [tilespmem:v51+s18+$0x0], $0xffff  }
0x1be: {  	v53 =	vld.idx.msk [tilespmem:v52+s19+$0x0], $0xffff;
	_ =	sdelay $0x2  }
0x1bf: {  	v54 =	vadd.s32 $0x1930, v2  }
0x1c0: {  	v55 =	vadd.s32 $0x1930, v3  }
0x1c1: {  	v4 =	vadd.f32 v53, v4;
	_ =	sdelay $0x1  }
0x1c2: {  	[tilespmem:s1+$0xFA88] =	vst v4  }
0x1c3: {  	v4 =	vld.idx.msk [tilespmem:v54+s18+$0x0], $0xffff  }
0x1c4: {  	v56 =	vld.idx.msk [tilespmem:v55+s19+$0x0], $0xffff;
	_ =	sdelay $0x2  }
0x1c5: {  	v2 =	vadd.s32 $0x1998, v2  }
0x1c6: {  	v3 =	vadd.s32 $0x1998, v3  }
0x1c7: {  	v4 =	vadd.f32 v56, v4;
	_ =	sdelay $0x1  }
0x1c8: {  	[tilespmem:s1+$0xFB08] =	vst v4  }
0x1c9: {  	v2 =	vld.idx.msk [tilespmem:v2+s18+$0x0], $0xffff  }
0x1ca: {  	v3 =	vld.idx.msk [tilespmem:v3+s19+$0x0], $0xffff;
	_ =	sdelay $0x4  }
0x1cb: {  	v2 =	vadd.f32 v3, v2;
	_ =	sdelay $0x1  }
0x1cc: {  	[tilespmem:s1+$0xFB88] =	vst v2  }
0x1cd: {  	v2 =	vld.idx.msk [tilespmem:v0+s20+$0x0], $0xffff  }
0x1ce: {  	v57 =	vld.idx.msk [tilespmem:v1+s20+$0x0], $0xffff;
	_ =	sdelay $0x2  }
0x1cf: {  	v58 =	vadd.s32 $0x2710, v0  }
0x1d0: {  	v59 =	vadd.s32 $0x2710, v1  }
0x1d1: {  	v2 =	vadd.f32 v57, v2;
	_ =	sdelay $0x1  }
0x1d2: {  	[tilespmem:s1+$0xFC08] =	vst v2  }
0x1d3: {  	v2 =	vld.idx.msk [tilespmem:v58+s20+$0x0], $0xffff  }
0x1d4: {  	v60 =	vld.idx.msk [tilespmem:v59+s20+$0x0], $0xffff;
	_ =	sdelay $0x2  }
0x1d5: {  	v61 =	vadd.s32 $0x4E20, v0  }
0x1d6: {  	v62 =	vadd.s32 $0x4E20, v1  }
0x1d7: {  	v2 =	vadd.f32 v60, v2;
	_ =	sdelay $0x1  }
0x1d8: {  	[tilespmem:s1+$0xFC88] =	vst v2  }
0x1d9: {  	v2 =	vld.idx.msk [tilespmem:v61+s20+$0x0], $0xffff  }
0x1da: {  	v63 =	vld.idx.msk [tilespmem:v62+s20+$0x0], $0xffff;
	_ =	sdelay $0x2  }
0x1db: {  	v0 =	vadd.s32 $0x7530, v0  }
0x1dc: {  	v1 =	vadd.s32 $0x7530, v1  }
0x1dd: {  	v2 =	vadd.f32 v63, v2;
	_ =	sdelay $0x1  }
0x1de: {  	[tilespmem:s1+$0xFD08] =	vst v2  }
0x1df: {  	v0 =	vld.idx.msk [tilespmem:v0+s20+$0x0], $0xffff  }
0x1e0: {  	v1 =	vld.idx.msk [tilespmem:v1+s20+$0x0], $0xffff;
	_ =	sdelay $0x1  }
0x1e1: {  	p0 =	sne.s32 s4, $0x1C0  }
.Ltmp5:
0x1e2: {  	_ = 	snop;
	(pc) =	sbr.rel @p0 .LBB2_4-.Ltmp5, $3  }
0x1e3: {  	_ = 	snop  }
0x1e4: {  	v0 =	vadd.f32 v1, v0;
	_ =	sdelay $0x1  }
0x1e5: {  	s4 =	sadd.s32 $0x40, s4;
	[tilespmem:s1+$0xFD88] =	vst v0  }
0x1e6: {  	s1 =	smul.u32 $0x500, s31;
	_ =	sdelay $0x1  }
0x1e7: {  	s1 =	sadd.s32 s9, s1  }
0x1e8: {  	[hbm4b:s1+s2] =	stream.linear.scatter [tilespmem:s23], [sflag:$0x1], $0x2800, $0x38;
	[tilespmem:$0x12C08] =	vst v63  }
.LBB2_6:
0x1e9: {  	p0 =	sge.u32 s0, s14  }
.Ltmp6:
0x1ea: {  	_ = 	snop;
	(pc) =	sbr.rel @p0 .LBB2_10-.Ltmp6, $1  }
0x1eb: {  	_ =	sdelay $0x3  }
0x1ec: {  	_ =	swait.ge [sflag:s24], $0x80  }
0x1ed: {  	p0 =	sgt.u32 s31, $0x1347;
	[sflag:s24] =	ssyncset.done $0x0  }
0x1ee: {  	s0 =	sshll.u32 @!p0 s31, $0x4;
	[sflag:s24] =	ssyncadd.s32 $0xFFFFFF80  }
0x1ef: {  	s0 =	sand.u32 @!p0 $0x1FFFFFF0, s0;
	_ =	swait.ge [sflag:s24], $0x80  }
0x1f0: {  	s0 =	sadd.s32 @!p0 s3, s0;
	[sflag:s24] =	ssyncset.done $0x0  }
0x1f1: {  	s4 =	simm.s32 @!p0 $0x0;
	s1 =	sadd.s32 @!p0 $0x400, s0;
	[sflag:s24] =	ssyncadd.s32 $0xFFFFFF80  }
0x1f2: {  	[tilespmem:s4], [sflag:$0x3] =	stream.linear.gather @!p0 [hbm4b:s1+s4], $0x80, $0x38;
	[tilespmem:$0x12C08] =	vst v63  }
0x1f3: {  	s0 =	sadd.s32 @!p0 $0x13C80, s0;
	s1 =	simm.s32 @!p0 $0x80  }
0x1f4: {  	[tilespmem:s1], [sflag:$0x3] =	stream.linear.gather @!p0 [hbm4b:s0+s4], $0x80, $0x38;
	[tilespmem:$0x12C08] =	vst v63  }
0x1f5: {  	p0 =	seq.s32 s30, $0x0  }
0x1f6: {  	s0 =	simm.s32 @!p0 $0x2  }
0x1f7: {  	_ =	swait.ge @!p0 [sflag:s0], $0x2800  }
0x1f8: {  	[sflag:s0] =	ssyncset.done @!p0 $0x0  }
0x1f9: {  	[sflag:s0] =	ssyncadd.s32 @!p0 $0xFFFFD800;
	s0 =	simm.s32 $0x0  }
.LBB2_8:
0x1fa: {  	s1 =	sshra.s32 s0, $0x2  }
0x1fb: {  	v0 =	vld [tilespmem:s1+$0x100]  }
0x1fc: {  	v1 =	vld [tilespmem:s1+$0x180];
	_ =	sdelay $0x3  }
0x1fd: {  	v2 =	vshra.s32 v0, $0x2  }
0x1fe: {  	v3 =	vshra.s32 v1, $0x2;
	_ =	sdelay $0x3  }
0x1ff: {  	v2 =	vld.idx.msk [tilespmem:v2+s16+$0x0], $0xffff  }
0x200: {  	v3 =	vld.idx.msk [tilespmem:v3+s16+$0x0], $0xffff;
	_ =	sdelay $0x1  }
0x201: {  	v4 =	vshll.u32 v0, $0x3  }
0x202: {  	v5 =	vshll.u32 v1, $0x3;
	v4 =	vand.u32 $0x18, v4  }
0x203: {  	v35 =	vand.u32 $0x18, v5;
	v2 =	vshra.s32 v2, v4  }
0x204: {  	v3 =	vshra.s32 v3, v35;
	v2 =	vand.u32 $0xFF, v2  }
0x205: {  	v3 =	vand.u32 $0xFF, v3;
	_ =	sdelay $0x3  }
0x206: {  	v36 =	vld.idx.msk [tilespmem:v2+s18+$0x0], $0xffff  }
0x207: {  	v37 =	vld.idx.msk [tilespmem:v3+s19+$0x0], $0xffff;
	_ =	sdelay $0x2  }
0x208: {  	v6 =	vadd.s32 $0x68, v2  }
0x209: {  	v7 =	vadd.s32 $0x68, v3  }
0x20a: {  	v4 =	vadd.f32 v37, v36;
	_ =	sdelay $0x1  }
0x20b: {  	[tilespmem:s1+$0x10408] =	vst v4  }
0x20c: {  	v4 =	vld.idx.msk [tilespmem:v6+s18+$0x0], $0xffff  }
0x20d: {  	v38 =	vld.idx.msk [tilespmem:v7+s19+$0x0], $0xffff;
	_ =	sdelay $0x2  }
0x20e: {  	v39 =	vadd.s32 $0xD0, v2  }
0x20f: {  	v40 =	vadd.s32 $0xD0, v3  }
0x210: {  	v4 =	vadd.f32 v38, v4;
	_ =	sdelay $0x1  }
0x211: {  	[tilespmem:s1+$0x10488] =	vst v4  }
0x212: {  	v4 =	vld.idx.msk [tilespmem:v39+s18+$0x0], $0xffff  }
0x213: {  	v41 =	vld.idx.msk [tilespmem:v40+s19+$0x0], $0xffff;
	_ =	sdelay $0x2  }
0x214: {  	v42 =	vadd.s32 $0x138, v2  }
0x215: {  	v43 =	vadd.s32 $0x138, v3  }
0x216: {  	v4 =	vadd.f32 v41, v4;
	_ =	sdelay $0x1  }
0x217: {  	[tilespmem:s1+$0x10508] =	vst v4  }
0x218: {  	v4 =	vld.idx.msk [tilespmem:v42+s18+$0x0], $0xffff  }
0x219: {  	v44 =	vld.idx.msk [tilespmem:v43+s19+$0x0], $0xffff;
	_ =	sdelay $0x2  }
0x21a: {  	v45 =	vadd.s32 $0x1A0, v2  }
0x21b: {  	v46 =	vadd.s32 $0x1A0, v3  }
0x21c: {  	v4 =	vadd.f32 v44, v4;
	_ =	sdelay $0x1  }
0x21d: {  	[tilespmem:s1+$0x10588] =	vst v4  }
0x21e: {  	v4 =	vld.idx.msk [tilespmem:v45+s18+$0x0], $0xffff  }
0x21f: {  	v47 =	vld.idx.msk [tilespmem:v46+s19+$0x0], $0xffff;
	_ =	sdelay $0x2  }
0x220: {  	v48 =	vadd.s32 $0x208, v2  }
0x221: {  	v49 =	vadd.s32 $0x208, v3  }
0x222: {  	v4 =	vadd.f32 v47, v4;
	_ =	sdelay $0x1  }
0x223: {  	[tilespmem:s1+$0x10608] =	vst v4  }
0x224: {  	v4 =	vld.idx.msk [tilespmem:v48+s18+$0x0], $0xffff  }
0x225: {  	v50 =	vld.idx.msk [tilespmem:v49+s19+$0x0], $0xffff;
	_ =	sdelay $0x2  }
0x226: {  	v51 =	vadd.s32 $0x270, v2  }
0x227: {  	v52 =	vadd.s32 $0x270, v3  }
0x228: {  	v4 =	vadd.f32 v50, v4;
	_ =	sdelay $0x1  }
0x229: {  	[tilespmem:s1+$0x10688] =	vst v4  }
0x22a: {  	v4 =	vld.idx.msk [tilespmem:v51+s18+$0x0], $0xffff  }
0x22b: {  	v53 =	vld.idx.msk [tilespmem:v52+s19+$0x0], $0xffff;
	_ =	sdelay $0x2  }
0x22c: {  	v54 =	vadd.s32 $0x2D8, v2  }
0x22d: {  	v55 =	vadd.s32 $0x2D8, v3  }
0x22e: {  	v4 =	vadd.f32 v53, v4;
	_ =	sdelay $0x1  }
0x22f: {  	[tilespmem:s1+$0x10708] =	vst v4  }
0x230: {  	v4 =	vld.idx.msk [tilespmem:v54+s18+$0x0], $0xffff  }
0x231: {  	v56 =	vld.idx.msk [tilespmem:v55+s19+$0x0], $0xffff;
	_ =	sdelay $0x2  }
0x232: {  	v57 =	vadd.s32 $0x340, v2  }
0x233: {  	v58 =	vadd.s32 $0x340, v3  }
0x234: {  	v4 =	vadd.f32 v56, v4;
	_ =	sdelay $0x1  }
0x235: {  	[tilespmem:s1+$0x10788] =	vst v4  }
0x236: {  	v4 =	vld.idx.msk [tilespmem:v57+s18+$0x0], $0xffff  }
0x237: {  	v59 =	vld.idx.msk [tilespmem:v58+s19+$0x0], $0xffff;
	_ =	sdelay $0x2  }
0x238: {  	v60 =	vadd.s32 $0x3A8, v2  }
0x239: {  	v61 =	vadd.s32 $0x3A8, v3  }
0x23a: {  	v4 =	vadd.f32 v59, v4;
	_ =	sdelay $0x1  }
0x23b: {  	[tilespmem:s1+$0x10808] =	vst v4  }
0x23c: {  	v4 =	vld.idx.msk [tilespmem:v60+s18+$0x0], $0xffff  }
0x23d: {  	v62 =	vld.idx.msk [tilespmem:v61+s19+$0x0], $0xffff;
	_ =	sdelay $0x2  }
0x23e: {  	v63 =	vadd.s32 $0x410, v2  }
0x23f: {  	v9 =	vadd.s32 $0x410, v3  }
0x240: {  	v4 =	vadd.f32 v62, v4;
	_ =	sdelay $0x1  }
0x241: {  	[tilespmem:s1+$0x10888] =	vst v4  }
0x242: {  	v4 =	vld.idx.msk [tilespmem:v63+s18+$0x0], $0xffff  }
0x243: {  	v10 =	vld.idx.msk [tilespmem:v9+s19+$0x0], $0xffff;
	_ =	sdelay $0x2  }
0x244: {  	v11 =	vadd.s32 $0x478, v2  }
0x245: {  	v12 =	vadd.s32 $0x478, v3  }
0x246: {  	v4 =	vadd.f32 v10, v4;
	_ =	sdelay $0x1  }
0x247: {  	[tilespmem:s1+$0x10908] =	vst v4  }
0x248: {  	v4 =	vld.idx.msk [tilespmem:v11+s18+$0x0], $0xffff  }
0x249: {  	v13 =	vld.idx.msk [tilespmem:v12+s19+$0x0], $0xffff;
	_ =	sdelay $0x2  }
0x24a: {  	v14 =	vadd.s32 $0x4E0, v2  }
0x24b: {  	v15 =	vadd.s32 $0x4E0, v3  }
0x24c: {  	v4 =	vadd.f32 v13, v4;
	_ =	sdelay $0x1  }
0x24d: {  	[tilespmem:s1+$0x10988] =	vst v4  }
0x24e: {  	v4 =	vld.idx.msk [tilespmem:v14+s18+$0x0], $0xffff  }
0x24f: {  	v16 =	vld.idx.msk [tilespmem:v15+s19+$0x0], $0xffff;
	_ =	sdelay $0x2  }
0x250: {  	v17 =	vadd.s32 $0x548, v2  }
0x251: {  	v18 =	vadd.s32 $0x548, v3  }
0x252: {  	v4 =	vadd.f32 v16, v4;
	_ =	sdelay $0x1  }
0x253: {  	[tilespmem:s1+$0x10A08] =	vst v4  }
0x254: {  	v4 =	vld.idx.msk [tilespmem:v17+s18+$0x0], $0xffff  }
0x255: {  	v19 =	vld.idx.msk [tilespmem:v18+s19+$0x0], $0xffff;
	_ =	sdelay $0x2  }
0x256: {  	v20 =	vadd.s32 $0x5B0, v2  }
0x257: {  	v21 =	vadd.s32 $0x5B0, v3  }
0x258: {  	v4 =	vadd.f32 v19, v4;
	_ =	sdelay $0x1  }
0x259: {  	[tilespmem:s1+$0x10A88] =	vst v4  }
0x25a: {  	v4 =	vld.idx.msk [tilespmem:v20+s18+$0x0], $0xffff  }
0x25b: {  	v22 =	vld.idx.msk [tilespmem:v21+s19+$0x0], $0xffff;
	_ =	sdelay $0x2  }
0x25c: {  	v23 =	vadd.s32 $0x618, v2  }
0x25d: {  	v24 =	vadd.s32 $0x618, v3  }
0x25e: {  	v4 =	vadd.f32 v22, v4;
	_ =	sdelay $0x1  }
0x25f: {  	[tilespmem:s1+$0x10B08] =	vst v4  }
0x260: {  	v4 =	vld.idx.msk [tilespmem:v23+s18+$0x0], $0xffff  }
0x261: {  	v25 =	vld.idx.msk [tilespmem:v24+s19+$0x0], $0xffff;
	_ =	sdelay $0x2  }
0x262: {  	v26 =	vadd.s32 $0x680, v2  }
0x263: {  	v27 =	vadd.s32 $0x680, v3  }
0x264: {  	v4 =	vadd.f32 v25, v4;
	_ =	sdelay $0x1  }
0x265: {  	[tilespmem:s1+$0x10B88] =	vst v4  }
0x266: {  	v4 =	vld.idx.msk [tilespmem:v26+s18+$0x0], $0xffff  }
0x267: {  	v28 =	vld.idx.msk [tilespmem:v27+s19+$0x0], $0xffff;
	_ =	sdelay $0x2  }
0x268: {  	v29 =	vadd.s32 $0x6E8, v2  }
0x269: {  	v30 =	vadd.s32 $0x6E8, v3  }
0x26a: {  	v4 =	vadd.f32 v28, v4;
	_ =	sdelay $0x1  }
0x26b: {  	[tilespmem:s1+$0x10C08] =	vst v4  }
0x26c: {  	v4 =	vld.idx.msk [tilespmem:v29+s18+$0x0], $0xffff  }
0x26d: {  	v31 =	vld.idx.msk [tilespmem:v30+s19+$0x0], $0xffff;
	_ =	sdelay $0x2  }
0x26e: {  	v32 =	vadd.s32 $0x750, v2  }
0x26f: {  	v33 =	vadd.s32 $0x750, v3  }
0x270: {  	v4 =	vadd.f32 v31, v4;
	_ =	sdelay $0x1  }
0x271: {  	[tilespmem:s1+$0x10C88] =	vst v4  }
0x272: {  	v4 =	vld.idx.msk [tilespmem:v32+s18+$0x0], $0xffff  }
0x273: {  	v34 =	vld.idx.msk [tilespmem:v33+s19+$0x0], $0xffff;
	_ =	sdelay $0x2  }
0x274: {  	v35 =	vadd.s32 $0x7B8, v2  }
0x275: {  	v36 =	vadd.s32 $0x7B8, v3  }
0x276: {  	v4 =	vadd.f32 v34, v4;
	_ =	sdelay $0x1  }
0x277: {  	[tilespmem:s1+$0x10D08] =	vst v4  }
0x278: {  	v4 =	vld.idx.msk [tilespmem:v35+s18+$0x0], $0xffff  }
0x279: {  	v37 =	vld.idx.msk [tilespmem:v36+s19+$0x0], $0xffff;
	_ =	sdelay $0x2  }
0x27a: {  	v38 =	vadd.s32 $0x820, v2  }
0x27b: {  	v39 =	vadd.s32 $0x820, v3  }
0x27c: {  	v4 =	vadd.f32 v37, v4;
	_ =	sdelay $0x1  }
0x27d: {  	[tilespmem:s1+$0x10D88] =	vst v4  }
0x27e: {  	v4 =	vld.idx.msk [tilespmem:v38+s18+$0x0], $0xffff  }
0x27f: {  	v40 =	vld.idx.msk [tilespmem:v39+s19+$0x0], $0xffff;
	_ =	sdelay $0x2  }
0x280: {  	v41 =	vadd.s32 $0x888, v2  }
0x281: {  	v42 =	vadd.s32 $0x888, v3  }
0x282: {  	v4 =	vadd.f32 v40, v4;
	_ =	sdelay $0x1  }
0x283: {  	[tilespmem:s1+$0x10E08] =	vst v4  }
0x284: {  	v4 =	vld.idx.msk [tilespmem:v41+s18+$0x0], $0xffff  }
0x285: {  	v43 =	vld.idx.msk [tilespmem:v42+s19+$0x0], $0xffff;
	_ =	sdelay $0x2  }
0x286: {  	v44 =	vadd.s32 $0x8F0, v2  }
0x287: {  	v45 =	vadd.s32 $0x8F0, v3  }
0x288: {  	v4 =	vadd.f32 v43, v4;
	_ =	sdelay $0x1  }
0x289: {  	[tilespmem:s1+$0x10E88] =	vst v4  }
0x28a: {  	v4 =	vld.idx.msk [tilespmem:v44+s18+$0x0], $0xffff  }
0x28b: {  	v46 =	vld.idx.msk [tilespmem:v45+s19+$0x0], $0xffff;
	_ =	sdelay $0x2  }
0x28c: {  	v47 =	vadd.s32 $0x958, v2  }
0x28d: {  	v48 =	vadd.s32 $0x958, v3  }
0x28e: {  	v4 =	vadd.f32 v46, v4;
	_ =	sdelay $0x1  }
0x28f: {  	[tilespmem:s1+$0x10F08] =	vst v4  }
0x290: {  	v4 =	vld.idx.msk [tilespmem:v47+s18+$0x0], $0xffff  }
0x291: {  	v49 =	vld.idx.msk [tilespmem:v48+s19+$0x0], $0xffff;
	_ =	sdelay $0x2  }
0x292: {  	v50 =	vadd.s32 $0x9C0, v2  }
0x293: {  	v51 =	vadd.s32 $0x9C0, v3  }
0x294: {  	v4 =	vadd.f32 v49, v4;
	_ =	sdelay $0x1  }
0x295: {  	[tilespmem:s1+$0x10F88] =	vst v4  }
0x296: {  	v4 =	vld.idx.msk [tilespmem:v50+s18+$0x0], $0xffff  }
0x297: {  	v52 =	vld.idx.msk [tilespmem:v51+s19+$0x0], $0xffff;
	_ =	sdelay $0x2  }
0x298: {  	v53 =	vadd.s32 $0xA28, v2  }
0x299: {  	v54 =	vadd.s32 $0xA28, v3  }
0x29a: {  	v4 =	vadd.f32 v52, v4;
	_ =	sdelay $0x1  }
0x29b: {  	[tilespmem:s1+$0x11008] =	vst v4  }
0x29c: {  	v4 =	vld.idx.msk [tilespmem:v53+s18+$0x0], $0xffff  }
0x29d: {  	v55 =	vld.idx.msk [tilespmem:v54+s19+$0x0], $0xffff;
	_ =	sdelay $0x2  }
0x29e: {  	v56 =	vadd.s32 $0xA90, v2  }
0x29f: {  	v57 =	vadd.s32 $0xA90, v3  }
0x2a0: {  	v4 =	vadd.f32 v55, v4;
	_ =	sdelay $0x1  }
0x2a1: {  	[tilespmem:s1+$0x11088] =	vst v4  }
0x2a2: {  	v4 =	vld.idx.msk [tilespmem:v56+s18+$0x0], $0xffff  }
0x2a3: {  	v58 =	vld.idx.msk [tilespmem:v57+s19+$0x0], $0xffff;
	_ =	sdelay $0x2  }
0x2a4: {  	v59 =	vadd.s32 $0xAF8, v2  }
0x2a5: {  	v60 =	vadd.s32 $0xAF8, v3  }
0x2a6: {  	v4 =	vadd.f32 v58, v4;
	_ =	sdelay $0x1  }
0x2a7: {  	[tilespmem:s1+$0x11108] =	vst v4  }
0x2a8: {  	v4 =	vld.idx.msk [tilespmem:v59+s18+$0x0], $0xffff  }
0x2a9: {  	v61 =	vld.idx.msk [tilespmem:v60+s19+$0x0], $0xffff;
	_ =	sdelay $0x2  }
0x2aa: {  	v62 =	vadd.s32 $0xB60, v2  }
0x2ab: {  	v63 =	vadd.s32 $0xB60, v3  }
0x2ac: {  	v4 =	vadd.f32 v61, v4;
	_ =	sdelay $0x1  }
0x2ad: {  	[tilespmem:s1+$0x11188] =	vst v4  }
0x2ae: {  	v4 =	vld.idx.msk [tilespmem:v62+s18+$0x0], $0xffff  }
0x2af: {  	v9 =	vld.idx.msk [tilespmem:v63+s19+$0x0], $0xffff;
	_ =	sdelay $0x2  }
0x2b0: {  	v10 =	vadd.s32 $0xBC8, v2  }
0x2b1: {  	v11 =	vadd.s32 $0xBC8, v3  }
0x2b2: {  	v4 =	vadd.f32 v9, v4;
	_ =	sdelay $0x1  }
0x2b3: {  	[tilespmem:s1+$0x11208] =	vst v4  }
0x2b4: {  	v4 =	vld.idx.msk [tilespmem:v10+s18+$0x0], $0xffff  }
0x2b5: {  	v12 =	vld.idx.msk [tilespmem:v11+s19+$0x0], $0xffff;
	_ =	sdelay $0x2  }
0x2b6: {  	v13 =	vadd.s32 $0xC30, v2  }
0x2b7: {  	v14 =	vadd.s32 $0xC30, v3  }
0x2b8: {  	v4 =	vadd.f32 v12, v4;
	_ =	sdelay $0x1  }
0x2b9: {  	[tilespmem:s1+$0x11288] =	vst v4  }
0x2ba: {  	v4 =	vld.idx.msk [tilespmem:v13+s18+$0x0], $0xffff  }
0x2bb: {  	v15 =	vld.idx.msk [tilespmem:v14+s19+$0x0], $0xffff;
	_ =	sdelay $0x2  }
0x2bc: {  	v16 =	vadd.s32 $0xC98, v2  }
0x2bd: {  	v17 =	vadd.s32 $0xC98, v3  }
0x2be: {  	v4 =	vadd.f32 v15, v4;
	_ =	sdelay $0x1  }
0x2bf: {  	[tilespmem:s1+$0x11308] =	vst v4  }
0x2c0: {  	v4 =	vld.idx.msk [tilespmem:v16+s18+$0x0], $0xffff  }
0x2c1: {  	v18 =	vld.idx.msk [tilespmem:v17+s19+$0x0], $0xffff;
	_ =	sdelay $0x2  }
0x2c2: {  	v19 =	vor.u32 $0xD00, v2  }
0x2c3: {  	v20 =	vor.u32 $0xD00, v3  }
0x2c4: {  	v4 =	vadd.f32 v18, v4;
	_ =	sdelay $0x1  }
0x2c5: {  	[tilespmem:s1+$0x11388] =	vst v4  }
0x2c6: {  	v4 =	vld.idx.msk [tilespmem:v19+s18+$0x0], $0xffff  }
0x2c7: {  	v21 =	vld.idx.msk [tilespmem:v20+s19+$0x0], $0xffff;
	_ =	sdelay $0x2  }
0x2c8: {  	v22 =	vadd.s32 $0xD68, v2  }
0x2c9: {  	v23 =	vadd.s32 $0xD68, v3  }
0x2ca: {  	v4 =	vadd.f32 v21, v4;
	_ =	sdelay $0x1  }
0x2cb: {  	[tilespmem:s1+$0x11408] =	vst v4  }
0x2cc: {  	v4 =	vld.idx.msk [tilespmem:v22+s18+$0x0], $0xffff  }
0x2cd: {  	v24 =	vld.idx.msk [tilespmem:v23+s19+$0x0], $0xffff;
	_ =	sdelay $0x2  }
0x2ce: {  	v25 =	vadd.s32 $0xDD0, v2  }
0x2cf: {  	v26 =	vadd.s32 $0xDD0, v3  }
0x2d0: {  	v4 =	vadd.f32 v24, v4;
	_ =	sdelay $0x1  }
0x2d1: {  	[tilespmem:s1+$0x11488] =	vst v4  }
0x2d2: {  	v4 =	vld.idx.msk [tilespmem:v25+s18+$0x0], $0xffff  }
0x2d3: {  	v27 =	vld.idx.msk [tilespmem:v26+s19+$0x0], $0xffff;
	_ =	sdelay $0x2  }
0x2d4: {  	v28 =	vadd.s32 $0xE38, v2  }
0x2d5: {  	v29 =	vadd.s32 $0xE38, v3  }
0x2d6: {  	v4 =	vadd.f32 v27, v4;
	_ =	sdelay $0x1  }
0x2d7: {  	[tilespmem:s1+$0x11508] =	vst v4  }
0x2d8: {  	v4 =	vld.idx.msk [tilespmem:v28+s18+$0x0], $0xffff  }
0x2d9: {  	v30 =	vld.idx.msk [tilespmem:v29+s19+$0x0], $0xffff;
	_ =	sdelay $0x2  }
0x2da: {  	v31 =	vadd.s32 $0xEA0, v2  }
0x2db: {  	v32 =	vadd.s32 $0xEA0, v3  }
0x2dc: {  	v4 =	vadd.f32 v30, v4;
	_ =	sdelay $0x1  }
0x2dd: {  	[tilespmem:s1+$0x11588] =	vst v4  }
0x2de: {  	v4 =	vld.idx.msk [tilespmem:v31+s18+$0x0], $0xffff  }
0x2df: {  	v33 =	vld.idx.msk [tilespmem:v32+s19+$0x0], $0xffff;
	_ =	sdelay $0x2  }
0x2e0: {  	v34 =	vadd.s32 $0xF08, v2  }
0x2e1: {  	v35 =	vadd.s32 $0xF08, v3  }
0x2e2: {  	v4 =	vadd.f32 v33, v4;
	_ =	sdelay $0x1  }
0x2e3: {  	[tilespmem:s1+$0x11608] =	vst v4  }
0x2e4: {  	v4 =	vld.idx.msk [tilespmem:v34+s18+$0x0], $0xffff  }
0x2e5: {  	v36 =	vld.idx.msk [tilespmem:v35+s19+$0x0], $0xffff;
	_ =	sdelay $0x2  }
0x2e6: {  	v37 =	vadd.s32 $0xF70, v2  }
0x2e7: {  	v38 =	vadd.s32 $0xF70, v3  }
0x2e8: {  	v4 =	vadd.f32 v36, v4;
	_ =	sdelay $0x1  }
0x2e9: {  	[tilespmem:s1+$0x11688] =	vst v4  }
0x2ea: {  	v4 =	vld.idx.msk [tilespmem:v37+s18+$0x0], $0xffff  }
0x2eb: {  	v39 =	vld.idx.msk [tilespmem:v38+s19+$0x0], $0xffff;
	_ =	sdelay $0x2  }
0x2ec: {  	v40 =	vadd.s32 $0xFD8, v2  }
0x2ed: {  	v41 =	vadd.s32 $0xFD8, v3  }
0x2ee: {  	v4 =	vadd.f32 v39, v4;
	_ =	sdelay $0x1  }
0x2ef: {  	[tilespmem:s1+$0x11708] =	vst v4  }
0x2f0: {  	v4 =	vld.idx.msk [tilespmem:v40+s18+$0x0], $0xffff  }
0x2f1: {  	v42 =	vld.idx.msk [tilespmem:v41+s19+$0x0], $0xffff;
	_ =	sdelay $0x2  }
0x2f2: {  	v43 =	vadd.s32 $0x1040, v2  }
0x2f3: {  	v44 =	vadd.s32 $0x1040, v3  }
0x2f4: {  	v4 =	vadd.f32 v42, v4;
	_ =	sdelay $0x1  }
0x2f5: {  	[tilespmem:s1+$0x11788] =	vst v4  }
0x2f6: {  	v4 =	vld.idx.msk [tilespmem:v43+s18+$0x0], $0xffff  }
0x2f7: {  	v45 =	vld.idx.msk [tilespmem:v44+s19+$0x0], $0xffff;
	_ =	sdelay $0x2  }
0x2f8: {  	v46 =	vadd.s32 $0x10A8, v2  }
0x2f9: {  	v47 =	vadd.s32 $0x10A8, v3  }
0x2fa: {  	v4 =	vadd.f32 v45, v4;
	_ =	sdelay $0x1  }
0x2fb: {  	[tilespmem:s1+$0x11808] =	vst v4  }
0x2fc: {  	v4 =	vld.idx.msk [tilespmem:v46+s18+$0x0], $0xffff  }
0x2fd: {  	v48 =	vld.idx.msk [tilespmem:v47+s19+$0x0], $0xffff;
	_ =	sdelay $0x2  }
0x2fe: {  	v49 =	vadd.s32 $0x1110, v2  }
0x2ff: {  	v50 =	vadd.s32 $0x1110, v3  }
0x300: {  	v4 =	vadd.f32 v48, v4;
	_ =	sdelay $0x1  }
0x301: {  	[tilespmem:s1+$0x11888] =	vst v4  }
0x302: {  	v4 =	vld.idx.msk [tilespmem:v49+s18+$0x0], $0xffff  }
0x303: {  	v51 =	vld.idx.msk [tilespmem:v50+s19+$0x0], $0xffff;
	_ =	sdelay $0x2  }
0x304: {  	v52 =	vadd.s32 $0x1178, v2  }
0x305: {  	v53 =	vadd.s32 $0x1178, v3  }
0x306: {  	v4 =	vadd.f32 v51, v4;
	_ =	sdelay $0x1  }
0x307: {  	[tilespmem:s1+$0x11908] =	vst v4  }
0x308: {  	v4 =	vld.idx.msk [tilespmem:v52+s18+$0x0], $0xffff  }
0x309: {  	v54 =	vld.idx.msk [tilespmem:v53+s19+$0x0], $0xffff;
	_ =	sdelay $0x2  }
0x30a: {  	v55 =	vadd.s32 $0x11E0, v2  }
0x30b: {  	v56 =	vadd.s32 $0x11E0, v3  }
0x30c: {  	v4 =	vadd.f32 v54, v4;
	_ =	sdelay $0x1  }
0x30d: {  	[tilespmem:s1+$0x11988] =	vst v4  }
0x30e: {  	v4 =	vld.idx.msk [tilespmem:v55+s18+$0x0], $0xffff  }
0x30f: {  	v57 =	vld.idx.msk [tilespmem:v56+s19+$0x0], $0xffff;
	_ =	sdelay $0x2  }
0x310: {  	v58 =	vadd.s32 $0x1248, v2  }
0x311: {  	v59 =	vadd.s32 $0x1248, v3  }
0x312: {  	v4 =	vadd.f32 v57, v4;
	_ =	sdelay $0x1  }
0x313: {  	[tilespmem:s1+$0x11A08] =	vst v4  }
0x314: {  	v4 =	vld.idx.msk [tilespmem:v58+s18+$0x0], $0xffff  }
0x315: {  	v60 =	vld.idx.msk [tilespmem:v59+s19+$0x0], $0xffff;
	_ =	sdelay $0x2  }
0x316: {  	v61 =	vadd.s32 $0x12B0, v2  }
0x317: {  	v62 =	vadd.s32 $0x12B0, v3  }
0x318: {  	v4 =	vadd.f32 v60, v4;
	_ =	sdelay $0x1  }
0x319: {  	[tilespmem:s1+$0x11A88] =	vst v4  }
0x31a: {  	v4 =	vld.idx.msk [tilespmem:v61+s18+$0x0], $0xffff  }
0x31b: {  	v63 =	vld.idx.msk [tilespmem:v62+s19+$0x0], $0xffff;
	_ =	sdelay $0x2  }
0x31c: {  	v9 =	vadd.s32 $0x1318, v2  }
0x31d: {  	v10 =	vadd.s32 $0x1318, v3  }
0x31e: {  	v4 =	vadd.f32 v63, v4;
	_ =	sdelay $0x1  }
0x31f: {  	[tilespmem:s1+$0x11B08] =	vst v4  }
0x320: {  	v4 =	vld.idx.msk [tilespmem:v9+s18+$0x0], $0xffff  }
0x321: {  	v11 =	vld.idx.msk [tilespmem:v10+s19+$0x0], $0xffff;
	_ =	sdelay $0x2  }
0x322: {  	v12 =	vadd.s32 $0x1380, v2  }
0x323: {  	v13 =	vadd.s32 $0x1380, v3  }
0x324: {  	v4 =	vadd.f32 v11, v4;
	_ =	sdelay $0x1  }
0x325: {  	[tilespmem:s1+$0x11B88] =	vst v4  }
0x326: {  	v4 =	vld.idx.msk [tilespmem:v12+s18+$0x0], $0xffff  }
0x327: {  	v14 =	vld.idx.msk [tilespmem:v13+s19+$0x0], $0xffff;
	_ =	sdelay $0x2  }
0x328: {  	v15 =	vadd.s32 $0x13E8, v2  }
0x329: {  	v16 =	vadd.s32 $0x13E8, v3  }
0x32a: {  	v4 =	vadd.f32 v14, v4;
	_ =	sdelay $0x1  }
0x32b: {  	[tilespmem:s1+$0x11C08] =	vst v4  }
0x32c: {  	v4 =	vld.idx.msk [tilespmem:v15+s18+$0x0], $0xffff  }
0x32d: {  	v17 =	vld.idx.msk [tilespmem:v16+s19+$0x0], $0xffff;
	_ =	sdelay $0x2  }
0x32e: {  	v18 =	vadd.s32 $0x1450, v2  }
0x32f: {  	v19 =	vadd.s32 $0x1450, v3  }
0x330: {  	v4 =	vadd.f32 v17, v4;
	_ =	sdelay $0x1  }
0x331: {  	[tilespmem:s1+$0x11C88] =	vst v4  }
0x332: {  	v4 =	vld.idx.msk [tilespmem:v18+s18+$0x0], $0xffff  }
0x333: {  	v20 =	vld.idx.msk [tilespmem:v19+s19+$0x0], $0xffff;
	_ =	sdelay $0x2  }
0x334: {  	v21 =	vadd.s32 $0x14B8, v2  }
0x335: {  	v22 =	vadd.s32 $0x14B8, v3  }
0x336: {  	v4 =	vadd.f32 v20, v4;
	_ =	sdelay $0x1  }
0x337: {  	[tilespmem:s1+$0x11D08] =	vst v4  }
0x338: {  	v4 =	vld.idx.msk [tilespmem:v21+s18+$0x0], $0xffff  }
0x339: {  	v23 =	vld.idx.msk [tilespmem:v22+s19+$0x0], $0xffff;
	_ =	sdelay $0x2  }
0x33a: {  	v24 =	vadd.s32 $0x1520, v2  }
0x33b: {  	v25 =	vadd.s32 $0x1520, v3  }
0x33c: {  	v4 =	vadd.f32 v23, v4;
	_ =	sdelay $0x1  }
0x33d: {  	[tilespmem:s1+$0x11D88] =	vst v4  }
0x33e: {  	v4 =	vld.idx.msk [tilespmem:v24+s18+$0x0], $0xffff  }
0x33f: {  	v26 =	vld.idx.msk [tilespmem:v25+s19+$0x0], $0xffff;
	_ =	sdelay $0x2  }
0x340: {  	v27 =	vadd.s32 $0x1588, v2  }
0x341: {  	v28 =	vadd.s32 $0x1588, v3  }
0x342: {  	v4 =	vadd.f32 v26, v4;
	_ =	sdelay $0x1  }
0x343: {  	[tilespmem:s1+$0x11E08] =	vst v4  }
0x344: {  	v4 =	vld.idx.msk [tilespmem:v27+s18+$0x0], $0xffff  }
0x345: {  	v29 =	vld.idx.msk [tilespmem:v28+s19+$0x0], $0xffff;
	_ =	sdelay $0x2  }
0x346: {  	v30 =	vadd.s32 $0x15F0, v2  }
0x347: {  	v31 =	vadd.s32 $0x15F0, v3  }
0x348: {  	v4 =	vadd.f32 v29, v4;
	_ =	sdelay $0x1  }
0x349: {  	[tilespmem:s1+$0x11E88] =	vst v4  }
0x34a: {  	v4 =	vld.idx.msk [tilespmem:v30+s18+$0x0], $0xffff  }
0x34b: {  	v32 =	vld.idx.msk [tilespmem:v31+s19+$0x0], $0xffff;
	_ =	sdelay $0x2  }
0x34c: {  	v33 =	vadd.s32 $0x1658, v2  }
0x34d: {  	v34 =	vadd.s32 $0x1658, v3  }
0x34e: {  	v4 =	vadd.f32 v32, v4;
	_ =	sdelay $0x1  }
0x34f: {  	[tilespmem:s1+$0x11F08] =	vst v4  }
0x350: {  	v4 =	vld.idx.msk [tilespmem:v33+s18+$0x0], $0xffff  }
0x351: {  	v35 =	vld.idx.msk [tilespmem:v34+s19+$0x0], $0xffff;
	_ =	sdelay $0x2  }
0x352: {  	v36 =	vadd.s32 $0x16C0, v2  }
0x353: {  	v37 =	vadd.s32 $0x16C0, v3  }
0x354: {  	v4 =	vadd.f32 v35, v4;
	_ =	sdelay $0x1  }
0x355: {  	[tilespmem:s1+$0x11F88] =	vst v4  }
0x356: {  	v4 =	vld.idx.msk [tilespmem:v36+s18+$0x0], $0xffff  }
0x357: {  	v38 =	vld.idx.msk [tilespmem:v37+s19+$0x0], $0xffff;
	_ =	sdelay $0x2  }
0x358: {  	v39 =	vadd.s32 $0x1728, v2  }
0x359: {  	v40 =	vadd.s32 $0x1728, v3  }
0x35a: {  	v4 =	vadd.f32 v38, v4;
	_ =	sdelay $0x1  }
0x35b: {  	[tilespmem:s1+$0x12008] =	vst v4  }
0x35c: {  	v4 =	vld.idx.msk [tilespmem:v39+s18+$0x0], $0xffff  }
0x35d: {  	v41 =	vld.idx.msk [tilespmem:v40+s19+$0x0], $0xffff;
	_ =	sdelay $0x2  }
0x35e: {  	v42 =	vadd.s32 $0x1790, v2  }
0x35f: {  	v43 =	vadd.s32 $0x1790, v3  }
0x360: {  	v4 =	vadd.f32 v41, v4;
	_ =	sdelay $0x1  }
0x361: {  	[tilespmem:s1+$0x12088] =	vst v4  }
0x362: {  	v4 =	vld.idx.msk [tilespmem:v42+s18+$0x0], $0xffff  }
0x363: {  	v44 =	vld.idx.msk [tilespmem:v43+s19+$0x0], $0xffff;
	_ =	sdelay $0x2  }
0x364: {  	v45 =	vadd.s32 $0x17F8, v2  }
0x365: {  	v46 =	vadd.s32 $0x17F8, v3  }
0x366: {  	v4 =	vadd.f32 v44, v4;
	_ =	sdelay $0x1  }
0x367: {  	[tilespmem:s1+$0x12108] =	vst v4  }
0x368: {  	v4 =	vld.idx.msk [tilespmem:v45+s18+$0x0], $0xffff  }
0x369: {  	v47 =	vld.idx.msk [tilespmem:v46+s19+$0x0], $0xffff;
	_ =	sdelay $0x2  }
0x36a: {  	v48 =	vadd.s32 $0x1860, v2  }
0x36b: {  	v49 =	vadd.s32 $0x1860, v3  }
0x36c: {  	v4 =	vadd.f32 v47, v4;
	_ =	sdelay $0x1  }
0x36d: {  	[tilespmem:s1+$0x12188] =	vst v4  }
0x36e: {  	v4 =	vld.idx.msk [tilespmem:v48+s18+$0x0], $0xffff  }
0x36f: {  	v50 =	vld.idx.msk [tilespmem:v49+s19+$0x0], $0xffff;
	_ =	sdelay $0x2  }
0x370: {  	v51 =	vadd.s32 $0x18C8, v2  }
0x371: {  	v52 =	vadd.s32 $0x18C8, v3  }
0x372: {  	v4 =	vadd.f32 v50, v4;
	_ =	sdelay $0x1  }
0x373: {  	[tilespmem:s1+$0x12208] =	vst v4  }
0x374: {  	v4 =	vld.idx.msk [tilespmem:v51+s18+$0x0], $0xffff  }
0x375: {  	v53 =	vld.idx.msk [tilespmem:v52+s19+$0x0], $0xffff;
	_ =	sdelay $0x2  }
0x376: {  	v54 =	vadd.s32 $0x1930, v2  }
0x377: {  	v55 =	vadd.s32 $0x1930, v3  }
0x378: {  	v4 =	vadd.f32 v53, v4;
	_ =	sdelay $0x1  }
0x379: {  	[tilespmem:s1+$0x12288] =	vst v4  }
0x37a: {  	v4 =	vld.idx.msk [tilespmem:v54+s18+$0x0], $0xffff  }
0x37b: {  	v56 =	vld.idx.msk [tilespmem:v55+s19+$0x0], $0xffff;
	_ =	sdelay $0x2  }
0x37c: {  	v2 =	vadd.s32 $0x1998, v2  }
0x37d: {  	v3 =	vadd.s32 $0x1998, v3  }
0x37e: {  	v4 =	vadd.f32 v56, v4;
	_ =	sdelay $0x1  }
0x37f: {  	[tilespmem:s1+$0x12308] =	vst v4  }
0x380: {  	v2 =	vld.idx.msk [tilespmem:v2+s18+$0x0], $0xffff  }
0x381: {  	v3 =	vld.idx.msk [tilespmem:v3+s19+$0x0], $0xffff;
	_ =	sdelay $0x4  }
0x382: {  	v2 =	vadd.f32 v3, v2;
	_ =	sdelay $0x1  }
0x383: {  	[tilespmem:s1+$0x12388] =	vst v2  }
0x384: {  	v2 =	vld.idx.msk [tilespmem:v0+s20+$0x0], $0xffff  }
0x385: {  	v57 =	vld.idx.msk [tilespmem:v1+s20+$0x0], $0xffff;
	_ =	sdelay $0x2  }
0x386: {  	v58 =	vadd.s32 $0x2710, v0  }
0x387: {  	v59 =	vadd.s32 $0x2710, v1  }
0x388: {  	v2 =	vadd.f32 v57, v2;
	_ =	sdelay $0x1  }
0x389: {  	[tilespmem:s1+$0x12408] =	vst v2  }
0x38a: {  	v2 =	vld.idx.msk [tilespmem:v58+s20+$0x0], $0xffff  }
0x38b: {  	v60 =	vld.idx.msk [tilespmem:v59+s20+$0x0], $0xffff;
	_ =	sdelay $0x2  }
0x38c: {  	v61 =	vadd.s32 $0x4E20, v0  }
0x38d: {  	v62 =	vadd.s32 $0x4E20, v1  }
0x38e: {  	v2 =	vadd.f32 v60, v2;
	_ =	sdelay $0x1  }
0x38f: {  	[tilespmem:s1+$0x12488] =	vst v2  }
0x390: {  	v2 =	vld.idx.msk [tilespmem:v61+s20+$0x0], $0xffff  }
0x391: {  	v63 =	vld.idx.msk [tilespmem:v62+s20+$0x0], $0xffff;
	_ =	sdelay $0x2  }
0x392: {  	v0 =	vadd.s32 $0x7530, v0  }
0x393: {  	v1 =	vadd.s32 $0x7530, v1  }
0x394: {  	v2 =	vadd.f32 v63, v2;
	_ =	sdelay $0x1  }
0x395: {  	[tilespmem:s1+$0x12508] =	vst v2  }
0x396: {  	v0 =	vld.idx.msk [tilespmem:v0+s20+$0x0], $0xffff  }
0x397: {  	v1 =	vld.idx.msk [tilespmem:v1+s20+$0x0], $0xffff;
	_ =	sdelay $0x1  }
0x398: {  	p0 =	sne.s32 s0, $0x1C0  }
.Ltmp7:
0x399: {  	_ = 	snop;
	(pc) =	sbr.rel @p0 .LBB2_8-.Ltmp7, $3  }
0x39a: {  	_ = 	snop  }
0x39b: {  	v0 =	vadd.f32 v1, v0;
	_ =	sdelay $0x1  }
0x39c: {  	s0 =	sadd.s32 $0x40, s0;
	[tilespmem:s1+$0x12588] =	vst v0  }
0x39d: {  	s0 =	smul.u32 $0x2800, s31  }
.Ltmp8:
0x39e: {  	_ = 	snop;
	(pc) =	sbr.rel .LBB2_10-.Ltmp8, $4  }
0x39f: {  	s0 =	sshrl.u32 s0, $0x3  }
0x3a0: {  	s0 =	sadd.s32 s9, s0  }
0x3a1: {  	s0 =	sadd.s32 $0xA000, s0  }
0x3a2: {  	[hbm4b:s0+s2] =	stream.linear.scatter [tilespmem:s25], [sflag:$0x2], $0x2800, $0x38;
	[tilespmem:$0x12C08] =	vst v63  }
.LBB2_12:
0x3a3: {  	_ =	sfence.sel $0x180000  }
0x3a4: {  	[bflag:$0x0] =	sbarrier.arrive $0xFFFF  }
0x3a5: {  	_ =	strace $0x90000047  }
0x3a6: {  	s0 =	stileid.u32;
	[bflag:$0x2] =	sbarrier.arrive $0xFFFF  }
0x3a7: {  	p0 =	sne.s32 s0, $0x0;
	s0 =	rddreg [dreg:$0x2]  }
0x3a8: {  	s0 =	sadd.s32 @!p0 $0x100000, s0  }
0x3a9: {  	[sflag:s0] =	ssyncadd.tile.s32 @!p0 $0x1;
	_ =	shalt  }
.Lfunc_end2:
_tile_overlayer_lowered:
.L_overlay_start_2:
0x3aa: {  	(tag) =	ssettag $0x2  }
0x3ab: {  	s0 =	rddreg [dreg:$0x0];
	s2 =	stileid.u32  }
0x3ac: {  	s1 =	rddreg [dreg:$0x1];
	p0 =	sne.s32 s2, $0x0  }
0x3ad: {  	s3 =	rddreg [dreg:$0x2];
	[bflag:$0x3] =	sbarrier.arrive $0xFFFF;
	s2 =	simm.s32 @!p0 $0x1C05  }
0x3ae: {  	[timem:s3], [sflag:s2] =	dma.local @!p0 [hbm:s0], s1  }
0x3af: {  	s0 =	simm.s32 @!p0 $0x5  }
0x3b0: {  	_ =	swait.ge @!p0 [sflag:s0], s1  }
0x3b1: {  	s1 =	ssub.s32 @!p0 $0x0, s1;
	[sflag:s0] =	ssyncset.done @!p0 $0x0  }
0x3b2: {  	[sflag:s0] =	ssyncadd.s32 @!p0 s1  }
0x3b3: {  	[bflag:$0x3] =	sbarrier.arrive $0xFFFF  }
0x3b4: {  	_ =	shalt  }

</sc_bundles>
